<compile_context>
chip_gen: v7x
topology: tpu7x:2x2x1
jax: 0.10.2.dev20260603
libtpu: 0.0.44.dev20260713+nightly
codegen_flags: <defaults>
</compile_context>

<pallas_src>
import functools
import math

import jax
import jax.numpy as jnp
from jax import lax
from jax.experimental import pallas as pl
from jax.experimental.pallas import tpu as pltpu
from jax.experimental.pallas import tpu_sc as plsc

S = 2048
H = 12
D = 64
C = H * D
F = S // 2 + 1
FPAD = 1032
NC = 2
NS = 16
NW = NC * NS
ROWS = H * S
RPW = ROWS // NW
RB = 64


_LOSCALE = 256.0


def _bsplit(x):
    hi = x.astype(jnp.bfloat16)
    lo = ((x - hi.astype(jnp.float32)) * _LOSCALE).astype(jnp.bfloat16)
    return hi, lo


def _np_bsplit(x64):
    import numpy as np
    xf = np.asarray(x64, np.float32)
    hi = xf.astype(jnp.bfloat16)
    lo = ((xf - hi.astype(np.float32)) * np.float32(_LOSCALE)).astype(jnp.bfloat16)
    return hi, lo


def _dft_constants():
    import numpy as np
    sv = np.arange(S, dtype=np.int64)[:, None]
    fv = np.arange(FPAD, dtype=np.int64)[None, :]
    m = (sv * fv) % S
    ang = m.astype(np.float64) * (2.0 * math.pi / S)
    valid = (fv < F).astype(np.float64)
    cm = np.cos(ang) * valid
    sm = np.sin(ang) * valid
    w = np.where(fv == 0, 1.0 / S, 2.0 / S)
    w = (np.where(fv == F - 1, 1.0 / S, w) * valid).astype(np.float32)
    ch, cl = _np_bsplit(cm)
    sh, sl = _np_bsplit(sm)
    return (jnp.asarray(ch), jnp.asarray(cl), jnp.asarray(sh),
            jnp.asarray(sl), jnp.asarray(w.reshape(FPAD, 1)))


_DNT = (((0,), (0,)), ((), ()))
_DNN = (((1,), (0,)), ((), ()))


def _dot3(mh, ml, x, dn):
    xh, xl = _bsplit(x)
    d = lambda a, b: lax.dot_general(a, b, dn,
                                     preferred_element_type=jnp.float32)
    return d(mh, xh) + (d(mh, xl) + d(ml, xh)) * jnp.float32(1.0 / _LOSCALE)


def _fwd_dft_body(ch, cl, sh, sl, q_ref, k_ref, qr_ref, qi_ref, kr_ref, ki_ref):
    q = q_ref[...]
    k = k_ref[...]
    chv, clv, shv, slv = ch[...], cl[...], sh[...], sl[...]
    qr_ref[...] = _dot3(chv, clv, q, _DNT)
    qi_ref[...] = -_dot3(shv, slv, q, _DNT)
    kr_ref[...] = _dot3(chv, clv, k, _DNT)
    ki_ref[...] = -_dot3(shv, slv, k, _DNT)


def _inv_dft_body(ch, cl, sh, sl, w, qr_ref, qi_ref, kr_ref, ki_ref, corr_ref):
    qr, qi = qr_ref[...], qi_ref[...]
    kr, ki = kr_ref[...], ki_ref[...]
    wv = w[...]
    pr = (qr * kr + qi * ki) * wv
    pi = (qi * kr - qr * ki) * wv
    corr_ref[...] = (
        _dot3(ch[...], cl[...], pr, _DNN) - _dot3(sh[...], sl[...], pi, _DNN)
    )


SORT_CB = 384


def _sort_softmax_body(corr_ref, a_ref, gidx_ref, key_ref, idx_ref):
    cb = SORT_CB
    key_ref[...] = corr_ref[...]
    t2 = lax.broadcasted_iota(jnp.int32, (S, cb), 0)
    idx_ref[...] = t2

    def stage(d, ksz):
        key = key_ref[...]
        idx = idx_ref[...]
        tbit = (t2 & d) != 0
        desc = (t2 & ksz) == 0
        k_up = pltpu.roll(key, S - d, axis=0)
        k_dn = pltpu.roll(key, d, axis=0)
        i_up = pltpu.roll(idx, S - d, axis=0)
        i_dn = pltpu.roll(idx, d, axis=0)
        k_p = jnp.where(tbit, k_dn, k_up)
        i_p = jnp.where(tbit, i_dn, i_up)
        swap = jnp.equal(key < k_p, tbit ^ desc)
        key_ref[...] = jnp.where(swap, k_p, key)
        idx_ref[...] = jnp.where(swap, i_p, idx)

    def outer(k, carry):
        ksz = jnp.int32(1) << k

        def inner(j, c2):
            stage(jnp.int32(1) << (k - 1 - j), ksz)
            return c2

        lax.fori_loop(0, k, inner, 0)
        return carry

    lax.fori_loop(1, 12, outer, 0)
    key = key_ref[...]
    e = jnp.exp(key - key[0:1, :])
    a_ref[...] = e / jnp.sum(e, axis=0, keepdims=True)
    chan = pl.program_id(0) * cb + lax.broadcasted_iota(jnp.int32, (S, cb), 1)
    gidx_ref[...] = idx_ref[...] + (chan // D) * S


def _sc_gather_body(v_hbm, w_hbm, i_hbm, out_hbm,
                    idxb, wb, rows0, rows1, outb, sem0, sem1):
    wid = lax.axis_index("s") * NC + lax.axis_index("c")
    base = wid * RPW

    def compute(rows, rr):
        wvecs = [wb[rr, pl.ds(g * 16, 16)] for g in range(4)]
        accs = [jnp.zeros((16,), jnp.float32) for _ in range(4)]
        for j in range(D):
            wj = wvecs[j // 16][j % 16]
            for c in range(4):
                accs[c] = accs[c] + wj * rows[j, pl.ds(c * 16, 16)]
        for c in range(4):
            outb[rr, pl.ds(c * 16, 16)] = accs[c]

    def blk(bi, carry):
        r0 = base + bi * RB
        pltpu.sync_copy(i_hbm.at[pl.ds(r0, RB)], idxb)
        pltpu.sync_copy(w_hbm.at[pl.ds(r0, RB)], wb)
        pltpu.async_copy(v_hbm.at[idxb.at[0]], rows0, sem0)

        def pair(pp, c2):
            rr = pp * 2
            pltpu.async_copy(v_hbm.at[idxb.at[rr + 1]], rows1, sem1)
            pltpu.make_async_copy(v_hbm.at[idxb.at[rr]], rows0, sem0).wait()
            compute(rows0, rr)

            @pl.when(rr + 2 < RB)
            def _prefetch():
                pltpu.async_copy(v_hbm.at[idxb.at[rr + 2]], rows0, sem0)

            pltpu.make_async_copy(v_hbm.at[idxb.at[rr + 1]], rows1, sem1).wait()
            compute(rows1, rr + 1)
            return c2

        lax.fori_loop(0, RB // 2, pair, 0)
        pltpu.sync_copy(outb, out_hbm.at[pl.ds(r0, RB)])
        return carry

    lax.fori_loop(0, RPW // RB, blk, 0)


def _sc_gather(v_flat, w_rows, i_rows):
    mesh = plsc.VectorSubcoreMesh(core_axis_name="c", subcore_axis_name="s")
    run = pl.kernel(
        _sc_gather_body,
        out_type=jax.ShapeDtypeStruct((ROWS, D), jnp.float32),
        mesh=mesh,
        compiler_params=pltpu.CompilerParams(use_tc_tiling_on_sc=False),
        scratch_types=[
            pltpu.VMEM((RB, D), jnp.int32),
            pltpu.VMEM((RB, D), jnp.float32),
            pltpu.VMEM((D, D), jnp.float32),
            pltpu.VMEM((D, D), jnp.float32),
            pltpu.VMEM((RB, D), jnp.float32),
            pltpu.SemaphoreType.DMA,
            pltpu.SemaphoreType.DMA,
        ],
    )
    return run(v_flat, w_rows, i_rows)


def kernel(queries, keys, values):
    q2 = jnp.moveaxis(queries[0], 0, 1).reshape(S, C)
    k2 = jnp.moveaxis(keys[0], 0, 1).reshape(S, C)
    ch, cl, sh, sl, w = _dft_constants()

    CB = C // 2
    const_specs = [
        pl.BlockSpec((S, FPAD), lambda i: (0, 0)) for _ in range(4)
    ]
    freq = pl.pallas_call(
        _fwd_dft_body,
        grid=(C // CB,),
        in_specs=const_specs + [
            pl.BlockSpec((S, CB), lambda i: (0, i)),
            pl.BlockSpec((S, CB), lambda i: (0, i)),
        ],
        out_specs=tuple(
            pl.BlockSpec((FPAD, CB), lambda i: (0, i)) for _ in range(4)
        ),
        out_shape=tuple(
            jax.ShapeDtypeStruct((FPAD, C), jnp.float32) for _ in range(4)
        ),
        compiler_params=pltpu.CompilerParams(
            vmem_limit_bytes=63 * 1024 * 1024,
        ),
    )(ch, cl, sh, sl, q2, k2)

    corr = pl.pallas_call(
        _inv_dft_body,
        grid=(C // CB,),
        in_specs=const_specs + [pl.BlockSpec((FPAD, 1), lambda i: (0, 0))] + [
            pl.BlockSpec((FPAD, CB), lambda i: (0, i)) for _ in range(4)
        ],
        out_specs=pl.BlockSpec((S, CB), lambda i: (0, i)),
        out_shape=jax.ShapeDtypeStruct((S, C), jnp.float32),
        compiler_params=pltpu.CompilerParams(
            vmem_limit_bytes=63 * 1024 * 1024,
        ),
    )(ch, cl, sh, sl, w, *freq)

    a, gidx = pl.pallas_call(
        _sort_softmax_body,
        grid=(C // SORT_CB,),
        in_specs=[pl.BlockSpec((S, SORT_CB), lambda i: (0, i))],
        out_specs=(
            pl.BlockSpec((S, SORT_CB), lambda i: (0, i)),
            pl.BlockSpec((S, SORT_CB), lambda i: (0, i)),
        ),
        out_shape=(
            jax.ShapeDtypeStruct((S, C), jnp.float32),
            jax.ShapeDtypeStruct((S, C), jnp.int32),
        ),
        scratch_shapes=[
            pltpu.VMEM((S, SORT_CB), jnp.float32),
            pltpu.VMEM((S, SORT_CB), jnp.int32),
        ],
        compiler_params=pltpu.CompilerParams(
            vmem_limit_bytes=63 * 1024 * 1024,
        ),
    )(corr)

    w_rows = jnp.swapaxes(a.reshape(S, H, D), 0, 1).reshape(ROWS, D)
    i_rows = jnp.swapaxes(gidx.reshape(S, H, D), 0, 1).reshape(ROWS, D)
    v_flat = values[0].reshape(ROWS, D)

    out = _sc_gather(v_flat, w_rows, i_rows)
    return out.reshape(1, H, S, D).astype(queries.dtype)

# --- scband reference (transcript-rebuilt; emitter-appended) ---
"""Pipeline reference for scband-auto-correlation-1571958031021 (READ-ONLY COPY).

The authoritative reference and input builder live on the scoring server;
editing this copy changes nothing except your own understanding.
"""

import jax, jax.numpy as jnp
import numpy as np

FACTOR = 1


def setup_inputs(seed: int = 0) -> dict:
    key = jax.random.key(seed)
    k1, k2, k3 = jax.random.split(key, 3)
    shape = (1, 12, 2048, 64)
    return {
        "queries": jax.random.normal(k1, shape, dtype=jnp.float32),
        "keys": jax.random.normal(k2, shape, dtype=jnp.float32),
        "values": jax.random.normal(k3, shape, dtype=jnp.float32),
    }


def reference(queries, keys, values):
    B, H, S, dk = queries.shape
    q32 = queries.astype(jnp.float32)
    k32 = keys.astype(jnp.float32)
    queries_fft = jnp.fft.rfft(q32, axis=-2)
    keys_fft = jnp.fft.rfft(k32, axis=-2)
    corr = queries_fft * jnp.conj(keys_fft)
    corr = jnp.fft.irfft(corr, n=S, axis=-2)  # [B, H, S, dk]
    topk = max(1, int(S * FACTOR))
    # torch.topk over dim=-2, largest, sorted -> move seq axis last for lax.top_k
    corr_t = jnp.swapaxes(corr, -2, -1)  # [B, H, dk, S]
    w_t, i_t = jax.lax.top_k(corr_t, topk)  # sorted descending
    weights = jnp.swapaxes(w_t, -2, -1)  # [B, H, topk, dk]
    indices = jnp.swapaxes(i_t, -2, -1)  # [B, H, topk, dk]
    weights = jax.nn.softmax(weights, axis=-2)
    # torch.gather(values_expanded, 2, gather_idx):
    # values_selected[b,h,t,j,e] = values[b,h, indices[b,h,t,j], e]
    idx2 = indices.reshape(B, H, topk * dk)
    vsel = jnp.take_along_axis(values, idx2[..., None], axis=2)  # [B, H, topk*dk, dk]
    vsel = vsel.reshape(B, H, topk, dk, dk)
    output = jnp.sum(weights[..., None] * vsel, axis=-2)  # [B, H, topk, dk]
    return output.astype(queries.dtype)

if __name__ == "__main__":
    import jax
    _d = setup_inputs()
    print(jax.jit(kernel)(*tuple(_d.values())))

</pallas_src>

<mosaic_0001>
#map = affine_map<(d0, d1) -> (0, 0)>
module attributes {stable_mosaic.version = 14 : i64} {
  func.func @_sc_gather_body(%arg0: i32, %arg1: i32, %arg2: memref<24576x64xf32, #tpu.memory_space<hbm>>, %arg3: memref<24576x64xf32, #tpu.memory_space<hbm>>, %arg4: memref<24576x64xi32, #tpu.memory_space<hbm>>, %arg5: memref<24576x64xf32, #tpu.memory_space<hbm>>, %arg6: memref<64x64xi32, #tpu.memory_space<vmem>>, %arg7: memref<64x64xf32, #tpu.memory_space<vmem>>, %arg8: memref<64x64xf32, #tpu.memory_space<vmem>>, %arg9: memref<64x64xf32, #tpu.memory_space<vmem>>, %arg10: memref<64x64xf32, #tpu.memory_space<vmem>>, %arg11: memref<!tpu.dma_semaphore, #tpu.memory_space<semaphore_mem>>, %arg12: memref<!tpu.dma_semaphore, #tpu.memory_space<semaphore_mem>>) attributes {dimension_semantics = [#tpu.dimension_semantics<core_parallel>, #tpu.dimension_semantics<subcore_parallel>], iteration_bounds = array<i64: 2, 16>, scalar_prefetch = 0 : i64, scratch_operands = 7 : i64, tpu.core_type = #tpu.core_type<sc_vector_subcore>, window_params = [{transform_indices = #map}, {transform_indices = #map}, {transform_indices = #map}, {transform_indices = #map}]} {
    %mul3A = arith.constant 2 : i32
    %mul3A_0 = arith.muli %arg1, %mul3A : i32
    %add3A = arith.addi %mul3A_0, %arg0 : i32
    %mul3A_1 = arith.constant 768 : i32
    %mul3A_2 = arith.muli %add3A, %mul3A_1 : i32
    %scan3A = arith.constant 0 : i32
    %scan3A_3 = arith.constant 0 : i32
    %scan3A_4 = arith.constant 12 : i32
    %scan3A_5 = arith.addi %scan3A_3, %scan3A_4 : i32
    %scan3A_6 = arith.constant 1 : i32
    scf.for %scan3A_8 = %scan3A_3 to %scan3A_5 step %scan3A_6  : i32 {
      %mul3A_9 = arith.constant 64 : i32
      %mul3A_10 = arith.muli %scan3A_8, %mul3A_9 : i32
      %add3A_11 = arith.addi %mul3A_2, %mul3A_10 : i32
      "tpu.region"() ({
        %run_scoped3A = tpu.sem_alloc : memref<!tpu.dma_semaphore, #tpu.memory_space<semaphore_mem>>
        %dma_start3A_24 = arith.constant 0 : i32
        %dma_start3A_25 = tpu.memref_slice %arg4[%add3A_11, %dma_start3A_24] : memref<24576x64xi32, #tpu.memory_space<hbm>> -> memref<64x64xi32, #tpu.memory_space<hbm>>
        %dma_start3A_26 = arith.constant 0 : i32
        %dma_start3A_27 = tpu.memref_slice %arg4[%add3A_11, %dma_start3A_26] : memref<24576x64xi32, #tpu.memory_space<hbm>> -> memref<64x64xi32, #tpu.memory_space<hbm>>
        tpu.enqueue_dma source(%dma_start3A_27 : memref<64x64xi32, #tpu.memory_space<hbm>>) target(%arg6 : memref<64x64xi32, #tpu.memory_space<vmem>>) target_semaphore(%run_scoped3A : memref<!tpu.dma_semaphore, #tpu.memory_space<semaphore_mem>>)
        %dma_wait3A = arith.constant 0 : i32
        %dma_wait3A_28 = tpu.memref_slice %arg4[%add3A_11, %dma_wait3A] : memref<24576x64xi32, #tpu.memory_space<hbm>> -> memref<64x64xi32, #tpu.memory_space<hbm>>
        %dma_wait3A_29 = arith.constant 0 : i32
        %dma_wait3A_30 = tpu.memref_slice %arg4[%add3A_11, %dma_wait3A_29] : memref<24576x64xi32, #tpu.memory_space<hbm>> -> memref<64x64xi32, #tpu.memory_space<hbm>>
        tpu.wait_dma2 semaphore(%run_scoped3A : memref<!tpu.dma_semaphore, #tpu.memory_space<semaphore_mem>>) src(%dma_wait3A_30 : memref<64x64xi32, #tpu.memory_space<hbm>>) dst(%arg6 : memref<64x64xi32, #tpu.memory_space<vmem>>)
        tpu.yield
      }) : () -> ()
      "tpu.region"() ({
        %run_scoped3A = tpu.sem_alloc : memref<!tpu.dma_semaphore, #tpu.memory_space<semaphore_mem>>
        %dma_start3A_24 = arith.constant 0 : i32
        %dma_start3A_25 = tpu.memref_slice %arg3[%add3A_11, %dma_start3A_24] : memref<24576x64xf32, #tpu.memory_space<hbm>> -> memref<64x64xf32, #tpu.memory_space<hbm>>
        %dma_start3A_26 = arith.constant 0 : i32
        %dma_start3A_27 = tpu.memref_slice %arg3[%add3A_11, %dma_start3A_26] : memref<24576x64xf32, #tpu.memory_space<hbm>> -> memref<64x64xf32, #tpu.memory_space<hbm>>
        tpu.enqueue_dma source(%dma_start3A_27 : memref<64x64xf32, #tpu.memory_space<hbm>>) target(%arg7 : memref<64x64xf32, #tpu.memory_space<vmem>>) target_semaphore(%run_scoped3A : memref<!tpu.dma_semaphore, #tpu.memory_space<semaphore_mem>>)
        %dma_wait3A = arith.constant 0 : i32
        %dma_wait3A_28 = tpu.memref_slice %arg3[%add3A_11, %dma_wait3A] : memref<24576x64xf32, #tpu.memory_space<hbm>> -> memref<64x64xf32, #tpu.memory_space<hbm>>
        %dma_wait3A_29 = arith.constant 0 : i32
        %dma_wait3A_30 = tpu.memref_slice %arg3[%add3A_11, %dma_wait3A_29] : memref<24576x64xf32, #tpu.memory_space<hbm>> -> memref<64x64xf32, #tpu.memory_space<hbm>>
        tpu.wait_dma2 semaphore(%run_scoped3A : memref<!tpu.dma_semaphore, #tpu.memory_space<semaphore_mem>>) src(%dma_wait3A_30 : memref<64x64xf32, #tpu.memory_space<hbm>>) dst(%arg7 : memref<64x64xf32, #tpu.memory_space<vmem>>)
        tpu.yield
      }) : () -> ()
      %dma_start3A = arith.constant 0 : i32
      %dma_start3A_12 = arith.constant 0 : i32
      %dma_start3A_13 = tpu.memref_slice %arg6[%dma_start3A, %dma_start3A_12] : memref<64x64xi32, #tpu.memory_space<vmem>> -> memref<1x64xi32, #tpu.memory_space<vmem>>
      %dma_start3A_14 = tpu.memref_squeeze %dma_start3A_13 : memref<1x64xi32, #tpu.memory_space<vmem>> -> memref<64xi32, #tpu.memory_space<vmem>>
      %dma_start3A_15 = arith.constant 0 : i32
      %dma_start3A_16 = arith.constant 0 : i32
      %dma_start3A_17 = tpu.memref_slice %arg2[%dma_start3A_15, %dma_start3A_16] : memref<24576x64xf32, #tpu.memory_space<hbm>> -> memref<24576x64xf32, #tpu.memory_space<hbm>>
      tpu.enqueue_indirect_dma source(%dma_start3A_17 : memref<24576x64xf32, #tpu.memory_space<hbm>>) target(%arg8 : memref<64x64xf32, #tpu.memory_space<vmem>>) offsets(%dma_start3A_14 : memref<64xi32, #tpu.memory_space<vmem>>) semaphore(%arg11 : memref<!tpu.dma_semaphore, #tpu.memory_space<semaphore_mem>>)
      %scan3A_18 = arith.constant 0 : i32
      %scan3A_19 = arith.constant 0 : i32
      %scan3A_20 = arith.constant 32 : i32
      %scan3A_21 = arith.addi %scan3A_19, %scan3A_20 : i32
      %scan3A_22 = arith.constant 1 : i32
      scf.for %scan3A_24 = %scan3A_19 to %scan3A_21 step %scan3A_22  : i32 {
        %mul3A_25 = arith.constant 2 : i32
        %mul3A_26 = arith.muli %scan3A_24, %mul3A_25 : i32
        %add3A_27 = arith.constant 1 : i32
        %add3A_28 = arith.addi %mul3A_26, %add3A_27 : i32
        %dma_start3A_29 = arith.constant 0 : i32
        %dma_start3A_30 = tpu.memref_slice %arg6[%add3A_28, %dma_start3A_29] : memref<64x64xi32, #tpu.memory_space<vmem>> -> memref<1x64xi32, #tpu.memory_space<vmem>>
        %dma_start3A_31 = tpu.memref_squeeze %dma_start3A_30 : memref<1x64xi32, #tpu.memory_space<vmem>> -> memref<64xi32, #tpu.memory_space<vmem>>
        %dma_start3A_32 = arith.constant 0 : i32
        %dma_start3A_33 = arith.constant 0 : i32
        %dma_start3A_34 = tpu.memref_slice %arg2[%dma_start3A_32, %dma_start3A_33] : memref<24576x64xf32, #tpu.memory_space<hbm>> -> memref<24576x64xf32, #tpu.memory_space<hbm>>
        tpu.enqueue_indirect_dma source(%dma_start3A_34 : memref<24576x64xf32, #tpu.memory_space<hbm>>) target(%arg9 : memref<64x64xf32, #tpu.memory_space<vmem>>) offsets(%dma_start3A_31 : memref<64xi32, #tpu.memory_space<vmem>>) semaphore(%arg12 : memref<!tpu.dma_semaphore, #tpu.memory_space<semaphore_mem>>)
        %dma_wait3A = arith.constant 0 : i32
        %dma_wait3A_35 = tpu.memref_slice %arg6[%mul3A_26, %dma_wait3A] : memref<64x64xi32, #tpu.memory_space<vmem>> -> memref<1x64xi32, #tpu.memory_space<vmem>>
        %dma_wait3A_36 = tpu.memref_squeeze %dma_wait3A_35 : memref<1x64xi32, #tpu.memory_space<vmem>> -> memref<64xi32, #tpu.memory_space<vmem>>
        %dma_wait3A_37 = arith.constant 0 : i32
        %dma_wait3A_38 = arith.constant 0 : i32
        %dma_wait3A_39 = tpu.memref_slice %arg2[%dma_wait3A_37, %dma_wait3A_38] : memref<24576x64xf32, #tpu.memory_space<hbm>> -> memref<24576x64xf32, #tpu.memory_space<hbm>>
        tpu.wait_indirect_dma semaphore(%arg11 : memref<!tpu.dma_semaphore, #tpu.memory_space<semaphore_mem>>) src(%dma_wait3A_39 : memref<24576x64xf32, #tpu.memory_space<hbm>>) dst(%arg8 : memref<64x64xf32, #tpu.memory_space<vmem>>)
        %get3A = arith.index_cast %mul3A_26 : i32 to index
        %get3A_40 = arith.constant 0 : index
        %get3A_41 = tpu.vector_load %arg7[%get3A, %get3A_40] {strides = array<i32>} : memref<64x64xf32, #tpu.memory_space<vmem>>, vector<1x16xf32>,
        %get3A_42 = vector.shape_cast %get3A_41 : vector<1x16xf32> to vector<16xf32>
        %get3A_43 = arith.index_cast %mul3A_26 : i32 to index
        %get3A_44 = arith.constant 16 : index
        %get3A_45 = tpu.vector_load %arg7[%get3A_43, %get3A_44] {strides = array<i32>} : memref<64x64xf32, #tpu.memory_space<vmem>>, vector<1x16xf32>,
        %get3A_46 = vector.shape_cast %get3A_45 : vector<1x16xf32> to vector<16xf32>
        %get3A_47 = arith.index_cast %mul3A_26 : i32 to index
        %get3A_48 = arith.constant 32 : index
        %get3A_49 = tpu.vector_load %arg7[%get3A_47, %get3A_48] {strides = array<i32>} : memref<64x64xf32, #tpu.memory_space<vmem>>, vector<1x16xf32>,
        %get3A_50 = vector.shape_cast %get3A_49 : vector<1x16xf32> to vector<16xf32>
        %get3A_51 = arith.index_cast %mul3A_26 : i32 to index
        %get3A_52 = arith.constant 48 : index
        %get3A_53 = tpu.vector_load %arg7[%get3A_51, %get3A_52] {strides = array<i32>} : memref<64x64xf32, #tpu.memory_space<vmem>>, vector<1x16xf32>,
        %get3A_54 = vector.shape_cast %get3A_53 : vector<1x16xf32> to vector<16xf32>
        %broadcast_in_dim3A = arith.constant 0.000000e+00 : f32
        %broadcast_in_dim3A_55 = vector.broadcast %broadcast_in_dim3A : f32 to vector<16xf32>
        %broadcast_in_dim3A_56 = arith.constant 0.000000e+00 : f32
        %broadcast_in_dim3A_57 = vector.broadcast %broadcast_in_dim3A_56 : f32 to vector<16xf32>
        %broadcast_in_dim3A_58 = arith.constant 0.000000e+00 : f32
        %broadcast_in_dim3A_59 = vector.broadcast %broadcast_in_dim3A_58 : f32 to vector<16xf32>
        %broadcast_in_dim3A_60 = arith.constant 0.000000e+00 : f32
        %broadcast_in_dim3A_61 = vector.broadcast %broadcast_in_dim3A_60 : f32 to vector<16xf32>
        %slice3A = vector.extract_strided_slice %get3A_42 {offsets = [0], sizes = [1], strides = [1]} : vector<16xf32> to vector<1xf32>
        %squeeze3A = vector.extract %slice3A[0] : f32 from vector<1xf32>
        %get3A_62 = arith.constant 0 : i32
        %get3A_63 = arith.index_cast %get3A_62 : i32 to index
        %get3A_64 = arith.constant 0 : index
        %get3A_65 = tpu.vector_load %arg8[%get3A_63, %get3A_64] {strides = array<i32>} : memref<64x64xf32, #tpu.memory_space<vmem>>, vector<1x16xf32>,
        %get3A_66 = vector.shape_cast %get3A_65 : vector<1x16xf32> to vector<16xf32>
        %mul3A_67 = vector.broadcast %squeeze3A : f32 to vector<16xf32>
        %mul3A_68 = arith.mulf %mul3A_67, %get3A_66 : vector<16xf32>
        %add3A_69 = arith.addf %broadcast_in_dim3A_55, %mul3A_68 : vector<16xf32>
        %get3A_70 = arith.constant 0 : i32
        %get3A_71 = arith.index_cast %get3A_70 : i32 to index
        %get3A_72 = arith.constant 16 : index
        %get3A_73 = tpu.vector_load %arg8[%get3A_71, %get3A_72] {strides = array<i32>} : memref<64x64xf32, #tpu.memory_space<vmem>>, vector<1x16xf32>,
        %get3A_74 = vector.shape_cast %get3A_73 : vector<1x16xf32> to vector<16xf32>
        %mul3A_75 = vector.broadcast %squeeze3A : f32 to vector<16xf32>
        %mul3A_76 = arith.mulf %mul3A_75, %get3A_74 : vector<16xf32>
        %add3A_77 = arith.addf %broadcast_in_dim3A_57, %mul3A_76 : vector<16xf32>
        %get3A_78 = arith.constant 0 : i32
        %get3A_79 = arith.index_cast %get3A_78 : i32 to index
        %get3A_80 = arith.constant 32 : index
        %get3A_81 = tpu.vector_load %arg8[%get3A_79, %get3A_80] {strides = array<i32>} : memref<64x64xf32, #tpu.memory_space<vmem>>, vector<1x16xf32>,
        %get3A_82 = vector.shape_cast %get3A_81 : vector<1x16xf32> to vector<16xf32>
        %mul3A_83 = vector.broadcast %squeeze3A : f32 to vector<16xf32>
        %mul3A_84 = arith.mulf %mul3A_83, %get3A_82 : vector<16xf32>
        %add3A_85 = arith.addf %broadcast_in_dim3A_59, %mul3A_84 : vector<16xf32>
        %get3A_86 = arith.constant 0 : i32
        %get3A_87 = arith.index_cast %get3A_86 : i32 to index
        %get3A_88 = arith.constant 48 : index
        %get3A_89 = tpu.vector_load %arg8[%get3A_87, %get3A_88] {strides = array<i32>} : memref<64x64xf32, #tpu.memory_space<vmem>>, vector<1x16xf32>,
        %get3A_90 = vector.shape_cast %get3A_89 : vector<1x16xf32> to vector<16xf32>
        %mul3A_91 = vector.broadcast %squeeze3A : f32 to vector<16xf32>
        %mul3A_92 = arith.mulf %mul3A_91, %get3A_90 : vector<16xf32>
        %add3A_93 = arith.addf %broadcast_in_dim3A_61, %mul3A_92 : vector<16xf32>
        %slice3A_94 = vector.extract_strided_slice %get3A_42 {offsets = [1], sizes = [1], strides = [1]} : vector<16xf32> to vector<1xf32>
        %squeeze3A_95 = vector.extract %slice3A_94[0] : f32 from vector<1xf32>
        %get3A_96 = arith.constant 1 : i32
        %get3A_97 = arith.index_cast %get3A_96 : i32 to index
        %get3A_98 = arith.constant 0 : index
        %get3A_99 = tpu.vector_load %arg8[%get3A_97, %get3A_98] {strides = array<i32>} : memref<64x64xf32, #tpu.memory_space<vmem>>, vector<1x16xf32>,
        %get3A_100 = vector.shape_cast %get3A_99 : vector<1x16xf32> to vector<16xf32>
        %mul3A_101 = vector.broadcast %squeeze3A_95 : f32 to vector<16xf32>
        %mul3A_102 = arith.mulf %mul3A_101, %get3A_100 : vector<16xf32>
        %add3A_103 = arith.addf %add3A_69, %mul3A_102 : vector<16xf32>
        %get3A_104 = arith.constant 1 : i32
        %get3A_105 = arith.index_cast %get3A_104 : i32 to index
        %get3A_106 = arith.constant 16 : index
        %get3A_107 = tpu.vector_load %arg8[%get3A_105, %get3A_106] {strides = array<i32>} : memref<64x64xf32, #tpu.memory_space<vmem>>, vector<1x16xf32>,
        %get3A_108 = vector.shape_cast %get3A_107 : vector<1x16xf32> to vector<16xf32>
        %mul3A_109 = vector.broadcast %squeeze3A_95 : f32 to vector<16xf32>
        %mul3A_110 = arith.mulf %mul3A_109, %get3A_108 : vector<16xf32>
        %add3A_111 = arith.addf %add3A_77, %mul3A_110 : vector<16xf32>
        %get3A_112 = arith.constant 1 : i32
        %get3A_113 = arith.index_cast %get3A_112 : i32 to index
        %get3A_114 = arith.constant 32 : index
        %get3A_115 = tpu.vector_load %arg8[%get3A_113, %get3A_114] {strides = array<i32>} : memref<64x64xf32, #tpu.memory_space<vmem>>, vector<1x16xf32>,
        %get3A_116 = vector.shape_cast %get3A_115 : vector<1x16xf32> to vector<16xf32>
        %mul3A_117 = vector.broadcast %squeeze3A_95 : f32 to vector<16xf32>
        %mul3A_118 = arith.mulf %mul3A_117, %get3A_116 : vector<16xf32>
        %add3A_119 = arith.addf %add3A_85, %mul3A_118 : vector<16xf32>
        %get3A_120 = arith.constant 1 : i32
        %get3A_121 = arith.index_cast %get3A_120 : i32 to index
        %get3A_122 = arith.constant 48 : index
        %get3A_123 = tpu.vector_load %arg8[%get3A_121, %get3A_122] {strides = array<i32>} : memref<64x64xf32, #tpu.memory_space<vmem>>, vector<1x16xf32>,
        %get3A_124 = vector.shape_cast %get3A_123 : vector<1x16xf32> to vector<16xf32>
        %mul3A_125 = vector.broadcast %squeeze3A_95 : f32 to vector<16xf32>
        %mul3A_126 = arith.mulf %mul3A_125, %get3A_124 : vector<16xf32>
        %add3A_127 = arith.addf %add3A_93, %mul3A_126 : vector<16xf32>
        %slice3A_128 = vector.extract_strided_slice %get3A_42 {offsets = [2], sizes = [1], strides = [1]} : vector<16xf32> to vector<1xf32>
        %squeeze3A_129 = vector.extract %slice3A_128[0] : f32 from vector<1xf32>
        %get3A_130 = arith.constant 2 : i32
        %get3A_131 = arith.index_cast %get3A_130 : i32 to index
        %get3A_132 = arith.constant 0 : index
        %get3A_133 = tpu.vector_load %arg8[%get3A_131, %get3A_132] {strides = array<i32>} : memref<64x64xf32, #tpu.memory_space<vmem>>, vector<1x16xf32>,
        %get3A_134 = vector.shape_cast %get3A_133 : vector<1x16xf32> to vector<16xf32>
        %mul3A_135 = vector.broadcast %squeeze3A_129 : f32 to vector<16xf32>
        %mul3A_136 = arith.mulf %mul3A_135, %get3A_134 : vector<16xf32>
        %add3A_137 = arith.addf %add3A_103, %mul3A_136 : vector<16xf32>
        %get3A_138 = arith.constant 2 : i32
        %get3A_139 = arith.index_cast %get3A_138 : i32 to index
        %get3A_140 = arith.constant 16 : index
        %get3A_141 = tpu.vector_load %arg8[%get3A_139, %get3A_140] {strides = array<i32>} : memref<64x64xf32, #tpu.memory_space<vmem>>, vector<1x16xf32>,
        %get3A_142 = vector.shape_cast %get3A_141 : vector<1x16xf32> to vector<16xf32>
        %mul3A_143 = vector.broadcast %squeeze3A_129 : f32 to vector<16xf32>
        %mul3A_144 = arith.mulf %mul3A_143, %get3A_142 : vector<16xf32>
        %add3A_145 = arith.addf %add3A_111, %mul3A_144 : vector<16xf32>
        %get3A_146 = arith.constant 2 : i32
        %get3A_147 = arith.index_cast %get3A_146 : i32 to index
        %get3A_148 = arith.constant 32 : index
        %get3A_149 = tpu.vector_load %arg8[%get3A_147, %get3A_148] {strides = array<i32>} : memref<64x64xf32, #tpu.memory_space<vmem>>, vector<1x16xf32>,
        %get3A_150 = vector.shape_cast %get3A_149 : vector<1x16xf32> to vector<16xf32>
        %mul3A_151 = vector.broadcast %squeeze3A_129 : f32 to vector<16xf32>
        %mul3A_152 = arith.mulf %mul3A_151, %get3A_150 : vector<16xf32>
        %add3A_153 = arith.addf %add3A_119, %mul3A_152 : vector<16xf32>
        %get3A_154 = arith.constant 2 : i32
        %get3A_155 = arith.index_cast %get3A_154 : i32 to index
        %get3A_156 = arith.constant 48 : index
        %get3A_157 = tpu.vector_load %arg8[%get3A_155, %get3A_156] {strides = array<i32>} : memref<64x64xf32, #tpu.memory_space<vmem>>, vector<1x16xf32>,
        %get3A_158 = vector.shape_cast %get3A_157 : vector<1x16xf32> to vector<16xf32>
        %mul3A_159 = vector.broadcast %squeeze3A_129 : f32 to vector<16xf32>
        %mul3A_160 = arith.mulf %mul3A_159, %get3A_158 : vector<16xf32>
        %add3A_161 = arith.addf %add3A_127, %mul3A_160 : vector<16xf32>
        %slice3A_162 = vector.extract_strided_slice %get3A_42 {offsets = [3], sizes = [1], strides = [1]} : vector<16xf32> to vector<1xf32>
        %squeeze3A_163 = vector.extract %slice3A_162[0] : f32 from vector<1xf32>
        %get3A_164 = arith.constant 3 : i32
        %get3A_165 = arith.index_cast %get3A_164 : i32 to index
        %get3A_166 = arith.constant 0 : index
        %get3A_167 = tpu.vector_load %arg8[%get3A_165, %get3A_166] {strides = array<i32>} : memref<64x64xf32, #tpu.memory_space<vmem>>, vector<1x16xf32>,
        %get3A_168 = vector.shape_cast %get3A_167 : vector<1x16xf32> to vector<16xf32>
        %mul3A_169 = vector.broadcast %squeeze3A_163 : f32 to vector<16xf32>
        %mul3A_170 = arith.mulf %mul3A_169, %get3A_168 : vector<16xf32>
        %add3A_171 = arith.addf %add3A_137, %mul3A_170 : vector<16xf32>
        %get3A_172 = arith.constant 3 : i32
        %get3A_173 = arith.index_cast %get3A_172 : i32 to index
        %get3A_174 = arith.constant 16 : index
        %get3A_175 = tpu.vector_load %arg8[%get3A_173, %get3A_174] {strides = array<i32>} : memref<64x64xf32, #tpu.memory_space<vmem>>, vector<1x16xf32>,
        %get3A_176 = vector.shape_cast %get3A_175 : vector<1x16xf32> to vector<16xf32>
        %mul3A_177 = vector.broadcast %squeeze3A_163 : f32 to vector<16xf32>
        %mul3A_178 = arith.mulf %mul3A_177, %get3A_176 : vector<16xf32>
        %add3A_179 = arith.addf %add3A_145, %mul3A_178 : vector<16xf32>
        %get3A_180 = arith.constant 3 : i32
        %get3A_181 = arith.index_cast %get3A_180 : i32 to index
        %get3A_182 = arith.constant 32 : index
        %get3A_183 = tpu.vector_load %arg8[%get3A_181, %get3A_182] {strides = array<i32>} : memref<64x64xf32, #tpu.memory_space<vmem>>, vector<1x16xf32>,
        %get3A_184 = vector.shape_cast %get3A_183 : vector<1x16xf32> to vector<16xf32>
        %mul3A_185 = vector.broadcast %squeeze3A_163 : f32 to vector<16xf32>
        %mul3A_186 = arith.mulf %mul3A_185, %get3A_184 : vector<16xf32>
        %add3A_187 = arith.addf %add3A_153, %mul3A_186 : vector<16xf32>
        %get3A_188 = arith.constant 3 : i32
        %get3A_189 = arith.index_cast %get3A_188 : i32 to index
        %get3A_190 = arith.constant 48 : index
        %get3A_191 = tpu.vector_load %arg8[%get3A_189, %get3A_190] {strides = array<i32>} : memref<64x64xf32, #tpu.memory_space<vmem>>, vector<1x16xf32>,
        %get3A_192 = vector.shape_cast %get3A_191 : vector<1x16xf32> to vector<16xf32>
        %mul3A_193 = vector.broadcast %squeeze3A_163 : f32 to vector<16xf32>
        %mul3A_194 = arith.mulf %mul3A_193, %get3A_192 : vector<16xf32>
        %add3A_195 = arith.addf %add3A_161, %mul3A_194 : vector<16xf32>
        %slice3A_196 = vector.extract_strided_slice %get3A_42 {offsets = [4], sizes = [1], strides = [1]} : vector<16xf32> to vector<1xf32>
        %squeeze3A_197 = vector.extract %slice3A_196[0] : f32 from vector<1xf32>
        %get3A_198 = arith.constant 4 : i32
        %get3A_199 = arith.index_cast %get3A_198 : i32 to index
        %get3A_200 = arith.constant 0 : index
        %get3A_201 = tpu.vector_load %arg8[%get3A_199, %get3A_200] {strides = array<i32>} : memref<64x64xf32, #tpu.memory_space<vmem>>, vector<1x16xf32>,
        %get3A_202 = vector.shape_cast %get3A_201 : vector<1x16xf32> to vector<16xf32>
        %mul3A_203 = vector.broadcast %squeeze3A_197 : f32 to vector<16xf32>
        %mul3A_204 = arith.mulf %mul3A_203, %get3A_202 : vector<16xf32>
        %add3A_205 = arith.addf %add3A_171, %mul3A_204 : vector<16xf32>
        %get3A_206 = arith.constant 4 : i32
        %get3A_207 = arith.index_cast %get3A_206 : i32 to index
        %get3A_208 = arith.constant 16 : index
        %get3A_209 = tpu.vector_load %arg8[%get3A_207, %get3A_208] {strides = array<i32>} : memref<64x64xf32, #tpu.memory_space<vmem>>, vector<1x16xf32>,
        %get3A_210 = vector.shape_cast %get3A_209 : vector<1x16xf32> to vector<16xf32>
        %mul3A_211 = vector.broadcast %squeeze3A_197 : f32 to vector<16xf32>
        %mul3A_212 = arith.mulf %mul3A_211, %get3A_210 : vector<16xf32>
        %add3A_213 = arith.addf %add3A_179, %mul3A_212 : vector<16xf32>
        %get3A_214 = arith.constant 4 : i32
        %get3A_215 = arith.index_cast %get3A_214 : i32 to index
        %get3A_216 = arith.constant 32 : index
        %get3A_217 = tpu.vector_load %arg8[%get3A_215, %get3A_216] {strides = array<i32>} : memref<64x64xf32, #tpu.memory_space<vmem>>, vector<1x16xf32>,
        %get3A_218 = vector.shape_cast %get3A_217 : vector<1x16xf32> to vector<16xf32>
        %mul3A_219 = vector.broadcast %squeeze3A_197 : f32 to vector<16xf32>
        %mul3A_220 = arith.mulf %mul3A_219, %get3A_218 : vector<16xf32>
        %add3A_221 = arith.addf %add3A_187, %mul3A_220 : vector<16xf32>
        %get3A_222 = arith.constant 4 : i32
        %get3A_223 = arith.index_cast %get3A_222 : i32 to index
        %get3A_224 = arith.constant 48 : index
        %get3A_225 = tpu.vector_load %arg8[%get3A_223, %get3A_224] {strides = array<i32>} : memref<64x64xf32, #tpu.memory_space<vmem>>, vector<1x16xf32>,
        %get3A_226 = vector.shape_cast %get3A_225 : vector<1x16xf32> to vector<16xf32>
        %mul3A_227 = vector.broadcast %squeeze3A_197 : f32 to vector<16xf32>
        %mul3A_228 = arith.mulf %mul3A_227, %get3A_226 : vector<16xf32>
        %add3A_229 = arith.addf %add3A_195, %mul3A_228 : vector<16xf32>
        %slice3A_230 = vector.extract_strided_slice %get3A_42 {offsets = [5], sizes = [1], strides = [1]} : vector<16xf32> to vector<1xf32>
        %squeeze3A_231 = vector.extract %slice3A_230[0] : f32 from vector<1xf32>
        %get3A_232 = arith.constant 5 : i32
        %get3A_233 = arith.index_cast %get3A_232 : i32 to index
        %get3A_234 = arith.constant 0 : index
        %get3A_235 = tpu.vector_load %arg8[%get3A_233, %get3A_234] {strides = array<i32>} : memref<64x64xf32, #tpu.memory_space<vmem>>, vector<1x16xf32>,
        %get3A_236 = vector.shape_cast %get3A_235 : vector<1x16xf32> to vector<16xf32>
        %mul3A_237 = vector.broadcast %squeeze3A_231 : f32 to vector<16xf32>
        %mul3A_238 = arith.mulf %mul3A_237, %get3A_236 : vector<16xf32>
        %add3A_239 = arith.addf %add3A_205, %mul3A_238 : vector<16xf32>
        %get3A_240 = arith.constant 5 : i32
        %get3A_241 = arith.index_cast %get3A_240 : i32 to index
        %get3A_242 = arith.constant 16 : index
        %get3A_243 = tpu.vector_load %arg8[%get3A_241, %get3A_242] {strides = array<i32>} : memref<64x64xf32, #tpu.memory_space<vmem>>, vector<1x16xf32>,
        %get3A_244 = vector.shape_cast %get3A_243 : vector<1x16xf32> to vector<16xf32>
        %mul3A_245 = vector.broadcast %squeeze3A_231 : f32 to vector<16xf32>
        %mul3A_246 = arith.mulf %mul3A_245, %get3A_244 : vector<16xf32>
        %add3A_247 = arith.addf %add3A_213, %mul3A_246 : vector<16xf32>
        %get3A_248 = arith.constant 5 : i32
        %get3A_249 = arith.index_cast %get3A_248 : i32 to index
        %get3A_250 = arith.constant 32 : index
        %get3A_251 = tpu.vector_load %arg8[%get3A_249, %get3A_250] {strides = array<i32>} : memref<64x64xf32, #tpu.memory_space<vmem>>, vector<1x16xf32>,
        %get3A_252 = vector.shape_cast %get3A_251 : vector<1x16xf32> to vector<16xf32>
        %mul3A_253 = vector.broadcast %squeeze3A_231 : f32 to vector<16xf32>
        %mul3A_254 = arith.mulf %mul3A_253, %get3A_252 : vector<16xf32>
        %add3A_255 = arith.addf %add3A_221, %mul3A_254 : vector<16xf32>
        %get3A_256 = arith.constant 5 : i32
        %get3A_257 = arith.index_cast %get3A_256 : i32 to index
        %get3A_258 = arith.constant 48 : index
        %get3A_259 = tpu.vector_load %arg8[%get3A_257, %get3A_258] {strides = array<i32>} : memref<64x64xf32, #tpu.memory_space<vmem>>, vector<1x16xf32>,
        %get3A_260 = vector.shape_cast %get3A_259 : vector<1x16xf32> to vector<16xf32>
        %mul3A_261 = vector.broadcast %squeeze3A_231 : f32 to vector<16xf32>
        %mul3A_262 = arith.mulf %mul3A_261, %get3A_260 : vector<16xf32>
        %add3A_263 = arith.addf %add3A_229, %mul3A_262 : vector<16xf32>
        %slice3A_264 = vector.extract_strided_slice %get3A_42 {offsets = [6], sizes = [1], strides = [1]} : vector<16xf32> to vector<1xf32>
        %squeeze3A_265 = vector.extract %slice3A_264[0] : f32 from vector<1xf32>
        %get3A_266 = arith.constant 6 : i32
        %get3A_267 = arith.index_cast %get3A_266 : i32 to index
        %get3A_268 = arith.constant 0 : index
        %get3A_269 = tpu.vector_load %arg8[%get3A_267, %get3A_268] {strides = array<i32>} : memref<64x64xf32, #tpu.memory_space<vmem>>, vector<1x16xf32>,
        %get3A_270 = vector.shape_cast %get3A_269 : vector<1x16xf32> to vector<16xf32>
        %mul3A_271 = vector.broadcast %squeeze3A_265 : f32 to vector<16xf32>
        %mul3A_272 = arith.mulf %mul3A_271, %get3A_270 : vector<16xf32>
        %add3A_273 = arith.addf %add3A_239, %mul3A_272 : vector<16xf32>
        %get3A_274 = arith.constant 6 : i32
        %get3A_275 = arith.index_cast %get3A_274 : i32 to index
        %get3A_276 = arith.constant 16 : index
        %get3A_277 = tpu.vector_load %arg8[%get3A_275, %get3A_276] {strides = array<i32>} : memref<64x64xf32, #tpu.memory_space<vmem>>, vector<1x16xf32>,
        %get3A_278 = vector.shape_cast %get3A_277 : vector<1x16xf32> to vector<16xf32>
        %mul3A_279 = vector.broadcast %squeeze3A_265 : f32 to vector<16xf32>
        %mul3A_280 = arith.mulf %mul3A_279, %get3A_278 : vector<16xf32>
        %add3A_281 = arith.addf %add3A_247, %mul3A_280 : vector<16xf32>
        %get3A_282 = arith.constant 6 : i32
        %get3A_283 = arith.index_cast %get3A_282 : i32 to index
        %get3A_284 = arith.constant 32 : index
        %get3A_285 = tpu.vector_load %arg8[%get3A_283, %get3A_284] {strides = array<i32>} : memref<64x64xf32, #tpu.memory_space<vmem>>, vector<1x16xf32>,
        %get3A_286 = vector.shape_cast %get3A_285 : vector<1x16xf32> to vector<16xf32>
        %mul3A_287 = vector.broadcast %squeeze3A_265 : f32 to vector<16xf32>
        %mul3A_288 = arith.mulf %mul3A_287, %get3A_286 : vector<16xf32>
        %add3A_289 = arith.addf %add3A_255, %mul3A_288 : vector<16xf32>
        %get3A_290 = arith.constant 6 : i32
        %get3A_291 = arith.index_cast %get3A_290 : i32 to index
        %get3A_292 = arith.constant 48 : index
        %get3A_293 = tpu.vector_load %arg8[%get3A_291, %get3A_292] {strides = array<i32>} : memref<64x64xf32, #tpu.memory_space<vmem>>, vector<1x16xf32>,
        %get3A_294 = vector.shape_cast %get3A_293 : vector<1x16xf32> to vector<16xf32>
        %mul3A_295 = vector.broadcast %squeeze3A_265 : f32 to vector<16xf32>
        %mul3A_296 = arith.mulf %mul3A_295, %get3A_294 : vector<16xf32>
        %add3A_297 = arith.addf %add3A_263, %mul3A_296 : vector<16xf32>
        %slice3A_298 = vector.extract_strided_slice %get3A_42 {offsets = [7], sizes = [1], strides = [1]} : vector<16xf32> to vector<1xf32>
        %squeeze3A_299 = vector.extract %slice3A_298[0] : f32 from vector<1xf32>
        %get3A_300 = arith.constant 7 : i32
        %get3A_301 = arith.index_cast %get3A_300 : i32 to index
        %get3A_302 = arith.constant 0 : index
        %get3A_303 = tpu.vector_load %arg8[%get3A_301, %get3A_302] {strides = array<i32>} : memref<64x64xf32, #tpu.memory_space<vmem>>, vector<1x16xf32>,
        %get3A_304 = vector.shape_cast %get3A_303 : vector<1x16xf32> to vector<16xf32>
        %mul3A_305 = vector.broadcast %squeeze3A_299 : f32 to vector<16xf32>
        %mul3A_306 = arith.mulf %mul3A_305, %get3A_304 : vector<16xf32>
        %add3A_307 = arith.addf %add3A_273, %mul3A_306 : vector<16xf32>
        %get3A_308 = arith.constant 7 : i32
        %get3A_309 = arith.index_cast %get3A_308 : i32 to index
        %get3A_310 = arith.constant 16 : index
        %get3A_311 = tpu.vector_load %arg8[%get3A_309, %get3A_310] {strides = array<i32>} : memref<64x64xf32, #tpu.memory_space<vmem>>, vector<1x16xf32>,
        %get3A_312 = vector.shape_cast %get3A_311 : vector<1x16xf32> to vector<16xf32>
        %mul3A_313 = vector.broadcast %squeeze3A_299 : f32 to vector<16xf32>
        %mul3A_314 = arith.mulf %mul3A_313, %get3A_312 : vector<16xf32>
        %add3A_315 = arith.addf %add3A_281, %mul3A_314 : vector<16xf32>
        %get3A_316 = arith.constant 7 : i32
        %get3A_317 = arith.index_cast %get3A_316 : i32 to index
        %get3A_318 = arith.constant 32 : index
        %get3A_319 = tpu.vector_load %arg8[%get3A_317, %get3A_318] {strides = array<i32>} : memref<64x64xf32, #tpu.memory_space<vmem>>, vector<1x16xf32>,
        %get3A_320 = vector.shape_cast %get3A_319 : vector<1x16xf32> to vector<16xf32>
        %mul3A_321 = vector.broadcast %squeeze3A_299 : f32 to vector<16xf32>
        %mul3A_322 = arith.mulf %mul3A_321, %get3A_320 : vector<16xf32>
        %add3A_323 = arith.addf %add3A_289, %mul3A_322 : vector<16xf32>
        %get3A_324 = arith.constant 7 : i32
        %get3A_325 = arith.index_cast %get3A_324 : i32 to index
        %get3A_326 = arith.constant 48 : index
        %get3A_327 = tpu.vector_load %arg8[%get3A_325, %get3A_326] {strides = array<i32>} : memref<64x64xf32, #tpu.memory_space<vmem>>, vector<1x16xf32>,
        %get3A_328 = vector.shape_cast %get3A_327 : vector<1x16xf32> to vector<16xf32>
        %mul3A_329 = vector.broadcast %squeeze3A_299 : f32 to vector<16xf32>
        %mul3A_330 = arith.mulf %mul3A_329, %get3A_328 : vector<16xf32>
        %add3A_331 = arith.addf %add3A_297, %mul3A_330 : vector<16xf32>
        %slice3A_332 = vector.extract_strided_slice %get3A_42 {offsets = [8], sizes = [1], strides = [1]} : vector<16xf32> to vector<1xf32>
        %squeeze3A_333 = vector.extract %slice3A_332[0] : f32 from vector<1xf32>
        %get3A_334 = arith.constant 8 : i32
        %get3A_335 = arith.index_cast %get3A_334 : i32 to index
        %get3A_336 = arith.constant 0 : index
        %get3A_337 = tpu.vector_load %arg8[%get3A_335, %get3A_336] {strides = array<i32>} : memref<64x64xf32, #tpu.memory_space<vmem>>, vector<1x16xf32>,
        %get3A_338 = vector.shape_cast %get3A_337 : vector<1x16xf32> to vector<16xf32>
        %mul3A_339 = vector.broadcast %squeeze3A_333 : f32 to vector<16xf32>
        %mul3A_340 = arith.mulf %mul3A_339, %get3A_338 : vector<16xf32>
        %add3A_341 = arith.addf %add3A_307, %mul3A_340 : vector<16xf32>
        %get3A_342 = arith.constant 8 : i32
        %get3A_343 = arith.index_cast %get3A_342 : i32 to index
        %get3A_344 = arith.constant 16 : index
        %get3A_345 = tpu.vector_load %arg8[%get3A_343, %get3A_344] {strides = array<i32>} : memref<64x64xf32, #tpu.memory_space<vmem>>, vector<1x16xf32>,
        %get3A_346 = vector.shape_cast %get3A_345 : vector<1x16xf32> to vector<16xf32>
        %mul3A_347 = vector.broadcast %squeeze3A_333 : f32 to vector<16xf32>
        %mul3A_348 = arith.mulf %mul3A_347, %get3A_346 : vector<16xf32>
        %add3A_349 = arith.addf %add3A_315, %mul3A_348 : vector<16xf32>
        %get3A_350 = arith.constant 8 : i32
        %get3A_351 = arith.index_cast %get3A_350 : i32 to index
        %get3A_352 = arith.constant 32 : index
        %get3A_353 = tpu.vector_load %arg8[%get3A_351, %get3A_352] {strides = array<i32>} : memref<64x64xf32, #tpu.memory_space<vmem>>, vector<1x16xf32>,
        %get3A_354 = vector.shape_cast %get3A_353 : vector<1x16xf32> to vector<16xf32>
        %mul3A_355 = vector.broadcast %squeeze3A_333 : f32 to vector<16xf32>
        %mul3A_356 = arith.mulf %mul3A_355, %get3A_354 : vector<16xf32>
        %add3A_357 = arith.addf %add3A_323, %mul3A_356 : vector<16xf32>
        %get3A_358 = arith.constant 8 : i32
        %get3A_359 = arith.index_cast %get3A_358 : i32 to index
        %get3A_360 = arith.constant 48 : index
        %get3A_361 = tpu.vector_load %arg8[%get3A_359, %get3A_360] {strides = array<i32>} : memref<64x64xf32, #tpu.memory_space<vmem>>, vector<1x16xf32>,
        %get3A_362 = vector.shape_cast %get3A_361 : vector<1x16xf32> to vector<16xf32>
        %mul3A_363 = vector.broadcast %squeeze3A_333 : f32 to vector<16xf32>
        %mul3A_364 = arith.mulf %mul3A_363, %get3A_362 : vector<16xf32>
        %add3A_365 = arith.addf %add3A_331, %mul3A_364 : vector<16xf32>
        %slice3A_366 = vector.extract_strided_slice %get3A_42 {offsets = [9], sizes = [1], strides = [1]} : vector<16xf32> to vector<1xf32>
        %squeeze3A_367 = vector.extract %slice3A_366[0] : f32 from vector<1xf32>
        %get3A_368 = arith.constant 9 : i32
        %get3A_369 = arith.index_cast %get3A_368 : i32 to index
        %get3A_370 = arith.constant 0 : index
        %get3A_371 = tpu.vector_load %arg8[%get3A_369, %get3A_370] {strides = array<i32>} : memref<64x64xf32, #tpu.memory_space<vmem>>, vector<1x16xf32>,
        %get3A_372 = vector.shape_cast %get3A_371 : vector<1x16xf32> to vector<16xf32>
        %mul3A_373 = vector.broadcast %squeeze3A_367 : f32 to vector<16xf32>
        %mul3A_374 = arith.mulf %mul3A_373, %get3A_372 : vector<16xf32>
        %add3A_375 = arith.addf %add3A_341, %mul3A_374 : vector<16xf32>
        %get3A_376 = arith.constant 9 : i32
        %get3A_377 = arith.index_cast %get3A_376 : i32 to index
        %get3A_378 = arith.constant 16 : index
        %get3A_379 = tpu.vector_load %arg8[%get3A_377, %get3A_378] {strides = array<i32>} : memref<64x64xf32, #tpu.memory_space<vmem>>, vector<1x16xf32>,
        %get3A_380 = vector.shape_cast %get3A_379 : vector<1x16xf32> to vector<16xf32>
        %mul3A_381 = vector.broadcast %squeeze3A_367 : f32 to vector<16xf32>
        %mul3A_382 = arith.mulf %mul3A_381, %get3A_380 : vector<16xf32>
        %add3A_383 = arith.addf %add3A_349, %mul3A_382 : vector<16xf32>
        %get3A_384 = arith.constant 9 : i32
        %get3A_385 = arith.index_cast %get3A_384 : i32 to index
        %get3A_386 = arith.constant 32 : index
        %get3A_387 = tpu.vector_load %arg8[%get3A_385, %get3A_386] {strides = array<i32>} : memref<64x64xf32, #tpu.memory_space<vmem>>, vector<1x16xf32>,
        %get3A_388 = vector.shape_cast %get3A_387 : vector<1x16xf32> to vector<16xf32>
        %mul3A_389 = vector.broadcast %squeeze3A_367 : f32 to vector<16xf32>
        %mul3A_390 = arith.mulf %mul3A_389, %get3A_388 : vector<16xf32>
        %add3A_391 = arith.addf %add3A_357, %mul3A_390 : vector<16xf32>
        %get3A_392 = arith.constant 9 : i32
        %get3A_393 = arith.index_cast %get3A_392 : i32 to index
        %get3A_394 = arith.constant 48 : index
        %get3A_395 = tpu.vector_load %arg8[%get3A_393, %get3A_394] {strides = array<i32>} : memref<64x64xf32, #tpu.memory_space<vmem>>, vector<1x16xf32>,
        %get3A_396 = vector.shape_cast %get3A_395 : vector<1x16xf32> to vector<16xf32>
        %mul3A_397 = vector.broadcast %squeeze3A_367 : f32 to vector<16xf32>
        %mul3A_398 = arith.mulf %mul3A_397, %get3A_396 : vector<16xf32>
        %add3A_399 = arith.addf %add3A_365, %mul3A_398 : vector<16xf32>
        %slice3A_400 = vector.extract_strided_slice %get3A_42 {offsets = [10], sizes = [1], strides = [1]} : vector<16xf32> to vector<1xf32>
        %squeeze3A_401 = vector.extract %slice3A_400[0] : f32 from vector<1xf32>
        %get3A_402 = arith.constant 10 : i32
        %get3A_403 = arith.index_cast %get3A_402 : i32 to index
        %get3A_404 = arith.constant 0 : index
        %get3A_405 = tpu.vector_load %arg8[%get3A_403, %get3A_404] {strides = array<i32>} : memref<64x64xf32, #tpu.memory_space<vmem>>, vector<1x16xf32>,
        %get3A_406 = vector.shape_cast %get3A_405 : vector<1x16xf32> to vector<16xf32>
        %mul3A_407 = vector.broadcast %squeeze3A_401 : f32 to vector<16xf32>
        %mul3A_408 = arith.mulf %mul3A_407, %get3A_406 : vector<16xf32>
        %add3A_409 = arith.addf %add3A_375, %mul3A_408 : vector<16xf32>
        %get3A_410 = arith.constant 10 : i32
        %get3A_411 = arith.index_cast %get3A_410 : i32 to index
        %get3A_412 = arith.constant 16 : index
        %get3A_413 = tpu.vector_load %arg8[%get3A_411, %get3A_412] {strides = array<i32>} : memref<64x64xf32, #tpu.memory_space<vmem>>, vector<1x16xf32>,
        %get3A_414 = vector.shape_cast %get3A_413 : vector<1x16xf32> to vector<16xf32>
        %mul3A_415 = vector.broadcast %squeeze3A_401 : f32 to vector<16xf32>
        %mul3A_416 = arith.mulf %mul3A_415, %get3A_414 : vector<16xf32>
        %add3A_417 = arith.addf %add3A_383, %mul3A_416 : vector<16xf32>
        %get3A_418 = arith.constant 10 : i32
        %get3A_419 = arith.index_cast %get3A_418 : i32 to index
        %get3A_420 = arith.constant 32 : index
        %get3A_421 = tpu.vector_load %arg8[%get3A_419, %get3A_420] {strides = array<i32>} : memref<64x64xf32, #tpu.memory_space<vmem>>, vector<1x16xf32>,
        %get3A_422 = vector.shape_cast %get3A_421 : vector<1x16xf32> to vector<16xf32>
        %mul3A_423 = vector.broadcast %squeeze3A_401 : f32 to vector<16xf32>
        %mul3A_424 = arith.mulf %mul3A_423, %get3A_422 : vector<16xf32>
        %add3A_425 = arith.addf %add3A_391, %mul3A_424 : vector<16xf32>
        %get3A_426 = arith.constant 10 : i32
        %get3A_427 = arith.index_cast %get3A_426 : i32 to index
        %get3A_428 = arith.constant 48 : index
        %get3A_429 = tpu.vector_load %arg8[%get3A_427, %get3A_428] {strides = array<i32>} : memref<64x64xf32, #tpu.memory_space<vmem>>, vector<1x16xf32>,
        %get3A_430 = vector.shape_cast %get3A_429 : vector<1x16xf32> to vector<16xf32>
        %mul3A_431 = vector.broadcast %squeeze3A_401 : f32 to vector<16xf32>
        %mul3A_432 = arith.mulf %mul3A_431, %get3A_430 : vector<16xf32>
        %add3A_433 = arith.addf %add3A_399, %mul3A_432 : vector<16xf32>
        %slice3A_434 = vector.extract_strided_slice %get3A_42 {offsets = [11], sizes = [1], strides = [1]} : vector<16xf32> to vector<1xf32>
        %squeeze3A_435 = vector.extract %slice3A_434[0] : f32 from vector<1xf32>
        %get3A_436 = arith.constant 11 : i32
        %get3A_437 = arith.index_cast %get3A_436 : i32 to index
        %get3A_438 = arith.constant 0 : index
        %get3A_439 = tpu.vector_load %arg8[%get3A_437, %get3A_438] {strides = array<i32>} : memref<64x64xf32, #tpu.memory_space<vmem>>, vector<1x16xf32>,
        %get3A_440 = vector.shape_cast %get3A_439 : vector<1x16xf32> to vector<16xf32>
        %mul3A_441 = vector.broadcast %squeeze3A_435 : f32 to vector<16xf32>
        %mul3A_442 = arith.mulf %mul3A_441, %get3A_440 : vector<16xf32>
        %add3A_443 = arith.addf %add3A_409, %mul3A_442 : vector<16xf32>
        %get3A_444 = arith.constant 11 : i32
        %get3A_445 = arith.index_cast %get3A_444 : i32 to index
        %get3A_446 = arith.constant 16 : index
        %get3A_447 = tpu.vector_load %arg8[%get3A_445, %get3A_446] {strides = array<i32>} : memref<64x64xf32, #tpu.memory_space<vmem>>, vector<1x16xf32>,
        %get3A_448 = vector.shape_cast %get3A_447 : vector<1x16xf32> to vector<16xf32>
        %mul3A_449 = vector.broadcast %squeeze3A_435 : f32 to vector<16xf32>
        %mul3A_450 = arith.mulf %mul3A_449, %get3A_448 : vector<16xf32>
        %add3A_451 = arith.addf %add3A_417, %mul3A_450 : vector<16xf32>
        %get3A_452 = arith.constant 11 : i32
        %get3A_453 = arith.index_cast %get3A_452 : i32 to index
        %get3A_454 = arith.constant 32 : index
        %get3A_455 = tpu.vector_load %arg8[%get3A_453, %get3A_454] {strides = array<i32>} : memref<64x64xf32, #tpu.memory_space<vmem>>, vector<1x16xf32>,
        %get3A_456 = vector.shape_cast %get3A_455 : vector<1x16xf32> to vector<16xf32>
        %mul3A_457 = vector.broadcast %squeeze3A_435 : f32 to vector<16xf32>
        %mul3A_458 = arith.mulf %mul3A_457, %get3A_456 : vector<16xf32>
        %add3A_459 = arith.addf %add3A_425, %mul3A_458 : vector<16xf32>
        %get3A_460 = arith.constant 11 : i32
        %get3A_461 = arith.index_cast %get3A_460 : i32 to index
        %get3A_462 = arith.constant 48 : index
        %get3A_463 = tpu.vector_load %arg8[%get3A_461, %get3A_462] {strides = array<i32>} : memref<64x64xf32, #tpu.memory_space<vmem>>, vector<1x16xf32>,
        %get3A_464 = vector.shape_cast %get3A_463 : vector<1x16xf32> to vector<16xf32>
        %mul3A_465 = vector.broadcast %squeeze3A_435 : f32 to vector<16xf32>
        %mul3A_466 = arith.mulf %mul3A_465, %get3A_464 : vector<16xf32>
        %add3A_467 = arith.addf %add3A_433, %mul3A_466 : vector<16xf32>
        %slice3A_468 = vector.extract_strided_slice %get3A_42 {offsets = [12], sizes = [1], strides = [1]} : vector<16xf32> to vector<1xf32>
        %squeeze3A_469 = vector.extract %slice3A_468[0] : f32 from vector<1xf32>
        %get3A_470 = arith.constant 12 : i32
        %get3A_471 = arith.index_cast %get3A_470 : i32 to index
        %get3A_472 = arith.constant 0 : index
        %get3A_473 = tpu.vector_load %arg8[%get3A_471, %get3A_472] {strides = array<i32>} : memref<64x64xf32, #tpu.memory_space<vmem>>, vector<1x16xf32>,
        %get3A_474 = vector.shape_cast %get3A_473 : vector<1x16xf32> to vector<16xf32>
        %mul3A_475 = vector.broadcast %squeeze3A_469 : f32 to vector<16xf32>
        %mul3A_476 = arith.mulf %mul3A_475, %get3A_474 : vector<16xf32>
        %add3A_477 = arith.addf %add3A_443, %mul3A_476 : vector<16xf32>
        %get3A_478 = arith.constant 12 : i32
        %get3A_479 = arith.index_cast %get3A_478 : i32 to index
        %get3A_480 = arith.constant 16 : index
        %get3A_481 = tpu.vector_load %arg8[%get3A_479, %get3A_480] {strides = array<i32>} : memref<64x64xf32, #tpu.memory_space<vmem>>, vector<1x16xf32>,
        %get3A_482 = vector.shape_cast %get3A_481 : vector<1x16xf32> to vector<16xf32>
        %mul3A_483 = vector.broadcast %squeeze3A_469 : f32 to vector<16xf32>
        %mul3A_484 = arith.mulf %mul3A_483, %get3A_482 : vector<16xf32>
        %add3A_485 = arith.addf %add3A_451, %mul3A_484 : vector<16xf32>
        %get3A_486 = arith.constant 12 : i32
        %get3A_487 = arith.index_cast %get3A_486 : i32 to index
        %get3A_488 = arith.constant 32 : index
        %get3A_489 = tpu.vector_load %arg8[%get3A_487, %get3A_488] {strides = array<i32>} : memref<64x64xf32, #tpu.memory_space<vmem>>, vector<1x16xf32>,
        %get3A_490 = vector.shape_cast %get3A_489 : vector<1x16xf32> to vector<16xf32>
        %mul3A_491 = vector.broadcast %squeeze3A_469 : f32 to vector<16xf32>
        %mul3A_492 = arith.mulf %mul3A_491, %get3A_490 : vector<16xf32>
        %add3A_493 = arith.addf %add3A_459, %mul3A_492 : vector<16xf32>
        %get3A_494 = arith.constant 12 : i32
        %get3A_495 = arith.index_cast %get3A_494 : i32 to index
        %get3A_496 = arith.constant 48 : index
        %get3A_497 = tpu.vector_load %arg8[%get3A_495, %get3A_496] {strides = array<i32>} : memref<64x64xf32, #tpu.memory_space<vmem>>, vector<1x16xf32>,
        %get3A_498 = vector.shape_cast %get3A_497 : vector<1x16xf32> to vector<16xf32>
        %mul3A_499 = vector.broadcast %squeeze3A_469 : f32 to vector<16xf32>
        %mul3A_500 = arith.mulf %mul3A_499, %get3A_498 : vector<16xf32>
        %add3A_501 = arith.addf %add3A_467, %mul3A_500 : vector<16xf32>
        %slice3A_502 = vector.extract_strided_slice %get3A_42 {offsets = [13], sizes = [1], strides = [1]} : vector<16xf32> to vector<1xf32>
        %squeeze3A_503 = vector.extract %slice3A_502[0] : f32 from vector<1xf32>
        %get3A_504 = arith.constant 13 : i32
        %get3A_505 = arith.index_cast %get3A_504 : i32 to index
        %get3A_506 = arith.constant 0 : index
        %get3A_507 = tpu.vector_load %arg8[%get3A_505, %get3A_506] {strides = array<i32>} : memref<64x64xf32, #tpu.memory_space<vmem>>, vector<1x16xf32>,
        %get3A_508 = vector.shape_cast %get3A_507 : vector<1x16xf32> to vector<16xf32>
        %mul3A_509 = vector.broadcast %squeeze3A_503 : f32 to vector<16xf32>
        %mul3A_510 = arith.mulf %mul3A_509, %get3A_508 : vector<16xf32>
        %add3A_511 = arith.addf %add3A_477, %mul3A_510 : vector<16xf32>
        %get3A_512 = arith.constant 13 : i32
        %get3A_513 = arith.index_cast %get3A_512 : i32 to index
        %get3A_514 = arith.constant 16 : index
        %get3A_515 = tpu.vector_load %arg8[%get3A_513, %get3A_514] {strides = array<i32>} : memref<64x64xf32, #tpu.memory_space<vmem>>, vector<1x16xf32>,
        %get3A_516 = vector.shape_cast %get3A_515 : vector<1x16xf32> to vector<16xf32>
        %mul3A_517 = vector.broadcast %squeeze3A_503 : f32 to vector<16xf32>
        %mul3A_518 = arith.mulf %mul3A_517, %get3A_516 : vector<16xf32>
        %add3A_519 = arith.addf %add3A_485, %mul3A_518 : vector<16xf32>
        %get3A_520 = arith.constant 13 : i32
        %get3A_521 = arith.index_cast %get3A_520 : i32 to index
        %get3A_522 = arith.constant 32 : index
        %get3A_523 = tpu.vector_load %arg8[%get3A_521, %get3A_522] {strides = array<i32>} : memref<64x64xf32, #tpu.memory_space<vmem>>, vector<1x16xf32>,
        %get3A_524 = vector.shape_cast %get3A_523 : vector<1x16xf32> to vector<16xf32>
        %mul3A_525 = vector.broadcast %squeeze3A_503 : f32 to vector<16xf32>
        %mul3A_526 = arith.mulf %mul3A_525, %get3A_524 : vector<16xf32>
        %add3A_527 = arith.addf %add3A_493, %mul3A_526 : vector<16xf32>
        %get3A_528 = arith.constant 13 : i32
        %get3A_529 = arith.index_cast %get3A_528 : i32 to index
        %get3A_530 = arith.constant 48 : index
        %get3A_531 = tpu.vector_load %arg8[%get3A_529, %get3A_530] {strides = array<i32>} : memref<64x64xf32, #tpu.memory_space<vmem>>, vector<1x16xf32>,
        %get3A_532 = vector.shape_cast %get3A_531 : vector<1x16xf32> to vector<16xf32>
        %mul3A_533 = vector.broadcast %squeeze3A_503 : f32 to vector<16xf32>
        %mul3A_534 = arith.mulf %mul3A_533, %get3A_532 : vector<16xf32>
        %add3A_535 = arith.addf %add3A_501, %mul3A_534 : vector<16xf32>
        %slice3A_536 = vector.extract_strided_slice %get3A_42 {offsets = [14], sizes = [1], strides = [1]} : vector<16xf32> to vector<1xf32>
        %squeeze3A_537 = vector.extract %slice3A_536[0] : f32 from vector<1xf32>
        %get3A_538 = arith.constant 14 : i32
        %get3A_539 = arith.index_cast %get3A_538 : i32 to index
        %get3A_540 = arith.constant 0 : index
        %get3A_541 = tpu.vector_load %arg8[%get3A_539, %get3A_540] {strides = array<i32>} : memref<64x64xf32, #tpu.memory_space<vmem>>, vector<1x16xf32>,
        %get3A_542 = vector.shape_cast %get3A_541 : vector<1x16xf32> to vector<16xf32>
        %mul3A_543 = vector.broadcast %squeeze3A_537 : f32 to vector<16xf32>
        %mul3A_544 = arith.mulf %mul3A_543, %get3A_542 : vector<16xf32>
        %add3A_545 = arith.addf %add3A_511, %mul3A_544 : vector<16xf32>
        %get3A_546 = arith.constant 14 : i32
        %get3A_547 = arith.index_cast %get3A_546 : i32 to index
        %get3A_548 = arith.constant 16 : index
        %get3A_549 = tpu.vector_load %arg8[%get3A_547, %get3A_548] {strides = array<i32>} : memref<64x64xf32, #tpu.memory_space<vmem>>, vector<1x16xf32>,
        %get3A_550 = vector.shape_cast %get3A_549 : vector<1x16xf32> to vector<16xf32>
        %mul3A_551 = vector.broadcast %squeeze3A_537 : f32 to vector<16xf32>
        %mul3A_552 = arith.mulf %mul3A_551, %get3A_550 : vector<16xf32>
        %add3A_553 = arith.addf %add3A_519, %mul3A_552 : vector<16xf32>
        %get3A_554 = arith.constant 14 : i32
        %get3A_555 = arith.index_cast %get3A_554 : i32 to index
        %get3A_556 = arith.constant 32 : index
        %get3A_557 = tpu.vector_load %arg8[%get3A_555, %get3A_556] {strides = array<i32>} : memref<64x64xf32, #tpu.memory_space<vmem>>, vector<1x16xf32>,
        %get3A_558 = vector.shape_cast %get3A_557 : vector<1x16xf32> to vector<16xf32>
        %mul3A_559 = vector.broadcast %squeeze3A_537 : f32 to vector<16xf32>
        %mul3A_560 = arith.mulf %mul3A_559, %get3A_558 : vector<16xf32>
        %add3A_561 = arith.addf %add3A_527, %mul3A_560 : vector<16xf32>
        %get3A_562 = arith.constant 14 : i32
        %get3A_563 = arith.index_cast %get3A_562 : i32 to index
        %get3A_564 = arith.constant 48 : index
        %get3A_565 = tpu.vector_load %arg8[%get3A_563, %get3A_564] {strides = array<i32>} : memref<64x64xf32, #tpu.memory_space<vmem>>, vector<1x16xf32>,
        %get3A_566 = vector.shape_cast %get3A_565 : vector<1x16xf32> to vector<16xf32>
        %mul3A_567 = vector.broadcast %squeeze3A_537 : f32 to vector<16xf32>
        %mul3A_568 = arith.mulf %mul3A_567, %get3A_566 : vector<16xf32>
        %add3A_569 = arith.addf %add3A_535, %mul3A_568 : vector<16xf32>
        %slice3A_570 = vector.extract_strided_slice %get3A_42 {offsets = [15], sizes = [1], strides = [1]} : vector<16xf32> to vector<1xf32>
        %squeeze3A_571 = vector.extract %slice3A_570[0] : f32 from vector<1xf32>
        %get3A_572 = arith.constant 15 : i32
        %get3A_573 = arith.index_cast %get3A_572 : i32 to index
        %get3A_574 = arith.constant 0 : index
        %get3A_575 = tpu.vector_load %arg8[%get3A_573, %get3A_574] {strides = array<i32>} : memref<64x64xf32, #tpu.memory_space<vmem>>, vector<1x16xf32>,
        %get3A_576 = vector.shape_cast %get3A_575 : vector<1x16xf32> to vector<16xf32>
        %mul3A_577 = vector.broadcast %squeeze3A_571 : f32 to vector<16xf32>
        %mul3A_578 = arith.mulf %mul3A_577, %get3A_576 : vector<16xf32>
        %add3A_579 = arith.addf %add3A_545, %mul3A_578 : vector<16xf32>
        %get3A_580 = arith.constant 15 : i32
        %get3A_581 = arith.index_cast %get3A_580 : i32 to index
        %get3A_582 = arith.constant 16 : index
        %get3A_583 = tpu.vector_load %arg8[%get3A_581, %get3A_582] {strides = array<i32>} : memref<64x64xf32, #tpu.memory_space<vmem>>, vector<1x16xf32>,
        %get3A_584 = vector.shape_cast %get3A_583 : vector<1x16xf32> to vector<16xf32>
        %mul3A_585 = vector.broadcast %squeeze3A_571 : f32 to vector<16xf32>
        %mul3A_586 = arith.mulf %mul3A_585, %get3A_584 : vector<16xf32>
        %add3A_587 = arith.addf %add3A_553, %mul3A_586 : vector<16xf32>
        %get3A_588 = arith.constant 15 : i32
        %get3A_589 = arith.index_cast %get3A_588 : i32 to index
        %get3A_590 = arith.constant 32 : index
        %get3A_591 = tpu.vector_load %arg8[%get3A_589, %get3A_590] {strides = array<i32>} : memref<64x64xf32, #tpu.memory_space<vmem>>, vector<1x16xf32>,
        %get3A_592 = vector.shape_cast %get3A_591 : vector<1x16xf32> to vector<16xf32>
        %mul3A_593 = vector.broadcast %squeeze3A_571 : f32 to vector<16xf32>
        %mul3A_594 = arith.mulf %mul3A_593, %get3A_592 : vector<16xf32>
        %add3A_595 = arith.addf %add3A_561, %mul3A_594 : vector<16xf32>
        %get3A_596 = arith.constant 15 : i32
        %get3A_597 = arith.index_cast %get3A_596 : i32 to index
        %get3A_598 = arith.constant 48 : index
        %get3A_599 = tpu.vector_load %arg8[%get3A_597, %get3A_598] {strides = array<i32>} : memref<64x64xf32, #tpu.memory_space<vmem>>, vector<1x16xf32>,
        %get3A_600 = vector.shape_cast %get3A_599 : vector<1x16xf32> to vector<16xf32>
        %mul3A_601 = vector.broadcast %squeeze3A_571 : f32 to vector<16xf32>
        %mul3A_602 = arith.mulf %mul3A_601, %get3A_600 : vector<16xf32>
        %add3A_603 = arith.addf %add3A_569, %mul3A_602 : vector<16xf32>
        %slice3A_604 = vector.extract_strided_slice %get3A_46 {offsets = [0], sizes = [1], strides = [1]} : vector<16xf32> to vector<1xf32>
        %squeeze3A_605 = vector.extract %slice3A_604[0] : f32 from vector<1xf32>
        %get3A_606 = arith.constant 16 : i32
        %get3A_607 = arith.index_cast %get3A_606 : i32 to index
        %get3A_608 = arith.constant 0 : index
        %get3A_609 = tpu.vector_load %arg8[%get3A_607, %get3A_608] {strides = array<i32>} : memref<64x64xf32, #tpu.memory_space<vmem>>, vector<1x16xf32>,
        %get3A_610 = vector.shape_cast %get3A_609 : vector<1x16xf32> to vector<16xf32>
        %mul3A_611 = vector.broadcast %squeeze3A_605 : f32 to vector<16xf32>
        %mul3A_612 = arith.mulf %mul3A_611, %get3A_610 : vector<16xf32>
        %add3A_613 = arith.addf %add3A_579, %mul3A_612 : vector<16xf32>
        %get3A_614 = arith.constant 16 : i32
        %get3A_615 = arith.index_cast %get3A_614 : i32 to index
        %get3A_616 = arith.constant 16 : index
        %get3A_617 = tpu.vector_load %arg8[%get3A_615, %get3A_616] {strides = array<i32>} : memref<64x64xf32, #tpu.memory_space<vmem>>, vector<1x16xf32>,
        %get3A_618 = vector.shape_cast %get3A_617 : vector<1x16xf32> to vector<16xf32>
        %mul3A_619 = vector.broadcast %squeeze3A_605 : f32 to vector<16xf32>
        %mul3A_620 = arith.mulf %mul3A_619, %get3A_618 : vector<16xf32>
        %add3A_621 = arith.addf %add3A_587, %mul3A_620 : vector<16xf32>
        %get3A_622 = arith.constant 16 : i32
        %get3A_623 = arith.index_cast %get3A_622 : i32 to index
        %get3A_624 = arith.constant 32 : index
        %get3A_625 = tpu.vector_load %arg8[%get3A_623, %get3A_624] {strides = array<i32>} : memref<64x64xf32, #tpu.memory_space<vmem>>, vector<1x16xf32>,
        %get3A_626 = vector.shape_cast %get3A_625 : vector<1x16xf32> to vector<16xf32>
        %mul3A_627 = vector.broadcast %squeeze3A_605 : f32 to vector<16xf32>
        %mul3A_628 = arith.mulf %mul3A_627, %get3A_626 : vector<16xf32>
        %add3A_629 = arith.addf %add3A_595, %mul3A_628 : vector<16xf32>
        %get3A_630 = arith.constant 16 : i32
        %get3A_631 = arith.index_cast %get3A_630 : i32 to index
        %get3A_632 = arith.constant 48 : index
        %get3A_633 = tpu.vector_load %arg8[%get3A_631, %get3A_632] {strides = array<i32>} : memref<64x64xf32, #tpu.memory_space<vmem>>, vector<1x16xf32>,
        %get3A_634 = vector.shape_cast %get3A_633 : vector<1x16xf32> to vector<16xf32>
        %mul3A_635 = vector.broadcast %squeeze3A_605 : f32 to vector<16xf32>
        %mul3A_636 = arith.mulf %mul3A_635, %get3A_634 : vector<16xf32>
        %add3A_637 = arith.addf %add3A_603, %mul3A_636 : vector<16xf32>
        %slice3A_638 = vector.extract_strided_slice %get3A_46 {offsets = [1], sizes = [1], strides = [1]} : vector<16xf32> to vector<1xf32>
        %squeeze3A_639 = vector.extract %slice3A_638[0] : f32 from vector<1xf32>
        %get3A_640 = arith.constant 17 : i32
        %get3A_641 = arith.index_cast %get3A_640 : i32 to index
        %get3A_642 = arith.constant 0 : index
        %get3A_643 = tpu.vector_load %arg8[%get3A_641, %get3A_642] {strides = array<i32>} : memref<64x64xf32, #tpu.memory_space<vmem>>, vector<1x16xf32>,
        %get3A_644 = vector.shape_cast %get3A_643 : vector<1x16xf32> to vector<16xf32>
        %mul3A_645 = vector.broadcast %squeeze3A_639 : f32 to vector<16xf32>
        %mul3A_646 = arith.mulf %mul3A_645, %get3A_644 : vector<16xf32>
        %add3A_647 = arith.addf %add3A_613, %mul3A_646 : vector<16xf32>
        %get3A_648 = arith.constant 17 : i32
        %get3A_649 = arith.index_cast %get3A_648 : i32 to index
        %get3A_650 = arith.constant 16 : index
        %get3A_651 = tpu.vector_load %arg8[%get3A_649, %get3A_650] {strides = array<i32>} : memref<64x64xf32, #tpu.memory_space<vmem>>, vector<1x16xf32>,
        %get3A_652 = vector.shape_cast %get3A_651 : vector<1x16xf32> to vector<16xf32>
        %mul3A_653 = vector.broadcast %squeeze3A_639 : f32 to vector<16xf32>
        %mul3A_654 = arith.mulf %mul3A_653, %get3A_652 : vector<16xf32>
        %add3A_655 = arith.addf %add3A_621, %mul3A_654 : vector<16xf32>
        %get3A_656 = arith.constant 17 : i32
        %get3A_657 = arith.index_cast %get3A_656 : i32 to index
        %get3A_658 = arith.constant 32 : index
        %get3A_659 = tpu.vector_load %arg8[%get3A_657, %get3A_658] {strides = array<i32>} : memref<64x64xf32, #tpu.memory_space<vmem>>, vector<1x16xf32>,
        %get3A_660 = vector.shape_cast %get3A_659 : vector<1x16xf32> to vector<16xf32>
        %mul3A_661 = vector.broadcast %squeeze3A_639 : f32 to vector<16xf32>
        %mul3A_662 = arith.mulf %mul3A_661, %get3A_660 : vector<16xf32>
        %add3A_663 = arith.addf %add3A_629, %mul3A_662 : vector<16xf32>
        %get3A_664 = arith.constant 17 : i32
        %get3A_665 = arith.index_cast %get3A_664 : i32 to index
        %get3A_666 = arith.constant 48 : index
        %get3A_667 = tpu.vector_load %arg8[%get3A_665, %get3A_666] {strides = array<i32>} : memref<64x64xf32, #tpu.memory_space<vmem>>, vector<1x16xf32>,
        %get3A_668 = vector.shape_cast %get3A_667 : vector<1x16xf32> to vector<16xf32>
        %mul3A_669 = vector.broadcast %squeeze3A_639 : f32 to vector<16xf32>
        %mul3A_670 = arith.mulf %mul3A_669, %get3A_668 : vector<16xf32>
        %add3A_671 = arith.addf %add3A_637, %mul3A_670 : vector<16xf32>
        %slice3A_672 = vector.extract_strided_slice %get3A_46 {offsets = [2], sizes = [1], strides = [1]} : vector<16xf32> to vector<1xf32>
        %squeeze3A_673 = vector.extract %slice3A_672[0] : f32 from vector<1xf32>
        %get3A_674 = arith.constant 18 : i32
        %get3A_675 = arith.index_cast %get3A_674 : i32 to index
        %get3A_676 = arith.constant 0 : index
        %get3A_677 = tpu.vector_load %arg8[%get3A_675, %get3A_676] {strides = array<i32>} : memref<64x64xf32, #tpu.memory_space<vmem>>, vector<1x16xf32>,
        %get3A_678 = vector.shape_cast %get3A_677 : vector<1x16xf32> to vector<16xf32>
        %mul3A_679 = vector.broadcast %squeeze3A_673 : f32 to vector<16xf32>
        %mul3A_680 = arith.mulf %mul3A_679, %get3A_678 : vector<16xf32>
        %add3A_681 = arith.addf %add3A_647, %mul3A_680 : vector<16xf32>
        %get3A_682 = arith.constant 18 : i32
        %get3A_683 = arith.index_cast %get3A_682 : i32 to index
        %get3A_684 = arith.constant 16 : index
        %get3A_685 = tpu.vector_load %arg8[%get3A_683, %get3A_684] {strides = array<i32>} : memref<64x64xf32, #tpu.memory_space<vmem>>, vector<1x16xf32>,
        %get3A_686 = vector.shape_cast %get3A_685 : vector<1x16xf32> to vector<16xf32>
        %mul3A_687 = vector.broadcast %squeeze3A_673 : f32 to vector<16xf32>
        %mul3A_688 = arith.mulf %mul3A_687, %get3A_686 : vector<16xf32>
        %add3A_689 = arith.addf %add3A_655, %mul3A_688 : vector<16xf32>
        %get3A_690 = arith.constant 18 : i32
        %get3A_691 = arith.index_cast %get3A_690 : i32 to index
        %get3A_692 = arith.constant 32 : index
        %get3A_693 = tpu.vector_load %arg8[%get3A_691, %get3A_692] {strides = array<i32>} : memref<64x64xf32, #tpu.memory_space<vmem>>, vector<1x16xf32>,
        %get3A_694 = vector.shape_cast %get3A_693 : vector<1x16xf32> to vector<16xf32>
        %mul3A_695 = vector.broadcast %squeeze3A_673 : f32 to vector<16xf32>
        %mul3A_696 = arith.mulf %mul3A_695, %get3A_694 : vector<16xf32>
        %add3A_697 = arith.addf %add3A_663, %mul3A_696 : vector<16xf32>
        %get3A_698 = arith.constant 18 : i32
        %get3A_699 = arith.index_cast %get3A_698 : i32 to index
        %get3A_700 = arith.constant 48 : index
        %get3A_701 = tpu.vector_load %arg8[%get3A_699, %get3A_700] {strides = array<i32>} : memref<64x64xf32, #tpu.memory_space<vmem>>, vector<1x16xf32>,
        %get3A_702 = vector.shape_cast %get3A_701 : vector<1x16xf32> to vector<16xf32>
        %mul3A_703 = vector.broadcast %squeeze3A_673 : f32 to vector<16xf32>
        %mul3A_704 = arith.mulf %mul3A_703, %get3A_702 : vector<16xf32>
        %add3A_705 = arith.addf %add3A_671, %mul3A_704 : vector<16xf32>
        %slice3A_706 = vector.extract_strided_slice %get3A_46 {offsets = [3], sizes = [1], strides = [1]} : vector<16xf32> to vector<1xf32>
        %squeeze3A_707 = vector.extract %slice3A_706[0] : f32 from vector<1xf32>
        %get3A_708 = arith.constant 19 : i32
        %get3A_709 = arith.index_cast %get3A_708 : i32 to index
        %get3A_710 = arith.constant 0 : index
        %get3A_711 = tpu.vector_load %arg8[%get3A_709, %get3A_710] {strides = array<i32>} : memref<64x64xf32, #tpu.memory_space<vmem>>, vector<1x16xf32>,
        %get3A_712 = vector.shape_cast %get3A_711 : vector<1x16xf32> to vector<16xf32>
        %mul3A_713 = vector.broadcast %squeeze3A_707 : f32 to vector<16xf32>
        %mul3A_714 = arith.mulf %mul3A_713, %get3A_712 : vector<16xf32>
        %add3A_715 = arith.addf %add3A_681, %mul3A_714 : vector<16xf32>
        %get3A_716 = arith.constant 19 : i32
        %get3A_717 = arith.index_cast %get3A_716 : i32 to index
        %get3A_718 = arith.constant 16 : index
        %get3A_719 = tpu.vector_load %arg8[%get3A_717, %get3A_718] {strides = array<i32>} : memref<64x64xf32, #tpu.memory_space<vmem>>, vector<1x16xf32>,
        %get3A_720 = vector.shape_cast %get3A_719 : vector<1x16xf32> to vector<16xf32>
        %mul3A_721 = vector.broadcast %squeeze3A_707 : f32 to vector<16xf32>
        %mul3A_722 = arith.mulf %mul3A_721, %get3A_720 : vector<16xf32>
        %add3A_723 = arith.addf %add3A_689, %mul3A_722 : vector<16xf32>
        %get3A_724 = arith.constant 19 : i32
        %get3A_725 = arith.index_cast %get3A_724 : i32 to index
        %get3A_726 = arith.constant 32 : index
        %get3A_727 = tpu.vector_load %arg8[%get3A_725, %get3A_726] {strides = array<i32>} : memref<64x64xf32, #tpu.memory_space<vmem>>, vector<1x16xf32>,
        %get3A_728 = vector.shape_cast %get3A_727 : vector<1x16xf32> to vector<16xf32>
        %mul3A_729 = vector.broadcast %squeeze3A_707 : f32 to vector<16xf32>
        %mul3A_730 = arith.mulf %mul3A_729, %get3A_728 : vector<16xf32>
        %add3A_731 = arith.addf %add3A_697, %mul3A_730 : vector<16xf32>
        %get3A_732 = arith.constant 19 : i32
        %get3A_733 = arith.index_cast %get3A_732 : i32 to index
        %get3A_734 = arith.constant 48 : index
        %get3A_735 = tpu.vector_load %arg8[%get3A_733, %get3A_734] {strides = array<i32>} : memref<64x64xf32, #tpu.memory_space<vmem>>, vector<1x16xf32>,
        %get3A_736 = vector.shape_cast %get3A_735 : vector<1x16xf32> to vector<16xf32>
        %mul3A_737 = vector.broadcast %squeeze3A_707 : f32 to vector<16xf32>
        %mul3A_738 = arith.mulf %mul3A_737, %get3A_736 : vector<16xf32>
        %add3A_739 = arith.addf %add3A_705, %mul3A_738 : vector<16xf32>
        %slice3A_740 = vector.extract_strided_slice %get3A_46 {offsets = [4], sizes = [1], strides = [1]} : vector<16xf32> to vector<1xf32>
        %squeeze3A_741 = vector.extract %slice3A_740[0] : f32 from vector<1xf32>
        %get3A_742 = arith.constant 20 : i32
        %get3A_743 = arith.index_cast %get3A_742 : i32 to index
        %get3A_744 = arith.constant 0 : index
        %get3A_745 = tpu.vector_load %arg8[%get3A_743, %get3A_744] {strides = array<i32>} : memref<64x64xf32, #tpu.memory_space<vmem>>, vector<1x16xf32>,
        %get3A_746 = vector.shape_cast %get3A_745 : vector<1x16xf32> to vector<16xf32>
        %mul3A_747 = vector.broadcast %squeeze3A_741 : f32 to vector<16xf32>
        %mul3A_748 = arith.mulf %mul3A_747, %get3A_746 : vector<16xf32>
        %add3A_749 = arith.addf %add3A_715, %mul3A_748 : vector<16xf32>
        %get3A_750 = arith.constant 20 : i32
        %get3A_751 = arith.index_cast %get3A_750 : i32 to index
        %get3A_752 = arith.constant 16 : index
        %get3A_753 = tpu.vector_load %arg8[%get3A_751, %get3A_752] {strides = array<i32>} : memref<64x64xf32, #tpu.memory_space<vmem>>, vector<1x16xf32>,
        %get3A_754 = vector.shape_cast %get3A_753 : vector<1x16xf32> to vector<16xf32>
        %mul3A_755 = vector.broadcast %squeeze3A_741 : f32 to vector<16xf32>
        %mul3A_756 = arith.mulf %mul3A_755, %get3A_754 : vector<16xf32>
        %add3A_757 = arith.addf %add3A_723, %mul3A_756 : vector<16xf32>
        %get3A_758 = arith.constant 20 : i32
        %get3A_759 = arith.index_cast %get3A_758 : i32 to index
        %get3A_760 = arith.constant 32 : index
        %get3A_761 = tpu.vector_load %arg8[%get3A_759, %get3A_760] {strides = array<i32>} : memref<64x64xf32, #tpu.memory_space<vmem>>, vector<1x16xf32>,
        %get3A_762 = vector.shape_cast %get3A_761 : vector<1x16xf32> to vector<16xf32>
        %mul3A_763 = vector.broadcast %squeeze3A_741 : f32 to vector<16xf32>
        %mul3A_764 = arith.mulf %mul3A_763, %get3A_762 : vector<16xf32>
        %add3A_765 = arith.addf %add3A_731, %mul3A_764 : vector<16xf32>
        %get3A_766 = arith.constant 20 : i32
        %get3A_767 = arith.index_cast %get3A_766 : i32 to index
        %get3A_768 = arith.constant 48 : index
        %get3A_769 = tpu.vector_load %arg8[%get3A_767, %get3A_768] {strides = array<i32>} : memref<64x64xf32, #tpu.memory_space<vmem>>, vector<1x16xf32>,
        %get3A_770 = vector.shape_cast %get3A_769 : vector<1x16xf32> to vector<16xf32>
        %mul3A_771 = vector.broadcast %squeeze3A_741 : f32 to vector<16xf32>
        %mul3A_772 = arith.mulf %mul3A_771, %get3A_770 : vector<16xf32>
        %add3A_773 = arith.addf %add3A_739, %mul3A_772 : vector<16xf32>
        %slice3A_774 = vector.extract_strided_slice %get3A_46 {offsets = [5], sizes = [1], strides = [1]} : vector<16xf32> to vector<1xf32>
        %squeeze3A_775 = vector.extract %slice3A_774[0] : f32 from vector<1xf32>
        %get3A_776 = arith.constant 21 : i32
        %get3A_777 = arith.index_cast %get3A_776 : i32 to index
        %get3A_778 = arith.constant 0 : index
        %get3A_779 = tpu.vector_load %arg8[%get3A_777, %get3A_778] {strides = array<i32>} : memref<64x64xf32, #tpu.memory_space<vmem>>, vector<1x16xf32>,
        %get3A_780 = vector.shape_cast %get3A_779 : vector<1x16xf32> to vector<16xf32>
        %mul3A_781 = vector.broadcast %squeeze3A_775 : f32 to vector<16xf32>
        %mul3A_782 = arith.mulf %mul3A_781, %get3A_780 : vector<16xf32>
        %add3A_783 = arith.addf %add3A_749, %mul3A_782 : vector<16xf32>
        %get3A_784 = arith.constant 21 : i32
        %get3A_785 = arith.index_cast %get3A_784 : i32 to index
        %get3A_786 = arith.constant 16 : index
        %get3A_787 = tpu.vector_load %arg8[%get3A_785, %get3A_786] {strides = array<i32>} : memref<64x64xf32, #tpu.memory_space<vmem>>, vector<1x16xf32>,
        %get3A_788 = vector.shape_cast %get3A_787 : vector<1x16xf32> to vector<16xf32>
        %mul3A_789 = vector.broadcast %squeeze3A_775 : f32 to vector<16xf32>
        %mul3A_790 = arith.mulf %mul3A_789, %get3A_788 : vector<16xf32>
        %add3A_791 = arith.addf %add3A_757, %mul3A_790 : vector<16xf32>
        %get3A_792 = arith.constant 21 : i32
        %get3A_793 = arith.index_cast %get3A_792 : i32 to index
        %get3A_794 = arith.constant 32 : index
        %get3A_795 = tpu.vector_load %arg8[%get3A_793, %get3A_794] {strides = array<i32>} : memref<64x64xf32, #tpu.memory_space<vmem>>, vector<1x16xf32>,
        %get3A_796 = vector.shape_cast %get3A_795 : vector<1x16xf32> to vector<16xf32>
        %mul3A_797 = vector.broadcast %squeeze3A_775 : f32 to vector<16xf32>
        %mul3A_798 = arith.mulf %mul3A_797, %get3A_796 : vector<16xf32>
        %add3A_799 = arith.addf %add3A_765, %mul3A_798 : vector<16xf32>
        %get3A_800 = arith.constant 21 : i32
        %get3A_801 = arith.index_cast %get3A_800 : i32 to index
        %get3A_802 = arith.constant 48 : index
        %get3A_803 = tpu.vector_load %arg8[%get3A_801, %get3A_802] {strides = array<i32>} : memref<64x64xf32, #tpu.memory_space<vmem>>, vector<1x16xf32>,
        %get3A_804 = vector.shape_cast %get3A_803 : vector<1x16xf32> to vector<16xf32>
        %mul3A_805 = vector.broadcast %squeeze3A_775 : f32 to vector<16xf32>
        %mul3A_806 = arith.mulf %mul3A_805, %get3A_804 : vector<16xf32>
        %add3A_807 = arith.addf %add3A_773, %mul3A_806 : vector<16xf32>
        %slice3A_808 = vector.extract_strided_slice %get3A_46 {offsets = [6], sizes = [1], strides = [1]} : vector<16xf32> to vector<1xf32>
        %squeeze3A_809 = vector.extract %slice3A_808[0] : f32 from vector<1xf32>
        %get3A_810 = arith.constant 22 : i32
        %get3A_811 = arith.index_cast %get3A_810 : i32 to index
        %get3A_812 = arith.constant 0 : index
        %get3A_813 = tpu.vector_load %arg8[%get3A_811, %get3A_812] {strides = array<i32>} : memref<64x64xf32, #tpu.memory_space<vmem>>, vector<1x16xf32>,
        %get3A_814 = vector.shape_cast %get3A_813 : vector<1x16xf32> to vector<16xf32>
        %mul3A_815 = vector.broadcast %squeeze3A_809 : f32 to vector<16xf32>
        %mul3A_816 = arith.mulf %mul3A_815, %get3A_814 : vector<16xf32>
        %add3A_817 = arith.addf %add3A_783, %mul3A_816 : vector<16xf32>
        %get3A_818 = arith.constant 22 : i32
        %get3A_819 = arith.index_cast %get3A_818 : i32 to index
        %get3A_820 = arith.constant 16 : index
        %get3A_821 = tpu.vector_load %arg8[%get3A_819, %get3A_820] {strides = array<i32>} : memref<64x64xf32, #tpu.memory_space<vmem>>, vector<1x16xf32>,
        %get3A_822 = vector.shape_cast %get3A_821 : vector<1x16xf32> to vector<16xf32>
        %mul3A_823 = vector.broadcast %squeeze3A_809 : f32 to vector<16xf32>
        %mul3A_824 = arith.mulf %mul3A_823, %get3A_822 : vector<16xf32>
        %add3A_825 = arith.addf %add3A_791, %mul3A_824 : vector<16xf32>
        %get3A_826 = arith.constant 22 : i32
        %get3A_827 = arith.index_cast %get3A_826 : i32 to index
        %get3A_828 = arith.constant 32 : index
        %get3A_829 = tpu.vector_load %arg8[%get3A_827, %get3A_828] {strides = array<i32>} : memref<64x64xf32, #tpu.memory_space<vmem>>, vector<1x16xf32>,
        %get3A_830 = vector.shape_cast %get3A_829 : vector<1x16xf32> to vector<16xf32>
        %mul3A_831 = vector.broadcast %squeeze3A_809 : f32 to vector<16xf32>
        %mul3A_832 = arith.mulf %mul3A_831, %get3A_830 : vector<16xf32>
        %add3A_833 = arith.addf %add3A_799, %mul3A_832 : vector<16xf32>
        %get3A_834 = arith.constant 22 : i32
        %get3A_835 = arith.index_cast %get3A_834 : i32 to index
        %get3A_836 = arith.constant 48 : index
        %get3A_837 = tpu.vector_load %arg8[%get3A_835, %get3A_836] {strides = array<i32>} : memref<64x64xf32, #tpu.memory_space<vmem>>, vector<1x16xf32>,
        %get3A_838 = vector.shape_cast %get3A_837 : vector<1x16xf32> to vector<16xf32>
        %mul3A_839 = vector.broadcast %squeeze3A_809 : f32 to vector<16xf32>
        %mul3A_840 = arith.mulf %mul3A_839, %get3A_838 : vector<16xf32>
        %add3A_841 = arith.addf %add3A_807, %mul3A_840 : vector<16xf32>
        %slice3A_842 = vector.extract_strided_slice %get3A_46 {offsets = [7], sizes = [1], strides = [1]} : vector<16xf32> to vector<1xf32>
        %squeeze3A_843 = vector.extract %slice3A_842[0] : f32 from vector<1xf32>
        %get3A_844 = arith.constant 23 : i32
        %get3A_845 = arith.index_cast %get3A_844 : i32 to index
        %get3A_846 = arith.constant 0 : index
        %get3A_847 = tpu.vector_load %arg8[%get3A_845, %get3A_846] {strides = array<i32>} : memref<64x64xf32, #tpu.memory_space<vmem>>, vector<1x16xf32>,
        %get3A_848 = vector.shape_cast %get3A_847 : vector<1x16xf32> to vector<16xf32>
        %mul3A_849 = vector.broadcast %squeeze3A_843 : f32 to vector<16xf32>
        %mul3A_850 = arith.mulf %mul3A_849, %get3A_848 : vector<16xf32>
        %add3A_851 = arith.addf %add3A_817, %mul3A_850 : vector<16xf32>
        %get3A_852 = arith.constant 23 : i32
        %get3A_853 = arith.index_cast %get3A_852 : i32 to index
        %get3A_854 = arith.constant 16 : index
        %get3A_855 = tpu.vector_load %arg8[%get3A_853, %get3A_854] {strides = array<i32>} : memref<64x64xf32, #tpu.memory_space<vmem>>, vector<1x16xf32>,
        %get3A_856 = vector.shape_cast %get3A_855 : vector<1x16xf32> to vector<16xf32>
        %mul3A_857 = vector.broadcast %squeeze3A_843 : f32 to vector<16xf32>
        %mul3A_858 = arith.mulf %mul3A_857, %get3A_856 : vector<16xf32>
        %add3A_859 = arith.addf %add3A_825, %mul3A_858 : vector<16xf32>
        %get3A_860 = arith.constant 23 : i32
        %get3A_861 = arith.index_cast %get3A_860 : i32 to index
        %get3A_862 = arith.constant 32 : index
        %get3A_863 = tpu.vector_load %arg8[%get3A_861, %get3A_862] {strides = array<i32>} : memref<64x64xf32, #tpu.memory_space<vmem>>, vector<1x16xf32>,
        %get3A_864 = vector.shape_cast %get3A_863 : vector<1x16xf32> to vector<16xf32>
        %mul3A_865 = vector.broadcast %squeeze3A_843 : f32 to vector<16xf32>
        %mul3A_866 = arith.mulf %mul3A_865, %get3A_864 : vector<16xf32>
        %add3A_867 = arith.addf %add3A_833, %mul3A_866 : vector<16xf32>
        %get3A_868 = arith.constant 23 : i32
        %get3A_869 = arith.index_cast %get3A_868 : i32 to index
        %get3A_870 = arith.constant 48 : index
        %get3A_871 = tpu.vector_load %arg8[%get3A_869, %get3A_870] {strides = array<i32>} : memref<64x64xf32, #tpu.memory_space<vmem>>, vector<1x16xf32>,
        %get3A_872 = vector.shape_cast %get3A_871 : vector<1x16xf32> to vector<16xf32>
        %mul3A_873 = vector.broadcast %squeeze3A_843 : f32 to vector<16xf32>
        %mul3A_874 = arith.mulf %mul3A_873, %get3A_872 : vector<16xf32>
        %add3A_875 = arith.addf %add3A_841, %mul3A_874 : vector<16xf32>
        %slice3A_876 = vector.extract_strided_slice %get3A_46 {offsets = [8], sizes = [1], strides = [1]} : vector<16xf32> to vector<1xf32>
        %squeeze3A_877 = vector.extract %slice3A_876[0] : f32 from vector<1xf32>
        %get3A_878 = arith.constant 24 : i32
        %get3A_879 = arith.index_cast %get3A_878 : i32 to index
        %get3A_880 = arith.constant 0 : index
        %get3A_881 = tpu.vector_load %arg8[%get3A_879, %get3A_880] {strides = array<i32>} : memref<64x64xf32, #tpu.memory_space<vmem>>, vector<1x16xf32>,
        %get3A_882 = vector.shape_cast %get3A_881 : vector<1x16xf32> to vector<16xf32>
        %mul3A_883 = vector.broadcast %squeeze3A_877 : f32 to vector<16xf32>
        %mul3A_884 = arith.mulf %mul3A_883, %get3A_882 : vector<16xf32>
        %add3A_885 = arith.addf %add3A_851, %mul3A_884 : vector<16xf32>
        %get3A_886 = arith.constant 24 : i32
        %get3A_887 = arith.index_cast %get3A_886 : i32 to index
        %get3A_888 = arith.constant 16 : index
        %get3A_889 = tpu.vector_load %arg8[%get3A_887, %get3A_888] {strides = array<i32>} : memref<64x64xf32, #tpu.memory_space<vmem>>, vector<1x16xf32>,
        %get3A_890 = vector.shape_cast %get3A_889 : vector<1x16xf32> to vector<16xf32>
        %mul3A_891 = vector.broadcast %squeeze3A_877 : f32 to vector<16xf32>
        %mul3A_892 = arith.mulf %mul3A_891, %get3A_890 : vector<16xf32>
        %add3A_893 = arith.addf %add3A_859, %mul3A_892 : vector<16xf32>
        %get3A_894 = arith.constant 24 : i32
        %get3A_895 = arith.index_cast %get3A_894 : i32 to index
        %get3A_896 = arith.constant 32 : index
        %get3A_897 = tpu.vector_load %arg8[%get3A_895, %get3A_896] {strides = array<i32>} : memref<64x64xf32, #tpu.memory_space<vmem>>, vector<1x16xf32>,
        %get3A_898 = vector.shape_cast %get3A_897 : vector<1x16xf32> to vector<16xf32>
        %mul3A_899 = vector.broadcast %squeeze3A_877 : f32 to vector<16xf32>
        %mul3A_900 = arith.mulf %mul3A_899, %get3A_898 : vector<16xf32>
        %add3A_901 = arith.addf %add3A_867, %mul3A_900 : vector<16xf32>
        %get3A_902 = arith.constant 24 : i32
        %get3A_903 = arith.index_cast %get3A_902 : i32 to index
        %get3A_904 = arith.constant 48 : index
        %get3A_905 = tpu.vector_load %arg8[%get3A_903, %get3A_904] {strides = array<i32>} : memref<64x64xf32, #tpu.memory_space<vmem>>, vector<1x16xf32>,
        %get3A_906 = vector.shape_cast %get3A_905 : vector<1x16xf32> to vector<16xf32>
        %mul3A_907 = vector.broadcast %squeeze3A_877 : f32 to vector<16xf32>
        %mul3A_908 = arith.mulf %mul3A_907, %get3A_906 : vector<16xf32>
        %add3A_909 = arith.addf %add3A_875, %mul3A_908 : vector<16xf32>
        %slice3A_910 = vector.extract_strided_slice %get3A_46 {offsets = [9], sizes = [1], strides = [1]} : vector<16xf32> to vector<1xf32>
        %squeeze3A_911 = vector.extract %slice3A_910[0] : f32 from vector<1xf32>
        %get3A_912 = arith.constant 25 : i32
        %get3A_913 = arith.index_cast %get3A_912 : i32 to index
        %get3A_914 = arith.constant 0 : index
        %get3A_915 = tpu.vector_load %arg8[%get3A_913, %get3A_914] {strides = array<i32>} : memref<64x64xf32, #tpu.memory_space<vmem>>, vector<1x16xf32>,
        %get3A_916 = vector.shape_cast %get3A_915 : vector<1x16xf32> to vector<16xf32>
        %mul3A_917 = vector.broadcast %squeeze3A_911 : f32 to vector<16xf32>
        %mul3A_918 = arith.mulf %mul3A_917, %get3A_916 : vector<16xf32>
        %add3A_919 = arith.addf %add3A_885, %mul3A_918 : vector<16xf32>
        %get3A_920 = arith.constant 25 : i32
        %get3A_921 = arith.index_cast %get3A_920 : i32 to index
        %get3A_922 = arith.constant 16 : index
        %get3A_923 = tpu.vector_load %arg8[%get3A_921, %get3A_922] {strides = array<i32>} : memref<64x64xf32, #tpu.memory_space<vmem>>, vector<1x16xf32>,
        %get3A_924 = vector.shape_cast %get3A_923 : vector<1x16xf32> to vector<16xf32>
        %mul3A_925 = vector.broadcast %squeeze3A_911 : f32 to vector<16xf32>
        %mul3A_926 = arith.mulf %mul3A_925, %get3A_924 : vector<16xf32>
        %add3A_927 = arith.addf %add3A_893, %mul3A_926 : vector<16xf32>
        %get3A_928 = arith.constant 25 : i32
        %get3A_929 = arith.index_cast %get3A_928 : i32 to index
        %get3A_930 = arith.constant 32 : index
        %get3A_931 = tpu.vector_load %arg8[%get3A_929, %get3A_930] {strides = array<i32>} : memref<64x64xf32, #tpu.memory_space<vmem>>, vector<1x16xf32>,
        %get3A_932 = vector.shape_cast %get3A_931 : vector<1x16xf32> to vector<16xf32>
        %mul3A_933 = vector.broadcast %squeeze3A_911 : f32 to vector<16xf32>
        %mul3A_934 = arith.mulf %mul3A_933, %get3A_932 : vector<16xf32>
        %add3A_935 = arith.addf %add3A_901, %mul3A_934 : vector<16xf32>
        %get3A_936 = arith.constant 25 : i32
        %get3A_937 = arith.index_cast %get3A_936 : i32 to index
        %get3A_938 = arith.constant 48 : index
        %get3A_939 = tpu.vector_load %arg8[%get3A_937, %get3A_938] {strides = array<i32>} : memref<64x64xf32, #tpu.memory_space<vmem>>, vector<1x16xf32>,
        %get3A_940 = vector.shape_cast %get3A_939 : vector<1x16xf32> to vector<16xf32>
        %mul3A_941 = vector.broadcast %squeeze3A_911 : f32 to vector<16xf32>
        %mul3A_942 = arith.mulf %mul3A_941, %get3A_940 : vector<16xf32>
        %add3A_943 = arith.addf %add3A_909, %mul3A_942 : vector<16xf32>
        %slice3A_944 = vector.extract_strided_slice %get3A_46 {offsets = [10], sizes = [1], strides = [1]} : vector<16xf32> to vector<1xf32>
        %squeeze3A_945 = vector.extract %slice3A_944[0] : f32 from vector<1xf32>
        %get3A_946 = arith.constant 26 : i32
        %get3A_947 = arith.index_cast %get3A_946 : i32 to index
        %get3A_948 = arith.constant 0 : index
        %get3A_949 = tpu.vector_load %arg8[%get3A_947, %get3A_948] {strides = array<i32>} : memref<64x64xf32, #tpu.memory_space<vmem>>, vector<1x16xf32>,
        %get3A_950 = vector.shape_cast %get3A_949 : vector<1x16xf32> to vector<16xf32>
        %mul3A_951 = vector.broadcast %squeeze3A_945 : f32 to vector<16xf32>
        %mul3A_952 = arith.mulf %mul3A_951, %get3A_950 : vector<16xf32>
        %add3A_953 = arith.addf %add3A_919, %mul3A_952 : vector<16xf32>
        %get3A_954 = arith.constant 26 : i32
        %get3A_955 = arith.index_cast %get3A_954 : i32 to index
        %get3A_956 = arith.constant 16 : index
        %get3A_957 = tpu.vector_load %arg8[%get3A_955, %get3A_956] {strides = array<i32>} : memref<64x64xf32, #tpu.memory_space<vmem>>, vector<1x16xf32>,
        %get3A_958 = vector.shape_cast %get3A_957 : vector<1x16xf32> to vector<16xf32>
        %mul3A_959 = vector.broadcast %squeeze3A_945 : f32 to vector<16xf32>
        %mul3A_960 = arith.mulf %mul3A_959, %get3A_958 : vector<16xf32>
        %add3A_961 = arith.addf %add3A_927, %mul3A_960 : vector<16xf32>
        %get3A_962 = arith.constant 26 : i32
        %get3A_963 = arith.index_cast %get3A_962 : i32 to index
        %get3A_964 = arith.constant 32 : index
        %get3A_965 = tpu.vector_load %arg8[%get3A_963, %get3A_964] {strides = array<i32>} : memref<64x64xf32, #tpu.memory_space<vmem>>, vector<1x16xf32>,
        %get3A_966 = vector.shape_cast %get3A_965 : vector<1x16xf32> to vector<16xf32>
        %mul3A_967 = vector.broadcast %squeeze3A_945 : f32 to vector<16xf32>
        %mul3A_968 = arith.mulf %mul3A_967, %get3A_966 : vector<16xf32>
        %add3A_969 = arith.addf %add3A_935, %mul3A_968 : vector<16xf32>
        %get3A_970 = arith.constant 26 : i32
        %get3A_971 = arith.index_cast %get3A_970 : i32 to index
        %get3A_972 = arith.constant 48 : index
        %get3A_973 = tpu.vector_load %arg8[%get3A_971, %get3A_972] {strides = array<i32>} : memref<64x64xf32, #tpu.memory_space<vmem>>, vector<1x16xf32>,
        %get3A_974 = vector.shape_cast %get3A_973 : vector<1x16xf32> to vector<16xf32>
        %mul3A_975 = vector.broadcast %squeeze3A_945 : f32 to vector<16xf32>
        %mul3A_976 = arith.mulf %mul3A_975, %get3A_974 : vector<16xf32>
        %add3A_977 = arith.addf %add3A_943, %mul3A_976 : vector<16xf32>
        %slice3A_978 = vector.extract_strided_slice %get3A_46 {offsets = [11], sizes = [1], strides = [1]} : vector<16xf32> to vector<1xf32>
        %squeeze3A_979 = vector.extract %slice3A_978[0] : f32 from vector<1xf32>
        %get3A_980 = arith.constant 27 : i32
        %get3A_981 = arith.index_cast %get3A_980 : i32 to index
        %get3A_982 = arith.constant 0 : index
        %get3A_983 = tpu.vector_load %arg8[%get3A_981, %get3A_982] {strides = array<i32>} : memref<64x64xf32, #tpu.memory_space<vmem>>, vector<1x16xf32>,
        %get3A_984 = vector.shape_cast %get3A_983 : vector<1x16xf32> to vector<16xf32>
        %mul3A_985 = vector.broadcast %squeeze3A_979 : f32 to vector<16xf32>
        %mul3A_986 = arith.mulf %mul3A_985, %get3A_984 : vector<16xf32>
        %add3A_987 = arith.addf %add3A_953, %mul3A_986 : vector<16xf32>
        %get3A_988 = arith.constant 27 : i32
        %get3A_989 = arith.index_cast %get3A_988 : i32 to index
        %get3A_990 = arith.constant 16 : index
        %get3A_991 = tpu.vector_load %arg8[%get3A_989, %get3A_990] {strides = array<i32>} : memref<64x64xf32, #tpu.memory_space<vmem>>, vector<1x16xf32>,
        %get3A_992 = vector.shape_cast %get3A_991 : vector<1x16xf32> to vector<16xf32>
        %mul3A_993 = vector.broadcast %squeeze3A_979 : f32 to vector<16xf32>
        %mul3A_994 = arith.mulf %mul3A_993, %get3A_992 : vector<16xf32>
        %add3A_995 = arith.addf %add3A_961, %mul3A_994 : vector<16xf32>
        %get3A_996 = arith.constant 27 : i32
        %get3A_997 = arith.index_cast %get3A_996 : i32 to index
        %get3A_998 = arith.constant 32 : index
        %get3A_999 = tpu.vector_load %arg8[%get3A_997, %get3A_998] {strides = array<i32>} : memref<64x64xf32, #tpu.memory_space<vmem>>, vector<1x16xf32>,
        %get3A_1000 = vector.shape_cast %get3A_999 : vector<1x16xf32> to vector<16xf32>
        %mul3A_1001 = vector.broadcast %squeeze3A_979 : f32 to vector<16xf32>
        %mul3A_1002 = arith.mulf %mul3A_1001, %get3A_1000 : vector<16xf32>
        %add3A_1003 = arith.addf %add3A_969, %mul3A_1002 : vector<16xf32>
        %get3A_1004 = arith.constant 27 : i32
        %get3A_1005 = arith.index_cast %get3A_1004 : i32 to index
        %get3A_1006 = arith.constant 48 : index
        %get3A_1007 = tpu.vector_load %arg8[%get3A_1005, %get3A_1006] {strides = array<i32>} : memref<64x64xf32, #tpu.memory_space<vmem>>, vector<1x16xf32>,
        %get3A_1008 = vector.shape_cast %get3A_1007 : vector<1x16xf32> to vector<16xf32>
        %mul3A_1009 = vector.broadcast %squeeze3A_979 : f32 to vector<16xf32>
        %mul3A_1010 = arith.mulf %mul3A_1009, %get3A_1008 : vector<16xf32>
        %add3A_1011 = arith.addf %add3A_977, %mul3A_1010 : vector<16xf32>
        %slice3A_1012 = vector.extract_strided_slice %get3A_46 {offsets = [12], sizes = [1], strides = [1]} : vector<16xf32> to vector<1xf32>
        %squeeze3A_1013 = vector.extract %slice3A_1012[0] : f32 from vector<1xf32>
        %get3A_1014 = arith.constant 28 : i32
        %get3A_1015 = arith.index_cast %get3A_1014 : i32 to index
        %get3A_1016 = arith.constant 0 : index
        %get3A_1017 = tpu.vector_load %arg8[%get3A_1015, %get3A_1016] {strides = array<i32>} : memref<64x64xf32, #tpu.memory_space<vmem>>, vector<1x16xf32>,
        %get3A_1018 = vector.shape_cast %get3A_1017 : vector<1x16xf32> to vector<16xf32>
        %mul3A_1019 = vector.broadcast %squeeze3A_1013 : f32 to vector<16xf32>
        %mul3A_1020 = arith.mulf %mul3A_1019, %get3A_1018 : vector<16xf32>
        %add3A_1021 = arith.addf %add3A_987, %mul3A_1020 : vector<16xf32>
        %get3A_1022 = arith.constant 28 : i32
        %get3A_1023 = arith.index_cast %get3A_1022 : i32 to index
        %get3A_1024 = arith.constant 16 : index
        %get3A_1025 = tpu.vector_load %arg8[%get3A_1023, %get3A_1024] {strides = array<i32>} : memref<64x64xf32, #tpu.memory_space<vmem>>, vector<1x16xf32>,
        %get3A_1026 = vector.shape_cast %get3A_1025 : vector<1x16xf32> to vector<16xf32>
        %mul3A_1027 = vector.broadcast %squeeze3A_1013 : f32 to vector<16xf32>
        %mul3A_1028 = arith.mulf %mul3A_1027, %get3A_1026 : vector<16xf32>
        %add3A_1029 = arith.addf %add3A_995, %mul3A_1028 : vector<16xf32>
        %get3A_1030 = arith.constant 28 : i32
        %get3A_1031 = arith.index_cast %get3A_1030 : i32 to index
        %get3A_1032 = arith.constant 32 : index
        %get3A_1033 = tpu.vector_load %arg8[%get3A_1031, %get3A_1032] {strides = array<i32>} : memref<64x64xf32, #tpu.memory_space<vmem>>, vector<1x16xf32>,
        %get3A_1034 = vector.shape_cast %get3A_1033 : vector<1x16xf32> to vector<16xf32>
        %mul3A_1035 = vector.broadcast %squeeze3A_1013 : f32 to vector<16xf32>
        %mul3A_1036 = arith.mulf %mul3A_1035, %get3A_1034 : vector<16xf32>
        %add3A_1037 = arith.addf %add3A_1003, %mul3A_1036 : vector<16xf32>
        %get3A_1038 = arith.constant 28 : i32
        %get3A_1039 = arith.index_cast %get3A_1038 : i32 to index
        %get3A_1040 = arith.constant 48 : index
        %get3A_1041 = tpu.vector_load %arg8[%get3A_1039, %get3A_1040] {strides = array<i32>} : memref<64x64xf32, #tpu.memory_space<vmem>>, vector<1x16xf32>,
        %get3A_1042 = vector.shape_cast %get3A_1041 : vector<1x16xf32> to vector<16xf32>
        %mul3A_1043 = vector.broadcast %squeeze3A_1013 : f32 to vector<16xf32>
        %mul3A_1044 = arith.mulf %mul3A_1043, %get3A_1042 : vector<16xf32>
        %add3A_1045 = arith.addf %add3A_1011, %mul3A_1044 : vector<16xf32>
        %slice3A_1046 = vector.extract_strided_slice %get3A_46 {offsets = [13], sizes = [1], strides = [1]} : vector<16xf32> to vector<1xf32>
        %squeeze3A_1047 = vector.extract %slice3A_1046[0] : f32 from vector<1xf32>
        %get3A_1048 = arith.constant 29 : i32
        %get3A_1049 = arith.index_cast %get3A_1048 : i32 to index
        %get3A_1050 = arith.constant 0 : index
        %get3A_1051 = tpu.vector_load %arg8[%get3A_1049, %get3A_1050] {strides = array<i32>} : memref<64x64xf32, #tpu.memory_space<vmem>>, vector<1x16xf32>,
        %get3A_1052 = vector.shape_cast %get3A_1051 : vector<1x16xf32> to vector<16xf32>
        %mul3A_1053 = vector.broadcast %squeeze3A_1047 : f32 to vector<16xf32>
        %mul3A_1054 = arith.mulf %mul3A_1053, %get3A_1052 : vector<16xf32>
        %add3A_1055 = arith.addf %add3A_1021, %mul3A_1054 : vector<16xf32>
        %get3A_1056 = arith.constant 29 : i32
        %get3A_1057 = arith.index_cast %get3A_1056 : i32 to index
        %get3A_1058 = arith.constant 16 : index
        %get3A_1059 = tpu.vector_load %arg8[%get3A_1057, %get3A_1058] {strides = array<i32>} : memref<64x64xf32, #tpu.memory_space<vmem>>, vector<1x16xf32>,
        %get3A_1060 = vector.shape_cast %get3A_1059 : vector<1x16xf32> to vector<16xf32>
        %mul3A_1061 = vector.broadcast %squeeze3A_1047 : f32 to vector<16xf32>
        %mul3A_1062 = arith.mulf %mul3A_1061, %get3A_1060 : vector<16xf32>
        %add3A_1063 = arith.addf %add3A_1029, %mul3A_1062 : vector<16xf32>
        %get3A_1064 = arith.constant 29 : i32
        %get3A_1065 = arith.index_cast %get3A_1064 : i32 to index
        %get3A_1066 = arith.constant 32 : index
        %get3A_1067 = tpu.vector_load %arg8[%get3A_1065, %get3A_1066] {strides = array<i32>} : memref<64x64xf32, #tpu.memory_space<vmem>>, vector<1x16xf32>,
        %get3A_1068 = vector.shape_cast %get3A_1067 : vector<1x16xf32> to vector<16xf32>
        %mul3A_1069 = vector.broadcast %squeeze3A_1047 : f32 to vector<16xf32>
        %mul3A_1070 = arith.mulf %mul3A_1069, %get3A_1068 : vector<16xf32>
        %add3A_1071 = arith.addf %add3A_1037, %mul3A_1070 : vector<16xf32>
        %get3A_1072 = arith.constant 29 : i32
        %get3A_1073 = arith.index_cast %get3A_1072 : i32 to index
        %get3A_1074 = arith.constant 48 : index
        %get3A_1075 = tpu.vector_load %arg8[%get3A_1073, %get3A_1074] {strides = array<i32>} : memref<64x64xf32, #tpu.memory_space<vmem>>, vector<1x16xf32>,
        %get3A_1076 = vector.shape_cast %get3A_1075 : vector<1x16xf32> to vector<16xf32>
        %mul3A_1077 = vector.broadcast %squeeze3A_1047 : f32 to vector<16xf32>
        %mul3A_1078 = arith.mulf %mul3A_1077, %get3A_1076 : vector<16xf32>
        %add3A_1079 = arith.addf %add3A_1045, %mul3A_1078 : vector<16xf32>
        %slice3A_1080 = vector.extract_strided_slice %get3A_46 {offsets = [14], sizes = [1], strides = [1]} : vector<16xf32> to vector<1xf32>
        %squeeze3A_1081 = vector.extract %slice3A_1080[0] : f32 from vector<1xf32>
        %get3A_1082 = arith.constant 30 : i32
        %get3A_1083 = arith.index_cast %get3A_1082 : i32 to index
        %get3A_1084 = arith.constant 0 : index
        %get3A_1085 = tpu.vector_load %arg8[%get3A_1083, %get3A_1084] {strides = array<i32>} : memref<64x64xf32, #tpu.memory_space<vmem>>, vector<1x16xf32>,
        %get3A_1086 = vector.shape_cast %get3A_1085 : vector<1x16xf32> to vector<16xf32>
        %mul3A_1087 = vector.broadcast %squeeze3A_1081 : f32 to vector<16xf32>
        %mul3A_1088 = arith.mulf %mul3A_1087, %get3A_1086 : vector<16xf32>
        %add3A_1089 = arith.addf %add3A_1055, %mul3A_1088 : vector<16xf32>
        %get3A_1090 = arith.constant 30 : i32
        %get3A_1091 = arith.index_cast %get3A_1090 : i32 to index
        %get3A_1092 = arith.constant 16 : index
        %get3A_1093 = tpu.vector_load %arg8[%get3A_1091, %get3A_1092] {strides = array<i32>} : memref<64x64xf32, #tpu.memory_space<vmem>>, vector<1x16xf32>,
        %get3A_1094 = vector.shape_cast %get3A_1093 : vector<1x16xf32> to vector<16xf32>
        %mul3A_1095 = vector.broadcast %squeeze3A_1081 : f32 to vector<16xf32>
        %mul3A_1096 = arith.mulf %mul3A_1095, %get3A_1094 : vector<16xf32>
        %add3A_1097 = arith.addf %add3A_1063, %mul3A_1096 : vector<16xf32>
        %get3A_1098 = arith.constant 30 : i32
        %get3A_1099 = arith.index_cast %get3A_1098 : i32 to index
        %get3A_1100 = arith.constant 32 : index
        %get3A_1101 = tpu.vector_load %arg8[%get3A_1099, %get3A_1100] {strides = array<i32>} : memref<64x64xf32, #tpu.memory_space<vmem>>, vector<1x16xf32>,
        %get3A_1102 = vector.shape_cast %get3A_1101 : vector<1x16xf32> to vector<16xf32>
        %mul3A_1103 = vector.broadcast %squeeze3A_1081 : f32 to vector<16xf32>
        %mul3A_1104 = arith.mulf %mul3A_1103, %get3A_1102 : vector<16xf32>
        %add3A_1105 = arith.addf %add3A_1071, %mul3A_1104 : vector<16xf32>
        %get3A_1106 = arith.constant 30 : i32
        %get3A_1107 = arith.index_cast %get3A_1106 : i32 to index
        %get3A_1108 = arith.constant 48 : index
        %get3A_1109 = tpu.vector_load %arg8[%get3A_1107, %get3A_1108] {strides = array<i32>} : memref<64x64xf32, #tpu.memory_space<vmem>>, vector<1x16xf32>,
        %get3A_1110 = vector.shape_cast %get3A_1109 : vector<1x16xf32> to vector<16xf32>
        %mul3A_1111 = vector.broadcast %squeeze3A_1081 : f32 to vector<16xf32>
        %mul3A_1112 = arith.mulf %mul3A_1111, %get3A_1110 : vector<16xf32>
        %add3A_1113 = arith.addf %add3A_1079, %mul3A_1112 : vector<16xf32>
        %slice3A_1114 = vector.extract_strided_slice %get3A_46 {offsets = [15], sizes = [1], strides = [1]} : vector<16xf32> to vector<1xf32>
        %squeeze3A_1115 = vector.extract %slice3A_1114[0] : f32 from vector<1xf32>
        %get3A_1116 = arith.constant 31 : i32
        %get3A_1117 = arith.index_cast %get3A_1116 : i32 to index
        %get3A_1118 = arith.constant 0 : index
        %get3A_1119 = tpu.vector_load %arg8[%get3A_1117, %get3A_1118] {strides = array<i32>} : memref<64x64xf32, #tpu.memory_space<vmem>>, vector<1x16xf32>,
        %get3A_1120 = vector.shape_cast %get3A_1119 : vector<1x16xf32> to vector<16xf32>
        %mul3A_1121 = vector.broadcast %squeeze3A_1115 : f32 to vector<16xf32>
        %mul3A_1122 = arith.mulf %mul3A_1121, %get3A_1120 : vector<16xf32>
        %add3A_1123 = arith.addf %add3A_1089, %mul3A_1122 : vector<16xf32>
        %get3A_1124 = arith.constant 31 : i32
        %get3A_1125 = arith.index_cast %get3A_1124 : i32 to index
        %get3A_1126 = arith.constant 16 : index
        %get3A_1127 = tpu.vector_load %arg8[%get3A_1125, %get3A_1126] {strides = array<i32>} : memref<64x64xf32, #tpu.memory_space<vmem>>, vector<1x16xf32>,
        %get3A_1128 = vector.shape_cast %get3A_1127 : vector<1x16xf32> to vector<16xf32>
        %mul3A_1129 = vector.broadcast %squeeze3A_1115 : f32 to vector<16xf32>
        %mul3A_1130 = arith.mulf %mul3A_1129, %get3A_1128 : vector<16xf32>
        %add3A_1131 = arith.addf %add3A_1097, %mul3A_1130 : vector<16xf32>
        %get3A_1132 = arith.constant 31 : i32
        %get3A_1133 = arith.index_cast %get3A_1132 : i32 to index
        %get3A_1134 = arith.constant 32 : index
        %get3A_1135 = tpu.vector_load %arg8[%get3A_1133, %get3A_1134] {strides = array<i32>} : memref<64x64xf32, #tpu.memory_space<vmem>>, vector<1x16xf32>,
        %get3A_1136 = vector.shape_cast %get3A_1135 : vector<1x16xf32> to vector<16xf32>
        %mul3A_1137 = vector.broadcast %squeeze3A_1115 : f32 to vector<16xf32>
        %mul3A_1138 = arith.mulf %mul3A_1137, %get3A_1136 : vector<16xf32>
        %add3A_1139 = arith.addf %add3A_1105, %mul3A_1138 : vector<16xf32>
        %get3A_1140 = arith.constant 31 : i32
        %get3A_1141 = arith.index_cast %get3A_1140 : i32 to index
        %get3A_1142 = arith.constant 48 : index
        %get3A_1143 = tpu.vector_load %arg8[%get3A_1141, %get3A_1142] {strides = array<i32>} : memref<64x64xf32, #tpu.memory_space<vmem>>, vector<1x16xf32>,
        %get3A_1144 = vector.shape_cast %get3A_1143 : vector<1x16xf32> to vector<16xf32>
        %mul3A_1145 = vector.broadcast %squeeze3A_1115 : f32 to vector<16xf32>
        %mul3A_1146 = arith.mulf %mul3A_1145, %get3A_1144 : vector<16xf32>
        %add3A_1147 = arith.addf %add3A_1113, %mul3A_1146 : vector<16xf32>
        %slice3A_1148 = vector.extract_strided_slice %get3A_50 {offsets = [0], sizes = [1], strides = [1]} : vector<16xf32> to vector<1xf32>
        %squeeze3A_1149 = vector.extract %slice3A_1148[0] : f32 from vector<1xf32>
        %get3A_1150 = arith.constant 32 : i32
        %get3A_1151 = arith.index_cast %get3A_1150 : i32 to index
        %get3A_1152 = arith.constant 0 : index
        %get3A_1153 = tpu.vector_load %arg8[%get3A_1151, %get3A_1152] {strides = array<i32>} : memref<64x64xf32, #tpu.memory_space<vmem>>, vector<1x16xf32>,
        %get3A_1154 = vector.shape_cast %get3A_1153 : vector<1x16xf32> to vector<16xf32>
        %mul3A_1155 = vector.broadcast %squeeze3A_1149 : f32 to vector<16xf32>
        %mul3A_1156 = arith.mulf %mul3A_1155, %get3A_1154 : vector<16xf32>
        %add3A_1157 = arith.addf %add3A_1123, %mul3A_1156 : vector<16xf32>
        %get3A_1158 = arith.constant 32 : i32
        %get3A_1159 = arith.index_cast %get3A_1158 : i32 to index
        %get3A_1160 = arith.constant 16 : index
        %get3A_1161 = tpu.vector_load %arg8[%get3A_1159, %get3A_1160] {strides = array<i32>} : memref<64x64xf32, #tpu.memory_space<vmem>>, vector<1x16xf32>,
        %get3A_1162 = vector.shape_cast %get3A_1161 : vector<1x16xf32> to vector<16xf32>
        %mul3A_1163 = vector.broadcast %squeeze3A_1149 : f32 to vector<16xf32>
        %mul3A_1164 = arith.mulf %mul3A_1163, %get3A_1162 : vector<16xf32>
        %add3A_1165 = arith.addf %add3A_1131, %mul3A_1164 : vector<16xf32>
        %get3A_1166 = arith.constant 32 : i32
        %get3A_1167 = arith.index_cast %get3A_1166 : i32 to index
        %get3A_1168 = arith.constant 32 : index
        %get3A_1169 = tpu.vector_load %arg8[%get3A_1167, %get3A_1168] {strides = array<i32>} : memref<64x64xf32, #tpu.memory_space<vmem>>, vector<1x16xf32>,
        %get3A_1170 = vector.shape_cast %get3A_1169 : vector<1x16xf32> to vector<16xf32>
        %mul3A_1171 = vector.broadcast %squeeze3A_1149 : f32 to vector<16xf32>
        %mul3A_1172 = arith.mulf %mul3A_1171, %get3A_1170 : vector<16xf32>
        %add3A_1173 = arith.addf %add3A_1139, %mul3A_1172 : vector<16xf32>
        %get3A_1174 = arith.constant 32 : i32
        %get3A_1175 = arith.index_cast %get3A_1174 : i32 to index
        %get3A_1176 = arith.constant 48 : index
        %get3A_1177 = tpu.vector_load %arg8[%get3A_1175, %get3A_1176] {strides = array<i32>} : memref<64x64xf32, #tpu.memory_space<vmem>>, vector<1x16xf32>,
        %get3A_1178 = vector.shape_cast %get3A_1177 : vector<1x16xf32> to vector<16xf32>
        %mul3A_1179 = vector.broadcast %squeeze3A_1149 : f32 to vector<16xf32>
        %mul3A_1180 = arith.mulf %mul3A_1179, %get3A_1178 : vector<16xf32>
        %add3A_1181 = arith.addf %add3A_1147, %mul3A_1180 : vector<16xf32>
        %slice3A_1182 = vector.extract_strided_slice %get3A_50 {offsets = [1], sizes = [1], strides = [1]} : vector<16xf32> to vector<1xf32>
        %squeeze3A_1183 = vector.extract %slice3A_1182[0] : f32 from vector<1xf32>
        %get3A_1184 = arith.constant 33 : i32
        %get3A_1185 = arith.index_cast %get3A_1184 : i32 to index
        %get3A_1186 = arith.constant 0 : index
        %get3A_1187 = tpu.vector_load %arg8[%get3A_1185, %get3A_1186] {strides = array<i32>} : memref<64x64xf32, #tpu.memory_space<vmem>>, vector<1x16xf32>,
        %get3A_1188 = vector.shape_cast %get3A_1187 : vector<1x16xf32> to vector<16xf32>
        %mul3A_1189 = vector.broadcast %squeeze3A_1183 : f32 to vector<16xf32>
        %mul3A_1190 = arith.mulf %mul3A_1189, %get3A_1188 : vector<16xf32>
        %add3A_1191 = arith.addf %add3A_1157, %mul3A_1190 : vector<16xf32>
        %get3A_1192 = arith.constant 33 : i32
        %get3A_1193 = arith.index_cast %get3A_1192 : i32 to index
        %get3A_1194 = arith.constant 16 : index
        %get3A_1195 = tpu.vector_load %arg8[%get3A_1193, %get3A_1194] {strides = array<i32>} : memref<64x64xf32, #tpu.memory_space<vmem>>, vector<1x16xf32>,
        %get3A_1196 = vector.shape_cast %get3A_1195 : vector<1x16xf32> to vector<16xf32>
        %mul3A_1197 = vector.broadcast %squeeze3A_1183 : f32 to vector<16xf32>
        %mul3A_1198 = arith.mulf %mul3A_1197, %get3A_1196 : vector<16xf32>
        %add3A_1199 = arith.addf %add3A_1165, %mul3A_1198 : vector<16xf32>
        %get3A_1200 = arith.constant 33 : i32
        %get3A_1201 = arith.index_cast %get3A_1200 : i32 to index
        %get3A_1202 = arith.constant 32 : index
        %get3A_1203 = tpu.vector_load %arg8[%get3A_1201, %get3A_1202] {strides = array<i32>} : memref<64x64xf32, #tpu.memory_space<vmem>>, vector<1x16xf32>,
        %get3A_1204 = vector.shape_cast %get3A_1203 : vector<1x16xf32> to vector<16xf32>
        %mul3A_1205 = vector.broadcast %squeeze3A_1183 : f32 to vector<16xf32>
        %mul3A_1206 = arith.mulf %mul3A_1205, %get3A_1204 : vector<16xf32>
        %add3A_1207 = arith.addf %add3A_1173, %mul3A_1206 : vector<16xf32>
        %get3A_1208 = arith.constant 33 : i32
        %get3A_1209 = arith.index_cast %get3A_1208 : i32 to index
        %get3A_1210 = arith.constant 48 : index
        %get3A_1211 = tpu.vector_load %arg8[%get3A_1209, %get3A_1210] {strides = array<i32>} : memref<64x64xf32, #tpu.memory_space<vmem>>, vector<1x16xf32>,
        %get3A_1212 = vector.shape_cast %get3A_1211 : vector<1x16xf32> to vector<16xf32>
        %mul3A_1213 = vector.broadcast %squeeze3A_1183 : f32 to vector<16xf32>
        %mul3A_1214 = arith.mulf %mul3A_1213, %get3A_1212 : vector<16xf32>
        %add3A_1215 = arith.addf %add3A_1181, %mul3A_1214 : vector<16xf32>
        %slice3A_1216 = vector.extract_strided_slice %get3A_50 {offsets = [2], sizes = [1], strides = [1]} : vector<16xf32> to vector<1xf32>
        %squeeze3A_1217 = vector.extract %slice3A_1216[0] : f32 from vector<1xf32>
        %get3A_1218 = arith.constant 34 : i32
        %get3A_1219 = arith.index_cast %get3A_1218 : i32 to index
        %get3A_1220 = arith.constant 0 : index
        %get3A_1221 = tpu.vector_load %arg8[%get3A_1219, %get3A_1220] {strides = array<i32>} : memref<64x64xf32, #tpu.memory_space<vmem>>, vector<1x16xf32>,
        %get3A_1222 = vector.shape_cast %get3A_1221 : vector<1x16xf32> to vector<16xf32>
        %mul3A_1223 = vector.broadcast %squeeze3A_1217 : f32 to vector<16xf32>
        %mul3A_1224 = arith.mulf %mul3A_1223, %get3A_1222 : vector<16xf32>
        %add3A_1225 = arith.addf %add3A_1191, %mul3A_1224 : vector<16xf32>
        %get3A_1226 = arith.constant 34 : i32
        %get3A_1227 = arith.index_cast %get3A_1226 : i32 to index
        %get3A_1228 = arith.constant 16 : index
        %get3A_1229 = tpu.vector_load %arg8[%get3A_1227, %get3A_1228] {strides = array<i32>} : memref<64x64xf32, #tpu.memory_space<vmem>>, vector<1x16xf32>,
        %get3A_1230 = vector.shape_cast %get3A_1229 : vector<1x16xf32> to vector<16xf32>
        %mul3A_1231 = vector.broadcast %squeeze3A_1217 : f32 to vector<16xf32>
        %mul3A_1232 = arith.mulf %mul3A_1231, %get3A_1230 : vector<16xf32>
        %add3A_1233 = arith.addf %add3A_1199, %mul3A_1232 : vector<16xf32>
        %get3A_1234 = arith.constant 34 : i32
        %get3A_1235 = arith.index_cast %get3A_1234 : i32 to index
        %get3A_1236 = arith.constant 32 : index
        %get3A_1237 = tpu.vector_load %arg8[%get3A_1235, %get3A_1236] {strides = array<i32>} : memref<64x64xf32, #tpu.memory_space<vmem>>, vector<1x16xf32>,
        %get3A_1238 = vector.shape_cast %get3A_1237 : vector<1x16xf32> to vector<16xf32>
        %mul3A_1239 = vector.broadcast %squeeze3A_1217 : f32 to vector<16xf32>
        %mul3A_1240 = arith.mulf %mul3A_1239, %get3A_1238 : vector<16xf32>
        %add3A_1241 = arith.addf %add3A_1207, %mul3A_1240 : vector<16xf32>
        %get3A_1242 = arith.constant 34 : i32
        %get3A_1243 = arith.index_cast %get3A_1242 : i32 to index
        %get3A_1244 = arith.constant 48 : index
        %get3A_1245 = tpu.vector_load %arg8[%get3A_1243, %get3A_1244] {strides = array<i32>} : memref<64x64xf32, #tpu.memory_space<vmem>>, vector<1x16xf32>,
        %get3A_1246 = vector.shape_cast %get3A_1245 : vector<1x16xf32> to vector<16xf32>
        %mul3A_1247 = vector.broadcast %squeeze3A_1217 : f32 to vector<16xf32>
        %mul3A_1248 = arith.mulf %mul3A_1247, %get3A_1246 : vector<16xf32>
        %add3A_1249 = arith.addf %add3A_1215, %mul3A_1248 : vector<16xf32>
        %slice3A_1250 = vector.extract_strided_slice %get3A_50 {offsets = [3], sizes = [1], strides = [1]} : vector<16xf32> to vector<1xf32>
        %squeeze3A_1251 = vector.extract %slice3A_1250[0] : f32 from vector<1xf32>
        %get3A_1252 = arith.constant 35 : i32
        %get3A_1253 = arith.index_cast %get3A_1252 : i32 to index
        %get3A_1254 = arith.constant 0 : index
        %get3A_1255 = tpu.vector_load %arg8[%get3A_1253, %get3A_1254] {strides = array<i32>} : memref<64x64xf32, #tpu.memory_space<vmem>>, vector<1x16xf32>,
        %get3A_1256 = vector.shape_cast %get3A_1255 : vector<1x16xf32> to vector<16xf32>
        %mul3A_1257 = vector.broadcast %squeeze3A_1251 : f32 to vector<16xf32>
        %mul3A_1258 = arith.mulf %mul3A_1257, %get3A_1256 : vector<16xf32>
        %add3A_1259 = arith.addf %add3A_1225, %mul3A_1258 : vector<16xf32>
        %get3A_1260 = arith.constant 35 : i32
        %get3A_1261 = arith.index_cast %get3A_1260 : i32 to index
        %get3A_1262 = arith.constant 16 : index
        %get3A_1263 = tpu.vector_load %arg8[%get3A_1261, %get3A_1262] {strides = array<i32>} : memref<64x64xf32, #tpu.memory_space<vmem>>, vector<1x16xf32>,
        %get3A_1264 = vector.shape_cast %get3A_1263 : vector<1x16xf32> to vector<16xf32>
        %mul3A_1265 = vector.broadcast %squeeze3A_1251 : f32 to vector<16xf32>
        %mul3A_1266 = arith.mulf %mul3A_1265, %get3A_1264 : vector<16xf32>
        %add3A_1267 = arith.addf %add3A_1233, %mul3A_1266 : vector<16xf32>
        %get3A_1268 = arith.constant 35 : i32
        %get3A_1269 = arith.index_cast %get3A_1268 : i32 to index
        %get3A_1270 = arith.constant 32 : index
        %get3A_1271 = tpu.vector_load %arg8[%get3A_1269, %get3A_1270] {strides = array<i32>} : memref<64x64xf32, #tpu.memory_space<vmem>>, vector<1x16xf32>,
        %get3A_1272 = vector.shape_cast %get3A_1271 : vector<1x16xf32> to vector<16xf32>
        %mul3A_1273 = vector.broadcast %squeeze3A_1251 : f32 to vector<16xf32>
        %mul3A_1274 = arith.mulf %mul3A_1273, %get3A_1272 : vector<16xf32>
        %add3A_1275 = arith.addf %add3A_1241, %mul3A_1274 : vector<16xf32>
        %get3A_1276 = arith.constant 35 : i32
        %get3A_1277 = arith.index_cast %get3A_1276 : i32 to index
        %get3A_1278 = arith.constant 48 : index
        %get3A_1279 = tpu.vector_load %arg8[%get3A_1277, %get3A_1278] {strides = array<i32>} : memref<64x64xf32, #tpu.memory_space<vmem>>, vector<1x16xf32>,
        %get3A_1280 = vector.shape_cast %get3A_1279 : vector<1x16xf32> to vector<16xf32>
        %mul3A_1281 = vector.broadcast %squeeze3A_1251 : f32 to vector<16xf32>
        %mul3A_1282 = arith.mulf %mul3A_1281, %get3A_1280 : vector<16xf32>
        %add3A_1283 = arith.addf %add3A_1249, %mul3A_1282 : vector<16xf32>
        %slice3A_1284 = vector.extract_strided_slice %get3A_50 {offsets = [4], sizes = [1], strides = [1]} : vector<16xf32> to vector<1xf32>
        %squeeze3A_1285 = vector.extract %slice3A_1284[0] : f32 from vector<1xf32>
        %get3A_1286 = arith.constant 36 : i32
        %get3A_1287 = arith.index_cast %get3A_1286 : i32 to index
        %get3A_1288 = arith.constant 0 : index
        %get3A_1289 = tpu.vector_load %arg8[%get3A_1287, %get3A_1288] {strides = array<i32>} : memref<64x64xf32, #tpu.memory_space<vmem>>, vector<1x16xf32>,
        %get3A_1290 = vector.shape_cast %get3A_1289 : vector<1x16xf32> to vector<16xf32>
        %mul3A_1291 = vector.broadcast %squeeze3A_1285 : f32 to vector<16xf32>
        %mul3A_1292 = arith.mulf %mul3A_1291, %get3A_1290 : vector<16xf32>
        %add3A_1293 = arith.addf %add3A_1259, %mul3A_1292 : vector<16xf32>
        %get3A_1294 = arith.constant 36 : i32
        %get3A_1295 = arith.index_cast %get3A_1294 : i32 to index
        %get3A_1296 = arith.constant 16 : index
        %get3A_1297 = tpu.vector_load %arg8[%get3A_1295, %get3A_1296] {strides = array<i32>} : memref<64x64xf32, #tpu.memory_space<vmem>>, vector<1x16xf32>,
        %get3A_1298 = vector.shape_cast %get3A_1297 : vector<1x16xf32> to vector<16xf32>
        %mul3A_1299 = vector.broadcast %squeeze3A_1285 : f32 to vector<16xf32>
        %mul3A_1300 = arith.mulf %mul3A_1299, %get3A_1298 : vector<16xf32>
        %add3A_1301 = arith.addf %add3A_1267, %mul3A_1300 : vector<16xf32>
        %get3A_1302 = arith.constant 36 : i32
        %get3A_1303 = arith.index_cast %get3A_1302 : i32 to index
        %get3A_1304 = arith.constant 32 : index
        %get3A_1305 = tpu.vector_load %arg8[%get3A_1303, %get3A_1304] {strides = array<i32>} : memref<64x64xf32, #tpu.memory_space<vmem>>, vector<1x16xf32>,
        %get3A_1306 = vector.shape_cast %get3A_1305 : vector<1x16xf32> to vector<16xf32>
        %mul3A_1307 = vector.broadcast %squeeze3A_1285 : f32 to vector<16xf32>
        %mul3A_1308 = arith.mulf %mul3A_1307, %get3A_1306 : vector<16xf32>
        %add3A_1309 = arith.addf %add3A_1275, %mul3A_1308 : vector<16xf32>
        %get3A_1310 = arith.constant 36 : i32
        %get3A_1311 = arith.index_cast %get3A_1310 : i32 to index
        %get3A_1312 = arith.constant 48 : index
        %get3A_1313 = tpu.vector_load %arg8[%get3A_1311, %get3A_1312] {strides = array<i32>} : memref<64x64xf32, #tpu.memory_space<vmem>>, vector<1x16xf32>,
        %get3A_1314 = vector.shape_cast %get3A_1313 : vector<1x16xf32> to vector<16xf32>
        %mul3A_1315 = vector.broadcast %squeeze3A_1285 : f32 to vector<16xf32>
        %mul3A_1316 = arith.mulf %mul3A_1315, %get3A_1314 : vector<16xf32>
        %add3A_1317 = arith.addf %add3A_1283, %mul3A_1316 : vector<16xf32>
        %slice3A_1318 = vector.extract_strided_slice %get3A_50 {offsets = [5], sizes = [1], strides = [1]} : vector<16xf32> to vector<1xf32>
        %squeeze3A_1319 = vector.extract %slice3A_1318[0] : f32 from vector<1xf32>
        %get3A_1320 = arith.constant 37 : i32
        %get3A_1321 = arith.index_cast %get3A_1320 : i32 to index
        %get3A_1322 = arith.constant 0 : index
        %get3A_1323 = tpu.vector_load %arg8[%get3A_1321, %get3A_1322] {strides = array<i32>} : memref<64x64xf32, #tpu.memory_space<vmem>>, vector<1x16xf32>,
        %get3A_1324 = vector.shape_cast %get3A_1323 : vector<1x16xf32> to vector<16xf32>
        %mul3A_1325 = vector.broadcast %squeeze3A_1319 : f32 to vector<16xf32>
        %mul3A_1326 = arith.mulf %mul3A_1325, %get3A_1324 : vector<16xf32>
        %add3A_1327 = arith.addf %add3A_1293, %mul3A_1326 : vector<16xf32>
        %get3A_1328 = arith.constant 37 : i32
        %get3A_1329 = arith.index_cast %get3A_1328 : i32 to index
        %get3A_1330 = arith.constant 16 : index
        %get3A_1331 = tpu.vector_load %arg8[%get3A_1329, %get3A_1330] {strides = array<i32>} : memref<64x64xf32, #tpu.memory_space<vmem>>, vector<1x16xf32>,
        %get3A_1332 = vector.shape_cast %get3A_1331 : vector<1x16xf32> to vector<16xf32>
        %mul3A_1333 = vector.broadcast %squeeze3A_1319 : f32 to vector<16xf32>
        %mul3A_1334 = arith.mulf %mul3A_1333, %get3A_1332 : vector<16xf32>
        %add3A_1335 = arith.addf %add3A_1301, %mul3A_1334 : vector<16xf32>
        %get3A_1336 = arith.constant 37 : i32
        %get3A_1337 = arith.index_cast %get3A_1336 : i32 to index
        %get3A_1338 = arith.constant 32 : index
        %get3A_1339 = tpu.vector_load %arg8[%get3A_1337, %get3A_1338] {strides = array<i32>} : memref<64x64xf32, #tpu.memory_space<vmem>>, vector<1x16xf32>,
        %get3A_1340 = vector.shape_cast %get3A_1339 : vector<1x16xf32> to vector<16xf32>
        %mul3A_1341 = vector.broadcast %squeeze3A_1319 : f32 to vector<16xf32>
        %mul3A_1342 = arith.mulf %mul3A_1341, %get3A_1340 : vector<16xf32>
        %add3A_1343 = arith.addf %add3A_1309, %mul3A_1342 : vector<16xf32>
        %get3A_1344 = arith.constant 37 : i32
        %get3A_1345 = arith.index_cast %get3A_1344 : i32 to index
        %get3A_1346 = arith.constant 48 : index
        %get3A_1347 = tpu.vector_load %arg8[%get3A_1345, %get3A_1346] {strides = array<i32>} : memref<64x64xf32, #tpu.memory_space<vmem>>, vector<1x16xf32>,
        %get3A_1348 = vector.shape_cast %get3A_1347 : vector<1x16xf32> to vector<16xf32>
        %mul3A_1349 = vector.broadcast %squeeze3A_1319 : f32 to vector<16xf32>
        %mul3A_1350 = arith.mulf %mul3A_1349, %get3A_1348 : vector<16xf32>
        %add3A_1351 = arith.addf %add3A_1317, %mul3A_1350 : vector<16xf32>
        %slice3A_1352 = vector.extract_strided_slice %get3A_50 {offsets = [6], sizes = [1], strides = [1]} : vector<16xf32> to vector<1xf32>
        %squeeze3A_1353 = vector.extract %slice3A_1352[0] : f32 from vector<1xf32>
        %get3A_1354 = arith.constant 38 : i32
        %get3A_1355 = arith.index_cast %get3A_1354 : i32 to index
        %get3A_1356 = arith.constant 0 : index
        %get3A_1357 = tpu.vector_load %arg8[%get3A_1355, %get3A_1356] {strides = array<i32>} : memref<64x64xf32, #tpu.memory_space<vmem>>, vector<1x16xf32>,
        %get3A_1358 = vector.shape_cast %get3A_1357 : vector<1x16xf32> to vector<16xf32>
        %mul3A_1359 = vector.broadcast %squeeze3A_1353 : f32 to vector<16xf32>
        %mul3A_1360 = arith.mulf %mul3A_1359, %get3A_1358 : vector<16xf32>
        %add3A_1361 = arith.addf %add3A_1327, %mul3A_1360 : vector<16xf32>
        %get3A_1362 = arith.constant 38 : i32
        %get3A_1363 = arith.index_cast %get3A_1362 : i32 to index
        %get3A_1364 = arith.constant 16 : index
        %get3A_1365 = tpu.vector_load %arg8[%get3A_1363, %get3A_1364] {strides = array<i32>} : memref<64x64xf32, #tpu.memory_space<vmem>>, vector<1x16xf32>,
        %get3A_1366 = vector.shape_cast %get3A_1365 : vector<1x16xf32> to vector<16xf32>
        %mul3A_1367 = vector.broadcast %squeeze3A_1353 : f32 to vector<16xf32>
        %mul3A_1368 = arith.mulf %mul3A_1367, %get3A_1366 : vector<16xf32>
        %add3A_1369 = arith.addf %add3A_1335, %mul3A_1368 : vector<16xf32>
        %get3A_1370 = arith.constant 38 : i32
        %get3A_1371 = arith.index_cast %get3A_1370 : i32 to index
        %get3A_1372 = arith.constant 32 : index
        %get3A_1373 = tpu.vector_load %arg8[%get3A_1371, %get3A_1372] {strides = array<i32>} : memref<64x64xf32, #tpu.memory_space<vmem>>, vector<1x16xf32>,
        %get3A_1374 = vector.shape_cast %get3A_1373 : vector<1x16xf32> to vector<16xf32>
        %mul3A_1375 = vector.broadcast %squeeze3A_1353 : f32 to vector<16xf32>
        %mul3A_1376 = arith.mulf %mul3A_1375, %get3A_1374 : vector<16xf32>
        %add3A_1377 = arith.addf %add3A_1343, %mul3A_1376 : vector<16xf32>
        %get3A_1378 = arith.constant 38 : i32
        %get3A_1379 = arith.index_cast %get3A_1378 : i32 to index
        %get3A_1380 = arith.constant 48 : index
        %get3A_1381 = tpu.vector_load %arg8[%get3A_1379, %get3A_1380] {strides = array<i32>} : memref<64x64xf32, #tpu.memory_space<vmem>>, vector<1x16xf32>,
        %get3A_1382 = vector.shape_cast %get3A_1381 : vector<1x16xf32> to vector<16xf32>
        %mul3A_1383 = vector.broadcast %squeeze3A_1353 : f32 to vector<16xf32>
        %mul3A_1384 = arith.mulf %mul3A_1383, %get3A_1382 : vector<16xf32>
        %add3A_1385 = arith.addf %add3A_1351, %mul3A_1384 : vector<16xf32>
        %slice3A_1386 = vector.extract_strided_slice %get3A_50 {offsets = [7], sizes = [1], strides = [1]} : vector<16xf32> to vector<1xf32>
        %squeeze3A_1387 = vector.extract %slice3A_1386[0] : f32 from vector<1xf32>
        %get3A_1388 = arith.constant 39 : i32
        %get3A_1389 = arith.index_cast %get3A_1388 : i32 to index
        %get3A_1390 = arith.constant 0 : index
        %get3A_1391 = tpu.vector_load %arg8[%get3A_1389, %get3A_1390] {strides = array<i32>} : memref<64x64xf32, #tpu.memory_space<vmem>>, vector<1x16xf32>,
        %get3A_1392 = vector.shape_cast %get3A_1391 : vector<1x16xf32> to vector<16xf32>
        %mul3A_1393 = vector.broadcast %squeeze3A_1387 : f32 to vector<16xf32>
        %mul3A_1394 = arith.mulf %mul3A_1393, %get3A_1392 : vector<16xf32>
        %add3A_1395 = arith.addf %add3A_1361, %mul3A_1394 : vector<16xf32>
        %get3A_1396 = arith.constant 39 : i32
        %get3A_1397 = arith.index_cast %get3A_1396 : i32 to index
        %get3A_1398 = arith.constant 16 : index
        %get3A_1399 = tpu.vector_load %arg8[%get3A_1397, %get3A_1398] {strides = array<i32>} : memref<64x64xf32, #tpu.memory_space<vmem>>, vector<1x16xf32>,
        %get3A_1400 = vector.shape_cast %get3A_1399 : vector<1x16xf32> to vector<16xf32>
        %mul3A_1401 = vector.broadcast %squeeze3A_1387 : f32 to vector<16xf32>
        %mul3A_1402 = arith.mulf %mul3A_1401, %get3A_1400 : vector<16xf32>
        %add3A_1403 = arith.addf %add3A_1369, %mul3A_1402 : vector<16xf32>
        %get3A_1404 = arith.constant 39 : i32
        %get3A_1405 = arith.index_cast %get3A_1404 : i32 to index
        %get3A_1406 = arith.constant 32 : index
        %get3A_1407 = tpu.vector_load %arg8[%get3A_1405, %get3A_1406] {strides = array<i32>} : memref<64x64xf32, #tpu.memory_space<vmem>>, vector<1x16xf32>,
        %get3A_1408 = vector.shape_cast %get3A_1407 : vector<1x16xf32> to vector<16xf32>
        %mul3A_1409 = vector.broadcast %squeeze3A_1387 : f32 to vector<16xf32>
        %mul3A_1410 = arith.mulf %mul3A_1409, %get3A_1408 : vector<16xf32>
        %add3A_1411 = arith.addf %add3A_1377, %mul3A_1410 : vector<16xf32>
        %get3A_1412 = arith.constant 39 : i32
        %get3A_1413 = arith.index_cast %get3A_1412 : i32 to index
        %get3A_1414 = arith.constant 48 : index
        %get3A_1415 = tpu.vector_load %arg8[%get3A_1413, %get3A_1414] {strides = array<i32>} : memref<64x64xf32, #tpu.memory_space<vmem>>, vector<1x16xf32>,
        %get3A_1416 = vector.shape_cast %get3A_1415 : vector<1x16xf32> to vector<16xf32>
        %mul3A_1417 = vector.broadcast %squeeze3A_1387 : f32 to vector<16xf32>
        %mul3A_1418 = arith.mulf %mul3A_1417, %get3A_1416 : vector<16xf32>
        %add3A_1419 = arith.addf %add3A_1385, %mul3A_1418 : vector<16xf32>
        %slice3A_1420 = vector.extract_strided_slice %get3A_50 {offsets = [8], sizes = [1], strides = [1]} : vector<16xf32> to vector<1xf32>
        %squeeze3A_1421 = vector.extract %slice3A_1420[0] : f32 from vector<1xf32>
        %get3A_1422 = arith.constant 40 : i32
        %get3A_1423 = arith.index_cast %get3A_1422 : i32 to index
        %get3A_1424 = arith.constant 0 : index
        %get3A_1425 = tpu.vector_load %arg8[%get3A_1423, %get3A_1424] {strides = array<i32>} : memref<64x64xf32, #tpu.memory_space<vmem>>, vector<1x16xf32>,
        %get3A_1426 = vector.shape_cast %get3A_1425 : vector<1x16xf32> to vector<16xf32>
        %mul3A_1427 = vector.broadcast %squeeze3A_1421 : f32 to vector<16xf32>
        %mul3A_1428 = arith.mulf %mul3A_1427, %get3A_1426 : vector<16xf32>
        %add3A_1429 = arith.addf %add3A_1395, %mul3A_1428 : vector<16xf32>
        %get3A_1430 = arith.constant 40 : i32
        %get3A_1431 = arith.index_cast %get3A_1430 : i32 to index
        %get3A_1432 = arith.constant 16 : index
        %get3A_1433 = tpu.vector_load %arg8[%get3A_1431, %get3A_1432] {strides = array<i32>} : memref<64x64xf32, #tpu.memory_space<vmem>>, vector<1x16xf32>,
        %get3A_1434 = vector.shape_cast %get3A_1433 : vector<1x16xf32> to vector<16xf32>
        %mul3A_1435 = vector.broadcast %squeeze3A_1421 : f32 to vector<16xf32>
        %mul3A_1436 = arith.mulf %mul3A_1435, %get3A_1434 : vector<16xf32>
        %add3A_1437 = arith.addf %add3A_1403, %mul3A_1436 : vector<16xf32>
        %get3A_1438 = arith.constant 40 : i32
        %get3A_1439 = arith.index_cast %get3A_1438 : i32 to index
        %get3A_1440 = arith.constant 32 : index
        %get3A_1441 = tpu.vector_load %arg8[%get3A_1439, %get3A_1440] {strides = array<i32>} : memref<64x64xf32, #tpu.memory_space<vmem>>, vector<1x16xf32>,
        %get3A_1442 = vector.shape_cast %get3A_1441 : vector<1x16xf32> to vector<16xf32>
        %mul3A_1443 = vector.broadcast %squeeze3A_1421 : f32 to vector<16xf32>
        %mul3A_1444 = arith.mulf %mul3A_1443, %get3A_1442 : vector<16xf32>
        %add3A_1445 = arith.addf %add3A_1411, %mul3A_1444 : vector<16xf32>
        %get3A_1446 = arith.constant 40 : i32
        %get3A_1447 = arith.index_cast %get3A_1446 : i32 to index
        %get3A_1448 = arith.constant 48 : index
        %get3A_1449 = tpu.vector_load %arg8[%get3A_1447, %get3A_1448] {strides = array<i32>} : memref<64x64xf32, #tpu.memory_space<vmem>>, vector<1x16xf32>,
        %get3A_1450 = vector.shape_cast %get3A_1449 : vector<1x16xf32> to vector<16xf32>
        %mul3A_1451 = vector.broadcast %squeeze3A_1421 : f32 to vector<16xf32>
        %mul3A_1452 = arith.mulf %mul3A_1451, %get3A_1450 : vector<16xf32>
        %add3A_1453 = arith.addf %add3A_1419, %mul3A_1452 : vector<16xf32>
        %slice3A_1454 = vector.extract_strided_slice %get3A_50 {offsets = [9], sizes = [1], strides = [1]} : vector<16xf32> to vector<1xf32>
        %squeeze3A_1455 = vector.extract %slice3A_1454[0] : f32 from vector<1xf32>
        %get3A_1456 = arith.constant 41 : i32
        %get3A_1457 = arith.index_cast %get3A_1456 : i32 to index
        %get3A_1458 = arith.constant 0 : index
        %get3A_1459 = tpu.vector_load %arg8[%get3A_1457, %get3A_1458] {strides = array<i32>} : memref<64x64xf32, #tpu.memory_space<vmem>>, vector<1x16xf32>,
        %get3A_1460 = vector.shape_cast %get3A_1459 : vector<1x16xf32> to vector<16xf32>
        %mul3A_1461 = vector.broadcast %squeeze3A_1455 : f32 to vector<16xf32>
        %mul3A_1462 = arith.mulf %mul3A_1461, %get3A_1460 : vector<16xf32>
        %add3A_1463 = arith.addf %add3A_1429, %mul3A_1462 : vector<16xf32>
        %get3A_1464 = arith.constant 41 : i32
        %get3A_1465 = arith.index_cast %get3A_1464 : i32 to index
        %get3A_1466 = arith.constant 16 : index
        %get3A_1467 = tpu.vector_load %arg8[%get3A_1465, %get3A_1466] {strides = array<i32>} : memref<64x64xf32, #tpu.memory_space<vmem>>, vector<1x16xf32>,
        %get3A_1468 = vector.shape_cast %get3A_1467 : vector<1x16xf32> to vector<16xf32>
        %mul3A_1469 = vector.broadcast %squeeze3A_1455 : f32 to vector<16xf32>
        %mul3A_1470 = arith.mulf %mul3A_1469, %get3A_1468 : vector<16xf32>
        %add3A_1471 = arith.addf %add3A_1437, %mul3A_1470 : vector<16xf32>
        %get3A_1472 = arith.constant 41 : i32
        %get3A_1473 = arith.index_cast %get3A_1472 : i32 to index
        %get3A_1474 = arith.constant 32 : index
        %get3A_1475 = tpu.vector_load %arg8[%get3A_1473, %get3A_1474] {strides = array<i32>} : memref<64x64xf32, #tpu.memory_space<vmem>>, vector<1x16xf32>,
        %get3A_1476 = vector.shape_cast %get3A_1475 : vector<1x16xf32> to vector<16xf32>
        %mul3A_1477 = vector.broadcast %squeeze3A_1455 : f32 to vector<16xf32>
        %mul3A_1478 = arith.mulf %mul3A_1477, %get3A_1476 : vector<16xf32>
        %add3A_1479 = arith.addf %add3A_1445, %mul3A_1478 : vector<16xf32>
        %get3A_1480 = arith.constant 41 : i32
        %get3A_1481 = arith.index_cast %get3A_1480 : i32 to index
        %get3A_1482 = arith.constant 48 : index
        %get3A_1483 = tpu.vector_load %arg8[%get3A_1481, %get3A_1482] {strides = array<i32>} : memref<64x64xf32, #tpu.memory_space<vmem>>, vector<1x16xf32>,
        %get3A_1484 = vector.shape_cast %get3A_1483 : vector<1x16xf32> to vector<16xf32>
        %mul3A_1485 = vector.broadcast %squeeze3A_1455 : f32 to vector<16xf32>
        %mul3A_1486 = arith.mulf %mul3A_1485, %get3A_1484 : vector<16xf32>
        %add3A_1487 = arith.addf %add3A_1453, %mul3A_1486 : vector<16xf32>
        %slice3A_1488 = vector.extract_strided_slice %get3A_50 {offsets = [10], sizes = [1], strides = [1]} : vector<16xf32> to vector<1xf32>
        %squeeze3A_1489 = vector.extract %slice3A_1488[0] : f32 from vector<1xf32>
        %get3A_1490 = arith.constant 42 : i32
        %get3A_1491 = arith.index_cast %get3A_1490 : i32 to index
        %get3A_1492 = arith.constant 0 : index
        %get3A_1493 = tpu.vector_load %arg8[%get3A_1491, %get3A_1492] {strides = array<i32>} : memref<64x64xf32, #tpu.memory_space<vmem>>, vector<1x16xf32>,
        %get3A_1494 = vector.shape_cast %get3A_1493 : vector<1x16xf32> to vector<16xf32>
        %mul3A_1495 = vector.broadcast %squeeze3A_1489 : f32 to vector<16xf32>
        %mul3A_1496 = arith.mulf %mul3A_1495, %get3A_1494 : vector<16xf32>
        %add3A_1497 = arith.addf %add3A_1463, %mul3A_1496 : vector<16xf32>
        %get3A_1498 = arith.constant 42 : i32
        %get3A_1499 = arith.index_cast %get3A_1498 : i32 to index
        %get3A_1500 = arith.constant 16 : index
        %get3A_1501 = tpu.vector_load %arg8[%get3A_1499, %get3A_1500] {strides = array<i32>} : memref<64x64xf32, #tpu.memory_space<vmem>>, vector<1x16xf32>,
        %get3A_1502 = vector.shape_cast %get3A_1501 : vector<1x16xf32> to vector<16xf32>
        %mul3A_1503 = vector.broadcast %squeeze3A_1489 : f32 to vector<16xf32>
        %mul3A_1504 = arith.mulf %mul3A_1503, %get3A_1502 : vector<16xf32>
        %add3A_1505 = arith.addf %add3A_1471, %mul3A_1504 : vector<16xf32>
        %get3A_1506 = arith.constant 42 : i32
        %get3A_1507 = arith.index_cast %get3A_1506 : i32 to index
        %get3A_1508 = arith.constant 32 : index
        %get3A_1509 = tpu.vector_load %arg8[%get3A_1507, %get3A_1508] {strides = array<i32>} : memref<64x64xf32, #tpu.memory_space<vmem>>, vector<1x16xf32>,
        %get3A_1510 = vector.shape_cast %get3A_1509 : vector<1x16xf32> to vector<16xf32>
        %mul3A_1511 = vector.broadcast %squeeze3A_1489 : f32 to vector<16xf32>
        %mul3A_1512 = arith.mulf %mul3A_1511, %get3A_1510 : vector<16xf32>
        %add3A_1513 = arith.addf %add3A_1479, %mul3A_1512 : vector<16xf32>
        %get3A_1514 = arith.constant 42 : i32
        %get3A_1515 = arith.index_cast %get3A_1514 : i32 to index
        %get3A_1516 = arith.constant 48 : index
        %get3A_1517 = tpu.vector_load %arg8[%get3A_1515, %get3A_1516] {strides = array<i32>} : memref<64x64xf32, #tpu.memory_space<vmem>>, vector<1x16xf32>,
        %get3A_1518 = vector.shape_cast %get3A_1517 : vector<1x16xf32> to vector<16xf32>
        %mul3A_1519 = vector.broadcast %squeeze3A_1489 : f32 to vector<16xf32>
        %mul3A_1520 = arith.mulf %mul3A_1519, %get3A_1518 : vector<16xf32>
        %add3A_1521 = arith.addf %add3A_1487, %mul3A_1520 : vector<16xf32>
        %slice3A_1522 = vector.extract_strided_slice %get3A_50 {offsets = [11], sizes = [1], strides = [1]} : vector<16xf32> to vector<1xf32>
        %squeeze3A_1523 = vector.extract %slice3A_1522[0] : f32 from vector<1xf32>
        %get3A_1524 = arith.constant 43 : i32
        %get3A_1525 = arith.index_cast %get3A_1524 : i32 to index
        %get3A_1526 = arith.constant 0 : index
        %get3A_1527 = tpu.vector_load %arg8[%get3A_1525, %get3A_1526] {strides = array<i32>} : memref<64x64xf32, #tpu.memory_space<vmem>>, vector<1x16xf32>,
        %get3A_1528 = vector.shape_cast %get3A_1527 : vector<1x16xf32> to vector<16xf32>
        %mul3A_1529 = vector.broadcast %squeeze3A_1523 : f32 to vector<16xf32>
        %mul3A_1530 = arith.mulf %mul3A_1529, %get3A_1528 : vector<16xf32>
        %add3A_1531 = arith.addf %add3A_1497, %mul3A_1530 : vector<16xf32>
        %get3A_1532 = arith.constant 43 : i32
        %get3A_1533 = arith.index_cast %get3A_1532 : i32 to index
        %get3A_1534 = arith.constant 16 : index
        %get3A_1535 = tpu.vector_load %arg8[%get3A_1533, %get3A_1534] {strides = array<i32>} : memref<64x64xf32, #tpu.memory_space<vmem>>, vector<1x16xf32>,
        %get3A_1536 = vector.shape_cast %get3A_1535 : vector<1x16xf32> to vector<16xf32>
        %mul3A_1537 = vector.broadcast %squeeze3A_1523 : f32 to vector<16xf32>
        %mul3A_1538 = arith.mulf %mul3A_1537, %get3A_1536 : vector<16xf32>
        %add3A_1539 = arith.addf %add3A_1505, %mul3A_1538 : vector<16xf32>
        %get3A_1540 = arith.constant 43 : i32
        %get3A_1541 = arith.index_cast %get3A_1540 : i32 to index
        %get3A_1542 = arith.constant 32 : index
        %get3A_1543 = tpu.vector_load %arg8[%get3A_1541, %get3A_1542] {strides = array<i32>} : memref<64x64xf32, #tpu.memory_space<vmem>>, vector<1x16xf32>,
        %get3A_1544 = vector.shape_cast %get3A_1543 : vector<1x16xf32> to vector<16xf32>
        %mul3A_1545 = vector.broadcast %squeeze3A_1523 : f32 to vector<16xf32>
        %mul3A_1546 = arith.mulf %mul3A_1545, %get3A_1544 : vector<16xf32>
        %add3A_1547 = arith.addf %add3A_1513, %mul3A_1546 : vector<16xf32>
        %get3A_1548 = arith.constant 43 : i32
        %get3A_1549 = arith.index_cast %get3A_1548 : i32 to index
        %get3A_1550 = arith.constant 48 : index
        %get3A_1551 = tpu.vector_load %arg8[%get3A_1549, %get3A_1550] {strides = array<i32>} : memref<64x64xf32, #tpu.memory_space<vmem>>, vector<1x16xf32>,
        %get3A_1552 = vector.shape_cast %get3A_1551 : vector<1x16xf32> to vector<16xf32>
        %mul3A_1553 = vector.broadcast %squeeze3A_1523 : f32 to vector<16xf32>
        %mul3A_1554 = arith.mulf %mul3A_1553, %get3A_1552 : vector<16xf32>
        %add3A_1555 = arith.addf %add3A_1521, %mul3A_1554 : vector<16xf32>
        %slice3A_1556 = vector.extract_strided_slice %get3A_50 {offsets = [12], sizes = [1], strides = [1]} : vector<16xf32> to vector<1xf32>
        %squeeze3A_1557 = vector.extract %slice3A_1556[0] : f32 from vector<1xf32>
        %get3A_1558 = arith.constant 44 : i32
        %get3A_1559 = arith.index_cast %get3A_1558 : i32 to index
        %get3A_1560 = arith.constant 0 : index
        %get3A_1561 = tpu.vector_load %arg8[%get3A_1559, %get3A_1560] {strides = array<i32>} : memref<64x64xf32, #tpu.memory_space<vmem>>, vector<1x16xf32>,
        %get3A_1562 = vector.shape_cast %get3A_1561 : vector<1x16xf32> to vector<16xf32>
        %mul3A_1563 = vector.broadcast %squeeze3A_1557 : f32 to vector<16xf32>
        %mul3A_1564 = arith.mulf %mul3A_1563, %get3A_1562 : vector<16xf32>
        %add3A_1565 = arith.addf %add3A_1531, %mul3A_1564 : vector<16xf32>
        %get3A_1566 = arith.constant 44 : i32
        %get3A_1567 = arith.index_cast %get3A_1566 : i32 to index
        %get3A_1568 = arith.constant 16 : index
        %get3A_1569 = tpu.vector_load %arg8[%get3A_1567, %get3A_1568] {strides = array<i32>} : memref<64x64xf32, #tpu.memory_space<vmem>>, vector<1x16xf32>,
        %get3A_1570 = vector.shape_cast %get3A_1569 : vector<1x16xf32> to vector<16xf32>
        %mul3A_1571 = vector.broadcast %squeeze3A_1557 : f32 to vector<16xf32>
        %mul3A_1572 = arith.mulf %mul3A_1571, %get3A_1570 : vector<16xf32>
        %add3A_1573 = arith.addf %add3A_1539, %mul3A_1572 : vector<16xf32>
        %get3A_1574 = arith.constant 44 : i32
        %get3A_1575 = arith.index_cast %get3A_1574 : i32 to index
        %get3A_1576 = arith.constant 32 : index
        %get3A_1577 = tpu.vector_load %arg8[%get3A_1575, %get3A_1576] {strides = array<i32>} : memref<64x64xf32, #tpu.memory_space<vmem>>, vector<1x16xf32>,
        %get3A_1578 = vector.shape_cast %get3A_1577 : vector<1x16xf32> to vector<16xf32>
        %mul3A_1579 = vector.broadcast %squeeze3A_1557 : f32 to vector<16xf32>
        %mul3A_1580 = arith.mulf %mul3A_1579, %get3A_1578 : vector<16xf32>
        %add3A_1581 = arith.addf %add3A_1547, %mul3A_1580 : vector<16xf32>
        %get3A_1582 = arith.constant 44 : i32
        %get3A_1583 = arith.index_cast %get3A_1582 : i32 to index
        %get3A_1584 = arith.constant 48 : index
        %get3A_1585 = tpu.vector_load %arg8[%get3A_1583, %get3A_1584] {strides = array<i32>} : memref<64x64xf32, #tpu.memory_space<vmem>>, vector<1x16xf32>,
        %get3A_1586 = vector.shape_cast %get3A_1585 : vector<1x16xf32> to vector<16xf32>
        %mul3A_1587 = vector.broadcast %squeeze3A_1557 : f32 to vector<16xf32>
        %mul3A_1588 = arith.mulf %mul3A_1587, %get3A_1586 : vector<16xf32>
        %add3A_1589 = arith.addf %add3A_1555, %mul3A_1588 : vector<16xf32>
        %slice3A_1590 = vector.extract_strided_slice %get3A_50 {offsets = [13], sizes = [1], strides = [1]} : vector<16xf32> to vector<1xf32>
        %squeeze3A_1591 = vector.extract %slice3A_1590[0] : f32 from vector<1xf32>
        %get3A_1592 = arith.constant 45 : i32
        %get3A_1593 = arith.index_cast %get3A_1592 : i32 to index
        %get3A_1594 = arith.constant 0 : index
        %get3A_1595 = tpu.vector_load %arg8[%get3A_1593, %get3A_1594] {strides = array<i32>} : memref<64x64xf32, #tpu.memory_space<vmem>>, vector<1x16xf32>,
        %get3A_1596 = vector.shape_cast %get3A_1595 : vector<1x16xf32> to vector<16xf32>
        %mul3A_1597 = vector.broadcast %squeeze3A_1591 : f32 to vector<16xf32>
        %mul3A_1598 = arith.mulf %mul3A_1597, %get3A_1596 : vector<16xf32>
        %add3A_1599 = arith.addf %add3A_1565, %mul3A_1598 : vector<16xf32>
        %get3A_1600 = arith.constant 45 : i32
        %get3A_1601 = arith.index_cast %get3A_1600 : i32 to index
        %get3A_1602 = arith.constant 16 : index
        %get3A_1603 = tpu.vector_load %arg8[%get3A_1601, %get3A_1602] {strides = array<i32>} : memref<64x64xf32, #tpu.memory_space<vmem>>, vector<1x16xf32>,
        %get3A_1604 = vector.shape_cast %get3A_1603 : vector<1x16xf32> to vector<16xf32>
        %mul3A_1605 = vector.broadcast %squeeze3A_1591 : f32 to vector<16xf32>
        %mul3A_1606 = arith.mulf %mul3A_1605, %get3A_1604 : vector<16xf32>
        %add3A_1607 = arith.addf %add3A_1573, %mul3A_1606 : vector<16xf32>
        %get3A_1608 = arith.constant 45 : i32
        %get3A_1609 = arith.index_cast %get3A_1608 : i32 to index
        %get3A_1610 = arith.constant 32 : index
        %get3A_1611 = tpu.vector_load %arg8[%get3A_1609, %get3A_1610] {strides = array<i32>} : memref<64x64xf32, #tpu.memory_space<vmem>>, vector<1x16xf32>,
        %get3A_1612 = vector.shape_cast %get3A_1611 : vector<1x16xf32> to vector<16xf32>
        %mul3A_1613 = vector.broadcast %squeeze3A_1591 : f32 to vector<16xf32>
        %mul3A_1614 = arith.mulf %mul3A_1613, %get3A_1612 : vector<16xf32>
        %add3A_1615 = arith.addf %add3A_1581, %mul3A_1614 : vector<16xf32>
        %get3A_1616 = arith.constant 45 : i32
        %get3A_1617 = arith.index_cast %get3A_1616 : i32 to index
        %get3A_1618 = arith.constant 48 : index
        %get3A_1619 = tpu.vector_load %arg8[%get3A_1617, %get3A_1618] {strides = array<i32>} : memref<64x64xf32, #tpu.memory_space<vmem>>, vector<1x16xf32>,
        %get3A_1620 = vector.shape_cast %get3A_1619 : vector<1x16xf32> to vector<16xf32>
        %mul3A_1621 = vector.broadcast %squeeze3A_1591 : f32 to vector<16xf32>
        %mul3A_1622 = arith.mulf %mul3A_1621, %get3A_1620 : vector<16xf32>
        %add3A_1623 = arith.addf %add3A_1589, %mul3A_1622 : vector<16xf32>
        %slice3A_1624 = vector.extract_strided_slice %get3A_50 {offsets = [14], sizes = [1], strides = [1]} : vector<16xf32> to vector<1xf32>
        %squeeze3A_1625 = vector.extract %slice3A_1624[0] : f32 from vector<1xf32>
        %get3A_1626 = arith.constant 46 : i32
        %get3A_1627 = arith.index_cast %get3A_1626 : i32 to index
        %get3A_1628 = arith.constant 0 : index
        %get3A_1629 = tpu.vector_load %arg8[%get3A_1627, %get3A_1628] {strides = array<i32>} : memref<64x64xf32, #tpu.memory_space<vmem>>, vector<1x16xf32>,
        %get3A_1630 = vector.shape_cast %get3A_1629 : vector<1x16xf32> to vector<16xf32>
        %mul3A_1631 = vector.broadcast %squeeze3A_1625 : f32 to vector<16xf32>
        %mul3A_1632 = arith.mulf %mul3A_1631, %get3A_1630 : vector<16xf32>
        %add3A_1633 = arith.addf %add3A_1599, %mul3A_1632 : vector<16xf32>
        %get3A_1634 = arith.constant 46 : i32
        %get3A_1635 = arith.index_cast %get3A_1634 : i32 to index
        %get3A_1636 = arith.constant 16 : index
        %get3A_1637 = tpu.vector_load %arg8[%get3A_1635, %get3A_1636] {strides = array<i32>} : memref<64x64xf32, #tpu.memory_space<vmem>>, vector<1x16xf32>,
        %get3A_1638 = vector.shape_cast %get3A_1637 : vector<1x16xf32> to vector<16xf32>
        %mul3A_1639 = vector.broadcast %squeeze3A_1625 : f32 to vector<16xf32>
        %mul3A_1640 = arith.mulf %mul3A_1639, %get3A_1638 : vector<16xf32>
        %add3A_1641 = arith.addf %add3A_1607, %mul3A_1640 : vector<16xf32>
        %get3A_1642 = arith.constant 46 : i32
        %get3A_1643 = arith.index_cast %get3A_1642 : i32 to index
        %get3A_1644 = arith.constant 32 : index
        %get3A_1645 = tpu.vector_load %arg8[%get3A_1643, %get3A_1644] {strides = array<i32>} : memref<64x64xf32, #tpu.memory_space<vmem>>, vector<1x16xf32>,
        %get3A_1646 = vector.shape_cast %get3A_1645 : vector<1x16xf32> to vector<16xf32>
        %mul3A_1647 = vector.broadcast %squeeze3A_1625 : f32 to vector<16xf32>
        %mul3A_1648 = arith.mulf %mul3A_1647, %get3A_1646 : vector<16xf32>
        %add3A_1649 = arith.addf %add3A_1615, %mul3A_1648 : vector<16xf32>
        %get3A_1650 = arith.constant 46 : i32
        %get3A_1651 = arith.index_cast %get3A_1650 : i32 to index
        %get3A_1652 = arith.constant 48 : index
        %get3A_1653 = tpu.vector_load %arg8[%get3A_1651, %get3A_1652] {strides = array<i32>} : memref<64x64xf32, #tpu.memory_space<vmem>>, vector<1x16xf32>,
        %get3A_1654 = vector.shape_cast %get3A_1653 : vector<1x16xf32> to vector<16xf32>
        %mul3A_1655 = vector.broadcast %squeeze3A_1625 : f32 to vector<16xf32>
        %mul3A_1656 = arith.mulf %mul3A_1655, %get3A_1654 : vector<16xf32>
        %add3A_1657 = arith.addf %add3A_1623, %mul3A_1656 : vector<16xf32>
        %slice3A_1658 = vector.extract_strided_slice %get3A_50 {offsets = [15], sizes = [1], strides = [1]} : vector<16xf32> to vector<1xf32>
        %squeeze3A_1659 = vector.extract %slice3A_1658[0] : f32 from vector<1xf32>
        %get3A_1660 = arith.constant 47 : i32
        %get3A_1661 = arith.index_cast %get3A_1660 : i32 to index
        %get3A_1662 = arith.constant 0 : index
        %get3A_1663 = tpu.vector_load %arg8[%get3A_1661, %get3A_1662] {strides = array<i32>} : memref<64x64xf32, #tpu.memory_space<vmem>>, vector<1x16xf32>,
        %get3A_1664 = vector.shape_cast %get3A_1663 : vector<1x16xf32> to vector<16xf32>
        %mul3A_1665 = vector.broadcast %squeeze3A_1659 : f32 to vector<16xf32>
        %mul3A_1666 = arith.mulf %mul3A_1665, %get3A_1664 : vector<16xf32>
        %add3A_1667 = arith.addf %add3A_1633, %mul3A_1666 : vector<16xf32>
        %get3A_1668 = arith.constant 47 : i32
        %get3A_1669 = arith.index_cast %get3A_1668 : i32 to index
        %get3A_1670 = arith.constant 16 : index
        %get3A_1671 = tpu.vector_load %arg8[%get3A_1669, %get3A_1670] {strides = array<i32>} : memref<64x64xf32, #tpu.memory_space<vmem>>, vector<1x16xf32>,
        %get3A_1672 = vector.shape_cast %get3A_1671 : vector<1x16xf32> to vector<16xf32>
        %mul3A_1673 = vector.broadcast %squeeze3A_1659 : f32 to vector<16xf32>
        %mul3A_1674 = arith.mulf %mul3A_1673, %get3A_1672 : vector<16xf32>
        %add3A_1675 = arith.addf %add3A_1641, %mul3A_1674 : vector<16xf32>
        %get3A_1676 = arith.constant 47 : i32
        %get3A_1677 = arith.index_cast %get3A_1676 : i32 to index
        %get3A_1678 = arith.constant 32 : index
        %get3A_1679 = tpu.vector_load %arg8[%get3A_1677, %get3A_1678] {strides = array<i32>} : memref<64x64xf32, #tpu.memory_space<vmem>>, vector<1x16xf32>,
        %get3A_1680 = vector.shape_cast %get3A_1679 : vector<1x16xf32> to vector<16xf32>
        %mul3A_1681 = vector.broadcast %squeeze3A_1659 : f32 to vector<16xf32>
        %mul3A_1682 = arith.mulf %mul3A_1681, %get3A_1680 : vector<16xf32>
        %add3A_1683 = arith.addf %add3A_1649, %mul3A_1682 : vector<16xf32>
        %get3A_1684 = arith.constant 47 : i32
        %get3A_1685 = arith.index_cast %get3A_1684 : i32 to index
        %get3A_1686 = arith.constant 48 : index
        %get3A_1687 = tpu.vector_load %arg8[%get3A_1685, %get3A_1686] {strides = array<i32>} : memref<64x64xf32, #tpu.memory_space<vmem>>, vector<1x16xf32>,
        %get3A_1688 = vector.shape_cast %get3A_1687 : vector<1x16xf32> to vector<16xf32>
        %mul3A_1689 = vector.broadcast %squeeze3A_1659 : f32 to vector<16xf32>
        %mul3A_1690 = arith.mulf %mul3A_1689, %get3A_1688 : vector<16xf32>
        %add3A_1691 = arith.addf %add3A_1657, %mul3A_1690 : vector<16xf32>
        %slice3A_1692 = vector.extract_strided_slice %get3A_54 {offsets = [0], sizes = [1], strides = [1]} : vector<16xf32> to vector<1xf32>
        %squeeze3A_1693 = vector.extract %slice3A_1692[0] : f32 from vector<1xf32>
        %get3A_1694 = arith.constant 48 : i32
        %get3A_1695 = arith.index_cast %get3A_1694 : i32 to index
        %get3A_1696 = arith.constant 0 : index
        %get3A_1697 = tpu.vector_load %arg8[%get3A_1695, %get3A_1696] {strides = array<i32>} : memref<64x64xf32, #tpu.memory_space<vmem>>, vector<1x16xf32>,
        %get3A_1698 = vector.shape_cast %get3A_1697 : vector<1x16xf32> to vector<16xf32>
        %mul3A_1699 = vector.broadcast %squeeze3A_1693 : f32 to vector<16xf32>
        %mul3A_1700 = arith.mulf %mul3A_1699, %get3A_1698 : vector<16xf32>
        %add3A_1701 = arith.addf %add3A_1667, %mul3A_1700 : vector<16xf32>
        %get3A_1702 = arith.constant 48 : i32
        %get3A_1703 = arith.index_cast %get3A_1702 : i32 to index
        %get3A_1704 = arith.constant 16 : index
        %get3A_1705 = tpu.vector_load %arg8[%get3A_1703, %get3A_1704] {strides = array<i32>} : memref<64x64xf32, #tpu.memory_space<vmem>>, vector<1x16xf32>,
        %get3A_1706 = vector.shape_cast %get3A_1705 : vector<1x16xf32> to vector<16xf32>
        %mul3A_1707 = vector.broadcast %squeeze3A_1693 : f32 to vector<16xf32>
        %mul3A_1708 = arith.mulf %mul3A_1707, %get3A_1706 : vector<16xf32>
        %add3A_1709 = arith.addf %add3A_1675, %mul3A_1708 : vector<16xf32>
        %get3A_1710 = arith.constant 48 : i32
        %get3A_1711 = arith.index_cast %get3A_1710 : i32 to index
        %get3A_1712 = arith.constant 32 : index
        %get3A_1713 = tpu.vector_load %arg8[%get3A_1711, %get3A_1712] {strides = array<i32>} : memref<64x64xf32, #tpu.memory_space<vmem>>, vector<1x16xf32>,
        %get3A_1714 = vector.shape_cast %get3A_1713 : vector<1x16xf32> to vector<16xf32>
        %mul3A_1715 = vector.broadcast %squeeze3A_1693 : f32 to vector<16xf32>
        %mul3A_1716 = arith.mulf %mul3A_1715, %get3A_1714 : vector<16xf32>
        %add3A_1717 = arith.addf %add3A_1683, %mul3A_1716 : vector<16xf32>
        %get3A_1718 = arith.constant 48 : i32
        %get3A_1719 = arith.index_cast %get3A_1718 : i32 to index
        %get3A_1720 = arith.constant 48 : index
        %get3A_1721 = tpu.vector_load %arg8[%get3A_1719, %get3A_1720] {strides = array<i32>} : memref<64x64xf32, #tpu.memory_space<vmem>>, vector<1x16xf32>,
        %get3A_1722 = vector.shape_cast %get3A_1721 : vector<1x16xf32> to vector<16xf32>
        %mul3A_1723 = vector.broadcast %squeeze3A_1693 : f32 to vector<16xf32>
        %mul3A_1724 = arith.mulf %mul3A_1723, %get3A_1722 : vector<16xf32>
        %add3A_1725 = arith.addf %add3A_1691, %mul3A_1724 : vector<16xf32>
        %slice3A_1726 = vector.extract_strided_slice %get3A_54 {offsets = [1], sizes = [1], strides = [1]} : vector<16xf32> to vector<1xf32>
        %squeeze3A_1727 = vector.extract %slice3A_1726[0] : f32 from vector<1xf32>
        %get3A_1728 = arith.constant 49 : i32
        %get3A_1729 = arith.index_cast %get3A_1728 : i32 to index
        %get3A_1730 = arith.constant 0 : index
        %get3A_1731 = tpu.vector_load %arg8[%get3A_1729, %get3A_1730] {strides = array<i32>} : memref<64x64xf32, #tpu.memory_space<vmem>>, vector<1x16xf32>,
        %get3A_1732 = vector.shape_cast %get3A_1731 : vector<1x16xf32> to vector<16xf32>
        %mul3A_1733 = vector.broadcast %squeeze3A_1727 : f32 to vector<16xf32>
        %mul3A_1734 = arith.mulf %mul3A_1733, %get3A_1732 : vector<16xf32>
        %add3A_1735 = arith.addf %add3A_1701, %mul3A_1734 : vector<16xf32>
        %get3A_1736 = arith.constant 49 : i32
        %get3A_1737 = arith.index_cast %get3A_1736 : i32 to index
        %get3A_1738 = arith.constant 16 : index
        %get3A_1739 = tpu.vector_load %arg8[%get3A_1737, %get3A_1738] {strides = array<i32>} : memref<64x64xf32, #tpu.memory_space<vmem>>, vector<1x16xf32>,
        %get3A_1740 = vector.shape_cast %get3A_1739 : vector<1x16xf32> to vector<16xf32>
        %mul3A_1741 = vector.broadcast %squeeze3A_1727 : f32 to vector<16xf32>
        %mul3A_1742 = arith.mulf %mul3A_1741, %get3A_1740 : vector<16xf32>
        %add3A_1743 = arith.addf %add3A_1709, %mul3A_1742 : vector<16xf32>
        %get3A_1744 = arith.constant 49 : i32
        %get3A_1745 = arith.index_cast %get3A_1744 : i32 to index
        %get3A_1746 = arith.constant 32 : index
        %get3A_1747 = tpu.vector_load %arg8[%get3A_1745, %get3A_1746] {strides = array<i32>} : memref<64x64xf32, #tpu.memory_space<vmem>>, vector<1x16xf32>,
        %get3A_1748 = vector.shape_cast %get3A_1747 : vector<1x16xf32> to vector<16xf32>
        %mul3A_1749 = vector.broadcast %squeeze3A_1727 : f32 to vector<16xf32>
        %mul3A_1750 = arith.mulf %mul3A_1749, %get3A_1748 : vector<16xf32>
        %add3A_1751 = arith.addf %add3A_1717, %mul3A_1750 : vector<16xf32>
        %get3A_1752 = arith.constant 49 : i32
        %get3A_1753 = arith.index_cast %get3A_1752 : i32 to index
        %get3A_1754 = arith.constant 48 : index
        %get3A_1755 = tpu.vector_load %arg8[%get3A_1753, %get3A_1754] {strides = array<i32>} : memref<64x64xf32, #tpu.memory_space<vmem>>, vector<1x16xf32>,
        %get3A_1756 = vector.shape_cast %get3A_1755 : vector<1x16xf32> to vector<16xf32>
        %mul3A_1757 = vector.broadcast %squeeze3A_1727 : f32 to vector<16xf32>
        %mul3A_1758 = arith.mulf %mul3A_1757, %get3A_1756 : vector<16xf32>
        %add3A_1759 = arith.addf %add3A_1725, %mul3A_1758 : vector<16xf32>
        %slice3A_1760 = vector.extract_strided_slice %get3A_54 {offsets = [2], sizes = [1], strides = [1]} : vector<16xf32> to vector<1xf32>
        %squeeze3A_1761 = vector.extract %slice3A_1760[0] : f32 from vector<1xf32>
        %get3A_1762 = arith.constant 50 : i32
        %get3A_1763 = arith.index_cast %get3A_1762 : i32 to index
        %get3A_1764 = arith.constant 0 : index
        %get3A_1765 = tpu.vector_load %arg8[%get3A_1763, %get3A_1764] {strides = array<i32>} : memref<64x64xf32, #tpu.memory_space<vmem>>, vector<1x16xf32>,
        %get3A_1766 = vector.shape_cast %get3A_1765 : vector<1x16xf32> to vector<16xf32>
        %mul3A_1767 = vector.broadcast %squeeze3A_1761 : f32 to vector<16xf32>
        %mul3A_1768 = arith.mulf %mul3A_1767, %get3A_1766 : vector<16xf32>
        %add3A_1769 = arith.addf %add3A_1735, %mul3A_1768 : vector<16xf32>
        %get3A_1770 = arith.constant 50 : i32
        %get3A_1771 = arith.index_cast %get3A_1770 : i32 to index
        %get3A_1772 = arith.constant 16 : index
        %get3A_1773 = tpu.vector_load %arg8[%get3A_1771, %get3A_1772] {strides = array<i32>} : memref<64x64xf32, #tpu.memory_space<vmem>>, vector<1x16xf32>,
        %get3A_1774 = vector.shape_cast %get3A_1773 : vector<1x16xf32> to vector<16xf32>
        %mul3A_1775 = vector.broadcast %squeeze3A_1761 : f32 to vector<16xf32>
        %mul3A_1776 = arith.mulf %mul3A_1775, %get3A_1774 : vector<16xf32>
        %add3A_1777 = arith.addf %add3A_1743, %mul3A_1776 : vector<16xf32>
        %get3A_1778 = arith.constant 50 : i32
        %get3A_1779 = arith.index_cast %get3A_1778 : i32 to index
        %get3A_1780 = arith.constant 32 : index
        %get3A_1781 = tpu.vector_load %arg8[%get3A_1779, %get3A_1780] {strides = array<i32>} : memref<64x64xf32, #tpu.memory_space<vmem>>, vector<1x16xf32>,
        %get3A_1782 = vector.shape_cast %get3A_1781 : vector<1x16xf32> to vector<16xf32>
        %mul3A_1783 = vector.broadcast %squeeze3A_1761 : f32 to vector<16xf32>
        %mul3A_1784 = arith.mulf %mul3A_1783, %get3A_1782 : vector<16xf32>
        %add3A_1785 = arith.addf %add3A_1751, %mul3A_1784 : vector<16xf32>
        %get3A_1786 = arith.constant 50 : i32
        %get3A_1787 = arith.index_cast %get3A_1786 : i32 to index
        %get3A_1788 = arith.constant 48 : index
        %get3A_1789 = tpu.vector_load %arg8[%get3A_1787, %get3A_1788] {strides = array<i32>} : memref<64x64xf32, #tpu.memory_space<vmem>>, vector<1x16xf32>,
        %get3A_1790 = vector.shape_cast %get3A_1789 : vector<1x16xf32> to vector<16xf32>
        %mul3A_1791 = vector.broadcast %squeeze3A_1761 : f32 to vector<16xf32>
        %mul3A_1792 = arith.mulf %mul3A_1791, %get3A_1790 : vector<16xf32>
        %add3A_1793 = arith.addf %add3A_1759, %mul3A_1792 : vector<16xf32>
        %slice3A_1794 = vector.extract_strided_slice %get3A_54 {offsets = [3], sizes = [1], strides = [1]} : vector<16xf32> to vector<1xf32>
        %squeeze3A_1795 = vector.extract %slice3A_1794[0] : f32 from vector<1xf32>
        %get3A_1796 = arith.constant 51 : i32
        %get3A_1797 = arith.index_cast %get3A_1796 : i32 to index
        %get3A_1798 = arith.constant 0 : index
        %get3A_1799 = tpu.vector_load %arg8[%get3A_1797, %get3A_1798] {strides = array<i32>} : memref<64x64xf32, #tpu.memory_space<vmem>>, vector<1x16xf32>,
        %get3A_1800 = vector.shape_cast %get3A_1799 : vector<1x16xf32> to vector<16xf32>
        %mul3A_1801 = vector.broadcast %squeeze3A_1795 : f32 to vector<16xf32>
        %mul3A_1802 = arith.mulf %mul3A_1801, %get3A_1800 : vector<16xf32>
        %add3A_1803 = arith.addf %add3A_1769, %mul3A_1802 : vector<16xf32>
        %get3A_1804 = arith.constant 51 : i32
        %get3A_1805 = arith.index_cast %get3A_1804 : i32 to index
        %get3A_1806 = arith.constant 16 : index
        %get3A_1807 = tpu.vector_load %arg8[%get3A_1805, %get3A_1806] {strides = array<i32>} : memref<64x64xf32, #tpu.memory_space<vmem>>, vector<1x16xf32>,
        %get3A_1808 = vector.shape_cast %get3A_1807 : vector<1x16xf32> to vector<16xf32>
        %mul3A_1809 = vector.broadcast %squeeze3A_1795 : f32 to vector<16xf32>
        %mul3A_1810 = arith.mulf %mul3A_1809, %get3A_1808 : vector<16xf32>
        %add3A_1811 = arith.addf %add3A_1777, %mul3A_1810 : vector<16xf32>
        %get3A_1812 = arith.constant 51 : i32
        %get3A_1813 = arith.index_cast %get3A_1812 : i32 to index
        %get3A_1814 = arith.constant 32 : index
        %get3A_1815 = tpu.vector_load %arg8[%get3A_1813, %get3A_1814] {strides = array<i32>} : memref<64x64xf32, #tpu.memory_space<vmem>>, vector<1x16xf32>,
        %get3A_1816 = vector.shape_cast %get3A_1815 : vector<1x16xf32> to vector<16xf32>
        %mul3A_1817 = vector.broadcast %squeeze3A_1795 : f32 to vector<16xf32>
        %mul3A_1818 = arith.mulf %mul3A_1817, %get3A_1816 : vector<16xf32>
        %add3A_1819 = arith.addf %add3A_1785, %mul3A_1818 : vector<16xf32>
        %get3A_1820 = arith.constant 51 : i32
        %get3A_1821 = arith.index_cast %get3A_1820 : i32 to index
        %get3A_1822 = arith.constant 48 : index
        %get3A_1823 = tpu.vector_load %arg8[%get3A_1821, %get3A_1822] {strides = array<i32>} : memref<64x64xf32, #tpu.memory_space<vmem>>, vector<1x16xf32>,
        %get3A_1824 = vector.shape_cast %get3A_1823 : vector<1x16xf32> to vector<16xf32>
        %mul3A_1825 = vector.broadcast %squeeze3A_1795 : f32 to vector<16xf32>
        %mul3A_1826 = arith.mulf %mul3A_1825, %get3A_1824 : vector<16xf32>
        %add3A_1827 = arith.addf %add3A_1793, %mul3A_1826 : vector<16xf32>
        %slice3A_1828 = vector.extract_strided_slice %get3A_54 {offsets = [4], sizes = [1], strides = [1]} : vector<16xf32> to vector<1xf32>
        %squeeze3A_1829 = vector.extract %slice3A_1828[0] : f32 from vector<1xf32>
        %get3A_1830 = arith.constant 52 : i32
        %get3A_1831 = arith.index_cast %get3A_1830 : i32 to index
        %get3A_1832 = arith.constant 0 : index
        %get3A_1833 = tpu.vector_load %arg8[%get3A_1831, %get3A_1832] {strides = array<i32>} : memref<64x64xf32, #tpu.memory_space<vmem>>, vector<1x16xf32>,
        %get3A_1834 = vector.shape_cast %get3A_1833 : vector<1x16xf32> to vector<16xf32>
        %mul3A_1835 = vector.broadcast %squeeze3A_1829 : f32 to vector<16xf32>
        %mul3A_1836 = arith.mulf %mul3A_1835, %get3A_1834 : vector<16xf32>
        %add3A_1837 = arith.addf %add3A_1803, %mul3A_1836 : vector<16xf32>
        %get3A_1838 = arith.constant 52 : i32
        %get3A_1839 = arith.index_cast %get3A_1838 : i32 to index
        %get3A_1840 = arith.constant 16 : index
        %get3A_1841 = tpu.vector_load %arg8[%get3A_1839, %get3A_1840] {strides = array<i32>} : memref<64x64xf32, #tpu.memory_space<vmem>>, vector<1x16xf32>,
        %get3A_1842 = vector.shape_cast %get3A_1841 : vector<1x16xf32> to vector<16xf32>
        %mul3A_1843 = vector.broadcast %squeeze3A_1829 : f32 to vector<16xf32>
        %mul3A_1844 = arith.mulf %mul3A_1843, %get3A_1842 : vector<16xf32>
        %add3A_1845 = arith.addf %add3A_1811, %mul3A_1844 : vector<16xf32>
        %get3A_1846 = arith.constant 52 : i32
        %get3A_1847 = arith.index_cast %get3A_1846 : i32 to index
        %get3A_1848 = arith.constant 32 : index
        %get3A_1849 = tpu.vector_load %arg8[%get3A_1847, %get3A_1848] {strides = array<i32>} : memref<64x64xf32, #tpu.memory_space<vmem>>, vector<1x16xf32>,
        %get3A_1850 = vector.shape_cast %get3A_1849 : vector<1x16xf32> to vector<16xf32>
        %mul3A_1851 = vector.broadcast %squeeze3A_1829 : f32 to vector<16xf32>
        %mul3A_1852 = arith.mulf %mul3A_1851, %get3A_1850 : vector<16xf32>
        %add3A_1853 = arith.addf %add3A_1819, %mul3A_1852 : vector<16xf32>
        %get3A_1854 = arith.constant 52 : i32
        %get3A_1855 = arith.index_cast %get3A_1854 : i32 to index
        %get3A_1856 = arith.constant 48 : index
        %get3A_1857 = tpu.vector_load %arg8[%get3A_1855, %get3A_1856] {strides = array<i32>} : memref<64x64xf32, #tpu.memory_space<vmem>>, vector<1x16xf32>,
        %get3A_1858 = vector.shape_cast %get3A_1857 : vector<1x16xf32> to vector<16xf32>
        %mul3A_1859 = vector.broadcast %squeeze3A_1829 : f32 to vector<16xf32>
        %mul3A_1860 = arith.mulf %mul3A_1859, %get3A_1858 : vector<16xf32>
        %add3A_1861 = arith.addf %add3A_1827, %mul3A_1860 : vector<16xf32>
        %slice3A_1862 = vector.extract_strided_slice %get3A_54 {offsets = [5], sizes = [1], strides = [1]} : vector<16xf32> to vector<1xf32>
        %squeeze3A_1863 = vector.extract %slice3A_1862[0] : f32 from vector<1xf32>
        %get3A_1864 = arith.constant 53 : i32
        %get3A_1865 = arith.index_cast %get3A_1864 : i32 to index
        %get3A_1866 = arith.constant 0 : index
        %get3A_1867 = tpu.vector_load %arg8[%get3A_1865, %get3A_1866] {strides = array<i32>} : memref<64x64xf32, #tpu.memory_space<vmem>>, vector<1x16xf32>,
        %get3A_1868 = vector.shape_cast %get3A_1867 : vector<1x16xf32> to vector<16xf32>
        %mul3A_1869 = vector.broadcast %squeeze3A_1863 : f32 to vector<16xf32>
        %mul3A_1870 = arith.mulf %mul3A_1869, %get3A_1868 : vector<16xf32>
        %add3A_1871 = arith.addf %add3A_1837, %mul3A_1870 : vector<16xf32>
        %get3A_1872 = arith.constant 53 : i32
        %get3A_1873 = arith.index_cast %get3A_1872 : i32 to index
        %get3A_1874 = arith.constant 16 : index
        %get3A_1875 = tpu.vector_load %arg8[%get3A_1873, %get3A_1874] {strides = array<i32>} : memref<64x64xf32, #tpu.memory_space<vmem>>, vector<1x16xf32>,
        %get3A_1876 = vector.shape_cast %get3A_1875 : vector<1x16xf32> to vector<16xf32>
        %mul3A_1877 = vector.broadcast %squeeze3A_1863 : f32 to vector<16xf32>
        %mul3A_1878 = arith.mulf %mul3A_1877, %get3A_1876 : vector<16xf32>
        %add3A_1879 = arith.addf %add3A_1845, %mul3A_1878 : vector<16xf32>
        %get3A_1880 = arith.constant 53 : i32
        %get3A_1881 = arith.index_cast %get3A_1880 : i32 to index
        %get3A_1882 = arith.constant 32 : index
        %get3A_1883 = tpu.vector_load %arg8[%get3A_1881, %get3A_1882] {strides = array<i32>} : memref<64x64xf32, #tpu.memory_space<vmem>>, vector<1x16xf32>,
        %get3A_1884 = vector.shape_cast %get3A_1883 : vector<1x16xf32> to vector<16xf32>
        %mul3A_1885 = vector.broadcast %squeeze3A_1863 : f32 to vector<16xf32>
        %mul3A_1886 = arith.mulf %mul3A_1885, %get3A_1884 : vector<16xf32>
        %add3A_1887 = arith.addf %add3A_1853, %mul3A_1886 : vector<16xf32>
        %get3A_1888 = arith.constant 53 : i32
        %get3A_1889 = arith.index_cast %get3A_1888 : i32 to index
        %get3A_1890 = arith.constant 48 : index
        %get3A_1891 = tpu.vector_load %arg8[%get3A_1889, %get3A_1890] {strides = array<i32>} : memref<64x64xf32, #tpu.memory_space<vmem>>, vector<1x16xf32>,
        %get3A_1892 = vector.shape_cast %get3A_1891 : vector<1x16xf32> to vector<16xf32>
        %mul3A_1893 = vector.broadcast %squeeze3A_1863 : f32 to vector<16xf32>
        %mul3A_1894 = arith.mulf %mul3A_1893, %get3A_1892 : vector<16xf32>
        %add3A_1895 = arith.addf %add3A_1861, %mul3A_1894 : vector<16xf32>
        %slice3A_1896 = vector.extract_strided_slice %get3A_54 {offsets = [6], sizes = [1], strides = [1]} : vector<16xf32> to vector<1xf32>
        %squeeze3A_1897 = vector.extract %slice3A_1896[0] : f32 from vector<1xf32>
        %get3A_1898 = arith.constant 54 : i32
        %get3A_1899 = arith.index_cast %get3A_1898 : i32 to index
        %get3A_1900 = arith.constant 0 : index
        %get3A_1901 = tpu.vector_load %arg8[%get3A_1899, %get3A_1900] {strides = array<i32>} : memref<64x64xf32, #tpu.memory_space<vmem>>, vector<1x16xf32>,
        %get3A_1902 = vector.shape_cast %get3A_1901 : vector<1x16xf32> to vector<16xf32>
        %mul3A_1903 = vector.broadcast %squeeze3A_1897 : f32 to vector<16xf32>
        %mul3A_1904 = arith.mulf %mul3A_1903, %get3A_1902 : vector<16xf32>
        %add3A_1905 = arith.addf %add3A_1871, %mul3A_1904 : vector<16xf32>
        %get3A_1906 = arith.constant 54 : i32
        %get3A_1907 = arith.index_cast %get3A_1906 : i32 to index
        %get3A_1908 = arith.constant 16 : index
        %get3A_1909 = tpu.vector_load %arg8[%get3A_1907, %get3A_1908] {strides = array<i32>} : memref<64x64xf32, #tpu.memory_space<vmem>>, vector<1x16xf32>,
        %get3A_1910 = vector.shape_cast %get3A_1909 : vector<1x16xf32> to vector<16xf32>
        %mul3A_1911 = vector.broadcast %squeeze3A_1897 : f32 to vector<16xf32>
        %mul3A_1912 = arith.mulf %mul3A_1911, %get3A_1910 : vector<16xf32>
        %add3A_1913 = arith.addf %add3A_1879, %mul3A_1912 : vector<16xf32>
        %get3A_1914 = arith.constant 54 : i32
        %get3A_1915 = arith.index_cast %get3A_1914 : i32 to index
        %get3A_1916 = arith.constant 32 : index
        %get3A_1917 = tpu.vector_load %arg8[%get3A_1915, %get3A_1916] {strides = array<i32>} : memref<64x64xf32, #tpu.memory_space<vmem>>, vector<1x16xf32>,
        %get3A_1918 = vector.shape_cast %get3A_1917 : vector<1x16xf32> to vector<16xf32>
        %mul3A_1919 = vector.broadcast %squeeze3A_1897 : f32 to vector<16xf32>
        %mul3A_1920 = arith.mulf %mul3A_1919, %get3A_1918 : vector<16xf32>
        %add3A_1921 = arith.addf %add3A_1887, %mul3A_1920 : vector<16xf32>
        %get3A_1922 = arith.constant 54 : i32
        %get3A_1923 = arith.index_cast %get3A_1922 : i32 to index
        %get3A_1924 = arith.constant 48 : index
        %get3A_1925 = tpu.vector_load %arg8[%get3A_1923, %get3A_1924] {strides = array<i32>} : memref<64x64xf32, #tpu.memory_space<vmem>>, vector<1x16xf32>,
        %get3A_1926 = vector.shape_cast %get3A_1925 : vector<1x16xf32> to vector<16xf32>
        %mul3A_1927 = vector.broadcast %squeeze3A_1897 : f32 to vector<16xf32>
        %mul3A_1928 = arith.mulf %mul3A_1927, %get3A_1926 : vector<16xf32>
        %add3A_1929 = arith.addf %add3A_1895, %mul3A_1928 : vector<16xf32>
        %slice3A_1930 = vector.extract_strided_slice %get3A_54 {offsets = [7], sizes = [1], strides = [1]} : vector<16xf32> to vector<1xf32>
        %squeeze3A_1931 = vector.extract %slice3A_1930[0] : f32 from vector<1xf32>
        %get3A_1932 = arith.constant 55 : i32
        %get3A_1933 = arith.index_cast %get3A_1932 : i32 to index
        %get3A_1934 = arith.constant 0 : index
        %get3A_1935 = tpu.vector_load %arg8[%get3A_1933, %get3A_1934] {strides = array<i32>} : memref<64x64xf32, #tpu.memory_space<vmem>>, vector<1x16xf32>,
        %get3A_1936 = vector.shape_cast %get3A_1935 : vector<1x16xf32> to vector<16xf32>
        %mul3A_1937 = vector.broadcast %squeeze3A_1931 : f32 to vector<16xf32>
        %mul3A_1938 = arith.mulf %mul3A_1937, %get3A_1936 : vector<16xf32>
        %add3A_1939 = arith.addf %add3A_1905, %mul3A_1938 : vector<16xf32>
        %get3A_1940 = arith.constant 55 : i32
        %get3A_1941 = arith.index_cast %get3A_1940 : i32 to index
        %get3A_1942 = arith.constant 16 : index
        %get3A_1943 = tpu.vector_load %arg8[%get3A_1941, %get3A_1942] {strides = array<i32>} : memref<64x64xf32, #tpu.memory_space<vmem>>, vector<1x16xf32>,
        %get3A_1944 = vector.shape_cast %get3A_1943 : vector<1x16xf32> to vector<16xf32>
        %mul3A_1945 = vector.broadcast %squeeze3A_1931 : f32 to vector<16xf32>
        %mul3A_1946 = arith.mulf %mul3A_1945, %get3A_1944 : vector<16xf32>
        %add3A_1947 = arith.addf %add3A_1913, %mul3A_1946 : vector<16xf32>
        %get3A_1948 = arith.constant 55 : i32
        %get3A_1949 = arith.index_cast %get3A_1948 : i32 to index
        %get3A_1950 = arith.constant 32 : index
        %get3A_1951 = tpu.vector_load %arg8[%get3A_1949, %get3A_1950] {strides = array<i32>} : memref<64x64xf32, #tpu.memory_space<vmem>>, vector<1x16xf32>,
        %get3A_1952 = vector.shape_cast %get3A_1951 : vector<1x16xf32> to vector<16xf32>
        %mul3A_1953 = vector.broadcast %squeeze3A_1931 : f32 to vector<16xf32>
        %mul3A_1954 = arith.mulf %mul3A_1953, %get3A_1952 : vector<16xf32>
        %add3A_1955 = arith.addf %add3A_1921, %mul3A_1954 : vector<16xf32>
        %get3A_1956 = arith.constant 55 : i32
        %get3A_1957 = arith.index_cast %get3A_1956 : i32 to index
        %get3A_1958 = arith.constant 48 : index
        %get3A_1959 = tpu.vector_load %arg8[%get3A_1957, %get3A_1958] {strides = array<i32>} : memref<64x64xf32, #tpu.memory_space<vmem>>, vector<1x16xf32>,
        %get3A_1960 = vector.shape_cast %get3A_1959 : vector<1x16xf32> to vector<16xf32>
        %mul3A_1961 = vector.broadcast %squeeze3A_1931 : f32 to vector<16xf32>
        %mul3A_1962 = arith.mulf %mul3A_1961, %get3A_1960 : vector<16xf32>
        %add3A_1963 = arith.addf %add3A_1929, %mul3A_1962 : vector<16xf32>
        %slice3A_1964 = vector.extract_strided_slice %get3A_54 {offsets = [8], sizes = [1], strides = [1]} : vector<16xf32> to vector<1xf32>
        %squeeze3A_1965 = vector.extract %slice3A_1964[0] : f32 from vector<1xf32>
        %get3A_1966 = arith.constant 56 : i32
        %get3A_1967 = arith.index_cast %get3A_1966 : i32 to index
        %get3A_1968 = arith.constant 0 : index
        %get3A_1969 = tpu.vector_load %arg8[%get3A_1967, %get3A_1968] {strides = array<i32>} : memref<64x64xf32, #tpu.memory_space<vmem>>, vector<1x16xf32>,
        %get3A_1970 = vector.shape_cast %get3A_1969 : vector<1x16xf32> to vector<16xf32>
        %mul3A_1971 = vector.broadcast %squeeze3A_1965 : f32 to vector<16xf32>
        %mul3A_1972 = arith.mulf %mul3A_1971, %get3A_1970 : vector<16xf32>
        %add3A_1973 = arith.addf %add3A_1939, %mul3A_1972 : vector<16xf32>
        %get3A_1974 = arith.constant 56 : i32
        %get3A_1975 = arith.index_cast %get3A_1974 : i32 to index
        %get3A_1976 = arith.constant 16 : index
        %get3A_1977 = tpu.vector_load %arg8[%get3A_1975, %get3A_1976] {strides = array<i32>} : memref<64x64xf32, #tpu.memory_space<vmem>>, vector<1x16xf32>,
        %get3A_1978 = vector.shape_cast %get3A_1977 : vector<1x16xf32> to vector<16xf32>
        %mul3A_1979 = vector.broadcast %squeeze3A_1965 : f32 to vector<16xf32>
        %mul3A_1980 = arith.mulf %mul3A_1979, %get3A_1978 : vector<16xf32>
        %add3A_1981 = arith.addf %add3A_1947, %mul3A_1980 : vector<16xf32>
        %get3A_1982 = arith.constant 56 : i32
        %get3A_1983 = arith.index_cast %get3A_1982 : i32 to index
        %get3A_1984 = arith.constant 32 : index
        %get3A_1985 = tpu.vector_load %arg8[%get3A_1983, %get3A_1984] {strides = array<i32>} : memref<64x64xf32, #tpu.memory_space<vmem>>, vector<1x16xf32>,
        %get3A_1986 = vector.shape_cast %get3A_1985 : vector<1x16xf32> to vector<16xf32>
        %mul3A_1987 = vector.broadcast %squeeze3A_1965 : f32 to vector<16xf32>
        %mul3A_1988 = arith.mulf %mul3A_1987, %get3A_1986 : vector<16xf32>
        %add3A_1989 = arith.addf %add3A_1955, %mul3A_1988 : vector<16xf32>
        %get3A_1990 = arith.constant 56 : i32
        %get3A_1991 = arith.index_cast %get3A_1990 : i32 to index
        %get3A_1992 = arith.constant 48 : index
        %get3A_1993 = tpu.vector_load %arg8[%get3A_1991, %get3A_1992] {strides = array<i32>} : memref<64x64xf32, #tpu.memory_space<vmem>>, vector<1x16xf32>,
        %get3A_1994 = vector.shape_cast %get3A_1993 : vector<1x16xf32> to vector<16xf32>
        %mul3A_1995 = vector.broadcast %squeeze3A_1965 : f32 to vector<16xf32>
        %mul3A_1996 = arith.mulf %mul3A_1995, %get3A_1994 : vector<16xf32>
        %add3A_1997 = arith.addf %add3A_1963, %mul3A_1996 : vector<16xf32>
        %slice3A_1998 = vector.extract_strided_slice %get3A_54 {offsets = [9], sizes = [1], strides = [1]} : vector<16xf32> to vector<1xf32>
        %squeeze3A_1999 = vector.extract %slice3A_1998[0] : f32 from vector<1xf32>
        %get3A_2000 = arith.constant 57 : i32
        %get3A_2001 = arith.index_cast %get3A_2000 : i32 to index
        %get3A_2002 = arith.constant 0 : index
        %get3A_2003 = tpu.vector_load %arg8[%get3A_2001, %get3A_2002] {strides = array<i32>} : memref<64x64xf32, #tpu.memory_space<vmem>>, vector<1x16xf32>,
        %get3A_2004 = vector.shape_cast %get3A_2003 : vector<1x16xf32> to vector<16xf32>
        %mul3A_2005 = vector.broadcast %squeeze3A_1999 : f32 to vector<16xf32>
        %mul3A_2006 = arith.mulf %mul3A_2005, %get3A_2004 : vector<16xf32>
        %add3A_2007 = arith.addf %add3A_1973, %mul3A_2006 : vector<16xf32>
        %get3A_2008 = arith.constant 57 : i32
        %get3A_2009 = arith.index_cast %get3A_2008 : i32 to index
        %get3A_2010 = arith.constant 16 : index
        %get3A_2011 = tpu.vector_load %arg8[%get3A_2009, %get3A_2010] {strides = array<i32>} : memref<64x64xf32, #tpu.memory_space<vmem>>, vector<1x16xf32>,
        %get3A_2012 = vector.shape_cast %get3A_2011 : vector<1x16xf32> to vector<16xf32>
        %mul3A_2013 = vector.broadcast %squeeze3A_1999 : f32 to vector<16xf32>
        %mul3A_2014 = arith.mulf %mul3A_2013, %get3A_2012 : vector<16xf32>
        %add3A_2015 = arith.addf %add3A_1981, %mul3A_2014 : vector<16xf32>
        %get3A_2016 = arith.constant 57 : i32
        %get3A_2017 = arith.index_cast %get3A_2016 : i32 to index
        %get3A_2018 = arith.constant 32 : index
        %get3A_2019 = tpu.vector_load %arg8[%get3A_2017, %get3A_2018] {strides = array<i32>} : memref<64x64xf32, #tpu.memory_space<vmem>>, vector<1x16xf32>,
        %get3A_2020 = vector.shape_cast %get3A_2019 : vector<1x16xf32> to vector<16xf32>
        %mul3A_2021 = vector.broadcast %squeeze3A_1999 : f32 to vector<16xf32>
        %mul3A_2022 = arith.mulf %mul3A_2021, %get3A_2020 : vector<16xf32>
        %add3A_2023 = arith.addf %add3A_1989, %mul3A_2022 : vector<16xf32>
        %get3A_2024 = arith.constant 57 : i32
        %get3A_2025 = arith.index_cast %get3A_2024 : i32 to index
        %get3A_2026 = arith.constant 48 : index
        %get3A_2027 = tpu.vector_load %arg8[%get3A_2025, %get3A_2026] {strides = array<i32>} : memref<64x64xf32, #tpu.memory_space<vmem>>, vector<1x16xf32>,
        %get3A_2028 = vector.shape_cast %get3A_2027 : vector<1x16xf32> to vector<16xf32>
        %mul3A_2029 = vector.broadcast %squeeze3A_1999 : f32 to vector<16xf32>
        %mul3A_2030 = arith.mulf %mul3A_2029, %get3A_2028 : vector<16xf32>
        %add3A_2031 = arith.addf %add3A_1997, %mul3A_2030 : vector<16xf32>
        %slice3A_2032 = vector.extract_strided_slice %get3A_54 {offsets = [10], sizes = [1], strides = [1]} : vector<16xf32> to vector<1xf32>
        %squeeze3A_2033 = vector.extract %slice3A_2032[0] : f32 from vector<1xf32>
        %get3A_2034 = arith.constant 58 : i32
        %get3A_2035 = arith.index_cast %get3A_2034 : i32 to index
        %get3A_2036 = arith.constant 0 : index
        %get3A_2037 = tpu.vector_load %arg8[%get3A_2035, %get3A_2036] {strides = array<i32>} : memref<64x64xf32, #tpu.memory_space<vmem>>, vector<1x16xf32>,
        %get3A_2038 = vector.shape_cast %get3A_2037 : vector<1x16xf32> to vector<16xf32>
        %mul3A_2039 = vector.broadcast %squeeze3A_2033 : f32 to vector<16xf32>
        %mul3A_2040 = arith.mulf %mul3A_2039, %get3A_2038 : vector<16xf32>
        %add3A_2041 = arith.addf %add3A_2007, %mul3A_2040 : vector<16xf32>
        %get3A_2042 = arith.constant 58 : i32
        %get3A_2043 = arith.index_cast %get3A_2042 : i32 to index
        %get3A_2044 = arith.constant 16 : index
        %get3A_2045 = tpu.vector_load %arg8[%get3A_2043, %get3A_2044] {strides = array<i32>} : memref<64x64xf32, #tpu.memory_space<vmem>>, vector<1x16xf32>,
        %get3A_2046 = vector.shape_cast %get3A_2045 : vector<1x16xf32> to vector<16xf32>
        %mul3A_2047 = vector.broadcast %squeeze3A_2033 : f32 to vector<16xf32>
        %mul3A_2048 = arith.mulf %mul3A_2047, %get3A_2046 : vector<16xf32>
        %add3A_2049 = arith.addf %add3A_2015, %mul3A_2048 : vector<16xf32>
        %get3A_2050 = arith.constant 58 : i32
        %get3A_2051 = arith.index_cast %get3A_2050 : i32 to index
        %get3A_2052 = arith.constant 32 : index
        %get3A_2053 = tpu.vector_load %arg8[%get3A_2051, %get3A_2052] {strides = array<i32>} : memref<64x64xf32, #tpu.memory_space<vmem>>, vector<1x16xf32>,
        %get3A_2054 = vector.shape_cast %get3A_2053 : vector<1x16xf32> to vector<16xf32>
        %mul3A_2055 = vector.broadcast %squeeze3A_2033 : f32 to vector<16xf32>
        %mul3A_2056 = arith.mulf %mul3A_2055, %get3A_2054 : vector<16xf32>
        %add3A_2057 = arith.addf %add3A_2023, %mul3A_2056 : vector<16xf32>
        %get3A_2058 = arith.constant 58 : i32
        %get3A_2059 = arith.index_cast %get3A_2058 : i32 to index
        %get3A_2060 = arith.constant 48 : index
        %get3A_2061 = tpu.vector_load %arg8[%get3A_2059, %get3A_2060] {strides = array<i32>} : memref<64x64xf32, #tpu.memory_space<vmem>>, vector<1x16xf32>,
        %get3A_2062 = vector.shape_cast %get3A_2061 : vector<1x16xf32> to vector<16xf32>
        %mul3A_2063 = vector.broadcast %squeeze3A_2033 : f32 to vector<16xf32>
        %mul3A_2064 = arith.mulf %mul3A_2063, %get3A_2062 : vector<16xf32>
        %add3A_2065 = arith.addf %add3A_2031, %mul3A_2064 : vector<16xf32>
        %slice3A_2066 = vector.extract_strided_slice %get3A_54 {offsets = [11], sizes = [1], strides = [1]} : vector<16xf32> to vector<1xf32>
        %squeeze3A_2067 = vector.extract %slice3A_2066[0] : f32 from vector<1xf32>
        %get3A_2068 = arith.constant 59 : i32
        %get3A_2069 = arith.index_cast %get3A_2068 : i32 to index
        %get3A_2070 = arith.constant 0 : index
        %get3A_2071 = tpu.vector_load %arg8[%get3A_2069, %get3A_2070] {strides = array<i32>} : memref<64x64xf32, #tpu.memory_space<vmem>>, vector<1x16xf32>,
        %get3A_2072 = vector.shape_cast %get3A_2071 : vector<1x16xf32> to vector<16xf32>
        %mul3A_2073 = vector.broadcast %squeeze3A_2067 : f32 to vector<16xf32>
        %mul3A_2074 = arith.mulf %mul3A_2073, %get3A_2072 : vector<16xf32>
        %add3A_2075 = arith.addf %add3A_2041, %mul3A_2074 : vector<16xf32>
        %get3A_2076 = arith.constant 59 : i32
        %get3A_2077 = arith.index_cast %get3A_2076 : i32 to index
        %get3A_2078 = arith.constant 16 : index
        %get3A_2079 = tpu.vector_load %arg8[%get3A_2077, %get3A_2078] {strides = array<i32>} : memref<64x64xf32, #tpu.memory_space<vmem>>, vector<1x16xf32>,
        %get3A_2080 = vector.shape_cast %get3A_2079 : vector<1x16xf32> to vector<16xf32>
        %mul3A_2081 = vector.broadcast %squeeze3A_2067 : f32 to vector<16xf32>
        %mul3A_2082 = arith.mulf %mul3A_2081, %get3A_2080 : vector<16xf32>
        %add3A_2083 = arith.addf %add3A_2049, %mul3A_2082 : vector<16xf32>
        %get3A_2084 = arith.constant 59 : i32
        %get3A_2085 = arith.index_cast %get3A_2084 : i32 to index
        %get3A_2086 = arith.constant 32 : index
        %get3A_2087 = tpu.vector_load %arg8[%get3A_2085, %get3A_2086] {strides = array<i32>} : memref<64x64xf32, #tpu.memory_space<vmem>>, vector<1x16xf32>,
        %get3A_2088 = vector.shape_cast %get3A_2087 : vector<1x16xf32> to vector<16xf32>
        %mul3A_2089 = vector.broadcast %squeeze3A_2067 : f32 to vector<16xf32>
        %mul3A_2090 = arith.mulf %mul3A_2089, %get3A_2088 : vector<16xf32>
        %add3A_2091 = arith.addf %add3A_2057, %mul3A_2090 : vector<16xf32>
        %get3A_2092 = arith.constant 59 : i32
        %get3A_2093 = arith.index_cast %get3A_2092 : i32 to index
        %get3A_2094 = arith.constant 48 : index
        %get3A_2095 = tpu.vector_load %arg8[%get3A_2093, %get3A_2094] {strides = array<i32>} : memref<64x64xf32, #tpu.memory_space<vmem>>, vector<1x16xf32>,
        %get3A_2096 = vector.shape_cast %get3A_2095 : vector<1x16xf32> to vector<16xf32>
        %mul3A_2097 = vector.broadcast %squeeze3A_2067 : f32 to vector<16xf32>
        %mul3A_2098 = arith.mulf %mul3A_2097, %get3A_2096 : vector<16xf32>
        %add3A_2099 = arith.addf %add3A_2065, %mul3A_2098 : vector<16xf32>
        %slice3A_2100 = vector.extract_strided_slice %get3A_54 {offsets = [12], sizes = [1], strides = [1]} : vector<16xf32> to vector<1xf32>
        %squeeze3A_2101 = vector.extract %slice3A_2100[0] : f32 from vector<1xf32>
        %get3A_2102 = arith.constant 60 : i32
        %get3A_2103 = arith.index_cast %get3A_2102 : i32 to index
        %get3A_2104 = arith.constant 0 : index
        %get3A_2105 = tpu.vector_load %arg8[%get3A_2103, %get3A_2104] {strides = array<i32>} : memref<64x64xf32, #tpu.memory_space<vmem>>, vector<1x16xf32>,
        %get3A_2106 = vector.shape_cast %get3A_2105 : vector<1x16xf32> to vector<16xf32>
        %mul3A_2107 = vector.broadcast %squeeze3A_2101 : f32 to vector<16xf32>
        %mul3A_2108 = arith.mulf %mul3A_2107, %get3A_2106 : vector<16xf32>
        %add3A_2109 = arith.addf %add3A_2075, %mul3A_2108 : vector<16xf32>
        %get3A_2110 = arith.constant 60 : i32
        %get3A_2111 = arith.index_cast %get3A_2110 : i32 to index
        %get3A_2112 = arith.constant 16 : index
        %get3A_2113 = tpu.vector_load %arg8[%get3A_2111, %get3A_2112] {strides = array<i32>} : memref<64x64xf32, #tpu.memory_space<vmem>>, vector<1x16xf32>,
        %get3A_2114 = vector.shape_cast %get3A_2113 : vector<1x16xf32> to vector<16xf32>
        %mul3A_2115 = vector.broadcast %squeeze3A_2101 : f32 to vector<16xf32>
        %mul3A_2116 = arith.mulf %mul3A_2115, %get3A_2114 : vector<16xf32>
        %add3A_2117 = arith.addf %add3A_2083, %mul3A_2116 : vector<16xf32>
        %get3A_2118 = arith.constant 60 : i32
        %get3A_2119 = arith.index_cast %get3A_2118 : i32 to index
        %get3A_2120 = arith.constant 32 : index
        %get3A_2121 = tpu.vector_load %arg8[%get3A_2119, %get3A_2120] {strides = array<i32>} : memref<64x64xf32, #tpu.memory_space<vmem>>, vector<1x16xf32>,
        %get3A_2122 = vector.shape_cast %get3A_2121 : vector<1x16xf32> to vector<16xf32>
        %mul3A_2123 = vector.broadcast %squeeze3A_2101 : f32 to vector<16xf32>
        %mul3A_2124 = arith.mulf %mul3A_2123, %get3A_2122 : vector<16xf32>
        %add3A_2125 = arith.addf %add3A_2091, %mul3A_2124 : vector<16xf32>
        %get3A_2126 = arith.constant 60 : i32
        %get3A_2127 = arith.index_cast %get3A_2126 : i32 to index
        %get3A_2128 = arith.constant 48 : index
        %get3A_2129 = tpu.vector_load %arg8[%get3A_2127, %get3A_2128] {strides = array<i32>} : memref<64x64xf32, #tpu.memory_space<vmem>>, vector<1x16xf32>,
        %get3A_2130 = vector.shape_cast %get3A_2129 : vector<1x16xf32> to vector<16xf32>
        %mul3A_2131 = vector.broadcast %squeeze3A_2101 : f32 to vector<16xf32>
        %mul3A_2132 = arith.mulf %mul3A_2131, %get3A_2130 : vector<16xf32>
        %add3A_2133 = arith.addf %add3A_2099, %mul3A_2132 : vector<16xf32>
        %slice3A_2134 = vector.extract_strided_slice %get3A_54 {offsets = [13], sizes = [1], strides = [1]} : vector<16xf32> to vector<1xf32>
        %squeeze3A_2135 = vector.extract %slice3A_2134[0] : f32 from vector<1xf32>
        %get3A_2136 = arith.constant 61 : i32
        %get3A_2137 = arith.index_cast %get3A_2136 : i32 to index
        %get3A_2138 = arith.constant 0 : index
        %get3A_2139 = tpu.vector_load %arg8[%get3A_2137, %get3A_2138] {strides = array<i32>} : memref<64x64xf32, #tpu.memory_space<vmem>>, vector<1x16xf32>,
        %get3A_2140 = vector.shape_cast %get3A_2139 : vector<1x16xf32> to vector<16xf32>
        %mul3A_2141 = vector.broadcast %squeeze3A_2135 : f32 to vector<16xf32>
        %mul3A_2142 = arith.mulf %mul3A_2141, %get3A_2140 : vector<16xf32>
        %add3A_2143 = arith.addf %add3A_2109, %mul3A_2142 : vector<16xf32>
        %get3A_2144 = arith.constant 61 : i32
        %get3A_2145 = arith.index_cast %get3A_2144 : i32 to index
        %get3A_2146 = arith.constant 16 : index
        %get3A_2147 = tpu.vector_load %arg8[%get3A_2145, %get3A_2146] {strides = array<i32>} : memref<64x64xf32, #tpu.memory_space<vmem>>, vector<1x16xf32>,
        %get3A_2148 = vector.shape_cast %get3A_2147 : vector<1x16xf32> to vector<16xf32>
        %mul3A_2149 = vector.broadcast %squeeze3A_2135 : f32 to vector<16xf32>
        %mul3A_2150 = arith.mulf %mul3A_2149, %get3A_2148 : vector<16xf32>
        %add3A_2151 = arith.addf %add3A_2117, %mul3A_2150 : vector<16xf32>
        %get3A_2152 = arith.constant 61 : i32
        %get3A_2153 = arith.index_cast %get3A_2152 : i32 to index
        %get3A_2154 = arith.constant 32 : index
        %get3A_2155 = tpu.vector_load %arg8[%get3A_2153, %get3A_2154] {strides = array<i32>} : memref<64x64xf32, #tpu.memory_space<vmem>>, vector<1x16xf32>,
        %get3A_2156 = vector.shape_cast %get3A_2155 : vector<1x16xf32> to vector<16xf32>
        %mul3A_2157 = vector.broadcast %squeeze3A_2135 : f32 to vector<16xf32>
        %mul3A_2158 = arith.mulf %mul3A_2157, %get3A_2156 : vector<16xf32>
        %add3A_2159 = arith.addf %add3A_2125, %mul3A_2158 : vector<16xf32>
        %get3A_2160 = arith.constant 61 : i32
        %get3A_2161 = arith.index_cast %get3A_2160 : i32 to index
        %get3A_2162 = arith.constant 48 : index
        %get3A_2163 = tpu.vector_load %arg8[%get3A_2161, %get3A_2162] {strides = array<i32>} : memref<64x64xf32, #tpu.memory_space<vmem>>, vector<1x16xf32>,
        %get3A_2164 = vector.shape_cast %get3A_2163 : vector<1x16xf32> to vector<16xf32>
        %mul3A_2165 = vector.broadcast %squeeze3A_2135 : f32 to vector<16xf32>
        %mul3A_2166 = arith.mulf %mul3A_2165, %get3A_2164 : vector<16xf32>
        %add3A_2167 = arith.addf %add3A_2133, %mul3A_2166 : vector<16xf32>
        %slice3A_2168 = vector.extract_strided_slice %get3A_54 {offsets = [14], sizes = [1], strides = [1]} : vector<16xf32> to vector<1xf32>
        %squeeze3A_2169 = vector.extract %slice3A_2168[0] : f32 from vector<1xf32>
        %get3A_2170 = arith.constant 62 : i32
        %get3A_2171 = arith.index_cast %get3A_2170 : i32 to index
        %get3A_2172 = arith.constant 0 : index
        %get3A_2173 = tpu.vector_load %arg8[%get3A_2171, %get3A_2172] {strides = array<i32>} : memref<64x64xf32, #tpu.memory_space<vmem>>, vector<1x16xf32>,
        %get3A_2174 = vector.shape_cast %get3A_2173 : vector<1x16xf32> to vector<16xf32>
        %mul3A_2175 = vector.broadcast %squeeze3A_2169 : f32 to vector<16xf32>
        %mul3A_2176 = arith.mulf %mul3A_2175, %get3A_2174 : vector<16xf32>
        %add3A_2177 = arith.addf %add3A_2143, %mul3A_2176 : vector<16xf32>
        %get3A_2178 = arith.constant 62 : i32
        %get3A_2179 = arith.index_cast %get3A_2178 : i32 to index
        %get3A_2180 = arith.constant 16 : index
        %get3A_2181 = tpu.vector_load %arg8[%get3A_2179, %get3A_2180] {strides = array<i32>} : memref<64x64xf32, #tpu.memory_space<vmem>>, vector<1x16xf32>,
        %get3A_2182 = vector.shape_cast %get3A_2181 : vector<1x16xf32> to vector<16xf32>
        %mul3A_2183 = vector.broadcast %squeeze3A_2169 : f32 to vector<16xf32>
        %mul3A_2184 = arith.mulf %mul3A_2183, %get3A_2182 : vector<16xf32>
        %add3A_2185 = arith.addf %add3A_2151, %mul3A_2184 : vector<16xf32>
        %get3A_2186 = arith.constant 62 : i32
        %get3A_2187 = arith.index_cast %get3A_2186 : i32 to index
        %get3A_2188 = arith.constant 32 : index
        %get3A_2189 = tpu.vector_load %arg8[%get3A_2187, %get3A_2188] {strides = array<i32>} : memref<64x64xf32, #tpu.memory_space<vmem>>, vector<1x16xf32>,
        %get3A_2190 = vector.shape_cast %get3A_2189 : vector<1x16xf32> to vector<16xf32>
        %mul3A_2191 = vector.broadcast %squeeze3A_2169 : f32 to vector<16xf32>
        %mul3A_2192 = arith.mulf %mul3A_2191, %get3A_2190 : vector<16xf32>
        %add3A_2193 = arith.addf %add3A_2159, %mul3A_2192 : vector<16xf32>
        %get3A_2194 = arith.constant 62 : i32
        %get3A_2195 = arith.index_cast %get3A_2194 : i32 to index
        %get3A_2196 = arith.constant 48 : index
        %get3A_2197 = tpu.vector_load %arg8[%get3A_2195, %get3A_2196] {strides = array<i32>} : memref<64x64xf32, #tpu.memory_space<vmem>>, vector<1x16xf32>,
        %get3A_2198 = vector.shape_cast %get3A_2197 : vector<1x16xf32> to vector<16xf32>
        %mul3A_2199 = vector.broadcast %squeeze3A_2169 : f32 to vector<16xf32>
        %mul3A_2200 = arith.mulf %mul3A_2199, %get3A_2198 : vector<16xf32>
        %add3A_2201 = arith.addf %add3A_2167, %mul3A_2200 : vector<16xf32>
        %slice3A_2202 = vector.extract_strided_slice %get3A_54 {offsets = [15], sizes = [1], strides = [1]} : vector<16xf32> to vector<1xf32>
        %squeeze3A_2203 = vector.extract %slice3A_2202[0] : f32 from vector<1xf32>
        %get3A_2204 = arith.constant 63 : i32
        %get3A_2205 = arith.index_cast %get3A_2204 : i32 to index
        %get3A_2206 = arith.constant 0 : index
        %get3A_2207 = tpu.vector_load %arg8[%get3A_2205, %get3A_2206] {strides = array<i32>} : memref<64x64xf32, #tpu.memory_space<vmem>>, vector<1x16xf32>,
        %get3A_2208 = vector.shape_cast %get3A_2207 : vector<1x16xf32> to vector<16xf32>
        %mul3A_2209 = vector.broadcast %squeeze3A_2203 : f32 to vector<16xf32>
        %mul3A_2210 = arith.mulf %mul3A_2209, %get3A_2208 : vector<16xf32>
        %add3A_2211 = arith.addf %add3A_2177, %mul3A_2210 : vector<16xf32>
        %get3A_2212 = arith.constant 63 : i32
        %get3A_2213 = arith.index_cast %get3A_2212 : i32 to index
        %get3A_2214 = arith.constant 16 : index
        %get3A_2215 = tpu.vector_load %arg8[%get3A_2213, %get3A_2214] {strides = array<i32>} : memref<64x64xf32, #tpu.memory_space<vmem>>, vector<1x16xf32>,
        %get3A_2216 = vector.shape_cast %get3A_2215 : vector<1x16xf32> to vector<16xf32>
        %mul3A_2217 = vector.broadcast %squeeze3A_2203 : f32 to vector<16xf32>
        %mul3A_2218 = arith.mulf %mul3A_2217, %get3A_2216 : vector<16xf32>
        %add3A_2219 = arith.addf %add3A_2185, %mul3A_2218 : vector<16xf32>
        %get3A_2220 = arith.constant 63 : i32
        %get3A_2221 = arith.index_cast %get3A_2220 : i32 to index
        %get3A_2222 = arith.constant 32 : index
        %get3A_2223 = tpu.vector_load %arg8[%get3A_2221, %get3A_2222] {strides = array<i32>} : memref<64x64xf32, #tpu.memory_space<vmem>>, vector<1x16xf32>,
        %get3A_2224 = vector.shape_cast %get3A_2223 : vector<1x16xf32> to vector<16xf32>
        %mul3A_2225 = vector.broadcast %squeeze3A_2203 : f32 to vector<16xf32>
        %mul3A_2226 = arith.mulf %mul3A_2225, %get3A_2224 : vector<16xf32>
        %add3A_2227 = arith.addf %add3A_2193, %mul3A_2226 : vector<16xf32>
        %get3A_2228 = arith.constant 63 : i32
        %get3A_2229 = arith.index_cast %get3A_2228 : i32 to index
        %get3A_2230 = arith.constant 48 : index
        %get3A_2231 = tpu.vector_load %arg8[%get3A_2229, %get3A_2230] {strides = array<i32>} : memref<64x64xf32, #tpu.memory_space<vmem>>, vector<1x16xf32>,
        %get3A_2232 = vector.shape_cast %get3A_2231 : vector<1x16xf32> to vector<16xf32>
        %mul3A_2233 = vector.broadcast %squeeze3A_2203 : f32 to vector<16xf32>
        %mul3A_2234 = arith.mulf %mul3A_2233, %get3A_2232 : vector<16xf32>
        %add3A_2235 = arith.addf %add3A_2201, %mul3A_2234 : vector<16xf32>
        %swap3A = arith.index_cast %mul3A_26 : i32 to index
        %swap3A_2236 = arith.constant 0 : index
        %swap3A_2237 = tpu.vector_load %arg10[%swap3A, %swap3A_2236] {strides = array<i32>} : memref<64x64xf32, #tpu.memory_space<vmem>>, vector<1x16xf32>,
        %swap3A_2238 = vector.shape_cast %swap3A_2237 : vector<1x16xf32> to vector<16xf32>
        %swap3A_2239 = vector.shape_cast %add3A_2211 : vector<16xf32> to vector<1x16xf32>
        tpu.vector_store %arg10[%swap3A, %swap3A_2236], %swap3A_2239 {strides = array<i32>} : memref<64x64xf32, #tpu.memory_space<vmem>>, vector<1x16xf32>,
        %swap3A_2240 = arith.index_cast %mul3A_26 : i32 to index
        %swap3A_2241 = arith.constant 16 : index
        %swap3A_2242 = tpu.vector_load %arg10[%swap3A_2240, %swap3A_2241] {strides = array<i32>} : memref<64x64xf32, #tpu.memory_space<vmem>>, vector<1x16xf32>,
        %swap3A_2243 = vector.shape_cast %swap3A_2242 : vector<1x16xf32> to vector<16xf32>
        %swap3A_2244 = vector.shape_cast %add3A_2219 : vector<16xf32> to vector<1x16xf32>
        tpu.vector_store %arg10[%swap3A_2240, %swap3A_2241], %swap3A_2244 {strides = array<i32>} : memref<64x64xf32, #tpu.memory_space<vmem>>, vector<1x16xf32>,
        %swap3A_2245 = arith.index_cast %mul3A_26 : i32 to index
        %swap3A_2246 = arith.constant 32 : index
        %swap3A_2247 = tpu.vector_load %arg10[%swap3A_2245, %swap3A_2246] {strides = array<i32>} : memref<64x64xf32, #tpu.memory_space<vmem>>, vector<1x16xf32>,
        %swap3A_2248 = vector.shape_cast %swap3A_2247 : vector<1x16xf32> to vector<16xf32>
        %swap3A_2249 = vector.shape_cast %add3A_2227 : vector<16xf32> to vector<1x16xf32>
        tpu.vector_store %arg10[%swap3A_2245, %swap3A_2246], %swap3A_2249 {strides = array<i32>} : memref<64x64xf32, #tpu.memory_space<vmem>>, vector<1x16xf32>,
        %swap3A_2250 = arith.index_cast %mul3A_26 : i32 to index
        %swap3A_2251 = arith.constant 48 : index
        %swap3A_2252 = tpu.vector_load %arg10[%swap3A_2250, %swap3A_2251] {strides = array<i32>} : memref<64x64xf32, #tpu.memory_space<vmem>>, vector<1x16xf32>,
        %swap3A_2253 = vector.shape_cast %swap3A_2252 : vector<1x16xf32> to vector<16xf32>
        %swap3A_2254 = vector.shape_cast %add3A_2235 : vector<16xf32> to vector<1x16xf32>
        tpu.vector_store %arg10[%swap3A_2250, %swap3A_2251], %swap3A_2254 {strides = array<i32>} : memref<64x64xf32, #tpu.memory_space<vmem>>, vector<1x16xf32>,
        %add3A_2255 = arith.constant 2 : i32
        %add3A_2256 = arith.addi %mul3A_26, %add3A_2255 : i32
        %lt3A = arith.constant 64 : i32
        %lt3A_2257 = arith.cmpi slt, %add3A_2256, %lt3A : i32
        %convert_element_type3A = arith.extui %lt3A_2257 : i1 to i32
        %cond3A = arith.constant 0 : i32
        %cond3A_2258 = arith.cmpi ne, %convert_element_type3A, %cond3A : i32
        scf.if %cond3A_2258 {
          %add3A_4489 = arith.constant 2 : i32
          %add3A_4490 = arith.addi %mul3A_26, %add3A_4489 : i32
          %dma_start3A_4491 = arith.constant 0 : i32
          %dma_start3A_4492 = tpu.memref_slice %arg6[%add3A_4490, %dma_start3A_4491] : memref<64x64xi32, #tpu.memory_space<vmem>> -> memref<1x64xi32, #tpu.memory_space<vmem>>
          %dma_start3A_4493 = tpu.memref_squeeze %dma_start3A_4492 : memref<1x64xi32, #tpu.memory_space<vmem>> -> memref<64xi32, #tpu.memory_space<vmem>>
          %dma_start3A_4494 = arith.constant 0 : i32
          %dma_start3A_4495 = arith.constant 0 : i32
          %dma_start3A_4496 = tpu.memref_slice %arg2[%dma_start3A_4494, %dma_start3A_4495] : memref<24576x64xf32, #tpu.memory_space<hbm>> -> memref<24576x64xf32, #tpu.memory_space<hbm>>
          tpu.enqueue_indirect_dma source(%dma_start3A_4496 : memref<24576x64xf32, #tpu.memory_space<hbm>>) target(%arg8 : memref<64x64xf32, #tpu.memory_space<vmem>>) offsets(%dma_start3A_4493 : memref<64xi32, #tpu.memory_space<vmem>>) semaphore(%arg11 : memref<!tpu.dma_semaphore, #tpu.memory_space<semaphore_mem>>)
        } else {
        }
        %add3A_2259 = arith.constant 1 : i32
        %add3A_2260 = arith.addi %mul3A_26, %add3A_2259 : i32
        %dma_wait3A_2261 = arith.constant 0 : i32
        %dma_wait3A_2262 = tpu.memref_slice %arg6[%add3A_2260, %dma_wait3A_2261] : memref<64x64xi32, #tpu.memory_space<vmem>> -> memref<1x64xi32, #tpu.memory_space<vmem>>
        %dma_wait3A_2263 = tpu.memref_squeeze %dma_wait3A_2262 : memref<1x64xi32, #tpu.memory_space<vmem>> -> memref<64xi32, #tpu.memory_space<vmem>>
        %dma_wait3A_2264 = arith.constant 0 : i32
        %dma_wait3A_2265 = arith.constant 0 : i32
        %dma_wait3A_2266 = tpu.memref_slice %arg2[%dma_wait3A_2264, %dma_wait3A_2265] : memref<24576x64xf32, #tpu.memory_space<hbm>> -> memref<24576x64xf32, #tpu.memory_space<hbm>>
        tpu.wait_indirect_dma semaphore(%arg12 : memref<!tpu.dma_semaphore, #tpu.memory_space<semaphore_mem>>) src(%dma_wait3A_2266 : memref<24576x64xf32, #tpu.memory_space<hbm>>) dst(%arg9 : memref<64x64xf32, #tpu.memory_space<vmem>>)
        %add3A_2267 = arith.constant 1 : i32
        %add3A_2268 = arith.addi %mul3A_26, %add3A_2267 : i32
        %get3A_2269 = arith.index_cast %add3A_2268 : i32 to index
        %get3A_2270 = arith.constant 0 : index
        %get3A_2271 = tpu.vector_load %arg7[%get3A_2269, %get3A_2270] {strides = array<i32>} : memref<64x64xf32, #tpu.memory_space<vmem>>, vector<1x16xf32>,
        %get3A_2272 = vector.shape_cast %get3A_2271 : vector<1x16xf32> to vector<16xf32>
        %get3A_2273 = arith.index_cast %add3A_2268 : i32 to index
        %get3A_2274 = arith.constant 16 : index
        %get3A_2275 = tpu.vector_load %arg7[%get3A_2273, %get3A_2274] {strides = array<i32>} : memref<64x64xf32, #tpu.memory_space<vmem>>, vector<1x16xf32>,
        %get3A_2276 = vector.shape_cast %get3A_2275 : vector<1x16xf32> to vector<16xf32>
        %get3A_2277 = arith.index_cast %add3A_2268 : i32 to index
        %get3A_2278 = arith.constant 32 : index
        %get3A_2279 = tpu.vector_load %arg7[%get3A_2277, %get3A_2278] {strides = array<i32>} : memref<64x64xf32, #tpu.memory_space<vmem>>, vector<1x16xf32>,
        %get3A_2280 = vector.shape_cast %get3A_2279 : vector<1x16xf32> to vector<16xf32>
        %get3A_2281 = arith.index_cast %add3A_2268 : i32 to index
        %get3A_2282 = arith.constant 48 : index
        %get3A_2283 = tpu.vector_load %arg7[%get3A_2281, %get3A_2282] {strides = array<i32>} : memref<64x64xf32, #tpu.memory_space<vmem>>, vector<1x16xf32>,
        %get3A_2284 = vector.shape_cast %get3A_2283 : vector<1x16xf32> to vector<16xf32>
        %broadcast_in_dim3A_2285 = arith.constant 0.000000e+00 : f32
        %broadcast_in_dim3A_2286 = vector.broadcast %broadcast_in_dim3A_2285 : f32 to vector<16xf32>
        %broadcast_in_dim3A_2287 = arith.constant 0.000000e+00 : f32
        %broadcast_in_dim3A_2288 = vector.broadcast %broadcast_in_dim3A_2287 : f32 to vector<16xf32>
        %broadcast_in_dim3A_2289 = arith.constant 0.000000e+00 : f32
        %broadcast_in_dim3A_2290 = vector.broadcast %broadcast_in_dim3A_2289 : f32 to vector<16xf32>
        %broadcast_in_dim3A_2291 = arith.constant 0.000000e+00 : f32
        %broadcast_in_dim3A_2292 = vector.broadcast %broadcast_in_dim3A_2291 : f32 to vector<16xf32>
        %slice3A_2293 = vector.extract_strided_slice %get3A_2272 {offsets = [0], sizes = [1], strides = [1]} : vector<16xf32> to vector<1xf32>
        %squeeze3A_2294 = vector.extract %slice3A_2293[0] : f32 from vector<1xf32>
        %get3A_2295 = arith.constant 0 : i32
        %get3A_2296 = arith.index_cast %get3A_2295 : i32 to index
        %get3A_2297 = arith.constant 0 : index
        %get3A_2298 = tpu.vector_load %arg9[%get3A_2296, %get3A_2297] {strides = array<i32>} : memref<64x64xf32, #tpu.memory_space<vmem>>, vector<1x16xf32>,
        %get3A_2299 = vector.shape_cast %get3A_2298 : vector<1x16xf32> to vector<16xf32>
        %mul3A_2300 = vector.broadcast %squeeze3A_2294 : f32 to vector<16xf32>
        %mul3A_2301 = arith.mulf %mul3A_2300, %get3A_2299 : vector<16xf32>
        %add3A_2302 = arith.addf %broadcast_in_dim3A_2286, %mul3A_2301 : vector<16xf32>
        %get3A_2303 = arith.constant 0 : i32
        %get3A_2304 = arith.index_cast %get3A_2303 : i32 to index
        %get3A_2305 = arith.constant 16 : index
        %get3A_2306 = tpu.vector_load %arg9[%get3A_2304, %get3A_2305] {strides = array<i32>} : memref<64x64xf32, #tpu.memory_space<vmem>>, vector<1x16xf32>,
        %get3A_2307 = vector.shape_cast %get3A_2306 : vector<1x16xf32> to vector<16xf32>
        %mul3A_2308 = vector.broadcast %squeeze3A_2294 : f32 to vector<16xf32>
        %mul3A_2309 = arith.mulf %mul3A_2308, %get3A_2307 : vector<16xf32>
        %add3A_2310 = arith.addf %broadcast_in_dim3A_2288, %mul3A_2309 : vector<16xf32>
        %get3A_2311 = arith.constant 0 : i32
        %get3A_2312 = arith.index_cast %get3A_2311 : i32 to index
        %get3A_2313 = arith.constant 32 : index
        %get3A_2314 = tpu.vector_load %arg9[%get3A_2312, %get3A_2313] {strides = array<i32>} : memref<64x64xf32, #tpu.memory_space<vmem>>, vector<1x16xf32>,
        %get3A_2315 = vector.shape_cast %get3A_2314 : vector<1x16xf32> to vector<16xf32>
        %mul3A_2316 = vector.broadcast %squeeze3A_2294 : f32 to vector<16xf32>
        %mul3A_2317 = arith.mulf %mul3A_2316, %get3A_2315 : vector<16xf32>
        %add3A_2318 = arith.addf %broadcast_in_dim3A_2290, %mul3A_2317 : vector<16xf32>
        %get3A_2319 = arith.constant 0 : i32
        %get3A_2320 = arith.index_cast %get3A_2319 : i32 to index
        %get3A_2321 = arith.constant 48 : index
        %get3A_2322 = tpu.vector_load %arg9[%get3A_2320, %get3A_2321] {strides = array<i32>} : memref<64x64xf32, #tpu.memory_space<vmem>>, vector<1x16xf32>,
        %get3A_2323 = vector.shape_cast %get3A_2322 : vector<1x16xf32> to vector<16xf32>
        %mul3A_2324 = vector.broadcast %squeeze3A_2294 : f32 to vector<16xf32>
        %mul3A_2325 = arith.mulf %mul3A_2324, %get3A_2323 : vector<16xf32>
        %add3A_2326 = arith.addf %broadcast_in_dim3A_2292, %mul3A_2325 : vector<16xf32>
        %slice3A_2327 = vector.extract_strided_slice %get3A_2272 {offsets = [1], sizes = [1], strides = [1]} : vector<16xf32> to vector<1xf32>
        %squeeze3A_2328 = vector.extract %slice3A_2327[0] : f32 from vector<1xf32>
        %get3A_2329 = arith.constant 1 : i32
        %get3A_2330 = arith.index_cast %get3A_2329 : i32 to index
        %get3A_2331 = arith.constant 0 : index
        %get3A_2332 = tpu.vector_load %arg9[%get3A_2330, %get3A_2331] {strides = array<i32>} : memref<64x64xf32, #tpu.memory_space<vmem>>, vector<1x16xf32>,
        %get3A_2333 = vector.shape_cast %get3A_2332 : vector<1x16xf32> to vector<16xf32>
        %mul3A_2334 = vector.broadcast %squeeze3A_2328 : f32 to vector<16xf32>
        %mul3A_2335 = arith.mulf %mul3A_2334, %get3A_2333 : vector<16xf32>
        %add3A_2336 = arith.addf %add3A_2302, %mul3A_2335 : vector<16xf32>
        %get3A_2337 = arith.constant 1 : i32
        %get3A_2338 = arith.index_cast %get3A_2337 : i32 to index
        %get3A_2339 = arith.constant 16 : index
        %get3A_2340 = tpu.vector_load %arg9[%get3A_2338, %get3A_2339] {strides = array<i32>} : memref<64x64xf32, #tpu.memory_space<vmem>>, vector<1x16xf32>,
        %get3A_2341 = vector.shape_cast %get3A_2340 : vector<1x16xf32> to vector<16xf32>
        %mul3A_2342 = vector.broadcast %squeeze3A_2328 : f32 to vector<16xf32>
        %mul3A_2343 = arith.mulf %mul3A_2342, %get3A_2341 : vector<16xf32>
        %add3A_2344 = arith.addf %add3A_2310, %mul3A_2343 : vector<16xf32>
        %get3A_2345 = arith.constant 1 : i32
        %get3A_2346 = arith.index_cast %get3A_2345 : i32 to index
        %get3A_2347 = arith.constant 32 : index
        %get3A_2348 = tpu.vector_load %arg9[%get3A_2346, %get3A_2347] {strides = array<i32>} : memref<64x64xf32, #tpu.memory_space<vmem>>, vector<1x16xf32>,
        %get3A_2349 = vector.shape_cast %get3A_2348 : vector<1x16xf32> to vector<16xf32>
        %mul3A_2350 = vector.broadcast %squeeze3A_2328 : f32 to vector<16xf32>
        %mul3A_2351 = arith.mulf %mul3A_2350, %get3A_2349 : vector<16xf32>
        %add3A_2352 = arith.addf %add3A_2318, %mul3A_2351 : vector<16xf32>
        %get3A_2353 = arith.constant 1 : i32
        %get3A_2354 = arith.index_cast %get3A_2353 : i32 to index
        %get3A_2355 = arith.constant 48 : index
        %get3A_2356 = tpu.vector_load %arg9[%get3A_2354, %get3A_2355] {strides = array<i32>} : memref<64x64xf32, #tpu.memory_space<vmem>>, vector<1x16xf32>,
        %get3A_2357 = vector.shape_cast %get3A_2356 : vector<1x16xf32> to vector<16xf32>
        %mul3A_2358 = vector.broadcast %squeeze3A_2328 : f32 to vector<16xf32>
        %mul3A_2359 = arith.mulf %mul3A_2358, %get3A_2357 : vector<16xf32>
        %add3A_2360 = arith.addf %add3A_2326, %mul3A_2359 : vector<16xf32>
        %slice3A_2361 = vector.extract_strided_slice %get3A_2272 {offsets = [2], sizes = [1], strides = [1]} : vector<16xf32> to vector<1xf32>
        %squeeze3A_2362 = vector.extract %slice3A_2361[0] : f32 from vector<1xf32>
        %get3A_2363 = arith.constant 2 : i32
        %get3A_2364 = arith.index_cast %get3A_2363 : i32 to index
        %get3A_2365 = arith.constant 0 : index
        %get3A_2366 = tpu.vector_load %arg9[%get3A_2364, %get3A_2365] {strides = array<i32>} : memref<64x64xf32, #tpu.memory_space<vmem>>, vector<1x16xf32>,
        %get3A_2367 = vector.shape_cast %get3A_2366 : vector<1x16xf32> to vector<16xf32>
        %mul3A_2368 = vector.broadcast %squeeze3A_2362 : f32 to vector<16xf32>
        %mul3A_2369 = arith.mulf %mul3A_2368, %get3A_2367 : vector<16xf32>
        %add3A_2370 = arith.addf %add3A_2336, %mul3A_2369 : vector<16xf32>
        %get3A_2371 = arith.constant 2 : i32
        %get3A_2372 = arith.index_cast %get3A_2371 : i32 to index
        %get3A_2373 = arith.constant 16 : index
        %get3A_2374 = tpu.vector_load %arg9[%get3A_2372, %get3A_2373] {strides = array<i32>} : memref<64x64xf32, #tpu.memory_space<vmem>>, vector<1x16xf32>,
        %get3A_2375 = vector.shape_cast %get3A_2374 : vector<1x16xf32> to vector<16xf32>
        %mul3A_2376 = vector.broadcast %squeeze3A_2362 : f32 to vector<16xf32>
        %mul3A_2377 = arith.mulf %mul3A_2376, %get3A_2375 : vector<16xf32>
        %add3A_2378 = arith.addf %add3A_2344, %mul3A_2377 : vector<16xf32>
        %get3A_2379 = arith.constant 2 : i32
        %get3A_2380 = arith.index_cast %get3A_2379 : i32 to index
        %get3A_2381 = arith.constant 32 : index
        %get3A_2382 = tpu.vector_load %arg9[%get3A_2380, %get3A_2381] {strides = array<i32>} : memref<64x64xf32, #tpu.memory_space<vmem>>, vector<1x16xf32>,
        %get3A_2383 = vector.shape_cast %get3A_2382 : vector<1x16xf32> to vector<16xf32>
        %mul3A_2384 = vector.broadcast %squeeze3A_2362 : f32 to vector<16xf32>
        %mul3A_2385 = arith.mulf %mul3A_2384, %get3A_2383 : vector<16xf32>
        %add3A_2386 = arith.addf %add3A_2352, %mul3A_2385 : vector<16xf32>
        %get3A_2387 = arith.constant 2 : i32
        %get3A_2388 = arith.index_cast %get3A_2387 : i32 to index
        %get3A_2389 = arith.constant 48 : index
        %get3A_2390 = tpu.vector_load %arg9[%get3A_2388, %get3A_2389] {strides = array<i32>} : memref<64x64xf32, #tpu.memory_space<vmem>>, vector<1x16xf32>,
        %get3A_2391 = vector.shape_cast %get3A_2390 : vector<1x16xf32> to vector<16xf32>
        %mul3A_2392 = vector.broadcast %squeeze3A_2362 : f32 to vector<16xf32>
        %mul3A_2393 = arith.mulf %mul3A_2392, %get3A_2391 : vector<16xf32>
        %add3A_2394 = arith.addf %add3A_2360, %mul3A_2393 : vector<16xf32>
        %slice3A_2395 = vector.extract_strided_slice %get3A_2272 {offsets = [3], sizes = [1], strides = [1]} : vector<16xf32> to vector<1xf32>
        %squeeze3A_2396 = vector.extract %slice3A_2395[0] : f32 from vector<1xf32>
        %get3A_2397 = arith.constant 3 : i32
        %get3A_2398 = arith.index_cast %get3A_2397 : i32 to index
        %get3A_2399 = arith.constant 0 : index
        %get3A_2400 = tpu.vector_load %arg9[%get3A_2398, %get3A_2399] {strides = array<i32>} : memref<64x64xf32, #tpu.memory_space<vmem>>, vector<1x16xf32>,
        %get3A_2401 = vector.shape_cast %get3A_2400 : vector<1x16xf32> to vector<16xf32>
        %mul3A_2402 = vector.broadcast %squeeze3A_2396 : f32 to vector<16xf32>
        %mul3A_2403 = arith.mulf %mul3A_2402, %get3A_2401 : vector<16xf32>
        %add3A_2404 = arith.addf %add3A_2370, %mul3A_2403 : vector<16xf32>
        %get3A_2405 = arith.constant 3 : i32
        %get3A_2406 = arith.index_cast %get3A_2405 : i32 to index
        %get3A_2407 = arith.constant 16 : index
        %get3A_2408 = tpu.vector_load %arg9[%get3A_2406, %get3A_2407] {strides = array<i32>} : memref<64x64xf32, #tpu.memory_space<vmem>>, vector<1x16xf32>,
        %get3A_2409 = vector.shape_cast %get3A_2408 : vector<1x16xf32> to vector<16xf32>
        %mul3A_2410 = vector.broadcast %squeeze3A_2396 : f32 to vector<16xf32>
        %mul3A_2411 = arith.mulf %mul3A_2410, %get3A_2409 : vector<16xf32>
        %add3A_2412 = arith.addf %add3A_2378, %mul3A_2411 : vector<16xf32>
        %get3A_2413 = arith.constant 3 : i32
        %get3A_2414 = arith.index_cast %get3A_2413 : i32 to index
        %get3A_2415 = arith.constant 32 : index
        %get3A_2416 = tpu.vector_load %arg9[%get3A_2414, %get3A_2415] {strides = array<i32>} : memref<64x64xf32, #tpu.memory_space<vmem>>, vector<1x16xf32>,
        %get3A_2417 = vector.shape_cast %get3A_2416 : vector<1x16xf32> to vector<16xf32>
        %mul3A_2418 = vector.broadcast %squeeze3A_2396 : f32 to vector<16xf32>
        %mul3A_2419 = arith.mulf %mul3A_2418, %get3A_2417 : vector<16xf32>
        %add3A_2420 = arith.addf %add3A_2386, %mul3A_2419 : vector<16xf32>
        %get3A_2421 = arith.constant 3 : i32
        %get3A_2422 = arith.index_cast %get3A_2421 : i32 to index
        %get3A_2423 = arith.constant 48 : index
        %get3A_2424 = tpu.vector_load %arg9[%get3A_2422, %get3A_2423] {strides = array<i32>} : memref<64x64xf32, #tpu.memory_space<vmem>>, vector<1x16xf32>,
        %get3A_2425 = vector.shape_cast %get3A_2424 : vector<1x16xf32> to vector<16xf32>
        %mul3A_2426 = vector.broadcast %squeeze3A_2396 : f32 to vector<16xf32>
        %mul3A_2427 = arith.mulf %mul3A_2426, %get3A_2425 : vector<16xf32>
        %add3A_2428 = arith.addf %add3A_2394, %mul3A_2427 : vector<16xf32>
        %slice3A_2429 = vector.extract_strided_slice %get3A_2272 {offsets = [4], sizes = [1], strides = [1]} : vector<16xf32> to vector<1xf32>
        %squeeze3A_2430 = vector.extract %slice3A_2429[0] : f32 from vector<1xf32>
        %get3A_2431 = arith.constant 4 : i32
        %get3A_2432 = arith.index_cast %get3A_2431 : i32 to index
        %get3A_2433 = arith.constant 0 : index
        %get3A_2434 = tpu.vector_load %arg9[%get3A_2432, %get3A_2433] {strides = array<i32>} : memref<64x64xf32, #tpu.memory_space<vmem>>, vector<1x16xf32>,
        %get3A_2435 = vector.shape_cast %get3A_2434 : vector<1x16xf32> to vector<16xf32>
        %mul3A_2436 = vector.broadcast %squeeze3A_2430 : f32 to vector<16xf32>
        %mul3A_2437 = arith.mulf %mul3A_2436, %get3A_2435 : vector<16xf32>
        %add3A_2438 = arith.addf %add3A_2404, %mul3A_2437 : vector<16xf32>
        %get3A_2439 = arith.constant 4 : i32
        %get3A_2440 = arith.index_cast %get3A_2439 : i32 to index
        %get3A_2441 = arith.constant 16 : index
        %get3A_2442 = tpu.vector_load %arg9[%get3A_2440, %get3A_2441] {strides = array<i32>} : memref<64x64xf32, #tpu.memory_space<vmem>>, vector<1x16xf32>,
        %get3A_2443 = vector.shape_cast %get3A_2442 : vector<1x16xf32> to vector<16xf32>
        %mul3A_2444 = vector.broadcast %squeeze3A_2430 : f32 to vector<16xf32>
        %mul3A_2445 = arith.mulf %mul3A_2444, %get3A_2443 : vector<16xf32>
        %add3A_2446 = arith.addf %add3A_2412, %mul3A_2445 : vector<16xf32>
        %get3A_2447 = arith.constant 4 : i32
        %get3A_2448 = arith.index_cast %get3A_2447 : i32 to index
        %get3A_2449 = arith.constant 32 : index
        %get3A_2450 = tpu.vector_load %arg9[%get3A_2448, %get3A_2449] {strides = array<i32>} : memref<64x64xf32, #tpu.memory_space<vmem>>, vector<1x16xf32>,
        %get3A_2451 = vector.shape_cast %get3A_2450 : vector<1x16xf32> to vector<16xf32>
        %mul3A_2452 = vector.broadcast %squeeze3A_2430 : f32 to vector<16xf32>
        %mul3A_2453 = arith.mulf %mul3A_2452, %get3A_2451 : vector<16xf32>
        %add3A_2454 = arith.addf %add3A_2420, %mul3A_2453 : vector<16xf32>
        %get3A_2455 = arith.constant 4 : i32
        %get3A_2456 = arith.index_cast %get3A_2455 : i32 to index
        %get3A_2457 = arith.constant 48 : index
        %get3A_2458 = tpu.vector_load %arg9[%get3A_2456, %get3A_2457] {strides = array<i32>} : memref<64x64xf32, #tpu.memory_space<vmem>>, vector<1x16xf32>,
        %get3A_2459 = vector.shape_cast %get3A_2458 : vector<1x16xf32> to vector<16xf32>
        %mul3A_2460 = vector.broadcast %squeeze3A_2430 : f32 to vector<16xf32>
        %mul3A_2461 = arith.mulf %mul3A_2460, %get3A_2459 : vector<16xf32>
        %add3A_2462 = arith.addf %add3A_2428, %mul3A_2461 : vector<16xf32>
        %slice3A_2463 = vector.extract_strided_slice %get3A_2272 {offsets = [5], sizes = [1], strides = [1]} : vector<16xf32> to vector<1xf32>
        %squeeze3A_2464 = vector.extract %slice3A_2463[0] : f32 from vector<1xf32>
        %get3A_2465 = arith.constant 5 : i32
        %get3A_2466 = arith.index_cast %get3A_2465 : i32 to index
        %get3A_2467 = arith.constant 0 : index
        %get3A_2468 = tpu.vector_load %arg9[%get3A_2466, %get3A_2467] {strides = array<i32>} : memref<64x64xf32, #tpu.memory_space<vmem>>, vector<1x16xf32>,
        %get3A_2469 = vector.shape_cast %get3A_2468 : vector<1x16xf32> to vector<16xf32>
        %mul3A_2470 = vector.broadcast %squeeze3A_2464 : f32 to vector<16xf32>
        %mul3A_2471 = arith.mulf %mul3A_2470, %get3A_2469 : vector<16xf32>
        %add3A_2472 = arith.addf %add3A_2438, %mul3A_2471 : vector<16xf32>
        %get3A_2473 = arith.constant 5 : i32
        %get3A_2474 = arith.index_cast %get3A_2473 : i32 to index
        %get3A_2475 = arith.constant 16 : index
        %get3A_2476 = tpu.vector_load %arg9[%get3A_2474, %get3A_2475] {strides = array<i32>} : memref<64x64xf32, #tpu.memory_space<vmem>>, vector<1x16xf32>,
        %get3A_2477 = vector.shape_cast %get3A_2476 : vector<1x16xf32> to vector<16xf32>
        %mul3A_2478 = vector.broadcast %squeeze3A_2464 : f32 to vector<16xf32>
        %mul3A_2479 = arith.mulf %mul3A_2478, %get3A_2477 : vector<16xf32>
        %add3A_2480 = arith.addf %add3A_2446, %mul3A_2479 : vector<16xf32>
        %get3A_2481 = arith.constant 5 : i32
        %get3A_2482 = arith.index_cast %get3A_2481 : i32 to index
        %get3A_2483 = arith.constant 32 : index
        %get3A_2484 = tpu.vector_load %arg9[%get3A_2482, %get3A_2483] {strides = array<i32>} : memref<64x64xf32, #tpu.memory_space<vmem>>, vector<1x16xf32>,
        %get3A_2485 = vector.shape_cast %get3A_2484 : vector<1x16xf32> to vector<16xf32>
        %mul3A_2486 = vector.broadcast %squeeze3A_2464 : f32 to vector<16xf32>
        %mul3A_2487 = arith.mulf %mul3A_2486, %get3A_2485 : vector<16xf32>
        %add3A_2488 = arith.addf %add3A_2454, %mul3A_2487 : vector<16xf32>
        %get3A_2489 = arith.constant 5 : i32
        %get3A_2490 = arith.index_cast %get3A_2489 : i32 to index
        %get3A_2491 = arith.constant 48 : index
        %get3A_2492 = tpu.vector_load %arg9[%get3A_2490, %get3A_2491] {strides = array<i32>} : memref<64x64xf32, #tpu.memory_space<vmem>>, vector<1x16xf32>,
        %get3A_2493 = vector.shape_cast %get3A_2492 : vector<1x16xf32> to vector<16xf32>
        %mul3A_2494 = vector.broadcast %squeeze3A_2464 : f32 to vector<16xf32>
        %mul3A_2495 = arith.mulf %mul3A_2494, %get3A_2493 : vector<16xf32>
        %add3A_2496 = arith.addf %add3A_2462, %mul3A_2495 : vector<16xf32>
        %slice3A_2497 = vector.extract_strided_slice %get3A_2272 {offsets = [6], sizes = [1], strides = [1]} : vector<16xf32> to vector<1xf32>
        %squeeze3A_2498 = vector.extract %slice3A_2497[0] : f32 from vector<1xf32>
        %get3A_2499 = arith.constant 6 : i32
        %get3A_2500 = arith.index_cast %get3A_2499 : i32 to index
        %get3A_2501 = arith.constant 0 : index
        %get3A_2502 = tpu.vector_load %arg9[%get3A_2500, %get3A_2501] {strides = array<i32>} : memref<64x64xf32, #tpu.memory_space<vmem>>, vector<1x16xf32>,
        %get3A_2503 = vector.shape_cast %get3A_2502 : vector<1x16xf32> to vector<16xf32>
        %mul3A_2504 = vector.broadcast %squeeze3A_2498 : f32 to vector<16xf32>
        %mul3A_2505 = arith.mulf %mul3A_2504, %get3A_2503 : vector<16xf32>
        %add3A_2506 = arith.addf %add3A_2472, %mul3A_2505 : vector<16xf32>
        %get3A_2507 = arith.constant 6 : i32
        %get3A_2508 = arith.index_cast %get3A_2507 : i32 to index
        %get3A_2509 = arith.constant 16 : index
        %get3A_2510 = tpu.vector_load %arg9[%get3A_2508, %get3A_2509] {strides = array<i32>} : memref<64x64xf32, #tpu.memory_space<vmem>>, vector<1x16xf32>,
        %get3A_2511 = vector.shape_cast %get3A_2510 : vector<1x16xf32> to vector<16xf32>
        %mul3A_2512 = vector.broadcast %squeeze3A_2498 : f32 to vector<16xf32>
        %mul3A_2513 = arith.mulf %mul3A_2512, %get3A_2511 : vector<16xf32>
        %add3A_2514 = arith.addf %add3A_2480, %mul3A_2513 : vector<16xf32>
        %get3A_2515 = arith.constant 6 : i32
        %get3A_2516 = arith.index_cast %get3A_2515 : i32 to index
        %get3A_2517 = arith.constant 32 : index
        %get3A_2518 = tpu.vector_load %arg9[%get3A_2516, %get3A_2517] {strides = array<i32>} : memref<64x64xf32, #tpu.memory_space<vmem>>, vector<1x16xf32>,
        %get3A_2519 = vector.shape_cast %get3A_2518 : vector<1x16xf32> to vector<16xf32>
        %mul3A_2520 = vector.broadcast %squeeze3A_2498 : f32 to vector<16xf32>
        %mul3A_2521 = arith.mulf %mul3A_2520, %get3A_2519 : vector<16xf32>
        %add3A_2522 = arith.addf %add3A_2488, %mul3A_2521 : vector<16xf32>
        %get3A_2523 = arith.constant 6 : i32
        %get3A_2524 = arith.index_cast %get3A_2523 : i32 to index
        %get3A_2525 = arith.constant 48 : index
        %get3A_2526 = tpu.vector_load %arg9[%get3A_2524, %get3A_2525] {strides = array<i32>} : memref<64x64xf32, #tpu.memory_space<vmem>>, vector<1x16xf32>,
        %get3A_2527 = vector.shape_cast %get3A_2526 : vector<1x16xf32> to vector<16xf32>
        %mul3A_2528 = vector.broadcast %squeeze3A_2498 : f32 to vector<16xf32>
        %mul3A_2529 = arith.mulf %mul3A_2528, %get3A_2527 : vector<16xf32>
        %add3A_2530 = arith.addf %add3A_2496, %mul3A_2529 : vector<16xf32>
        %slice3A_2531 = vector.extract_strided_slice %get3A_2272 {offsets = [7], sizes = [1], strides = [1]} : vector<16xf32> to vector<1xf32>
        %squeeze3A_2532 = vector.extract %slice3A_2531[0] : f32 from vector<1xf32>
        %get3A_2533 = arith.constant 7 : i32
        %get3A_2534 = arith.index_cast %get3A_2533 : i32 to index
        %get3A_2535 = arith.constant 0 : index
        %get3A_2536 = tpu.vector_load %arg9[%get3A_2534, %get3A_2535] {strides = array<i32>} : memref<64x64xf32, #tpu.memory_space<vmem>>, vector<1x16xf32>,
        %get3A_2537 = vector.shape_cast %get3A_2536 : vector<1x16xf32> to vector<16xf32>
        %mul3A_2538 = vector.broadcast %squeeze3A_2532 : f32 to vector<16xf32>
        %mul3A_2539 = arith.mulf %mul3A_2538, %get3A_2537 : vector<16xf32>
        %add3A_2540 = arith.addf %add3A_2506, %mul3A_2539 : vector<16xf32>
        %get3A_2541 = arith.constant 7 : i32
        %get3A_2542 = arith.index_cast %get3A_2541 : i32 to index
        %get3A_2543 = arith.constant 16 : index
        %get3A_2544 = tpu.vector_load %arg9[%get3A_2542, %get3A_2543] {strides = array<i32>} : memref<64x64xf32, #tpu.memory_space<vmem>>, vector<1x16xf32>,
        %get3A_2545 = vector.shape_cast %get3A_2544 : vector<1x16xf32> to vector<16xf32>
        %mul3A_2546 = vector.broadcast %squeeze3A_2532 : f32 to vector<16xf32>
        %mul3A_2547 = arith.mulf %mul3A_2546, %get3A_2545 : vector<16xf32>
        %add3A_2548 = arith.addf %add3A_2514, %mul3A_2547 : vector<16xf32>
        %get3A_2549 = arith.constant 7 : i32
        %get3A_2550 = arith.index_cast %get3A_2549 : i32 to index
        %get3A_2551 = arith.constant 32 : index
        %get3A_2552 = tpu.vector_load %arg9[%get3A_2550, %get3A_2551] {strides = array<i32>} : memref<64x64xf32, #tpu.memory_space<vmem>>, vector<1x16xf32>,
        %get3A_2553 = vector.shape_cast %get3A_2552 : vector<1x16xf32> to vector<16xf32>
        %mul3A_2554 = vector.broadcast %squeeze3A_2532 : f32 to vector<16xf32>
        %mul3A_2555 = arith.mulf %mul3A_2554, %get3A_2553 : vector<16xf32>
        %add3A_2556 = arith.addf %add3A_2522, %mul3A_2555 : vector<16xf32>
        %get3A_2557 = arith.constant 7 : i32
        %get3A_2558 = arith.index_cast %get3A_2557 : i32 to index
        %get3A_2559 = arith.constant 48 : index
        %get3A_2560 = tpu.vector_load %arg9[%get3A_2558, %get3A_2559] {strides = array<i32>} : memref<64x64xf32, #tpu.memory_space<vmem>>, vector<1x16xf32>,
        %get3A_2561 = vector.shape_cast %get3A_2560 : vector<1x16xf32> to vector<16xf32>
        %mul3A_2562 = vector.broadcast %squeeze3A_2532 : f32 to vector<16xf32>
        %mul3A_2563 = arith.mulf %mul3A_2562, %get3A_2561 : vector<16xf32>
        %add3A_2564 = arith.addf %add3A_2530, %mul3A_2563 : vector<16xf32>
        %slice3A_2565 = vector.extract_strided_slice %get3A_2272 {offsets = [8], sizes = [1], strides = [1]} : vector<16xf32> to vector<1xf32>
        %squeeze3A_2566 = vector.extract %slice3A_2565[0] : f32 from vector<1xf32>
        %get3A_2567 = arith.constant 8 : i32
        %get3A_2568 = arith.index_cast %get3A_2567 : i32 to index
        %get3A_2569 = arith.constant 0 : index
        %get3A_2570 = tpu.vector_load %arg9[%get3A_2568, %get3A_2569] {strides = array<i32>} : memref<64x64xf32, #tpu.memory_space<vmem>>, vector<1x16xf32>,
        %get3A_2571 = vector.shape_cast %get3A_2570 : vector<1x16xf32> to vector<16xf32>
        %mul3A_2572 = vector.broadcast %squeeze3A_2566 : f32 to vector<16xf32>
        %mul3A_2573 = arith.mulf %mul3A_2572, %get3A_2571 : vector<16xf32>
        %add3A_2574 = arith.addf %add3A_2540, %mul3A_2573 : vector<16xf32>
        %get3A_2575 = arith.constant 8 : i32
        %get3A_2576 = arith.index_cast %get3A_2575 : i32 to index
        %get3A_2577 = arith.constant 16 : index
        %get3A_2578 = tpu.vector_load %arg9[%get3A_2576, %get3A_2577] {strides = array<i32>} : memref<64x64xf32, #tpu.memory_space<vmem>>, vector<1x16xf32>,
        %get3A_2579 = vector.shape_cast %get3A_2578 : vector<1x16xf32> to vector<16xf32>
        %mul3A_2580 = vector.broadcast %squeeze3A_2566 : f32 to vector<16xf32>
        %mul3A_2581 = arith.mulf %mul3A_2580, %get3A_2579 : vector<16xf32>
        %add3A_2582 = arith.addf %add3A_2548, %mul3A_2581 : vector<16xf32>
        %get3A_2583 = arith.constant 8 : i32
        %get3A_2584 = arith.index_cast %get3A_2583 : i32 to index
        %get3A_2585 = arith.constant 32 : index
        %get3A_2586 = tpu.vector_load %arg9[%get3A_2584, %get3A_2585] {strides = array<i32>} : memref<64x64xf32, #tpu.memory_space<vmem>>, vector<1x16xf32>,
        %get3A_2587 = vector.shape_cast %get3A_2586 : vector<1x16xf32> to vector<16xf32>
        %mul3A_2588 = vector.broadcast %squeeze3A_2566 : f32 to vector<16xf32>
        %mul3A_2589 = arith.mulf %mul3A_2588, %get3A_2587 : vector<16xf32>
        %add3A_2590 = arith.addf %add3A_2556, %mul3A_2589 : vector<16xf32>
        %get3A_2591 = arith.constant 8 : i32
        %get3A_2592 = arith.index_cast %get3A_2591 : i32 to index
        %get3A_2593 = arith.constant 48 : index
        %get3A_2594 = tpu.vector_load %arg9[%get3A_2592, %get3A_2593] {strides = array<i32>} : memref<64x64xf32, #tpu.memory_space<vmem>>, vector<1x16xf32>,
        %get3A_2595 = vector.shape_cast %get3A_2594 : vector<1x16xf32> to vector<16xf32>
        %mul3A_2596 = vector.broadcast %squeeze3A_2566 : f32 to vector<16xf32>
        %mul3A_2597 = arith.mulf %mul3A_2596, %get3A_2595 : vector<16xf32>
        %add3A_2598 = arith.addf %add3A_2564, %mul3A_2597 : vector<16xf32>
        %slice3A_2599 = vector.extract_strided_slice %get3A_2272 {offsets = [9], sizes = [1], strides = [1]} : vector<16xf32> to vector<1xf32>
        %squeeze3A_2600 = vector.extract %slice3A_2599[0] : f32 from vector<1xf32>
        %get3A_2601 = arith.constant 9 : i32
        %get3A_2602 = arith.index_cast %get3A_2601 : i32 to index
        %get3A_2603 = arith.constant 0 : index
        %get3A_2604 = tpu.vector_load %arg9[%get3A_2602, %get3A_2603] {strides = array<i32>} : memref<64x64xf32, #tpu.memory_space<vmem>>, vector<1x16xf32>,
        %get3A_2605 = vector.shape_cast %get3A_2604 : vector<1x16xf32> to vector<16xf32>
        %mul3A_2606 = vector.broadcast %squeeze3A_2600 : f32 to vector<16xf32>
        %mul3A_2607 = arith.mulf %mul3A_2606, %get3A_2605 : vector<16xf32>
        %add3A_2608 = arith.addf %add3A_2574, %mul3A_2607 : vector<16xf32>
        %get3A_2609 = arith.constant 9 : i32
        %get3A_2610 = arith.index_cast %get3A_2609 : i32 to index
        %get3A_2611 = arith.constant 16 : index
        %get3A_2612 = tpu.vector_load %arg9[%get3A_2610, %get3A_2611] {strides = array<i32>} : memref<64x64xf32, #tpu.memory_space<vmem>>, vector<1x16xf32>,
        %get3A_2613 = vector.shape_cast %get3A_2612 : vector<1x16xf32> to vector<16xf32>
        %mul3A_2614 = vector.broadcast %squeeze3A_2600 : f32 to vector<16xf32>
        %mul3A_2615 = arith.mulf %mul3A_2614, %get3A_2613 : vector<16xf32>
        %add3A_2616 = arith.addf %add3A_2582, %mul3A_2615 : vector<16xf32>
        %get3A_2617 = arith.constant 9 : i32
        %get3A_2618 = arith.index_cast %get3A_2617 : i32 to index
        %get3A_2619 = arith.constant 32 : index
        %get3A_2620 = tpu.vector_load %arg9[%get3A_2618, %get3A_2619] {strides = array<i32>} : memref<64x64xf32, #tpu.memory_space<vmem>>, vector<1x16xf32>,
        %get3A_2621 = vector.shape_cast %get3A_2620 : vector<1x16xf32> to vector<16xf32>
        %mul3A_2622 = vector.broadcast %squeeze3A_2600 : f32 to vector<16xf32>
        %mul3A_2623 = arith.mulf %mul3A_2622, %get3A_2621 : vector<16xf32>
        %add3A_2624 = arith.addf %add3A_2590, %mul3A_2623 : vector<16xf32>
        %get3A_2625 = arith.constant 9 : i32
        %get3A_2626 = arith.index_cast %get3A_2625 : i32 to index
        %get3A_2627 = arith.constant 48 : index
        %get3A_2628 = tpu.vector_load %arg9[%get3A_2626, %get3A_2627] {strides = array<i32>} : memref<64x64xf32, #tpu.memory_space<vmem>>, vector<1x16xf32>,
        %get3A_2629 = vector.shape_cast %get3A_2628 : vector<1x16xf32> to vector<16xf32>
        %mul3A_2630 = vector.broadcast %squeeze3A_2600 : f32 to vector<16xf32>
        %mul3A_2631 = arith.mulf %mul3A_2630, %get3A_2629 : vector<16xf32>
        %add3A_2632 = arith.addf %add3A_2598, %mul3A_2631 : vector<16xf32>
        %slice3A_2633 = vector.extract_strided_slice %get3A_2272 {offsets = [10], sizes = [1], strides = [1]} : vector<16xf32> to vector<1xf32>
        %squeeze3A_2634 = vector.extract %slice3A_2633[0] : f32 from vector<1xf32>
        %get3A_2635 = arith.constant 10 : i32
        %get3A_2636 = arith.index_cast %get3A_2635 : i32 to index
        %get3A_2637 = arith.constant 0 : index
        %get3A_2638 = tpu.vector_load %arg9[%get3A_2636, %get3A_2637] {strides = array<i32>} : memref<64x64xf32, #tpu.memory_space<vmem>>, vector<1x16xf32>,
        %get3A_2639 = vector.shape_cast %get3A_2638 : vector<1x16xf32> to vector<16xf32>
        %mul3A_2640 = vector.broadcast %squeeze3A_2634 : f32 to vector<16xf32>
        %mul3A_2641 = arith.mulf %mul3A_2640, %get3A_2639 : vector<16xf32>
        %add3A_2642 = arith.addf %add3A_2608, %mul3A_2641 : vector<16xf32>
        %get3A_2643 = arith.constant 10 : i32
        %get3A_2644 = arith.index_cast %get3A_2643 : i32 to index
        %get3A_2645 = arith.constant 16 : index
        %get3A_2646 = tpu.vector_load %arg9[%get3A_2644, %get3A_2645] {strides = array<i32>} : memref<64x64xf32, #tpu.memory_space<vmem>>, vector<1x16xf32>,
        %get3A_2647 = vector.shape_cast %get3A_2646 : vector<1x16xf32> to vector<16xf32>
        %mul3A_2648 = vector.broadcast %squeeze3A_2634 : f32 to vector<16xf32>
        %mul3A_2649 = arith.mulf %mul3A_2648, %get3A_2647 : vector<16xf32>
        %add3A_2650 = arith.addf %add3A_2616, %mul3A_2649 : vector<16xf32>
        %get3A_2651 = arith.constant 10 : i32
        %get3A_2652 = arith.index_cast %get3A_2651 : i32 to index
        %get3A_2653 = arith.constant 32 : index
        %get3A_2654 = tpu.vector_load %arg9[%get3A_2652, %get3A_2653] {strides = array<i32>} : memref<64x64xf32, #tpu.memory_space<vmem>>, vector<1x16xf32>,
        %get3A_2655 = vector.shape_cast %get3A_2654 : vector<1x16xf32> to vector<16xf32>
        %mul3A_2656 = vector.broadcast %squeeze3A_2634 : f32 to vector<16xf32>
        %mul3A_2657 = arith.mulf %mul3A_2656, %get3A_2655 : vector<16xf32>
        %add3A_2658 = arith.addf %add3A_2624, %mul3A_2657 : vector<16xf32>
        %get3A_2659 = arith.constant 10 : i32
        %get3A_2660 = arith.index_cast %get3A_2659 : i32 to index
        %get3A_2661 = arith.constant 48 : index
        %get3A_2662 = tpu.vector_load %arg9[%get3A_2660, %get3A_2661] {strides = array<i32>} : memref<64x64xf32, #tpu.memory_space<vmem>>, vector<1x16xf32>,
        %get3A_2663 = vector.shape_cast %get3A_2662 : vector<1x16xf32> to vector<16xf32>
        %mul3A_2664 = vector.broadcast %squeeze3A_2634 : f32 to vector<16xf32>
        %mul3A_2665 = arith.mulf %mul3A_2664, %get3A_2663 : vector<16xf32>
        %add3A_2666 = arith.addf %add3A_2632, %mul3A_2665 : vector<16xf32>
        %slice3A_2667 = vector.extract_strided_slice %get3A_2272 {offsets = [11], sizes = [1], strides = [1]} : vector<16xf32> to vector<1xf32>
        %squeeze3A_2668 = vector.extract %slice3A_2667[0] : f32 from vector<1xf32>
        %get3A_2669 = arith.constant 11 : i32
        %get3A_2670 = arith.index_cast %get3A_2669 : i32 to index
        %get3A_2671 = arith.constant 0 : index
        %get3A_2672 = tpu.vector_load %arg9[%get3A_2670, %get3A_2671] {strides = array<i32>} : memref<64x64xf32, #tpu.memory_space<vmem>>, vector<1x16xf32>,
        %get3A_2673 = vector.shape_cast %get3A_2672 : vector<1x16xf32> to vector<16xf32>
        %mul3A_2674 = vector.broadcast %squeeze3A_2668 : f32 to vector<16xf32>
        %mul3A_2675 = arith.mulf %mul3A_2674, %get3A_2673 : vector<16xf32>
        %add3A_2676 = arith.addf %add3A_2642, %mul3A_2675 : vector<16xf32>
        %get3A_2677 = arith.constant 11 : i32
        %get3A_2678 = arith.index_cast %get3A_2677 : i32 to index
        %get3A_2679 = arith.constant 16 : index
        %get3A_2680 = tpu.vector_load %arg9[%get3A_2678, %get3A_2679] {strides = array<i32>} : memref<64x64xf32, #tpu.memory_space<vmem>>, vector<1x16xf32>,
        %get3A_2681 = vector.shape_cast %get3A_2680 : vector<1x16xf32> to vector<16xf32>
        %mul3A_2682 = vector.broadcast %squeeze3A_2668 : f32 to vector<16xf32>
        %mul3A_2683 = arith.mulf %mul3A_2682, %get3A_2681 : vector<16xf32>
        %add3A_2684 = arith.addf %add3A_2650, %mul3A_2683 : vector<16xf32>
        %get3A_2685 = arith.constant 11 : i32
        %get3A_2686 = arith.index_cast %get3A_2685 : i32 to index
        %get3A_2687 = arith.constant 32 : index
        %get3A_2688 = tpu.vector_load %arg9[%get3A_2686, %get3A_2687] {strides = array<i32>} : memref<64x64xf32, #tpu.memory_space<vmem>>, vector<1x16xf32>,
        %get3A_2689 = vector.shape_cast %get3A_2688 : vector<1x16xf32> to vector<16xf32>
        %mul3A_2690 = vector.broadcast %squeeze3A_2668 : f32 to vector<16xf32>
        %mul3A_2691 = arith.mulf %mul3A_2690, %get3A_2689 : vector<16xf32>
        %add3A_2692 = arith.addf %add3A_2658, %mul3A_2691 : vector<16xf32>
        %get3A_2693 = arith.constant 11 : i32
        %get3A_2694 = arith.index_cast %get3A_2693 : i32 to index
        %get3A_2695 = arith.constant 48 : index
        %get3A_2696 = tpu.vector_load %arg9[%get3A_2694, %get3A_2695] {strides = array<i32>} : memref<64x64xf32, #tpu.memory_space<vmem>>, vector<1x16xf32>,
        %get3A_2697 = vector.shape_cast %get3A_2696 : vector<1x16xf32> to vector<16xf32>
        %mul3A_2698 = vector.broadcast %squeeze3A_2668 : f32 to vector<16xf32>
        %mul3A_2699 = arith.mulf %mul3A_2698, %get3A_2697 : vector<16xf32>
        %add3A_2700 = arith.addf %add3A_2666, %mul3A_2699 : vector<16xf32>
        %slice3A_2701 = vector.extract_strided_slice %get3A_2272 {offsets = [12], sizes = [1], strides = [1]} : vector<16xf32> to vector<1xf32>
        %squeeze3A_2702 = vector.extract %slice3A_2701[0] : f32 from vector<1xf32>
        %get3A_2703 = arith.constant 12 : i32
        %get3A_2704 = arith.index_cast %get3A_2703 : i32 to index
        %get3A_2705 = arith.constant 0 : index
        %get3A_2706 = tpu.vector_load %arg9[%get3A_2704, %get3A_2705] {strides = array<i32>} : memref<64x64xf32, #tpu.memory_space<vmem>>, vector<1x16xf32>,
        %get3A_2707 = vector.shape_cast %get3A_2706 : vector<1x16xf32> to vector<16xf32>
        %mul3A_2708 = vector.broadcast %squeeze3A_2702 : f32 to vector<16xf32>
        %mul3A_2709 = arith.mulf %mul3A_2708, %get3A_2707 : vector<16xf32>
        %add3A_2710 = arith.addf %add3A_2676, %mul3A_2709 : vector<16xf32>
        %get3A_2711 = arith.constant 12 : i32
        %get3A_2712 = arith.index_cast %get3A_2711 : i32 to index
        %get3A_2713 = arith.constant 16 : index
        %get3A_2714 = tpu.vector_load %arg9[%get3A_2712, %get3A_2713] {strides = array<i32>} : memref<64x64xf32, #tpu.memory_space<vmem>>, vector<1x16xf32>,
        %get3A_2715 = vector.shape_cast %get3A_2714 : vector<1x16xf32> to vector<16xf32>
        %mul3A_2716 = vector.broadcast %squeeze3A_2702 : f32 to vector<16xf32>
        %mul3A_2717 = arith.mulf %mul3A_2716, %get3A_2715 : vector<16xf32>
        %add3A_2718 = arith.addf %add3A_2684, %mul3A_2717 : vector<16xf32>
        %get3A_2719 = arith.constant 12 : i32
        %get3A_2720 = arith.index_cast %get3A_2719 : i32 to index
        %get3A_2721 = arith.constant 32 : index
        %get3A_2722 = tpu.vector_load %arg9[%get3A_2720, %get3A_2721] {strides = array<i32>} : memref<64x64xf32, #tpu.memory_space<vmem>>, vector<1x16xf32>,
        %get3A_2723 = vector.shape_cast %get3A_2722 : vector<1x16xf32> to vector<16xf32>
        %mul3A_2724 = vector.broadcast %squeeze3A_2702 : f32 to vector<16xf32>
        %mul3A_2725 = arith.mulf %mul3A_2724, %get3A_2723 : vector<16xf32>
        %add3A_2726 = arith.addf %add3A_2692, %mul3A_2725 : vector<16xf32>
        %get3A_2727 = arith.constant 12 : i32
        %get3A_2728 = arith.index_cast %get3A_2727 : i32 to index
        %get3A_2729 = arith.constant 48 : index
        %get3A_2730 = tpu.vector_load %arg9[%get3A_2728, %get3A_2729] {strides = array<i32>} : memref<64x64xf32, #tpu.memory_space<vmem>>, vector<1x16xf32>,
        %get3A_2731 = vector.shape_cast %get3A_2730 : vector<1x16xf32> to vector<16xf32>
        %mul3A_2732 = vector.broadcast %squeeze3A_2702 : f32 to vector<16xf32>
        %mul3A_2733 = arith.mulf %mul3A_2732, %get3A_2731 : vector<16xf32>
        %add3A_2734 = arith.addf %add3A_2700, %mul3A_2733 : vector<16xf32>
        %slice3A_2735 = vector.extract_strided_slice %get3A_2272 {offsets = [13], sizes = [1], strides = [1]} : vector<16xf32> to vector<1xf32>
        %squeeze3A_2736 = vector.extract %slice3A_2735[0] : f32 from vector<1xf32>
        %get3A_2737 = arith.constant 13 : i32
        %get3A_2738 = arith.index_cast %get3A_2737 : i32 to index
        %get3A_2739 = arith.constant 0 : index
        %get3A_2740 = tpu.vector_load %arg9[%get3A_2738, %get3A_2739] {strides = array<i32>} : memref<64x64xf32, #tpu.memory_space<vmem>>, vector<1x16xf32>,
        %get3A_2741 = vector.shape_cast %get3A_2740 : vector<1x16xf32> to vector<16xf32>
        %mul3A_2742 = vector.broadcast %squeeze3A_2736 : f32 to vector<16xf32>
        %mul3A_2743 = arith.mulf %mul3A_2742, %get3A_2741 : vector<16xf32>
        %add3A_2744 = arith.addf %add3A_2710, %mul3A_2743 : vector<16xf32>
        %get3A_2745 = arith.constant 13 : i32
        %get3A_2746 = arith.index_cast %get3A_2745 : i32 to index
        %get3A_2747 = arith.constant 16 : index
        %get3A_2748 = tpu.vector_load %arg9[%get3A_2746, %get3A_2747] {strides = array<i32>} : memref<64x64xf32, #tpu.memory_space<vmem>>, vector<1x16xf32>,
        %get3A_2749 = vector.shape_cast %get3A_2748 : vector<1x16xf32> to vector<16xf32>
        %mul3A_2750 = vector.broadcast %squeeze3A_2736 : f32 to vector<16xf32>
        %mul3A_2751 = arith.mulf %mul3A_2750, %get3A_2749 : vector<16xf32>
        %add3A_2752 = arith.addf %add3A_2718, %mul3A_2751 : vector<16xf32>
        %get3A_2753 = arith.constant 13 : i32
        %get3A_2754 = arith.index_cast %get3A_2753 : i32 to index
        %get3A_2755 = arith.constant 32 : index
        %get3A_2756 = tpu.vector_load %arg9[%get3A_2754, %get3A_2755] {strides = array<i32>} : memref<64x64xf32, #tpu.memory_space<vmem>>, vector<1x16xf32>,
        %get3A_2757 = vector.shape_cast %get3A_2756 : vector<1x16xf32> to vector<16xf32>
        %mul3A_2758 = vector.broadcast %squeeze3A_2736 : f32 to vector<16xf32>
        %mul3A_2759 = arith.mulf %mul3A_2758, %get3A_2757 : vector<16xf32>
        %add3A_2760 = arith.addf %add3A_2726, %mul3A_2759 : vector<16xf32>
        %get3A_2761 = arith.constant 13 : i32
        %get3A_2762 = arith.index_cast %get3A_2761 : i32 to index
        %get3A_2763 = arith.constant 48 : index
        %get3A_2764 = tpu.vector_load %arg9[%get3A_2762, %get3A_2763] {strides = array<i32>} : memref<64x64xf32, #tpu.memory_space<vmem>>, vector<1x16xf32>,
        %get3A_2765 = vector.shape_cast %get3A_2764 : vector<1x16xf32> to vector<16xf32>
        %mul3A_2766 = vector.broadcast %squeeze3A_2736 : f32 to vector<16xf32>
        %mul3A_2767 = arith.mulf %mul3A_2766, %get3A_2765 : vector<16xf32>
        %add3A_2768 = arith.addf %add3A_2734, %mul3A_2767 : vector<16xf32>
        %slice3A_2769 = vector.extract_strided_slice %get3A_2272 {offsets = [14], sizes = [1], strides = [1]} : vector<16xf32> to vector<1xf32>
        %squeeze3A_2770 = vector.extract %slice3A_2769[0] : f32 from vector<1xf32>
        %get3A_2771 = arith.constant 14 : i32
        %get3A_2772 = arith.index_cast %get3A_2771 : i32 to index
        %get3A_2773 = arith.constant 0 : index
        %get3A_2774 = tpu.vector_load %arg9[%get3A_2772, %get3A_2773] {strides = array<i32>} : memref<64x64xf32, #tpu.memory_space<vmem>>, vector<1x16xf32>,
        %get3A_2775 = vector.shape_cast %get3A_2774 : vector<1x16xf32> to vector<16xf32>
        %mul3A_2776 = vector.broadcast %squeeze3A_2770 : f32 to vector<16xf32>
        %mul3A_2777 = arith.mulf %mul3A_2776, %get3A_2775 : vector<16xf32>
        %add3A_2778 = arith.addf %add3A_2744, %mul3A_2777 : vector<16xf32>
        %get3A_2779 = arith.constant 14 : i32
        %get3A_2780 = arith.index_cast %get3A_2779 : i32 to index
        %get3A_2781 = arith.constant 16 : index
        %get3A_2782 = tpu.vector_load %arg9[%get3A_2780, %get3A_2781] {strides = array<i32>} : memref<64x64xf32, #tpu.memory_space<vmem>>, vector<1x16xf32>,
        %get3A_2783 = vector.shape_cast %get3A_2782 : vector<1x16xf32> to vector<16xf32>
        %mul3A_2784 = vector.broadcast %squeeze3A_2770 : f32 to vector<16xf32>
        %mul3A_2785 = arith.mulf %mul3A_2784, %get3A_2783 : vector<16xf32>
        %add3A_2786 = arith.addf %add3A_2752, %mul3A_2785 : vector<16xf32>
        %get3A_2787 = arith.constant 14 : i32
        %get3A_2788 = arith.index_cast %get3A_2787 : i32 to index
        %get3A_2789 = arith.constant 32 : index
        %get3A_2790 = tpu.vector_load %arg9[%get3A_2788, %get3A_2789] {strides = array<i32>} : memref<64x64xf32, #tpu.memory_space<vmem>>, vector<1x16xf32>,
        %get3A_2791 = vector.shape_cast %get3A_2790 : vector<1x16xf32> to vector<16xf32>
        %mul3A_2792 = vector.broadcast %squeeze3A_2770 : f32 to vector<16xf32>
        %mul3A_2793 = arith.mulf %mul3A_2792, %get3A_2791 : vector<16xf32>
        %add3A_2794 = arith.addf %add3A_2760, %mul3A_2793 : vector<16xf32>
        %get3A_2795 = arith.constant 14 : i32
        %get3A_2796 = arith.index_cast %get3A_2795 : i32 to index
        %get3A_2797 = arith.constant 48 : index
        %get3A_2798 = tpu.vector_load %arg9[%get3A_2796, %get3A_2797] {strides = array<i32>} : memref<64x64xf32, #tpu.memory_space<vmem>>, vector<1x16xf32>,
        %get3A_2799 = vector.shape_cast %get3A_2798 : vector<1x16xf32> to vector<16xf32>
        %mul3A_2800 = vector.broadcast %squeeze3A_2770 : f32 to vector<16xf32>
        %mul3A_2801 = arith.mulf %mul3A_2800, %get3A_2799 : vector<16xf32>
        %add3A_2802 = arith.addf %add3A_2768, %mul3A_2801 : vector<16xf32>
        %slice3A_2803 = vector.extract_strided_slice %get3A_2272 {offsets = [15], sizes = [1], strides = [1]} : vector<16xf32> to vector<1xf32>
        %squeeze3A_2804 = vector.extract %slice3A_2803[0] : f32 from vector<1xf32>
        %get3A_2805 = arith.constant 15 : i32
        %get3A_2806 = arith.index_cast %get3A_2805 : i32 to index
        %get3A_2807 = arith.constant 0 : index
        %get3A_2808 = tpu.vector_load %arg9[%get3A_2806, %get3A_2807] {strides = array<i32>} : memref<64x64xf32, #tpu.memory_space<vmem>>, vector<1x16xf32>,
        %get3A_2809 = vector.shape_cast %get3A_2808 : vector<1x16xf32> to vector<16xf32>
        %mul3A_2810 = vector.broadcast %squeeze3A_2804 : f32 to vector<16xf32>
        %mul3A_2811 = arith.mulf %mul3A_2810, %get3A_2809 : vector<16xf32>
        %add3A_2812 = arith.addf %add3A_2778, %mul3A_2811 : vector<16xf32>
        %get3A_2813 = arith.constant 15 : i32
        %get3A_2814 = arith.index_cast %get3A_2813 : i32 to index
        %get3A_2815 = arith.constant 16 : index
        %get3A_2816 = tpu.vector_load %arg9[%get3A_2814, %get3A_2815] {strides = array<i32>} : memref<64x64xf32, #tpu.memory_space<vmem>>, vector<1x16xf32>,
        %get3A_2817 = vector.shape_cast %get3A_2816 : vector<1x16xf32> to vector<16xf32>
        %mul3A_2818 = vector.broadcast %squeeze3A_2804 : f32 to vector<16xf32>
        %mul3A_2819 = arith.mulf %mul3A_2818, %get3A_2817 : vector<16xf32>
        %add3A_2820 = arith.addf %add3A_2786, %mul3A_2819 : vector<16xf32>
        %get3A_2821 = arith.constant 15 : i32
        %get3A_2822 = arith.index_cast %get3A_2821 : i32 to index
        %get3A_2823 = arith.constant 32 : index
        %get3A_2824 = tpu.vector_load %arg9[%get3A_2822, %get3A_2823] {strides = array<i32>} : memref<64x64xf32, #tpu.memory_space<vmem>>, vector<1x16xf32>,
        %get3A_2825 = vector.shape_cast %get3A_2824 : vector<1x16xf32> to vector<16xf32>
        %mul3A_2826 = vector.broadcast %squeeze3A_2804 : f32 to vector<16xf32>
        %mul3A_2827 = arith.mulf %mul3A_2826, %get3A_2825 : vector<16xf32>
        %add3A_2828 = arith.addf %add3A_2794, %mul3A_2827 : vector<16xf32>
        %get3A_2829 = arith.constant 15 : i32
        %get3A_2830 = arith.index_cast %get3A_2829 : i32 to index
        %get3A_2831 = arith.constant 48 : index
        %get3A_2832 = tpu.vector_load %arg9[%get3A_2830, %get3A_2831] {strides = array<i32>} : memref<64x64xf32, #tpu.memory_space<vmem>>, vector<1x16xf32>,
        %get3A_2833 = vector.shape_cast %get3A_2832 : vector<1x16xf32> to vector<16xf32>
        %mul3A_2834 = vector.broadcast %squeeze3A_2804 : f32 to vector<16xf32>
        %mul3A_2835 = arith.mulf %mul3A_2834, %get3A_2833 : vector<16xf32>
        %add3A_2836 = arith.addf %add3A_2802, %mul3A_2835 : vector<16xf32>
        %slice3A_2837 = vector.extract_strided_slice %get3A_2276 {offsets = [0], sizes = [1], strides = [1]} : vector<16xf32> to vector<1xf32>
        %squeeze3A_2838 = vector.extract %slice3A_2837[0] : f32 from vector<1xf32>
        %get3A_2839 = arith.constant 16 : i32
        %get3A_2840 = arith.index_cast %get3A_2839 : i32 to index
        %get3A_2841 = arith.constant 0 : index
        %get3A_2842 = tpu.vector_load %arg9[%get3A_2840, %get3A_2841] {strides = array<i32>} : memref<64x64xf32, #tpu.memory_space<vmem>>, vector<1x16xf32>,
        %get3A_2843 = vector.shape_cast %get3A_2842 : vector<1x16xf32> to vector<16xf32>
        %mul3A_2844 = vector.broadcast %squeeze3A_2838 : f32 to vector<16xf32>
        %mul3A_2845 = arith.mulf %mul3A_2844, %get3A_2843 : vector<16xf32>
        %add3A_2846 = arith.addf %add3A_2812, %mul3A_2845 : vector<16xf32>
        %get3A_2847 = arith.constant 16 : i32
        %get3A_2848 = arith.index_cast %get3A_2847 : i32 to index
        %get3A_2849 = arith.constant 16 : index
        %get3A_2850 = tpu.vector_load %arg9[%get3A_2848, %get3A_2849] {strides = array<i32>} : memref<64x64xf32, #tpu.memory_space<vmem>>, vector<1x16xf32>,
        %get3A_2851 = vector.shape_cast %get3A_2850 : vector<1x16xf32> to vector<16xf32>
        %mul3A_2852 = vector.broadcast %squeeze3A_2838 : f32 to vector<16xf32>
        %mul3A_2853 = arith.mulf %mul3A_2852, %get3A_2851 : vector<16xf32>
        %add3A_2854 = arith.addf %add3A_2820, %mul3A_2853 : vector<16xf32>
        %get3A_2855 = arith.constant 16 : i32
        %get3A_2856 = arith.index_cast %get3A_2855 : i32 to index
        %get3A_2857 = arith.constant 32 : index
        %get3A_2858 = tpu.vector_load %arg9[%get3A_2856, %get3A_2857] {strides = array<i32>} : memref<64x64xf32, #tpu.memory_space<vmem>>, vector<1x16xf32>,
        %get3A_2859 = vector.shape_cast %get3A_2858 : vector<1x16xf32> to vector<16xf32>
        %mul3A_2860 = vector.broadcast %squeeze3A_2838 : f32 to vector<16xf32>
        %mul3A_2861 = arith.mulf %mul3A_2860, %get3A_2859 : vector<16xf32>
        %add3A_2862 = arith.addf %add3A_2828, %mul3A_2861 : vector<16xf32>
        %get3A_2863 = arith.constant 16 : i32
        %get3A_2864 = arith.index_cast %get3A_2863 : i32 to index
        %get3A_2865 = arith.constant 48 : index
        %get3A_2866 = tpu.vector_load %arg9[%get3A_2864, %get3A_2865] {strides = array<i32>} : memref<64x64xf32, #tpu.memory_space<vmem>>, vector<1x16xf32>,
        %get3A_2867 = vector.shape_cast %get3A_2866 : vector<1x16xf32> to vector<16xf32>
        %mul3A_2868 = vector.broadcast %squeeze3A_2838 : f32 to vector<16xf32>
        %mul3A_2869 = arith.mulf %mul3A_2868, %get3A_2867 : vector<16xf32>
        %add3A_2870 = arith.addf %add3A_2836, %mul3A_2869 : vector<16xf32>
        %slice3A_2871 = vector.extract_strided_slice %get3A_2276 {offsets = [1], sizes = [1], strides = [1]} : vector<16xf32> to vector<1xf32>
        %squeeze3A_2872 = vector.extract %slice3A_2871[0] : f32 from vector<1xf32>
        %get3A_2873 = arith.constant 17 : i32
        %get3A_2874 = arith.index_cast %get3A_2873 : i32 to index
        %get3A_2875 = arith.constant 0 : index
        %get3A_2876 = tpu.vector_load %arg9[%get3A_2874, %get3A_2875] {strides = array<i32>} : memref<64x64xf32, #tpu.memory_space<vmem>>, vector<1x16xf32>,
        %get3A_2877 = vector.shape_cast %get3A_2876 : vector<1x16xf32> to vector<16xf32>
        %mul3A_2878 = vector.broadcast %squeeze3A_2872 : f32 to vector<16xf32>
        %mul3A_2879 = arith.mulf %mul3A_2878, %get3A_2877 : vector<16xf32>
        %add3A_2880 = arith.addf %add3A_2846, %mul3A_2879 : vector<16xf32>
        %get3A_2881 = arith.constant 17 : i32
        %get3A_2882 = arith.index_cast %get3A_2881 : i32 to index
        %get3A_2883 = arith.constant 16 : index
        %get3A_2884 = tpu.vector_load %arg9[%get3A_2882, %get3A_2883] {strides = array<i32>} : memref<64x64xf32, #tpu.memory_space<vmem>>, vector<1x16xf32>,
        %get3A_2885 = vector.shape_cast %get3A_2884 : vector<1x16xf32> to vector<16xf32>
        %mul3A_2886 = vector.broadcast %squeeze3A_2872 : f32 to vector<16xf32>
        %mul3A_2887 = arith.mulf %mul3A_2886, %get3A_2885 : vector<16xf32>
        %add3A_2888 = arith.addf %add3A_2854, %mul3A_2887 : vector<16xf32>
        %get3A_2889 = arith.constant 17 : i32
        %get3A_2890 = arith.index_cast %get3A_2889 : i32 to index
        %get3A_2891 = arith.constant 32 : index
        %get3A_2892 = tpu.vector_load %arg9[%get3A_2890, %get3A_2891] {strides = array<i32>} : memref<64x64xf32, #tpu.memory_space<vmem>>, vector<1x16xf32>,
        %get3A_2893 = vector.shape_cast %get3A_2892 : vector<1x16xf32> to vector<16xf32>
        %mul3A_2894 = vector.broadcast %squeeze3A_2872 : f32 to vector<16xf32>
        %mul3A_2895 = arith.mulf %mul3A_2894, %get3A_2893 : vector<16xf32>
        %add3A_2896 = arith.addf %add3A_2862, %mul3A_2895 : vector<16xf32>
        %get3A_2897 = arith.constant 17 : i32
        %get3A_2898 = arith.index_cast %get3A_2897 : i32 to index
        %get3A_2899 = arith.constant 48 : index
        %get3A_2900 = tpu.vector_load %arg9[%get3A_2898, %get3A_2899] {strides = array<i32>} : memref<64x64xf32, #tpu.memory_space<vmem>>, vector<1x16xf32>,
        %get3A_2901 = vector.shape_cast %get3A_2900 : vector<1x16xf32> to vector<16xf32>
        %mul3A_2902 = vector.broadcast %squeeze3A_2872 : f32 to vector<16xf32>
        %mul3A_2903 = arith.mulf %mul3A_2902, %get3A_2901 : vector<16xf32>
        %add3A_2904 = arith.addf %add3A_2870, %mul3A_2903 : vector<16xf32>
        %slice3A_2905 = vector.extract_strided_slice %get3A_2276 {offsets = [2], sizes = [1], strides = [1]} : vector<16xf32> to vector<1xf32>
        %squeeze3A_2906 = vector.extract %slice3A_2905[0] : f32 from vector<1xf32>
        %get3A_2907 = arith.constant 18 : i32
        %get3A_2908 = arith.index_cast %get3A_2907 : i32 to index
        %get3A_2909 = arith.constant 0 : index
        %get3A_2910 = tpu.vector_load %arg9[%get3A_2908, %get3A_2909] {strides = array<i32>} : memref<64x64xf32, #tpu.memory_space<vmem>>, vector<1x16xf32>,
        %get3A_2911 = vector.shape_cast %get3A_2910 : vector<1x16xf32> to vector<16xf32>
        %mul3A_2912 = vector.broadcast %squeeze3A_2906 : f32 to vector<16xf32>
        %mul3A_2913 = arith.mulf %mul3A_2912, %get3A_2911 : vector<16xf32>
        %add3A_2914 = arith.addf %add3A_2880, %mul3A_2913 : vector<16xf32>
        %get3A_2915 = arith.constant 18 : i32
        %get3A_2916 = arith.index_cast %get3A_2915 : i32 to index
        %get3A_2917 = arith.constant 16 : index
        %get3A_2918 = tpu.vector_load %arg9[%get3A_2916, %get3A_2917] {strides = array<i32>} : memref<64x64xf32, #tpu.memory_space<vmem>>, vector<1x16xf32>,
        %get3A_2919 = vector.shape_cast %get3A_2918 : vector<1x16xf32> to vector<16xf32>
        %mul3A_2920 = vector.broadcast %squeeze3A_2906 : f32 to vector<16xf32>
        %mul3A_2921 = arith.mulf %mul3A_2920, %get3A_2919 : vector<16xf32>
        %add3A_2922 = arith.addf %add3A_2888, %mul3A_2921 : vector<16xf32>
        %get3A_2923 = arith.constant 18 : i32
        %get3A_2924 = arith.index_cast %get3A_2923 : i32 to index
        %get3A_2925 = arith.constant 32 : index
        %get3A_2926 = tpu.vector_load %arg9[%get3A_2924, %get3A_2925] {strides = array<i32>} : memref<64x64xf32, #tpu.memory_space<vmem>>, vector<1x16xf32>,
        %get3A_2927 = vector.shape_cast %get3A_2926 : vector<1x16xf32> to vector<16xf32>
        %mul3A_2928 = vector.broadcast %squeeze3A_2906 : f32 to vector<16xf32>
        %mul3A_2929 = arith.mulf %mul3A_2928, %get3A_2927 : vector<16xf32>
        %add3A_2930 = arith.addf %add3A_2896, %mul3A_2929 : vector<16xf32>
        %get3A_2931 = arith.constant 18 : i32
        %get3A_2932 = arith.index_cast %get3A_2931 : i32 to index
        %get3A_2933 = arith.constant 48 : index
        %get3A_2934 = tpu.vector_load %arg9[%get3A_2932, %get3A_2933] {strides = array<i32>} : memref<64x64xf32, #tpu.memory_space<vmem>>, vector<1x16xf32>,
        %get3A_2935 = vector.shape_cast %get3A_2934 : vector<1x16xf32> to vector<16xf32>
        %mul3A_2936 = vector.broadcast %squeeze3A_2906 : f32 to vector<16xf32>
        %mul3A_2937 = arith.mulf %mul3A_2936, %get3A_2935 : vector<16xf32>
        %add3A_2938 = arith.addf %add3A_2904, %mul3A_2937 : vector<16xf32>
        %slice3A_2939 = vector.extract_strided_slice %get3A_2276 {offsets = [3], sizes = [1], strides = [1]} : vector<16xf32> to vector<1xf32>
        %squeeze3A_2940 = vector.extract %slice3A_2939[0] : f32 from vector<1xf32>
        %get3A_2941 = arith.constant 19 : i32
        %get3A_2942 = arith.index_cast %get3A_2941 : i32 to index
        %get3A_2943 = arith.constant 0 : index
        %get3A_2944 = tpu.vector_load %arg9[%get3A_2942, %get3A_2943] {strides = array<i32>} : memref<64x64xf32, #tpu.memory_space<vmem>>, vector<1x16xf32>,
        %get3A_2945 = vector.shape_cast %get3A_2944 : vector<1x16xf32> to vector<16xf32>
        %mul3A_2946 = vector.broadcast %squeeze3A_2940 : f32 to vector<16xf32>
        %mul3A_2947 = arith.mulf %mul3A_2946, %get3A_2945 : vector<16xf32>
        %add3A_2948 = arith.addf %add3A_2914, %mul3A_2947 : vector<16xf32>
        %get3A_2949 = arith.constant 19 : i32
        %get3A_2950 = arith.index_cast %get3A_2949 : i32 to index
        %get3A_2951 = arith.constant 16 : index
        %get3A_2952 = tpu.vector_load %arg9[%get3A_2950, %get3A_2951] {strides = array<i32>} : memref<64x64xf32, #tpu.memory_space<vmem>>, vector<1x16xf32>,
        %get3A_2953 = vector.shape_cast %get3A_2952 : vector<1x16xf32> to vector<16xf32>
        %mul3A_2954 = vector.broadcast %squeeze3A_2940 : f32 to vector<16xf32>
        %mul3A_2955 = arith.mulf %mul3A_2954, %get3A_2953 : vector<16xf32>
        %add3A_2956 = arith.addf %add3A_2922, %mul3A_2955 : vector<16xf32>
        %get3A_2957 = arith.constant 19 : i32
        %get3A_2958 = arith.index_cast %get3A_2957 : i32 to index
        %get3A_2959 = arith.constant 32 : index
        %get3A_2960 = tpu.vector_load %arg9[%get3A_2958, %get3A_2959] {strides = array<i32>} : memref<64x64xf32, #tpu.memory_space<vmem>>, vector<1x16xf32>,
        %get3A_2961 = vector.shape_cast %get3A_2960 : vector<1x16xf32> to vector<16xf32>
        %mul3A_2962 = vector.broadcast %squeeze3A_2940 : f32 to vector<16xf32>
        %mul3A_2963 = arith.mulf %mul3A_2962, %get3A_2961 : vector<16xf32>
        %add3A_2964 = arith.addf %add3A_2930, %mul3A_2963 : vector<16xf32>
        %get3A_2965 = arith.constant 19 : i32
        %get3A_2966 = arith.index_cast %get3A_2965 : i32 to index
        %get3A_2967 = arith.constant 48 : index
        %get3A_2968 = tpu.vector_load %arg9[%get3A_2966, %get3A_2967] {strides = array<i32>} : memref<64x64xf32, #tpu.memory_space<vmem>>, vector<1x16xf32>,
        %get3A_2969 = vector.shape_cast %get3A_2968 : vector<1x16xf32> to vector<16xf32>
        %mul3A_2970 = vector.broadcast %squeeze3A_2940 : f32 to vector<16xf32>
        %mul3A_2971 = arith.mulf %mul3A_2970, %get3A_2969 : vector<16xf32>
        %add3A_2972 = arith.addf %add3A_2938, %mul3A_2971 : vector<16xf32>
        %slice3A_2973 = vector.extract_strided_slice %get3A_2276 {offsets = [4], sizes = [1], strides = [1]} : vector<16xf32> to vector<1xf32>
        %squeeze3A_2974 = vector.extract %slice3A_2973[0] : f32 from vector<1xf32>
        %get3A_2975 = arith.constant 20 : i32
        %get3A_2976 = arith.index_cast %get3A_2975 : i32 to index
        %get3A_2977 = arith.constant 0 : index
        %get3A_2978 = tpu.vector_load %arg9[%get3A_2976, %get3A_2977] {strides = array<i32>} : memref<64x64xf32, #tpu.memory_space<vmem>>, vector<1x16xf32>,
        %get3A_2979 = vector.shape_cast %get3A_2978 : vector<1x16xf32> to vector<16xf32>
        %mul3A_2980 = vector.broadcast %squeeze3A_2974 : f32 to vector<16xf32>
        %mul3A_2981 = arith.mulf %mul3A_2980, %get3A_2979 : vector<16xf32>
        %add3A_2982 = arith.addf %add3A_2948, %mul3A_2981 : vector<16xf32>
        %get3A_2983 = arith.constant 20 : i32
        %get3A_2984 = arith.index_cast %get3A_2983 : i32 to index
        %get3A_2985 = arith.constant 16 : index
        %get3A_2986 = tpu.vector_load %arg9[%get3A_2984, %get3A_2985] {strides = array<i32>} : memref<64x64xf32, #tpu.memory_space<vmem>>, vector<1x16xf32>,
        %get3A_2987 = vector.shape_cast %get3A_2986 : vector<1x16xf32> to vector<16xf32>
        %mul3A_2988 = vector.broadcast %squeeze3A_2974 : f32 to vector<16xf32>
        %mul3A_2989 = arith.mulf %mul3A_2988, %get3A_2987 : vector<16xf32>
        %add3A_2990 = arith.addf %add3A_2956, %mul3A_2989 : vector<16xf32>
        %get3A_2991 = arith.constant 20 : i32
        %get3A_2992 = arith.index_cast %get3A_2991 : i32 to index
        %get3A_2993 = arith.constant 32 : index
        %get3A_2994 = tpu.vector_load %arg9[%get3A_2992, %get3A_2993] {strides = array<i32>} : memref<64x64xf32, #tpu.memory_space<vmem>>, vector<1x16xf32>,
        %get3A_2995 = vector.shape_cast %get3A_2994 : vector<1x16xf32> to vector<16xf32>
        %mul3A_2996 = vector.broadcast %squeeze3A_2974 : f32 to vector<16xf32>
        %mul3A_2997 = arith.mulf %mul3A_2996, %get3A_2995 : vector<16xf32>
        %add3A_2998 = arith.addf %add3A_2964, %mul3A_2997 : vector<16xf32>
        %get3A_2999 = arith.constant 20 : i32
        %get3A_3000 = arith.index_cast %get3A_2999 : i32 to index
        %get3A_3001 = arith.constant 48 : index
        %get3A_3002 = tpu.vector_load %arg9[%get3A_3000, %get3A_3001] {strides = array<i32>} : memref<64x64xf32, #tpu.memory_space<vmem>>, vector<1x16xf32>,
        %get3A_3003 = vector.shape_cast %get3A_3002 : vector<1x16xf32> to vector<16xf32>
        %mul3A_3004 = vector.broadcast %squeeze3A_2974 : f32 to vector<16xf32>
        %mul3A_3005 = arith.mulf %mul3A_3004, %get3A_3003 : vector<16xf32>
        %add3A_3006 = arith.addf %add3A_2972, %mul3A_3005 : vector<16xf32>
        %slice3A_3007 = vector.extract_strided_slice %get3A_2276 {offsets = [5], sizes = [1], strides = [1]} : vector<16xf32> to vector<1xf32>
        %squeeze3A_3008 = vector.extract %slice3A_3007[0] : f32 from vector<1xf32>
        %get3A_3009 = arith.constant 21 : i32
        %get3A_3010 = arith.index_cast %get3A_3009 : i32 to index
        %get3A_3011 = arith.constant 0 : index
        %get3A_3012 = tpu.vector_load %arg9[%get3A_3010, %get3A_3011] {strides = array<i32>} : memref<64x64xf32, #tpu.memory_space<vmem>>, vector<1x16xf32>,
        %get3A_3013 = vector.shape_cast %get3A_3012 : vector<1x16xf32> to vector<16xf32>
        %mul3A_3014 = vector.broadcast %squeeze3A_3008 : f32 to vector<16xf32>
        %mul3A_3015 = arith.mulf %mul3A_3014, %get3A_3013 : vector<16xf32>
        %add3A_3016 = arith.addf %add3A_2982, %mul3A_3015 : vector<16xf32>
        %get3A_3017 = arith.constant 21 : i32
        %get3A_3018 = arith.index_cast %get3A_3017 : i32 to index
        %get3A_3019 = arith.constant 16 : index
        %get3A_3020 = tpu.vector_load %arg9[%get3A_3018, %get3A_3019] {strides = array<i32>} : memref<64x64xf32, #tpu.memory_space<vmem>>, vector<1x16xf32>,
        %get3A_3021 = vector.shape_cast %get3A_3020 : vector<1x16xf32> to vector<16xf32>
        %mul3A_3022 = vector.broadcast %squeeze3A_3008 : f32 to vector<16xf32>
        %mul3A_3023 = arith.mulf %mul3A_3022, %get3A_3021 : vector<16xf32>
        %add3A_3024 = arith.addf %add3A_2990, %mul3A_3023 : vector<16xf32>
        %get3A_3025 = arith.constant 21 : i32
        %get3A_3026 = arith.index_cast %get3A_3025 : i32 to index
        %get3A_3027 = arith.constant 32 : index
        %get3A_3028 = tpu.vector_load %arg9[%get3A_3026, %get3A_3027] {strides = array<i32>} : memref<64x64xf32, #tpu.memory_space<vmem>>, vector<1x16xf32>,
        %get3A_3029 = vector.shape_cast %get3A_3028 : vector<1x16xf32> to vector<16xf32>
        %mul3A_3030 = vector.broadcast %squeeze3A_3008 : f32 to vector<16xf32>
        %mul3A_3031 = arith.mulf %mul3A_3030, %get3A_3029 : vector<16xf32>
        %add3A_3032 = arith.addf %add3A_2998, %mul3A_3031 : vector<16xf32>
        %get3A_3033 = arith.constant 21 : i32
        %get3A_3034 = arith.index_cast %get3A_3033 : i32 to index
        %get3A_3035 = arith.constant 48 : index
        %get3A_3036 = tpu.vector_load %arg9[%get3A_3034, %get3A_3035] {strides = array<i32>} : memref<64x64xf32, #tpu.memory_space<vmem>>, vector<1x16xf32>,
        %get3A_3037 = vector.shape_cast %get3A_3036 : vector<1x16xf32> to vector<16xf32>
        %mul3A_3038 = vector.broadcast %squeeze3A_3008 : f32 to vector<16xf32>
        %mul3A_3039 = arith.mulf %mul3A_3038, %get3A_3037 : vector<16xf32>
        %add3A_3040 = arith.addf %add3A_3006, %mul3A_3039 : vector<16xf32>
        %slice3A_3041 = vector.extract_strided_slice %get3A_2276 {offsets = [6], sizes = [1], strides = [1]} : vector<16xf32> to vector<1xf32>
        %squeeze3A_3042 = vector.extract %slice3A_3041[0] : f32 from vector<1xf32>
        %get3A_3043 = arith.constant 22 : i32
        %get3A_3044 = arith.index_cast %get3A_3043 : i32 to index
        %get3A_3045 = arith.constant 0 : index
        %get3A_3046 = tpu.vector_load %arg9[%get3A_3044, %get3A_3045] {strides = array<i32>} : memref<64x64xf32, #tpu.memory_space<vmem>>, vector<1x16xf32>,
        %get3A_3047 = vector.shape_cast %get3A_3046 : vector<1x16xf32> to vector<16xf32>
        %mul3A_3048 = vector.broadcast %squeeze3A_3042 : f32 to vector<16xf32>
        %mul3A_3049 = arith.mulf %mul3A_3048, %get3A_3047 : vector<16xf32>
        %add3A_3050 = arith.addf %add3A_3016, %mul3A_3049 : vector<16xf32>
        %get3A_3051 = arith.constant 22 : i32
        %get3A_3052 = arith.index_cast %get3A_3051 : i32 to index
        %get3A_3053 = arith.constant 16 : index
        %get3A_3054 = tpu.vector_load %arg9[%get3A_3052, %get3A_3053] {strides = array<i32>} : memref<64x64xf32, #tpu.memory_space<vmem>>, vector<1x16xf32>,
        %get3A_3055 = vector.shape_cast %get3A_3054 : vector<1x16xf32> to vector<16xf32>
        %mul3A_3056 = vector.broadcast %squeeze3A_3042 : f32 to vector<16xf32>
        %mul3A_3057 = arith.mulf %mul3A_3056, %get3A_3055 : vector<16xf32>
        %add3A_3058 = arith.addf %add3A_3024, %mul3A_3057 : vector<16xf32>
        %get3A_3059 = arith.constant 22 : i32
        %get3A_3060 = arith.index_cast %get3A_3059 : i32 to index
        %get3A_3061 = arith.constant 32 : index
        %get3A_3062 = tpu.vector_load %arg9[%get3A_3060, %get3A_3061] {strides = array<i32>} : memref<64x64xf32, #tpu.memory_space<vmem>>, vector<1x16xf32>,
        %get3A_3063 = vector.shape_cast %get3A_3062 : vector<1x16xf32> to vector<16xf32>
        %mul3A_3064 = vector.broadcast %squeeze3A_3042 : f32 to vector<16xf32>
        %mul3A_3065 = arith.mulf %mul3A_3064, %get3A_3063 : vector<16xf32>
        %add3A_3066 = arith.addf %add3A_3032, %mul3A_3065 : vector<16xf32>
        %get3A_3067 = arith.constant 22 : i32
        %get3A_3068 = arith.index_cast %get3A_3067 : i32 to index
        %get3A_3069 = arith.constant 48 : index
        %get3A_3070 = tpu.vector_load %arg9[%get3A_3068, %get3A_3069] {strides = array<i32>} : memref<64x64xf32, #tpu.memory_space<vmem>>, vector<1x16xf32>,
        %get3A_3071 = vector.shape_cast %get3A_3070 : vector<1x16xf32> to vector<16xf32>
        %mul3A_3072 = vector.broadcast %squeeze3A_3042 : f32 to vector<16xf32>
        %mul3A_3073 = arith.mulf %mul3A_3072, %get3A_3071 : vector<16xf32>
        %add3A_3074 = arith.addf %add3A_3040, %mul3A_3073 : vector<16xf32>
        %slice3A_3075 = vector.extract_strided_slice %get3A_2276 {offsets = [7], sizes = [1], strides = [1]} : vector<16xf32> to vector<1xf32>
        %squeeze3A_3076 = vector.extract %slice3A_3075[0] : f32 from vector<1xf32>
        %get3A_3077 = arith.constant 23 : i32
        %get3A_3078 = arith.index_cast %get3A_3077 : i32 to index
        %get3A_3079 = arith.constant 0 : index
        %get3A_3080 = tpu.vector_load %arg9[%get3A_3078, %get3A_3079] {strides = array<i32>} : memref<64x64xf32, #tpu.memory_space<vmem>>, vector<1x16xf32>,
        %get3A_3081 = vector.shape_cast %get3A_3080 : vector<1x16xf32> to vector<16xf32>
        %mul3A_3082 = vector.broadcast %squeeze3A_3076 : f32 to vector<16xf32>
        %mul3A_3083 = arith.mulf %mul3A_3082, %get3A_3081 : vector<16xf32>
        %add3A_3084 = arith.addf %add3A_3050, %mul3A_3083 : vector<16xf32>
        %get3A_3085 = arith.constant 23 : i32
        %get3A_3086 = arith.index_cast %get3A_3085 : i32 to index
        %get3A_3087 = arith.constant 16 : index
        %get3A_3088 = tpu.vector_load %arg9[%get3A_3086, %get3A_3087] {strides = array<i32>} : memref<64x64xf32, #tpu.memory_space<vmem>>, vector<1x16xf32>,
        %get3A_3089 = vector.shape_cast %get3A_3088 : vector<1x16xf32> to vector<16xf32>
        %mul3A_3090 = vector.broadcast %squeeze3A_3076 : f32 to vector<16xf32>
        %mul3A_3091 = arith.mulf %mul3A_3090, %get3A_3089 : vector<16xf32>
        %add3A_3092 = arith.addf %add3A_3058, %mul3A_3091 : vector<16xf32>
        %get3A_3093 = arith.constant 23 : i32
        %get3A_3094 = arith.index_cast %get3A_3093 : i32 to index
        %get3A_3095 = arith.constant 32 : index
        %get3A_3096 = tpu.vector_load %arg9[%get3A_3094, %get3A_3095] {strides = array<i32>} : memref<64x64xf32, #tpu.memory_space<vmem>>, vector<1x16xf32>,
        %get3A_3097 = vector.shape_cast %get3A_3096 : vector<1x16xf32> to vector<16xf32>
        %mul3A_3098 = vector.broadcast %squeeze3A_3076 : f32 to vector<16xf32>
        %mul3A_3099 = arith.mulf %mul3A_3098, %get3A_3097 : vector<16xf32>
        %add3A_3100 = arith.addf %add3A_3066, %mul3A_3099 : vector<16xf32>
        %get3A_3101 = arith.constant 23 : i32
        %get3A_3102 = arith.index_cast %get3A_3101 : i32 to index
        %get3A_3103 = arith.constant 48 : index
        %get3A_3104 = tpu.vector_load %arg9[%get3A_3102, %get3A_3103] {strides = array<i32>} : memref<64x64xf32, #tpu.memory_space<vmem>>, vector<1x16xf32>,
        %get3A_3105 = vector.shape_cast %get3A_3104 : vector<1x16xf32> to vector<16xf32>
        %mul3A_3106 = vector.broadcast %squeeze3A_3076 : f32 to vector<16xf32>
        %mul3A_3107 = arith.mulf %mul3A_3106, %get3A_3105 : vector<16xf32>
        %add3A_3108 = arith.addf %add3A_3074, %mul3A_3107 : vector<16xf32>
        %slice3A_3109 = vector.extract_strided_slice %get3A_2276 {offsets = [8], sizes = [1], strides = [1]} : vector<16xf32> to vector<1xf32>
        %squeeze3A_3110 = vector.extract %slice3A_3109[0] : f32 from vector<1xf32>
        %get3A_3111 = arith.constant 24 : i32
        %get3A_3112 = arith.index_cast %get3A_3111 : i32 to index
        %get3A_3113 = arith.constant 0 : index
        %get3A_3114 = tpu.vector_load %arg9[%get3A_3112, %get3A_3113] {strides = array<i32>} : memref<64x64xf32, #tpu.memory_space<vmem>>, vector<1x16xf32>,
        %get3A_3115 = vector.shape_cast %get3A_3114 : vector<1x16xf32> to vector<16xf32>
        %mul3A_3116 = vector.broadcast %squeeze3A_3110 : f32 to vector<16xf32>
        %mul3A_3117 = arith.mulf %mul3A_3116, %get3A_3115 : vector<16xf32>
        %add3A_3118 = arith.addf %add3A_3084, %mul3A_3117 : vector<16xf32>
        %get3A_3119 = arith.constant 24 : i32
        %get3A_3120 = arith.index_cast %get3A_3119 : i32 to index
        %get3A_3121 = arith.constant 16 : index
        %get3A_3122 = tpu.vector_load %arg9[%get3A_3120, %get3A_3121] {strides = array<i32>} : memref<64x64xf32, #tpu.memory_space<vmem>>, vector<1x16xf32>,
        %get3A_3123 = vector.shape_cast %get3A_3122 : vector<1x16xf32> to vector<16xf32>
        %mul3A_3124 = vector.broadcast %squeeze3A_3110 : f32 to vector<16xf32>
        %mul3A_3125 = arith.mulf %mul3A_3124, %get3A_3123 : vector<16xf32>
        %add3A_3126 = arith.addf %add3A_3092, %mul3A_3125 : vector<16xf32>
        %get3A_3127 = arith.constant 24 : i32
        %get3A_3128 = arith.index_cast %get3A_3127 : i32 to index
        %get3A_3129 = arith.constant 32 : index
        %get3A_3130 = tpu.vector_load %arg9[%get3A_3128, %get3A_3129] {strides = array<i32>} : memref<64x64xf32, #tpu.memory_space<vmem>>, vector<1x16xf32>,
        %get3A_3131 = vector.shape_cast %get3A_3130 : vector<1x16xf32> to vector<16xf32>
        %mul3A_3132 = vector.broadcast %squeeze3A_3110 : f32 to vector<16xf32>
        %mul3A_3133 = arith.mulf %mul3A_3132, %get3A_3131 : vector<16xf32>
        %add3A_3134 = arith.addf %add3A_3100, %mul3A_3133 : vector<16xf32>
        %get3A_3135 = arith.constant 24 : i32
        %get3A_3136 = arith.index_cast %get3A_3135 : i32 to index
        %get3A_3137 = arith.constant 48 : index
        %get3A_3138 = tpu.vector_load %arg9[%get3A_3136, %get3A_3137] {strides = array<i32>} : memref<64x64xf32, #tpu.memory_space<vmem>>, vector<1x16xf32>,
        %get3A_3139 = vector.shape_cast %get3A_3138 : vector<1x16xf32> to vector<16xf32>
        %mul3A_3140 = vector.broadcast %squeeze3A_3110 : f32 to vector<16xf32>
        %mul3A_3141 = arith.mulf %mul3A_3140, %get3A_3139 : vector<16xf32>
        %add3A_3142 = arith.addf %add3A_3108, %mul3A_3141 : vector<16xf32>
        %slice3A_3143 = vector.extract_strided_slice %get3A_2276 {offsets = [9], sizes = [1], strides = [1]} : vector<16xf32> to vector<1xf32>
        %squeeze3A_3144 = vector.extract %slice3A_3143[0] : f32 from vector<1xf32>
        %get3A_3145 = arith.constant 25 : i32
        %get3A_3146 = arith.index_cast %get3A_3145 : i32 to index
        %get3A_3147 = arith.constant 0 : index
        %get3A_3148 = tpu.vector_load %arg9[%get3A_3146, %get3A_3147] {strides = array<i32>} : memref<64x64xf32, #tpu.memory_space<vmem>>, vector<1x16xf32>,
        %get3A_3149 = vector.shape_cast %get3A_3148 : vector<1x16xf32> to vector<16xf32>
        %mul3A_3150 = vector.broadcast %squeeze3A_3144 : f32 to vector<16xf32>
        %mul3A_3151 = arith.mulf %mul3A_3150, %get3A_3149 : vector<16xf32>
        %add3A_3152 = arith.addf %add3A_3118, %mul3A_3151 : vector<16xf32>
        %get3A_3153 = arith.constant 25 : i32
        %get3A_3154 = arith.index_cast %get3A_3153 : i32 to index
        %get3A_3155 = arith.constant 16 : index
        %get3A_3156 = tpu.vector_load %arg9[%get3A_3154, %get3A_3155] {strides = array<i32>} : memref<64x64xf32, #tpu.memory_space<vmem>>, vector<1x16xf32>,
        %get3A_3157 = vector.shape_cast %get3A_3156 : vector<1x16xf32> to vector<16xf32>
        %mul3A_3158 = vector.broadcast %squeeze3A_3144 : f32 to vector<16xf32>
        %mul3A_3159 = arith.mulf %mul3A_3158, %get3A_3157 : vector<16xf32>
        %add3A_3160 = arith.addf %add3A_3126, %mul3A_3159 : vector<16xf32>
        %get3A_3161 = arith.constant 25 : i32
        %get3A_3162 = arith.index_cast %get3A_3161 : i32 to index
        %get3A_3163 = arith.constant 32 : index
        %get3A_3164 = tpu.vector_load %arg9[%get3A_3162, %get3A_3163] {strides = array<i32>} : memref<64x64xf32, #tpu.memory_space<vmem>>, vector<1x16xf32>,
        %get3A_3165 = vector.shape_cast %get3A_3164 : vector<1x16xf32> to vector<16xf32>
        %mul3A_3166 = vector.broadcast %squeeze3A_3144 : f32 to vector<16xf32>
        %mul3A_3167 = arith.mulf %mul3A_3166, %get3A_3165 : vector<16xf32>
        %add3A_3168 = arith.addf %add3A_3134, %mul3A_3167 : vector<16xf32>
        %get3A_3169 = arith.constant 25 : i32
        %get3A_3170 = arith.index_cast %get3A_3169 : i32 to index
        %get3A_3171 = arith.constant 48 : index
        %get3A_3172 = tpu.vector_load %arg9[%get3A_3170, %get3A_3171] {strides = array<i32>} : memref<64x64xf32, #tpu.memory_space<vmem>>, vector<1x16xf32>,
        %get3A_3173 = vector.shape_cast %get3A_3172 : vector<1x16xf32> to vector<16xf32>
        %mul3A_3174 = vector.broadcast %squeeze3A_3144 : f32 to vector<16xf32>
        %mul3A_3175 = arith.mulf %mul3A_3174, %get3A_3173 : vector<16xf32>
        %add3A_3176 = arith.addf %add3A_3142, %mul3A_3175 : vector<16xf32>
        %slice3A_3177 = vector.extract_strided_slice %get3A_2276 {offsets = [10], sizes = [1], strides = [1]} : vector<16xf32> to vector<1xf32>
        %squeeze3A_3178 = vector.extract %slice3A_3177[0] : f32 from vector<1xf32>
        %get3A_3179 = arith.constant 26 : i32
        %get3A_3180 = arith.index_cast %get3A_3179 : i32 to index
        %get3A_3181 = arith.constant 0 : index
        %get3A_3182 = tpu.vector_load %arg9[%get3A_3180, %get3A_3181] {strides = array<i32>} : memref<64x64xf32, #tpu.memory_space<vmem>>, vector<1x16xf32>,
        %get3A_3183 = vector.shape_cast %get3A_3182 : vector<1x16xf32> to vector<16xf32>
        %mul3A_3184 = vector.broadcast %squeeze3A_3178 : f32 to vector<16xf32>
        %mul3A_3185 = arith.mulf %mul3A_3184, %get3A_3183 : vector<16xf32>
        %add3A_3186 = arith.addf %add3A_3152, %mul3A_3185 : vector<16xf32>
        %get3A_3187 = arith.constant 26 : i32
        %get3A_3188 = arith.index_cast %get3A_3187 : i32 to index
        %get3A_3189 = arith.constant 16 : index
        %get3A_3190 = tpu.vector_load %arg9[%get3A_3188, %get3A_3189] {strides = array<i32>} : memref<64x64xf32, #tpu.memory_space<vmem>>, vector<1x16xf32>,
        %get3A_3191 = vector.shape_cast %get3A_3190 : vector<1x16xf32> to vector<16xf32>
        %mul3A_3192 = vector.broadcast %squeeze3A_3178 : f32 to vector<16xf32>
        %mul3A_3193 = arith.mulf %mul3A_3192, %get3A_3191 : vector<16xf32>
        %add3A_3194 = arith.addf %add3A_3160, %mul3A_3193 : vector<16xf32>
        %get3A_3195 = arith.constant 26 : i32
        %get3A_3196 = arith.index_cast %get3A_3195 : i32 to index
        %get3A_3197 = arith.constant 32 : index
        %get3A_3198 = tpu.vector_load %arg9[%get3A_3196, %get3A_3197] {strides = array<i32>} : memref<64x64xf32, #tpu.memory_space<vmem>>, vector<1x16xf32>,
        %get3A_3199 = vector.shape_cast %get3A_3198 : vector<1x16xf32> to vector<16xf32>
        %mul3A_3200 = vector.broadcast %squeeze3A_3178 : f32 to vector<16xf32>
        %mul3A_3201 = arith.mulf %mul3A_3200, %get3A_3199 : vector<16xf32>
        %add3A_3202 = arith.addf %add3A_3168, %mul3A_3201 : vector<16xf32>
        %get3A_3203 = arith.constant 26 : i32
        %get3A_3204 = arith.index_cast %get3A_3203 : i32 to index
        %get3A_3205 = arith.constant 48 : index
        %get3A_3206 = tpu.vector_load %arg9[%get3A_3204, %get3A_3205] {strides = array<i32>} : memref<64x64xf32, #tpu.memory_space<vmem>>, vector<1x16xf32>,
        %get3A_3207 = vector.shape_cast %get3A_3206 : vector<1x16xf32> to vector<16xf32>
        %mul3A_3208 = vector.broadcast %squeeze3A_3178 : f32 to vector<16xf32>
        %mul3A_3209 = arith.mulf %mul3A_3208, %get3A_3207 : vector<16xf32>
        %add3A_3210 = arith.addf %add3A_3176, %mul3A_3209 : vector<16xf32>
        %slice3A_3211 = vector.extract_strided_slice %get3A_2276 {offsets = [11], sizes = [1], strides = [1]} : vector<16xf32> to vector<1xf32>
        %squeeze3A_3212 = vector.extract %slice3A_3211[0] : f32 from vector<1xf32>
        %get3A_3213 = arith.constant 27 : i32
        %get3A_3214 = arith.index_cast %get3A_3213 : i32 to index
        %get3A_3215 = arith.constant 0 : index
        %get3A_3216 = tpu.vector_load %arg9[%get3A_3214, %get3A_3215] {strides = array<i32>} : memref<64x64xf32, #tpu.memory_space<vmem>>, vector<1x16xf32>,
        %get3A_3217 = vector.shape_cast %get3A_3216 : vector<1x16xf32> to vector<16xf32>
        %mul3A_3218 = vector.broadcast %squeeze3A_3212 : f32 to vector<16xf32>
        %mul3A_3219 = arith.mulf %mul3A_3218, %get3A_3217 : vector<16xf32>
        %add3A_3220 = arith.addf %add3A_3186, %mul3A_3219 : vector<16xf32>
        %get3A_3221 = arith.constant 27 : i32
        %get3A_3222 = arith.index_cast %get3A_3221 : i32 to index
        %get3A_3223 = arith.constant 16 : index
        %get3A_3224 = tpu.vector_load %arg9[%get3A_3222, %get3A_3223] {strides = array<i32>} : memref<64x64xf32, #tpu.memory_space<vmem>>, vector<1x16xf32>,
        %get3A_3225 = vector.shape_cast %get3A_3224 : vector<1x16xf32> to vector<16xf32>
        %mul3A_3226 = vector.broadcast %squeeze3A_3212 : f32 to vector<16xf32>
        %mul3A_3227 = arith.mulf %mul3A_3226, %get3A_3225 : vector<16xf32>
        %add3A_3228 = arith.addf %add3A_3194, %mul3A_3227 : vector<16xf32>
        %get3A_3229 = arith.constant 27 : i32
        %get3A_3230 = arith.index_cast %get3A_3229 : i32 to index
        %get3A_3231 = arith.constant 32 : index
        %get3A_3232 = tpu.vector_load %arg9[%get3A_3230, %get3A_3231] {strides = array<i32>} : memref<64x64xf32, #tpu.memory_space<vmem>>, vector<1x16xf32>,
        %get3A_3233 = vector.shape_cast %get3A_3232 : vector<1x16xf32> to vector<16xf32>
        %mul3A_3234 = vector.broadcast %squeeze3A_3212 : f32 to vector<16xf32>
        %mul3A_3235 = arith.mulf %mul3A_3234, %get3A_3233 : vector<16xf32>
        %add3A_3236 = arith.addf %add3A_3202, %mul3A_3235 : vector<16xf32>
        %get3A_3237 = arith.constant 27 : i32
        %get3A_3238 = arith.index_cast %get3A_3237 : i32 to index
        %get3A_3239 = arith.constant 48 : index
        %get3A_3240 = tpu.vector_load %arg9[%get3A_3238, %get3A_3239] {strides = array<i32>} : memref<64x64xf32, #tpu.memory_space<vmem>>, vector<1x16xf32>,
        %get3A_3241 = vector.shape_cast %get3A_3240 : vector<1x16xf32> to vector<16xf32>
        %mul3A_3242 = vector.broadcast %squeeze3A_3212 : f32 to vector<16xf32>
        %mul3A_3243 = arith.mulf %mul3A_3242, %get3A_3241 : vector<16xf32>
        %add3A_3244 = arith.addf %add3A_3210, %mul3A_3243 : vector<16xf32>
        %slice3A_3245 = vector.extract_strided_slice %get3A_2276 {offsets = [12], sizes = [1], strides = [1]} : vector<16xf32> to vector<1xf32>
        %squeeze3A_3246 = vector.extract %slice3A_3245[0] : f32 from vector<1xf32>
        %get3A_3247 = arith.constant 28 : i32
        %get3A_3248 = arith.index_cast %get3A_3247 : i32 to index
        %get3A_3249 = arith.constant 0 : index
        %get3A_3250 = tpu.vector_load %arg9[%get3A_3248, %get3A_3249] {strides = array<i32>} : memref<64x64xf32, #tpu.memory_space<vmem>>, vector<1x16xf32>,
        %get3A_3251 = vector.shape_cast %get3A_3250 : vector<1x16xf32> to vector<16xf32>
        %mul3A_3252 = vector.broadcast %squeeze3A_3246 : f32 to vector<16xf32>
        %mul3A_3253 = arith.mulf %mul3A_3252, %get3A_3251 : vector<16xf32>
        %add3A_3254 = arith.addf %add3A_3220, %mul3A_3253 : vector<16xf32>
        %get3A_3255 = arith.constant 28 : i32
        %get3A_3256 = arith.index_cast %get3A_3255 : i32 to index
        %get3A_3257 = arith.constant 16 : index
        %get3A_3258 = tpu.vector_load %arg9[%get3A_3256, %get3A_3257] {strides = array<i32>} : memref<64x64xf32, #tpu.memory_space<vmem>>, vector<1x16xf32>,
        %get3A_3259 = vector.shape_cast %get3A_3258 : vector<1x16xf32> to vector<16xf32>
        %mul3A_3260 = vector.broadcast %squeeze3A_3246 : f32 to vector<16xf32>
        %mul3A_3261 = arith.mulf %mul3A_3260, %get3A_3259 : vector<16xf32>
        %add3A_3262 = arith.addf %add3A_3228, %mul3A_3261 : vector<16xf32>
        %get3A_3263 = arith.constant 28 : i32
        %get3A_3264 = arith.index_cast %get3A_3263 : i32 to index
        %get3A_3265 = arith.constant 32 : index
        %get3A_3266 = tpu.vector_load %arg9[%get3A_3264, %get3A_3265] {strides = array<i32>} : memref<64x64xf32, #tpu.memory_space<vmem>>, vector<1x16xf32>,
        %get3A_3267 = vector.shape_cast %get3A_3266 : vector<1x16xf32> to vector<16xf32>
        %mul3A_3268 = vector.broadcast %squeeze3A_3246 : f32 to vector<16xf32>
        %mul3A_3269 = arith.mulf %mul3A_3268, %get3A_3267 : vector<16xf32>
        %add3A_3270 = arith.addf %add3A_3236, %mul3A_3269 : vector<16xf32>
        %get3A_3271 = arith.constant 28 : i32
        %get3A_3272 = arith.index_cast %get3A_3271 : i32 to index
        %get3A_3273 = arith.constant 48 : index
        %get3A_3274 = tpu.vector_load %arg9[%get3A_3272, %get3A_3273] {strides = array<i32>} : memref<64x64xf32, #tpu.memory_space<vmem>>, vector<1x16xf32>,
        %get3A_3275 = vector.shape_cast %get3A_3274 : vector<1x16xf32> to vector<16xf32>
        %mul3A_3276 = vector.broadcast %squeeze3A_3246 : f32 to vector<16xf32>
        %mul3A_3277 = arith.mulf %mul3A_3276, %get3A_3275 : vector<16xf32>
        %add3A_3278 = arith.addf %add3A_3244, %mul3A_3277 : vector<16xf32>
        %slice3A_3279 = vector.extract_strided_slice %get3A_2276 {offsets = [13], sizes = [1], strides = [1]} : vector<16xf32> to vector<1xf32>
        %squeeze3A_3280 = vector.extract %slice3A_3279[0] : f32 from vector<1xf32>
        %get3A_3281 = arith.constant 29 : i32
        %get3A_3282 = arith.index_cast %get3A_3281 : i32 to index
        %get3A_3283 = arith.constant 0 : index
        %get3A_3284 = tpu.vector_load %arg9[%get3A_3282, %get3A_3283] {strides = array<i32>} : memref<64x64xf32, #tpu.memory_space<vmem>>, vector<1x16xf32>,
        %get3A_3285 = vector.shape_cast %get3A_3284 : vector<1x16xf32> to vector<16xf32>
        %mul3A_3286 = vector.broadcast %squeeze3A_3280 : f32 to vector<16xf32>
        %mul3A_3287 = arith.mulf %mul3A_3286, %get3A_3285 : vector<16xf32>
        %add3A_3288 = arith.addf %add3A_3254, %mul3A_3287 : vector<16xf32>
        %get3A_3289 = arith.constant 29 : i32
        %get3A_3290 = arith.index_cast %get3A_3289 : i32 to index
        %get3A_3291 = arith.constant 16 : index
        %get3A_3292 = tpu.vector_load %arg9[%get3A_3290, %get3A_3291] {strides = array<i32>} : memref<64x64xf32, #tpu.memory_space<vmem>>, vector<1x16xf32>,
        %get3A_3293 = vector.shape_cast %get3A_3292 : vector<1x16xf32> to vector<16xf32>
        %mul3A_3294 = vector.broadcast %squeeze3A_3280 : f32 to vector<16xf32>
        %mul3A_3295 = arith.mulf %mul3A_3294, %get3A_3293 : vector<16xf32>
        %add3A_3296 = arith.addf %add3A_3262, %mul3A_3295 : vector<16xf32>
        %get3A_3297 = arith.constant 29 : i32
        %get3A_3298 = arith.index_cast %get3A_3297 : i32 to index
        %get3A_3299 = arith.constant 32 : index
        %get3A_3300 = tpu.vector_load %arg9[%get3A_3298, %get3A_3299] {strides = array<i32>} : memref<64x64xf32, #tpu.memory_space<vmem>>, vector<1x16xf32>,
        %get3A_3301 = vector.shape_cast %get3A_3300 : vector<1x16xf32> to vector<16xf32>
        %mul3A_3302 = vector.broadcast %squeeze3A_3280 : f32 to vector<16xf32>
        %mul3A_3303 = arith.mulf %mul3A_3302, %get3A_3301 : vector<16xf32>
        %add3A_3304 = arith.addf %add3A_3270, %mul3A_3303 : vector<16xf32>
        %get3A_3305 = arith.constant 29 : i32
        %get3A_3306 = arith.index_cast %get3A_3305 : i32 to index
        %get3A_3307 = arith.constant 48 : index
        %get3A_3308 = tpu.vector_load %arg9[%get3A_3306, %get3A_3307] {strides = array<i32>} : memref<64x64xf32, #tpu.memory_space<vmem>>, vector<1x16xf32>,
        %get3A_3309 = vector.shape_cast %get3A_3308 : vector<1x16xf32> to vector<16xf32>
        %mul3A_3310 = vector.broadcast %squeeze3A_3280 : f32 to vector<16xf32>
        %mul3A_3311 = arith.mulf %mul3A_3310, %get3A_3309 : vector<16xf32>
        %add3A_3312 = arith.addf %add3A_3278, %mul3A_3311 : vector<16xf32>
        %slice3A_3313 = vector.extract_strided_slice %get3A_2276 {offsets = [14], sizes = [1], strides = [1]} : vector<16xf32> to vector<1xf32>
        %squeeze3A_3314 = vector.extract %slice3A_3313[0] : f32 from vector<1xf32>
        %get3A_3315 = arith.constant 30 : i32
        %get3A_3316 = arith.index_cast %get3A_3315 : i32 to index
        %get3A_3317 = arith.constant 0 : index
        %get3A_3318 = tpu.vector_load %arg9[%get3A_3316, %get3A_3317] {strides = array<i32>} : memref<64x64xf32, #tpu.memory_space<vmem>>, vector<1x16xf32>,
        %get3A_3319 = vector.shape_cast %get3A_3318 : vector<1x16xf32> to vector<16xf32>
        %mul3A_3320 = vector.broadcast %squeeze3A_3314 : f32 to vector<16xf32>
        %mul3A_3321 = arith.mulf %mul3A_3320, %get3A_3319 : vector<16xf32>
        %add3A_3322 = arith.addf %add3A_3288, %mul3A_3321 : vector<16xf32>
        %get3A_3323 = arith.constant 30 : i32
        %get3A_3324 = arith.index_cast %get3A_3323 : i32 to index
        %get3A_3325 = arith.constant 16 : index
        %get3A_3326 = tpu.vector_load %arg9[%get3A_3324, %get3A_3325] {strides = array<i32>} : memref<64x64xf32, #tpu.memory_space<vmem>>, vector<1x16xf32>,
        %get3A_3327 = vector.shape_cast %get3A_3326 : vector<1x16xf32> to vector<16xf32>
        %mul3A_3328 = vector.broadcast %squeeze3A_3314 : f32 to vector<16xf32>
        %mul3A_3329 = arith.mulf %mul3A_3328, %get3A_3327 : vector<16xf32>
        %add3A_3330 = arith.addf %add3A_3296, %mul3A_3329 : vector<16xf32>
        %get3A_3331 = arith.constant 30 : i32
        %get3A_3332 = arith.index_cast %get3A_3331 : i32 to index
        %get3A_3333 = arith.constant 32 : index
        %get3A_3334 = tpu.vector_load %arg9[%get3A_3332, %get3A_3333] {strides = array<i32>} : memref<64x64xf32, #tpu.memory_space<vmem>>, vector<1x16xf32>,
        %get3A_3335 = vector.shape_cast %get3A_3334 : vector<1x16xf32> to vector<16xf32>
        %mul3A_3336 = vector.broadcast %squeeze3A_3314 : f32 to vector<16xf32>
        %mul3A_3337 = arith.mulf %mul3A_3336, %get3A_3335 : vector<16xf32>
        %add3A_3338 = arith.addf %add3A_3304, %mul3A_3337 : vector<16xf32>
        %get3A_3339 = arith.constant 30 : i32
        %get3A_3340 = arith.index_cast %get3A_3339 : i32 to index
        %get3A_3341 = arith.constant 48 : index
        %get3A_3342 = tpu.vector_load %arg9[%get3A_3340, %get3A_3341] {strides = array<i32>} : memref<64x64xf32, #tpu.memory_space<vmem>>, vector<1x16xf32>,
        %get3A_3343 = vector.shape_cast %get3A_3342 : vector<1x16xf32> to vector<16xf32>
        %mul3A_3344 = vector.broadcast %squeeze3A_3314 : f32 to vector<16xf32>
        %mul3A_3345 = arith.mulf %mul3A_3344, %get3A_3343 : vector<16xf32>
        %add3A_3346 = arith.addf %add3A_3312, %mul3A_3345 : vector<16xf32>
        %slice3A_3347 = vector.extract_strided_slice %get3A_2276 {offsets = [15], sizes = [1], strides = [1]} : vector<16xf32> to vector<1xf32>
        %squeeze3A_3348 = vector.extract %slice3A_3347[0] : f32 from vector<1xf32>
        %get3A_3349 = arith.constant 31 : i32
        %get3A_3350 = arith.index_cast %get3A_3349 : i32 to index
        %get3A_3351 = arith.constant 0 : index
        %get3A_3352 = tpu.vector_load %arg9[%get3A_3350, %get3A_3351] {strides = array<i32>} : memref<64x64xf32, #tpu.memory_space<vmem>>, vector<1x16xf32>,
        %get3A_3353 = vector.shape_cast %get3A_3352 : vector<1x16xf32> to vector<16xf32>
        %mul3A_3354 = vector.broadcast %squeeze3A_3348 : f32 to vector<16xf32>
        %mul3A_3355 = arith.mulf %mul3A_3354, %get3A_3353 : vector<16xf32>
        %add3A_3356 = arith.addf %add3A_3322, %mul3A_3355 : vector<16xf32>
        %get3A_3357 = arith.constant 31 : i32
        %get3A_3358 = arith.index_cast %get3A_3357 : i32 to index
        %get3A_3359 = arith.constant 16 : index
        %get3A_3360 = tpu.vector_load %arg9[%get3A_3358, %get3A_3359] {strides = array<i32>} : memref<64x64xf32, #tpu.memory_space<vmem>>, vector<1x16xf32>,
        %get3A_3361 = vector.shape_cast %get3A_3360 : vector<1x16xf32> to vector<16xf32>
        %mul3A_3362 = vector.broadcast %squeeze3A_3348 : f32 to vector<16xf32>
        %mul3A_3363 = arith.mulf %mul3A_3362, %get3A_3361 : vector<16xf32>
        %add3A_3364 = arith.addf %add3A_3330, %mul3A_3363 : vector<16xf32>
        %get3A_3365 = arith.constant 31 : i32
        %get3A_3366 = arith.index_cast %get3A_3365 : i32 to index
        %get3A_3367 = arith.constant 32 : index
        %get3A_3368 = tpu.vector_load %arg9[%get3A_3366, %get3A_3367] {strides = array<i32>} : memref<64x64xf32, #tpu.memory_space<vmem>>, vector<1x16xf32>,
        %get3A_3369 = vector.shape_cast %get3A_3368 : vector<1x16xf32> to vector<16xf32>
        %mul3A_3370 = vector.broadcast %squeeze3A_3348 : f32 to vector<16xf32>
        %mul3A_3371 = arith.mulf %mul3A_3370, %get3A_3369 : vector<16xf32>
        %add3A_3372 = arith.addf %add3A_3338, %mul3A_3371 : vector<16xf32>
        %get3A_3373 = arith.constant 31 : i32
        %get3A_3374 = arith.index_cast %get3A_3373 : i32 to index
        %get3A_3375 = arith.constant 48 : index
        %get3A_3376 = tpu.vector_load %arg9[%get3A_3374, %get3A_3375] {strides = array<i32>} : memref<64x64xf32, #tpu.memory_space<vmem>>, vector<1x16xf32>,
        %get3A_3377 = vector.shape_cast %get3A_3376 : vector<1x16xf32> to vector<16xf32>
        %mul3A_3378 = vector.broadcast %squeeze3A_3348 : f32 to vector<16xf32>
        %mul3A_3379 = arith.mulf %mul3A_3378, %get3A_3377 : vector<16xf32>
        %add3A_3380 = arith.addf %add3A_3346, %mul3A_3379 : vector<16xf32>
        %slice3A_3381 = vector.extract_strided_slice %get3A_2280 {offsets = [0], sizes = [1], strides = [1]} : vector<16xf32> to vector<1xf32>
        %squeeze3A_3382 = vector.extract %slice3A_3381[0] : f32 from vector<1xf32>
        %get3A_3383 = arith.constant 32 : i32
        %get3A_3384 = arith.index_cast %get3A_3383 : i32 to index
        %get3A_3385 = arith.constant 0 : index
        %get3A_3386 = tpu.vector_load %arg9[%get3A_3384, %get3A_3385] {strides = array<i32>} : memref<64x64xf32, #tpu.memory_space<vmem>>, vector<1x16xf32>,
        %get3A_3387 = vector.shape_cast %get3A_3386 : vector<1x16xf32> to vector<16xf32>
        %mul3A_3388 = vector.broadcast %squeeze3A_3382 : f32 to vector<16xf32>
        %mul3A_3389 = arith.mulf %mul3A_3388, %get3A_3387 : vector<16xf32>
        %add3A_3390 = arith.addf %add3A_3356, %mul3A_3389 : vector<16xf32>
        %get3A_3391 = arith.constant 32 : i32
        %get3A_3392 = arith.index_cast %get3A_3391 : i32 to index
        %get3A_3393 = arith.constant 16 : index
        %get3A_3394 = tpu.vector_load %arg9[%get3A_3392, %get3A_3393] {strides = array<i32>} : memref<64x64xf32, #tpu.memory_space<vmem>>, vector<1x16xf32>,
        %get3A_3395 = vector.shape_cast %get3A_3394 : vector<1x16xf32> to vector<16xf32>
        %mul3A_3396 = vector.broadcast %squeeze3A_3382 : f32 to vector<16xf32>
        %mul3A_3397 = arith.mulf %mul3A_3396, %get3A_3395 : vector<16xf32>
        %add3A_3398 = arith.addf %add3A_3364, %mul3A_3397 : vector<16xf32>
        %get3A_3399 = arith.constant 32 : i32
        %get3A_3400 = arith.index_cast %get3A_3399 : i32 to index
        %get3A_3401 = arith.constant 32 : index
        %get3A_3402 = tpu.vector_load %arg9[%get3A_3400, %get3A_3401] {strides = array<i32>} : memref<64x64xf32, #tpu.memory_space<vmem>>, vector<1x16xf32>,
        %get3A_3403 = vector.shape_cast %get3A_3402 : vector<1x16xf32> to vector<16xf32>
        %mul3A_3404 = vector.broadcast %squeeze3A_3382 : f32 to vector<16xf32>
        %mul3A_3405 = arith.mulf %mul3A_3404, %get3A_3403 : vector<16xf32>
        %add3A_3406 = arith.addf %add3A_3372, %mul3A_3405 : vector<16xf32>
        %get3A_3407 = arith.constant 32 : i32
        %get3A_3408 = arith.index_cast %get3A_3407 : i32 to index
        %get3A_3409 = arith.constant 48 : index
        %get3A_3410 = tpu.vector_load %arg9[%get3A_3408, %get3A_3409] {strides = array<i32>} : memref<64x64xf32, #tpu.memory_space<vmem>>, vector<1x16xf32>,
        %get3A_3411 = vector.shape_cast %get3A_3410 : vector<1x16xf32> to vector<16xf32>
        %mul3A_3412 = vector.broadcast %squeeze3A_3382 : f32 to vector<16xf32>
        %mul3A_3413 = arith.mulf %mul3A_3412, %get3A_3411 : vector<16xf32>
        %add3A_3414 = arith.addf %add3A_3380, %mul3A_3413 : vector<16xf32>
        %slice3A_3415 = vector.extract_strided_slice %get3A_2280 {offsets = [1], sizes = [1], strides = [1]} : vector<16xf32> to vector<1xf32>
        %squeeze3A_3416 = vector.extract %slice3A_3415[0] : f32 from vector<1xf32>
        %get3A_3417 = arith.constant 33 : i32
        %get3A_3418 = arith.index_cast %get3A_3417 : i32 to index
        %get3A_3419 = arith.constant 0 : index
        %get3A_3420 = tpu.vector_load %arg9[%get3A_3418, %get3A_3419] {strides = array<i32>} : memref<64x64xf32, #tpu.memory_space<vmem>>, vector<1x16xf32>,
        %get3A_3421 = vector.shape_cast %get3A_3420 : vector<1x16xf32> to vector<16xf32>
        %mul3A_3422 = vector.broadcast %squeeze3A_3416 : f32 to vector<16xf32>
        %mul3A_3423 = arith.mulf %mul3A_3422, %get3A_3421 : vector<16xf32>
        %add3A_3424 = arith.addf %add3A_3390, %mul3A_3423 : vector<16xf32>
        %get3A_3425 = arith.constant 33 : i32
        %get3A_3426 = arith.index_cast %get3A_3425 : i32 to index
        %get3A_3427 = arith.constant 16 : index
        %get3A_3428 = tpu.vector_load %arg9[%get3A_3426, %get3A_3427] {strides = array<i32>} : memref<64x64xf32, #tpu.memory_space<vmem>>, vector<1x16xf32>,
        %get3A_3429 = vector.shape_cast %get3A_3428 : vector<1x16xf32> to vector<16xf32>
        %mul3A_3430 = vector.broadcast %squeeze3A_3416 : f32 to vector<16xf32>
        %mul3A_3431 = arith.mulf %mul3A_3430, %get3A_3429 : vector<16xf32>
        %add3A_3432 = arith.addf %add3A_3398, %mul3A_3431 : vector<16xf32>
        %get3A_3433 = arith.constant 33 : i32
        %get3A_3434 = arith.index_cast %get3A_3433 : i32 to index
        %get3A_3435 = arith.constant 32 : index
        %get3A_3436 = tpu.vector_load %arg9[%get3A_3434, %get3A_3435] {strides = array<i32>} : memref<64x64xf32, #tpu.memory_space<vmem>>, vector<1x16xf32>,
        %get3A_3437 = vector.shape_cast %get3A_3436 : vector<1x16xf32> to vector<16xf32>
        %mul3A_3438 = vector.broadcast %squeeze3A_3416 : f32 to vector<16xf32>
        %mul3A_3439 = arith.mulf %mul3A_3438, %get3A_3437 : vector<16xf32>
        %add3A_3440 = arith.addf %add3A_3406, %mul3A_3439 : vector<16xf32>
        %get3A_3441 = arith.constant 33 : i32
        %get3A_3442 = arith.index_cast %get3A_3441 : i32 to index
        %get3A_3443 = arith.constant 48 : index
        %get3A_3444 = tpu.vector_load %arg9[%get3A_3442, %get3A_3443] {strides = array<i32>} : memref<64x64xf32, #tpu.memory_space<vmem>>, vector<1x16xf32>,
        %get3A_3445 = vector.shape_cast %get3A_3444 : vector<1x16xf32> to vector<16xf32>
        %mul3A_3446 = vector.broadcast %squeeze3A_3416 : f32 to vector<16xf32>
        %mul3A_3447 = arith.mulf %mul3A_3446, %get3A_3445 : vector<16xf32>
        %add3A_3448 = arith.addf %add3A_3414, %mul3A_3447 : vector<16xf32>
        %slice3A_3449 = vector.extract_strided_slice %get3A_2280 {offsets = [2], sizes = [1], strides = [1]} : vector<16xf32> to vector<1xf32>
        %squeeze3A_3450 = vector.extract %slice3A_3449[0] : f32 from vector<1xf32>
        %get3A_3451 = arith.constant 34 : i32
        %get3A_3452 = arith.index_cast %get3A_3451 : i32 to index
        %get3A_3453 = arith.constant 0 : index
        %get3A_3454 = tpu.vector_load %arg9[%get3A_3452, %get3A_3453] {strides = array<i32>} : memref<64x64xf32, #tpu.memory_space<vmem>>, vector<1x16xf32>,
        %get3A_3455 = vector.shape_cast %get3A_3454 : vector<1x16xf32> to vector<16xf32>
        %mul3A_3456 = vector.broadcast %squeeze3A_3450 : f32 to vector<16xf32>
        %mul3A_3457 = arith.mulf %mul3A_3456, %get3A_3455 : vector<16xf32>
        %add3A_3458 = arith.addf %add3A_3424, %mul3A_3457 : vector<16xf32>
        %get3A_3459 = arith.constant 34 : i32
        %get3A_3460 = arith.index_cast %get3A_3459 : i32 to index
        %get3A_3461 = arith.constant 16 : index
        %get3A_3462 = tpu.vector_load %arg9[%get3A_3460, %get3A_3461] {strides = array<i32>} : memref<64x64xf32, #tpu.memory_space<vmem>>, vector<1x16xf32>,
        %get3A_3463 = vector.shape_cast %get3A_3462 : vector<1x16xf32> to vector<16xf32>
        %mul3A_3464 = vector.broadcast %squeeze3A_3450 : f32 to vector<16xf32>
        %mul3A_3465 = arith.mulf %mul3A_3464, %get3A_3463 : vector<16xf32>
        %add3A_3466 = arith.addf %add3A_3432, %mul3A_3465 : vector<16xf32>
        %get3A_3467 = arith.constant 34 : i32
        %get3A_3468 = arith.index_cast %get3A_3467 : i32 to index
        %get3A_3469 = arith.constant 32 : index
        %get3A_3470 = tpu.vector_load %arg9[%get3A_3468, %get3A_3469] {strides = array<i32>} : memref<64x64xf32, #tpu.memory_space<vmem>>, vector<1x16xf32>,
        %get3A_3471 = vector.shape_cast %get3A_3470 : vector<1x16xf32> to vector<16xf32>
        %mul3A_3472 = vector.broadcast %squeeze3A_3450 : f32 to vector<16xf32>
        %mul3A_3473 = arith.mulf %mul3A_3472, %get3A_3471 : vector<16xf32>
        %add3A_3474 = arith.addf %add3A_3440, %mul3A_3473 : vector<16xf32>
        %get3A_3475 = arith.constant 34 : i32
        %get3A_3476 = arith.index_cast %get3A_3475 : i32 to index
        %get3A_3477 = arith.constant 48 : index
        %get3A_3478 = tpu.vector_load %arg9[%get3A_3476, %get3A_3477] {strides = array<i32>} : memref<64x64xf32, #tpu.memory_space<vmem>>, vector<1x16xf32>,
        %get3A_3479 = vector.shape_cast %get3A_3478 : vector<1x16xf32> to vector<16xf32>
        %mul3A_3480 = vector.broadcast %squeeze3A_3450 : f32 to vector<16xf32>
        %mul3A_3481 = arith.mulf %mul3A_3480, %get3A_3479 : vector<16xf32>
        %add3A_3482 = arith.addf %add3A_3448, %mul3A_3481 : vector<16xf32>
        %slice3A_3483 = vector.extract_strided_slice %get3A_2280 {offsets = [3], sizes = [1], strides = [1]} : vector<16xf32> to vector<1xf32>
        %squeeze3A_3484 = vector.extract %slice3A_3483[0] : f32 from vector<1xf32>
        %get3A_3485 = arith.constant 35 : i32
        %get3A_3486 = arith.index_cast %get3A_3485 : i32 to index
        %get3A_3487 = arith.constant 0 : index
        %get3A_3488 = tpu.vector_load %arg9[%get3A_3486, %get3A_3487] {strides = array<i32>} : memref<64x64xf32, #tpu.memory_space<vmem>>, vector<1x16xf32>,
        %get3A_3489 = vector.shape_cast %get3A_3488 : vector<1x16xf32> to vector<16xf32>
        %mul3A_3490 = vector.broadcast %squeeze3A_3484 : f32 to vector<16xf32>
        %mul3A_3491 = arith.mulf %mul3A_3490, %get3A_3489 : vector<16xf32>
        %add3A_3492 = arith.addf %add3A_3458, %mul3A_3491 : vector<16xf32>
        %get3A_3493 = arith.constant 35 : i32
        %get3A_3494 = arith.index_cast %get3A_3493 : i32 to index
        %get3A_3495 = arith.constant 16 : index
        %get3A_3496 = tpu.vector_load %arg9[%get3A_3494, %get3A_3495] {strides = array<i32>} : memref<64x64xf32, #tpu.memory_space<vmem>>, vector<1x16xf32>,
        %get3A_3497 = vector.shape_cast %get3A_3496 : vector<1x16xf32> to vector<16xf32>
        %mul3A_3498 = vector.broadcast %squeeze3A_3484 : f32 to vector<16xf32>
        %mul3A_3499 = arith.mulf %mul3A_3498, %get3A_3497 : vector<16xf32>
        %add3A_3500 = arith.addf %add3A_3466, %mul3A_3499 : vector<16xf32>
        %get3A_3501 = arith.constant 35 : i32
        %get3A_3502 = arith.index_cast %get3A_3501 : i32 to index
        %get3A_3503 = arith.constant 32 : index
        %get3A_3504 = tpu.vector_load %arg9[%get3A_3502, %get3A_3503] {strides = array<i32>} : memref<64x64xf32, #tpu.memory_space<vmem>>, vector<1x16xf32>,
        %get3A_3505 = vector.shape_cast %get3A_3504 : vector<1x16xf32> to vector<16xf32>
        %mul3A_3506 = vector.broadcast %squeeze3A_3484 : f32 to vector<16xf32>
        %mul3A_3507 = arith.mulf %mul3A_3506, %get3A_3505 : vector<16xf32>
        %add3A_3508 = arith.addf %add3A_3474, %mul3A_3507 : vector<16xf32>
        %get3A_3509 = arith.constant 35 : i32
        %get3A_3510 = arith.index_cast %get3A_3509 : i32 to index
        %get3A_3511 = arith.constant 48 : index
        %get3A_3512 = tpu.vector_load %arg9[%get3A_3510, %get3A_3511] {strides = array<i32>} : memref<64x64xf32, #tpu.memory_space<vmem>>, vector<1x16xf32>,
        %get3A_3513 = vector.shape_cast %get3A_3512 : vector<1x16xf32> to vector<16xf32>
        %mul3A_3514 = vector.broadcast %squeeze3A_3484 : f32 to vector<16xf32>
        %mul3A_3515 = arith.mulf %mul3A_3514, %get3A_3513 : vector<16xf32>
        %add3A_3516 = arith.addf %add3A_3482, %mul3A_3515 : vector<16xf32>
        %slice3A_3517 = vector.extract_strided_slice %get3A_2280 {offsets = [4], sizes = [1], strides = [1]} : vector<16xf32> to vector<1xf32>
        %squeeze3A_3518 = vector.extract %slice3A_3517[0] : f32 from vector<1xf32>
        %get3A_3519 = arith.constant 36 : i32
        %get3A_3520 = arith.index_cast %get3A_3519 : i32 to index
        %get3A_3521 = arith.constant 0 : index
        %get3A_3522 = tpu.vector_load %arg9[%get3A_3520, %get3A_3521] {strides = array<i32>} : memref<64x64xf32, #tpu.memory_space<vmem>>, vector<1x16xf32>,
        %get3A_3523 = vector.shape_cast %get3A_3522 : vector<1x16xf32> to vector<16xf32>
        %mul3A_3524 = vector.broadcast %squeeze3A_3518 : f32 to vector<16xf32>
        %mul3A_3525 = arith.mulf %mul3A_3524, %get3A_3523 : vector<16xf32>
        %add3A_3526 = arith.addf %add3A_3492, %mul3A_3525 : vector<16xf32>
        %get3A_3527 = arith.constant 36 : i32
        %get3A_3528 = arith.index_cast %get3A_3527 : i32 to index
        %get3A_3529 = arith.constant 16 : index
        %get3A_3530 = tpu.vector_load %arg9[%get3A_3528, %get3A_3529] {strides = array<i32>} : memref<64x64xf32, #tpu.memory_space<vmem>>, vector<1x16xf32>,
        %get3A_3531 = vector.shape_cast %get3A_3530 : vector<1x16xf32> to vector<16xf32>
        %mul3A_3532 = vector.broadcast %squeeze3A_3518 : f32 to vector<16xf32>
        %mul3A_3533 = arith.mulf %mul3A_3532, %get3A_3531 : vector<16xf32>
        %add3A_3534 = arith.addf %add3A_3500, %mul3A_3533 : vector<16xf32>
        %get3A_3535 = arith.constant 36 : i32
        %get3A_3536 = arith.index_cast %get3A_3535 : i32 to index
        %get3A_3537 = arith.constant 32 : index
        %get3A_3538 = tpu.vector_load %arg9[%get3A_3536, %get3A_3537] {strides = array<i32>} : memref<64x64xf32, #tpu.memory_space<vmem>>, vector<1x16xf32>,
        %get3A_3539 = vector.shape_cast %get3A_3538 : vector<1x16xf32> to vector<16xf32>
        %mul3A_3540 = vector.broadcast %squeeze3A_3518 : f32 to vector<16xf32>
        %mul3A_3541 = arith.mulf %mul3A_3540, %get3A_3539 : vector<16xf32>
        %add3A_3542 = arith.addf %add3A_3508, %mul3A_3541 : vector<16xf32>
        %get3A_3543 = arith.constant 36 : i32
        %get3A_3544 = arith.index_cast %get3A_3543 : i32 to index
        %get3A_3545 = arith.constant 48 : index
        %get3A_3546 = tpu.vector_load %arg9[%get3A_3544, %get3A_3545] {strides = array<i32>} : memref<64x64xf32, #tpu.memory_space<vmem>>, vector<1x16xf32>,
        %get3A_3547 = vector.shape_cast %get3A_3546 : vector<1x16xf32> to vector<16xf32>
        %mul3A_3548 = vector.broadcast %squeeze3A_3518 : f32 to vector<16xf32>
        %mul3A_3549 = arith.mulf %mul3A_3548, %get3A_3547 : vector<16xf32>
        %add3A_3550 = arith.addf %add3A_3516, %mul3A_3549 : vector<16xf32>
        %slice3A_3551 = vector.extract_strided_slice %get3A_2280 {offsets = [5], sizes = [1], strides = [1]} : vector<16xf32> to vector<1xf32>
        %squeeze3A_3552 = vector.extract %slice3A_3551[0] : f32 from vector<1xf32>
        %get3A_3553 = arith.constant 37 : i32
        %get3A_3554 = arith.index_cast %get3A_3553 : i32 to index
        %get3A_3555 = arith.constant 0 : index
        %get3A_3556 = tpu.vector_load %arg9[%get3A_3554, %get3A_3555] {strides = array<i32>} : memref<64x64xf32, #tpu.memory_space<vmem>>, vector<1x16xf32>,
        %get3A_3557 = vector.shape_cast %get3A_3556 : vector<1x16xf32> to vector<16xf32>
        %mul3A_3558 = vector.broadcast %squeeze3A_3552 : f32 to vector<16xf32>
        %mul3A_3559 = arith.mulf %mul3A_3558, %get3A_3557 : vector<16xf32>
        %add3A_3560 = arith.addf %add3A_3526, %mul3A_3559 : vector<16xf32>
        %get3A_3561 = arith.constant 37 : i32
        %get3A_3562 = arith.index_cast %get3A_3561 : i32 to index
        %get3A_3563 = arith.constant 16 : index
        %get3A_3564 = tpu.vector_load %arg9[%get3A_3562, %get3A_3563] {strides = array<i32>} : memref<64x64xf32, #tpu.memory_space<vmem>>, vector<1x16xf32>,
        %get3A_3565 = vector.shape_cast %get3A_3564 : vector<1x16xf32> to vector<16xf32>
        %mul3A_3566 = vector.broadcast %squeeze3A_3552 : f32 to vector<16xf32>
        %mul3A_3567 = arith.mulf %mul3A_3566, %get3A_3565 : vector<16xf32>
        %add3A_3568 = arith.addf %add3A_3534, %mul3A_3567 : vector<16xf32>
        %get3A_3569 = arith.constant 37 : i32
        %get3A_3570 = arith.index_cast %get3A_3569 : i32 to index
        %get3A_3571 = arith.constant 32 : index
        %get3A_3572 = tpu.vector_load %arg9[%get3A_3570, %get3A_3571] {strides = array<i32>} : memref<64x64xf32, #tpu.memory_space<vmem>>, vector<1x16xf32>,
        %get3A_3573 = vector.shape_cast %get3A_3572 : vector<1x16xf32> to vector<16xf32>
        %mul3A_3574 = vector.broadcast %squeeze3A_3552 : f32 to vector<16xf32>
        %mul3A_3575 = arith.mulf %mul3A_3574, %get3A_3573 : vector<16xf32>
        %add3A_3576 = arith.addf %add3A_3542, %mul3A_3575 : vector<16xf32>
        %get3A_3577 = arith.constant 37 : i32
        %get3A_3578 = arith.index_cast %get3A_3577 : i32 to index
        %get3A_3579 = arith.constant 48 : index
        %get3A_3580 = tpu.vector_load %arg9[%get3A_3578, %get3A_3579] {strides = array<i32>} : memref<64x64xf32, #tpu.memory_space<vmem>>, vector<1x16xf32>,
        %get3A_3581 = vector.shape_cast %get3A_3580 : vector<1x16xf32> to vector<16xf32>
        %mul3A_3582 = vector.broadcast %squeeze3A_3552 : f32 to vector<16xf32>
        %mul3A_3583 = arith.mulf %mul3A_3582, %get3A_3581 : vector<16xf32>
        %add3A_3584 = arith.addf %add3A_3550, %mul3A_3583 : vector<16xf32>
        %slice3A_3585 = vector.extract_strided_slice %get3A_2280 {offsets = [6], sizes = [1], strides = [1]} : vector<16xf32> to vector<1xf32>
        %squeeze3A_3586 = vector.extract %slice3A_3585[0] : f32 from vector<1xf32>
        %get3A_3587 = arith.constant 38 : i32
        %get3A_3588 = arith.index_cast %get3A_3587 : i32 to index
        %get3A_3589 = arith.constant 0 : index
        %get3A_3590 = tpu.vector_load %arg9[%get3A_3588, %get3A_3589] {strides = array<i32>} : memref<64x64xf32, #tpu.memory_space<vmem>>, vector<1x16xf32>,
        %get3A_3591 = vector.shape_cast %get3A_3590 : vector<1x16xf32> to vector<16xf32>
        %mul3A_3592 = vector.broadcast %squeeze3A_3586 : f32 to vector<16xf32>
        %mul3A_3593 = arith.mulf %mul3A_3592, %get3A_3591 : vector<16xf32>
        %add3A_3594 = arith.addf %add3A_3560, %mul3A_3593 : vector<16xf32>
        %get3A_3595 = arith.constant 38 : i32
        %get3A_3596 = arith.index_cast %get3A_3595 : i32 to index
        %get3A_3597 = arith.constant 16 : index
        %get3A_3598 = tpu.vector_load %arg9[%get3A_3596, %get3A_3597] {strides = array<i32>} : memref<64x64xf32, #tpu.memory_space<vmem>>, vector<1x16xf32>,
        %get3A_3599 = vector.shape_cast %get3A_3598 : vector<1x16xf32> to vector<16xf32>
        %mul3A_3600 = vector.broadcast %squeeze3A_3586 : f32 to vector<16xf32>
        %mul3A_3601 = arith.mulf %mul3A_3600, %get3A_3599 : vector<16xf32>
        %add3A_3602 = arith.addf %add3A_3568, %mul3A_3601 : vector<16xf32>
        %get3A_3603 = arith.constant 38 : i32
        %get3A_3604 = arith.index_cast %get3A_3603 : i32 to index
        %get3A_3605 = arith.constant 32 : index
        %get3A_3606 = tpu.vector_load %arg9[%get3A_3604, %get3A_3605] {strides = array<i32>} : memref<64x64xf32, #tpu.memory_space<vmem>>, vector<1x16xf32>,
        %get3A_3607 = vector.shape_cast %get3A_3606 : vector<1x16xf32> to vector<16xf32>
        %mul3A_3608 = vector.broadcast %squeeze3A_3586 : f32 to vector<16xf32>
        %mul3A_3609 = arith.mulf %mul3A_3608, %get3A_3607 : vector<16xf32>
        %add3A_3610 = arith.addf %add3A_3576, %mul3A_3609 : vector<16xf32>
        %get3A_3611 = arith.constant 38 : i32
        %get3A_3612 = arith.index_cast %get3A_3611 : i32 to index
        %get3A_3613 = arith.constant 48 : index
        %get3A_3614 = tpu.vector_load %arg9[%get3A_3612, %get3A_3613] {strides = array<i32>} : memref<64x64xf32, #tpu.memory_space<vmem>>, vector<1x16xf32>,
        %get3A_3615 = vector.shape_cast %get3A_3614 : vector<1x16xf32> to vector<16xf32>
        %mul3A_3616 = vector.broadcast %squeeze3A_3586 : f32 to vector<16xf32>
        %mul3A_3617 = arith.mulf %mul3A_3616, %get3A_3615 : vector<16xf32>
        %add3A_3618 = arith.addf %add3A_3584, %mul3A_3617 : vector<16xf32>
        %slice3A_3619 = vector.extract_strided_slice %get3A_2280 {offsets = [7], sizes = [1], strides = [1]} : vector<16xf32> to vector<1xf32>
        %squeeze3A_3620 = vector.extract %slice3A_3619[0] : f32 from vector<1xf32>
        %get3A_3621 = arith.constant 39 : i32
        %get3A_3622 = arith.index_cast %get3A_3621 : i32 to index
        %get3A_3623 = arith.constant 0 : index
        %get3A_3624 = tpu.vector_load %arg9[%get3A_3622, %get3A_3623] {strides = array<i32>} : memref<64x64xf32, #tpu.memory_space<vmem>>, vector<1x16xf32>,
        %get3A_3625 = vector.shape_cast %get3A_3624 : vector<1x16xf32> to vector<16xf32>
        %mul3A_3626 = vector.broadcast %squeeze3A_3620 : f32 to vector<16xf32>
        %mul3A_3627 = arith.mulf %mul3A_3626, %get3A_3625 : vector<16xf32>
        %add3A_3628 = arith.addf %add3A_3594, %mul3A_3627 : vector<16xf32>
        %get3A_3629 = arith.constant 39 : i32
        %get3A_3630 = arith.index_cast %get3A_3629 : i32 to index
        %get3A_3631 = arith.constant 16 : index
        %get3A_3632 = tpu.vector_load %arg9[%get3A_3630, %get3A_3631] {strides = array<i32>} : memref<64x64xf32, #tpu.memory_space<vmem>>, vector<1x16xf32>,
        %get3A_3633 = vector.shape_cast %get3A_3632 : vector<1x16xf32> to vector<16xf32>
        %mul3A_3634 = vector.broadcast %squeeze3A_3620 : f32 to vector<16xf32>
        %mul3A_3635 = arith.mulf %mul3A_3634, %get3A_3633 : vector<16xf32>
        %add3A_3636 = arith.addf %add3A_3602, %mul3A_3635 : vector<16xf32>
        %get3A_3637 = arith.constant 39 : i32
        %get3A_3638 = arith.index_cast %get3A_3637 : i32 to index
        %get3A_3639 = arith.constant 32 : index
        %get3A_3640 = tpu.vector_load %arg9[%get3A_3638, %get3A_3639] {strides = array<i32>} : memref<64x64xf32, #tpu.memory_space<vmem>>, vector<1x16xf32>,
        %get3A_3641 = vector.shape_cast %get3A_3640 : vector<1x16xf32> to vector<16xf32>
        %mul3A_3642 = vector.broadcast %squeeze3A_3620 : f32 to vector<16xf32>
        %mul3A_3643 = arith.mulf %mul3A_3642, %get3A_3641 : vector<16xf32>
        %add3A_3644 = arith.addf %add3A_3610, %mul3A_3643 : vector<16xf32>
        %get3A_3645 = arith.constant 39 : i32
        %get3A_3646 = arith.index_cast %get3A_3645 : i32 to index
        %get3A_3647 = arith.constant 48 : index
        %get3A_3648 = tpu.vector_load %arg9[%get3A_3646, %get3A_3647] {strides = array<i32>} : memref<64x64xf32, #tpu.memory_space<vmem>>, vector<1x16xf32>,
        %get3A_3649 = vector.shape_cast %get3A_3648 : vector<1x16xf32> to vector<16xf32>
        %mul3A_3650 = vector.broadcast %squeeze3A_3620 : f32 to vector<16xf32>
        %mul3A_3651 = arith.mulf %mul3A_3650, %get3A_3649 : vector<16xf32>
        %add3A_3652 = arith.addf %add3A_3618, %mul3A_3651 : vector<16xf32>
        %slice3A_3653 = vector.extract_strided_slice %get3A_2280 {offsets = [8], sizes = [1], strides = [1]} : vector<16xf32> to vector<1xf32>
        %squeeze3A_3654 = vector.extract %slice3A_3653[0] : f32 from vector<1xf32>
        %get3A_3655 = arith.constant 40 : i32
        %get3A_3656 = arith.index_cast %get3A_3655 : i32 to index
        %get3A_3657 = arith.constant 0 : index
        %get3A_3658 = tpu.vector_load %arg9[%get3A_3656, %get3A_3657] {strides = array<i32>} : memref<64x64xf32, #tpu.memory_space<vmem>>, vector<1x16xf32>,
        %get3A_3659 = vector.shape_cast %get3A_3658 : vector<1x16xf32> to vector<16xf32>
        %mul3A_3660 = vector.broadcast %squeeze3A_3654 : f32 to vector<16xf32>
        %mul3A_3661 = arith.mulf %mul3A_3660, %get3A_3659 : vector<16xf32>
        %add3A_3662 = arith.addf %add3A_3628, %mul3A_3661 : vector<16xf32>
        %get3A_3663 = arith.constant 40 : i32
        %get3A_3664 = arith.index_cast %get3A_3663 : i32 to index
        %get3A_3665 = arith.constant 16 : index
        %get3A_3666 = tpu.vector_load %arg9[%get3A_3664, %get3A_3665] {strides = array<i32>} : memref<64x64xf32, #tpu.memory_space<vmem>>, vector<1x16xf32>,
        %get3A_3667 = vector.shape_cast %get3A_3666 : vector<1x16xf32> to vector<16xf32>
        %mul3A_3668 = vector.broadcast %squeeze3A_3654 : f32 to vector<16xf32>
        %mul3A_3669 = arith.mulf %mul3A_3668, %get3A_3667 : vector<16xf32>
        %add3A_3670 = arith.addf %add3A_3636, %mul3A_3669 : vector<16xf32>
        %get3A_3671 = arith.constant 40 : i32
        %get3A_3672 = arith.index_cast %get3A_3671 : i32 to index
        %get3A_3673 = arith.constant 32 : index
        %get3A_3674 = tpu.vector_load %arg9[%get3A_3672, %get3A_3673] {strides = array<i32>} : memref<64x64xf32, #tpu.memory_space<vmem>>, vector<1x16xf32>,
        %get3A_3675 = vector.shape_cast %get3A_3674 : vector<1x16xf32> to vector<16xf32>
        %mul3A_3676 = vector.broadcast %squeeze3A_3654 : f32 to vector<16xf32>
        %mul3A_3677 = arith.mulf %mul3A_3676, %get3A_3675 : vector<16xf32>
        %add3A_3678 = arith.addf %add3A_3644, %mul3A_3677 : vector<16xf32>
        %get3A_3679 = arith.constant 40 : i32
        %get3A_3680 = arith.index_cast %get3A_3679 : i32 to index
        %get3A_3681 = arith.constant 48 : index
        %get3A_3682 = tpu.vector_load %arg9[%get3A_3680, %get3A_3681] {strides = array<i32>} : memref<64x64xf32, #tpu.memory_space<vmem>>, vector<1x16xf32>,
        %get3A_3683 = vector.shape_cast %get3A_3682 : vector<1x16xf32> to vector<16xf32>
        %mul3A_3684 = vector.broadcast %squeeze3A_3654 : f32 to vector<16xf32>
        %mul3A_3685 = arith.mulf %mul3A_3684, %get3A_3683 : vector<16xf32>
        %add3A_3686 = arith.addf %add3A_3652, %mul3A_3685 : vector<16xf32>
        %slice3A_3687 = vector.extract_strided_slice %get3A_2280 {offsets = [9], sizes = [1], strides = [1]} : vector<16xf32> to vector<1xf32>
        %squeeze3A_3688 = vector.extract %slice3A_3687[0] : f32 from vector<1xf32>
        %get3A_3689 = arith.constant 41 : i32
        %get3A_3690 = arith.index_cast %get3A_3689 : i32 to index
        %get3A_3691 = arith.constant 0 : index
        %get3A_3692 = tpu.vector_load %arg9[%get3A_3690, %get3A_3691] {strides = array<i32>} : memref<64x64xf32, #tpu.memory_space<vmem>>, vector<1x16xf32>,
        %get3A_3693 = vector.shape_cast %get3A_3692 : vector<1x16xf32> to vector<16xf32>
        %mul3A_3694 = vector.broadcast %squeeze3A_3688 : f32 to vector<16xf32>
        %mul3A_3695 = arith.mulf %mul3A_3694, %get3A_3693 : vector<16xf32>
        %add3A_3696 = arith.addf %add3A_3662, %mul3A_3695 : vector<16xf32>
        %get3A_3697 = arith.constant 41 : i32
        %get3A_3698 = arith.index_cast %get3A_3697 : i32 to index
        %get3A_3699 = arith.constant 16 : index
        %get3A_3700 = tpu.vector_load %arg9[%get3A_3698, %get3A_3699] {strides = array<i32>} : memref<64x64xf32, #tpu.memory_space<vmem>>, vector<1x16xf32>,
        %get3A_3701 = vector.shape_cast %get3A_3700 : vector<1x16xf32> to vector<16xf32>
        %mul3A_3702 = vector.broadcast %squeeze3A_3688 : f32 to vector<16xf32>
        %mul3A_3703 = arith.mulf %mul3A_3702, %get3A_3701 : vector<16xf32>
        %add3A_3704 = arith.addf %add3A_3670, %mul3A_3703 : vector<16xf32>
        %get3A_3705 = arith.constant 41 : i32
        %get3A_3706 = arith.index_cast %get3A_3705 : i32 to index
        %get3A_3707 = arith.constant 32 : index
        %get3A_3708 = tpu.vector_load %arg9[%get3A_3706, %get3A_3707] {strides = array<i32>} : memref<64x64xf32, #tpu.memory_space<vmem>>, vector<1x16xf32>,
        %get3A_3709 = vector.shape_cast %get3A_3708 : vector<1x16xf32> to vector<16xf32>
        %mul3A_3710 = vector.broadcast %squeeze3A_3688 : f32 to vector<16xf32>
        %mul3A_3711 = arith.mulf %mul3A_3710, %get3A_3709 : vector<16xf32>
        %add3A_3712 = arith.addf %add3A_3678, %mul3A_3711 : vector<16xf32>
        %get3A_3713 = arith.constant 41 : i32
        %get3A_3714 = arith.index_cast %get3A_3713 : i32 to index
        %get3A_3715 = arith.constant 48 : index
        %get3A_3716 = tpu.vector_load %arg9[%get3A_3714, %get3A_3715] {strides = array<i32>} : memref<64x64xf32, #tpu.memory_space<vmem>>, vector<1x16xf32>,
        %get3A_3717 = vector.shape_cast %get3A_3716 : vector<1x16xf32> to vector<16xf32>
        %mul3A_3718 = vector.broadcast %squeeze3A_3688 : f32 to vector<16xf32>
        %mul3A_3719 = arith.mulf %mul3A_3718, %get3A_3717 : vector<16xf32>
        %add3A_3720 = arith.addf %add3A_3686, %mul3A_3719 : vector<16xf32>
        %slice3A_3721 = vector.extract_strided_slice %get3A_2280 {offsets = [10], sizes = [1], strides = [1]} : vector<16xf32> to vector<1xf32>
        %squeeze3A_3722 = vector.extract %slice3A_3721[0] : f32 from vector<1xf32>
        %get3A_3723 = arith.constant 42 : i32
        %get3A_3724 = arith.index_cast %get3A_3723 : i32 to index
        %get3A_3725 = arith.constant 0 : index
        %get3A_3726 = tpu.vector_load %arg9[%get3A_3724, %get3A_3725] {strides = array<i32>} : memref<64x64xf32, #tpu.memory_space<vmem>>, vector<1x16xf32>,
        %get3A_3727 = vector.shape_cast %get3A_3726 : vector<1x16xf32> to vector<16xf32>
        %mul3A_3728 = vector.broadcast %squeeze3A_3722 : f32 to vector<16xf32>
        %mul3A_3729 = arith.mulf %mul3A_3728, %get3A_3727 : vector<16xf32>
        %add3A_3730 = arith.addf %add3A_3696, %mul3A_3729 : vector<16xf32>
        %get3A_3731 = arith.constant 42 : i32
        %get3A_3732 = arith.index_cast %get3A_3731 : i32 to index
        %get3A_3733 = arith.constant 16 : index
        %get3A_3734 = tpu.vector_load %arg9[%get3A_3732, %get3A_3733] {strides = array<i32>} : memref<64x64xf32, #tpu.memory_space<vmem>>, vector<1x16xf32>,
        %get3A_3735 = vector.shape_cast %get3A_3734 : vector<1x16xf32> to vector<16xf32>
        %mul3A_3736 = vector.broadcast %squeeze3A_3722 : f32 to vector<16xf32>
        %mul3A_3737 = arith.mulf %mul3A_3736, %get3A_3735 : vector<16xf32>
        %add3A_3738 = arith.addf %add3A_3704, %mul3A_3737 : vector<16xf32>
        %get3A_3739 = arith.constant 42 : i32
        %get3A_3740 = arith.index_cast %get3A_3739 : i32 to index
        %get3A_3741 = arith.constant 32 : index
        %get3A_3742 = tpu.vector_load %arg9[%get3A_3740, %get3A_3741] {strides = array<i32>} : memref<64x64xf32, #tpu.memory_space<vmem>>, vector<1x16xf32>,
        %get3A_3743 = vector.shape_cast %get3A_3742 : vector<1x16xf32> to vector<16xf32>
        %mul3A_3744 = vector.broadcast %squeeze3A_3722 : f32 to vector<16xf32>
        %mul3A_3745 = arith.mulf %mul3A_3744, %get3A_3743 : vector<16xf32>
        %add3A_3746 = arith.addf %add3A_3712, %mul3A_3745 : vector<16xf32>
        %get3A_3747 = arith.constant 42 : i32
        %get3A_3748 = arith.index_cast %get3A_3747 : i32 to index
        %get3A_3749 = arith.constant 48 : index
        %get3A_3750 = tpu.vector_load %arg9[%get3A_3748, %get3A_3749] {strides = array<i32>} : memref<64x64xf32, #tpu.memory_space<vmem>>, vector<1x16xf32>,
        %get3A_3751 = vector.shape_cast %get3A_3750 : vector<1x16xf32> to vector<16xf32>
        %mul3A_3752 = vector.broadcast %squeeze3A_3722 : f32 to vector<16xf32>
        %mul3A_3753 = arith.mulf %mul3A_3752, %get3A_3751 : vector<16xf32>
        %add3A_3754 = arith.addf %add3A_3720, %mul3A_3753 : vector<16xf32>
        %slice3A_3755 = vector.extract_strided_slice %get3A_2280 {offsets = [11], sizes = [1], strides = [1]} : vector<16xf32> to vector<1xf32>
        %squeeze3A_3756 = vector.extract %slice3A_3755[0] : f32 from vector<1xf32>
        %get3A_3757 = arith.constant 43 : i32
        %get3A_3758 = arith.index_cast %get3A_3757 : i32 to index
        %get3A_3759 = arith.constant 0 : index
        %get3A_3760 = tpu.vector_load %arg9[%get3A_3758, %get3A_3759] {strides = array<i32>} : memref<64x64xf32, #tpu.memory_space<vmem>>, vector<1x16xf32>,
        %get3A_3761 = vector.shape_cast %get3A_3760 : vector<1x16xf32> to vector<16xf32>
        %mul3A_3762 = vector.broadcast %squeeze3A_3756 : f32 to vector<16xf32>
        %mul3A_3763 = arith.mulf %mul3A_3762, %get3A_3761 : vector<16xf32>
        %add3A_3764 = arith.addf %add3A_3730, %mul3A_3763 : vector<16xf32>
        %get3A_3765 = arith.constant 43 : i32
        %get3A_3766 = arith.index_cast %get3A_3765 : i32 to index
        %get3A_3767 = arith.constant 16 : index
        %get3A_3768 = tpu.vector_load %arg9[%get3A_3766, %get3A_3767] {strides = array<i32>} : memref<64x64xf32, #tpu.memory_space<vmem>>, vector<1x16xf32>,
        %get3A_3769 = vector.shape_cast %get3A_3768 : vector<1x16xf32> to vector<16xf32>
        %mul3A_3770 = vector.broadcast %squeeze3A_3756 : f32 to vector<16xf32>
        %mul3A_3771 = arith.mulf %mul3A_3770, %get3A_3769 : vector<16xf32>
        %add3A_3772 = arith.addf %add3A_3738, %mul3A_3771 : vector<16xf32>
        %get3A_3773 = arith.constant 43 : i32
        %get3A_3774 = arith.index_cast %get3A_3773 : i32 to index
        %get3A_3775 = arith.constant 32 : index
        %get3A_3776 = tpu.vector_load %arg9[%get3A_3774, %get3A_3775] {strides = array<i32>} : memref<64x64xf32, #tpu.memory_space<vmem>>, vector<1x16xf32>,
        %get3A_3777 = vector.shape_cast %get3A_3776 : vector<1x16xf32> to vector<16xf32>
        %mul3A_3778 = vector.broadcast %squeeze3A_3756 : f32 to vector<16xf32>
        %mul3A_3779 = arith.mulf %mul3A_3778, %get3A_3777 : vector<16xf32>
        %add3A_3780 = arith.addf %add3A_3746, %mul3A_3779 : vector<16xf32>
        %get3A_3781 = arith.constant 43 : i32
        %get3A_3782 = arith.index_cast %get3A_3781 : i32 to index
        %get3A_3783 = arith.constant 48 : index
        %get3A_3784 = tpu.vector_load %arg9[%get3A_3782, %get3A_3783] {strides = array<i32>} : memref<64x64xf32, #tpu.memory_space<vmem>>, vector<1x16xf32>,
        %get3A_3785 = vector.shape_cast %get3A_3784 : vector<1x16xf32> to vector<16xf32>
        %mul3A_3786 = vector.broadcast %squeeze3A_3756 : f32 to vector<16xf32>
        %mul3A_3787 = arith.mulf %mul3A_3786, %get3A_3785 : vector<16xf32>
        %add3A_3788 = arith.addf %add3A_3754, %mul3A_3787 : vector<16xf32>
        %slice3A_3789 = vector.extract_strided_slice %get3A_2280 {offsets = [12], sizes = [1], strides = [1]} : vector<16xf32> to vector<1xf32>
        %squeeze3A_3790 = vector.extract %slice3A_3789[0] : f32 from vector<1xf32>
        %get3A_3791 = arith.constant 44 : i32
        %get3A_3792 = arith.index_cast %get3A_3791 : i32 to index
        %get3A_3793 = arith.constant 0 : index
        %get3A_3794 = tpu.vector_load %arg9[%get3A_3792, %get3A_3793] {strides = array<i32>} : memref<64x64xf32, #tpu.memory_space<vmem>>, vector<1x16xf32>,
        %get3A_3795 = vector.shape_cast %get3A_3794 : vector<1x16xf32> to vector<16xf32>
        %mul3A_3796 = vector.broadcast %squeeze3A_3790 : f32 to vector<16xf32>
        %mul3A_3797 = arith.mulf %mul3A_3796, %get3A_3795 : vector<16xf32>
        %add3A_3798 = arith.addf %add3A_3764, %mul3A_3797 : vector<16xf32>
        %get3A_3799 = arith.constant 44 : i32
        %get3A_3800 = arith.index_cast %get3A_3799 : i32 to index
        %get3A_3801 = arith.constant 16 : index
        %get3A_3802 = tpu.vector_load %arg9[%get3A_3800, %get3A_3801] {strides = array<i32>} : memref<64x64xf32, #tpu.memory_space<vmem>>, vector<1x16xf32>,
        %get3A_3803 = vector.shape_cast %get3A_3802 : vector<1x16xf32> to vector<16xf32>
        %mul3A_3804 = vector.broadcast %squeeze3A_3790 : f32 to vector<16xf32>
        %mul3A_3805 = arith.mulf %mul3A_3804, %get3A_3803 : vector<16xf32>
        %add3A_3806 = arith.addf %add3A_3772, %mul3A_3805 : vector<16xf32>
        %get3A_3807 = arith.constant 44 : i32
        %get3A_3808 = arith.index_cast %get3A_3807 : i32 to index
        %get3A_3809 = arith.constant 32 : index
        %get3A_3810 = tpu.vector_load %arg9[%get3A_3808, %get3A_3809] {strides = array<i32>} : memref<64x64xf32, #tpu.memory_space<vmem>>, vector<1x16xf32>,
        %get3A_3811 = vector.shape_cast %get3A_3810 : vector<1x16xf32> to vector<16xf32>
        %mul3A_3812 = vector.broadcast %squeeze3A_3790 : f32 to vector<16xf32>
        %mul3A_3813 = arith.mulf %mul3A_3812, %get3A_3811 : vector<16xf32>
        %add3A_3814 = arith.addf %add3A_3780, %mul3A_3813 : vector<16xf32>
        %get3A_3815 = arith.constant 44 : i32
        %get3A_3816 = arith.index_cast %get3A_3815 : i32 to index
        %get3A_3817 = arith.constant 48 : index
        %get3A_3818 = tpu.vector_load %arg9[%get3A_3816, %get3A_3817] {strides = array<i32>} : memref<64x64xf32, #tpu.memory_space<vmem>>, vector<1x16xf32>,
        %get3A_3819 = vector.shape_cast %get3A_3818 : vector<1x16xf32> to vector<16xf32>
        %mul3A_3820 = vector.broadcast %squeeze3A_3790 : f32 to vector<16xf32>
        %mul3A_3821 = arith.mulf %mul3A_3820, %get3A_3819 : vector<16xf32>
        %add3A_3822 = arith.addf %add3A_3788, %mul3A_3821 : vector<16xf32>
        %slice3A_3823 = vector.extract_strided_slice %get3A_2280 {offsets = [13], sizes = [1], strides = [1]} : vector<16xf32> to vector<1xf32>
        %squeeze3A_3824 = vector.extract %slice3A_3823[0] : f32 from vector<1xf32>
        %get3A_3825 = arith.constant 45 : i32
        %get3A_3826 = arith.index_cast %get3A_3825 : i32 to index
        %get3A_3827 = arith.constant 0 : index
        %get3A_3828 = tpu.vector_load %arg9[%get3A_3826, %get3A_3827] {strides = array<i32>} : memref<64x64xf32, #tpu.memory_space<vmem>>, vector<1x16xf32>,
        %get3A_3829 = vector.shape_cast %get3A_3828 : vector<1x16xf32> to vector<16xf32>
        %mul3A_3830 = vector.broadcast %squeeze3A_3824 : f32 to vector<16xf32>
        %mul3A_3831 = arith.mulf %mul3A_3830, %get3A_3829 : vector<16xf32>
        %add3A_3832 = arith.addf %add3A_3798, %mul3A_3831 : vector<16xf32>
        %get3A_3833 = arith.constant 45 : i32
        %get3A_3834 = arith.index_cast %get3A_3833 : i32 to index
        %get3A_3835 = arith.constant 16 : index
        %get3A_3836 = tpu.vector_load %arg9[%get3A_3834, %get3A_3835] {strides = array<i32>} : memref<64x64xf32, #tpu.memory_space<vmem>>, vector<1x16xf32>,
        %get3A_3837 = vector.shape_cast %get3A_3836 : vector<1x16xf32> to vector<16xf32>
        %mul3A_3838 = vector.broadcast %squeeze3A_3824 : f32 to vector<16xf32>
        %mul3A_3839 = arith.mulf %mul3A_3838, %get3A_3837 : vector<16xf32>
        %add3A_3840 = arith.addf %add3A_3806, %mul3A_3839 : vector<16xf32>
        %get3A_3841 = arith.constant 45 : i32
        %get3A_3842 = arith.index_cast %get3A_3841 : i32 to index
        %get3A_3843 = arith.constant 32 : index
        %get3A_3844 = tpu.vector_load %arg9[%get3A_3842, %get3A_3843] {strides = array<i32>} : memref<64x64xf32, #tpu.memory_space<vmem>>, vector<1x16xf32>,
        %get3A_3845 = vector.shape_cast %get3A_3844 : vector<1x16xf32> to vector<16xf32>
        %mul3A_3846 = vector.broadcast %squeeze3A_3824 : f32 to vector<16xf32>
        %mul3A_3847 = arith.mulf %mul3A_3846, %get3A_3845 : vector<16xf32>
        %add3A_3848 = arith.addf %add3A_3814, %mul3A_3847 : vector<16xf32>
        %get3A_3849 = arith.constant 45 : i32
        %get3A_3850 = arith.index_cast %get3A_3849 : i32 to index
        %get3A_3851 = arith.constant 48 : index
        %get3A_3852 = tpu.vector_load %arg9[%get3A_3850, %get3A_3851] {strides = array<i32>} : memref<64x64xf32, #tpu.memory_space<vmem>>, vector<1x16xf32>,
        %get3A_3853 = vector.shape_cast %get3A_3852 : vector<1x16xf32> to vector<16xf32>
        %mul3A_3854 = vector.broadcast %squeeze3A_3824 : f32 to vector<16xf32>
        %mul3A_3855 = arith.mulf %mul3A_3854, %get3A_3853 : vector<16xf32>
        %add3A_3856 = arith.addf %add3A_3822, %mul3A_3855 : vector<16xf32>
        %slice3A_3857 = vector.extract_strided_slice %get3A_2280 {offsets = [14], sizes = [1], strides = [1]} : vector<16xf32> to vector<1xf32>
        %squeeze3A_3858 = vector.extract %slice3A_3857[0] : f32 from vector<1xf32>
        %get3A_3859 = arith.constant 46 : i32
        %get3A_3860 = arith.index_cast %get3A_3859 : i32 to index
        %get3A_3861 = arith.constant 0 : index
        %get3A_3862 = tpu.vector_load %arg9[%get3A_3860, %get3A_3861] {strides = array<i32>} : memref<64x64xf32, #tpu.memory_space<vmem>>, vector<1x16xf32>,
        %get3A_3863 = vector.shape_cast %get3A_3862 : vector<1x16xf32> to vector<16xf32>
        %mul3A_3864 = vector.broadcast %squeeze3A_3858 : f32 to vector<16xf32>
        %mul3A_3865 = arith.mulf %mul3A_3864, %get3A_3863 : vector<16xf32>
        %add3A_3866 = arith.addf %add3A_3832, %mul3A_3865 : vector<16xf32>
        %get3A_3867 = arith.constant 46 : i32
        %get3A_3868 = arith.index_cast %get3A_3867 : i32 to index
        %get3A_3869 = arith.constant 16 : index
        %get3A_3870 = tpu.vector_load %arg9[%get3A_3868, %get3A_3869] {strides = array<i32>} : memref<64x64xf32, #tpu.memory_space<vmem>>, vector<1x16xf32>,
        %get3A_3871 = vector.shape_cast %get3A_3870 : vector<1x16xf32> to vector<16xf32>
        %mul3A_3872 = vector.broadcast %squeeze3A_3858 : f32 to vector<16xf32>
        %mul3A_3873 = arith.mulf %mul3A_3872, %get3A_3871 : vector<16xf32>
        %add3A_3874 = arith.addf %add3A_3840, %mul3A_3873 : vector<16xf32>
        %get3A_3875 = arith.constant 46 : i32
        %get3A_3876 = arith.index_cast %get3A_3875 : i32 to index
        %get3A_3877 = arith.constant 32 : index
        %get3A_3878 = tpu.vector_load %arg9[%get3A_3876, %get3A_3877] {strides = array<i32>} : memref<64x64xf32, #tpu.memory_space<vmem>>, vector<1x16xf32>,
        %get3A_3879 = vector.shape_cast %get3A_3878 : vector<1x16xf32> to vector<16xf32>
        %mul3A_3880 = vector.broadcast %squeeze3A_3858 : f32 to vector<16xf32>
        %mul3A_3881 = arith.mulf %mul3A_3880, %get3A_3879 : vector<16xf32>
        %add3A_3882 = arith.addf %add3A_3848, %mul3A_3881 : vector<16xf32>
        %get3A_3883 = arith.constant 46 : i32
        %get3A_3884 = arith.index_cast %get3A_3883 : i32 to index
        %get3A_3885 = arith.constant 48 : index
        %get3A_3886 = tpu.vector_load %arg9[%get3A_3884, %get3A_3885] {strides = array<i32>} : memref<64x64xf32, #tpu.memory_space<vmem>>, vector<1x16xf32>,
        %get3A_3887 = vector.shape_cast %get3A_3886 : vector<1x16xf32> to vector<16xf32>
        %mul3A_3888 = vector.broadcast %squeeze3A_3858 : f32 to vector<16xf32>
        %mul3A_3889 = arith.mulf %mul3A_3888, %get3A_3887 : vector<16xf32>
        %add3A_3890 = arith.addf %add3A_3856, %mul3A_3889 : vector<16xf32>
        %slice3A_3891 = vector.extract_strided_slice %get3A_2280 {offsets = [15], sizes = [1], strides = [1]} : vector<16xf32> to vector<1xf32>
        %squeeze3A_3892 = vector.extract %slice3A_3891[0] : f32 from vector<1xf32>
        %get3A_3893 = arith.constant 47 : i32
        %get3A_3894 = arith.index_cast %get3A_3893 : i32 to index
        %get3A_3895 = arith.constant 0 : index
        %get3A_3896 = tpu.vector_load %arg9[%get3A_3894, %get3A_3895] {strides = array<i32>} : memref<64x64xf32, #tpu.memory_space<vmem>>, vector<1x16xf32>,
        %get3A_3897 = vector.shape_cast %get3A_3896 : vector<1x16xf32> to vector<16xf32>
        %mul3A_3898 = vector.broadcast %squeeze3A_3892 : f32 to vector<16xf32>
        %mul3A_3899 = arith.mulf %mul3A_3898, %get3A_3897 : vector<16xf32>
        %add3A_3900 = arith.addf %add3A_3866, %mul3A_3899 : vector<16xf32>
        %get3A_3901 = arith.constant 47 : i32
        %get3A_3902 = arith.index_cast %get3A_3901 : i32 to index
        %get3A_3903 = arith.constant 16 : index
        %get3A_3904 = tpu.vector_load %arg9[%get3A_3902, %get3A_3903] {strides = array<i32>} : memref<64x64xf32, #tpu.memory_space<vmem>>, vector<1x16xf32>,
        %get3A_3905 = vector.shape_cast %get3A_3904 : vector<1x16xf32> to vector<16xf32>
        %mul3A_3906 = vector.broadcast %squeeze3A_3892 : f32 to vector<16xf32>
        %mul3A_3907 = arith.mulf %mul3A_3906, %get3A_3905 : vector<16xf32>
        %add3A_3908 = arith.addf %add3A_3874, %mul3A_3907 : vector<16xf32>
        %get3A_3909 = arith.constant 47 : i32
        %get3A_3910 = arith.index_cast %get3A_3909 : i32 to index
        %get3A_3911 = arith.constant 32 : index
        %get3A_3912 = tpu.vector_load %arg9[%get3A_3910, %get3A_3911] {strides = array<i32>} : memref<64x64xf32, #tpu.memory_space<vmem>>, vector<1x16xf32>,
        %get3A_3913 = vector.shape_cast %get3A_3912 : vector<1x16xf32> to vector<16xf32>
        %mul3A_3914 = vector.broadcast %squeeze3A_3892 : f32 to vector<16xf32>
        %mul3A_3915 = arith.mulf %mul3A_3914, %get3A_3913 : vector<16xf32>
        %add3A_3916 = arith.addf %add3A_3882, %mul3A_3915 : vector<16xf32>
        %get3A_3917 = arith.constant 47 : i32
        %get3A_3918 = arith.index_cast %get3A_3917 : i32 to index
        %get3A_3919 = arith.constant 48 : index
        %get3A_3920 = tpu.vector_load %arg9[%get3A_3918, %get3A_3919] {strides = array<i32>} : memref<64x64xf32, #tpu.memory_space<vmem>>, vector<1x16xf32>,
        %get3A_3921 = vector.shape_cast %get3A_3920 : vector<1x16xf32> to vector<16xf32>
        %mul3A_3922 = vector.broadcast %squeeze3A_3892 : f32 to vector<16xf32>
        %mul3A_3923 = arith.mulf %mul3A_3922, %get3A_3921 : vector<16xf32>
        %add3A_3924 = arith.addf %add3A_3890, %mul3A_3923 : vector<16xf32>
        %slice3A_3925 = vector.extract_strided_slice %get3A_2284 {offsets = [0], sizes = [1], strides = [1]} : vector<16xf32> to vector<1xf32>
        %squeeze3A_3926 = vector.extract %slice3A_3925[0] : f32 from vector<1xf32>
        %get3A_3927 = arith.constant 48 : i32
        %get3A_3928 = arith.index_cast %get3A_3927 : i32 to index
        %get3A_3929 = arith.constant 0 : index
        %get3A_3930 = tpu.vector_load %arg9[%get3A_3928, %get3A_3929] {strides = array<i32>} : memref<64x64xf32, #tpu.memory_space<vmem>>, vector<1x16xf32>,
        %get3A_3931 = vector.shape_cast %get3A_3930 : vector<1x16xf32> to vector<16xf32>
        %mul3A_3932 = vector.broadcast %squeeze3A_3926 : f32 to vector<16xf32>
        %mul3A_3933 = arith.mulf %mul3A_3932, %get3A_3931 : vector<16xf32>
        %add3A_3934 = arith.addf %add3A_3900, %mul3A_3933 : vector<16xf32>
        %get3A_3935 = arith.constant 48 : i32
        %get3A_3936 = arith.index_cast %get3A_3935 : i32 to index
        %get3A_3937 = arith.constant 16 : index
        %get3A_3938 = tpu.vector_load %arg9[%get3A_3936, %get3A_3937] {strides = array<i32>} : memref<64x64xf32, #tpu.memory_space<vmem>>, vector<1x16xf32>,
        %get3A_3939 = vector.shape_cast %get3A_3938 : vector<1x16xf32> to vector<16xf32>
        %mul3A_3940 = vector.broadcast %squeeze3A_3926 : f32 to vector<16xf32>
        %mul3A_3941 = arith.mulf %mul3A_3940, %get3A_3939 : vector<16xf32>
        %add3A_3942 = arith.addf %add3A_3908, %mul3A_3941 : vector<16xf32>
        %get3A_3943 = arith.constant 48 : i32
        %get3A_3944 = arith.index_cast %get3A_3943 : i32 to index
        %get3A_3945 = arith.constant 32 : index
        %get3A_3946 = tpu.vector_load %arg9[%get3A_3944, %get3A_3945] {strides = array<i32>} : memref<64x64xf32, #tpu.memory_space<vmem>>, vector<1x16xf32>,
        %get3A_3947 = vector.shape_cast %get3A_3946 : vector<1x16xf32> to vector<16xf32>
        %mul3A_3948 = vector.broadcast %squeeze3A_3926 : f32 to vector<16xf32>
        %mul3A_3949 = arith.mulf %mul3A_3948, %get3A_3947 : vector<16xf32>
        %add3A_3950 = arith.addf %add3A_3916, %mul3A_3949 : vector<16xf32>
        %get3A_3951 = arith.constant 48 : i32
        %get3A_3952 = arith.index_cast %get3A_3951 : i32 to index
        %get3A_3953 = arith.constant 48 : index
        %get3A_3954 = tpu.vector_load %arg9[%get3A_3952, %get3A_3953] {strides = array<i32>} : memref<64x64xf32, #tpu.memory_space<vmem>>, vector<1x16xf32>,
        %get3A_3955 = vector.shape_cast %get3A_3954 : vector<1x16xf32> to vector<16xf32>
        %mul3A_3956 = vector.broadcast %squeeze3A_3926 : f32 to vector<16xf32>
        %mul3A_3957 = arith.mulf %mul3A_3956, %get3A_3955 : vector<16xf32>
        %add3A_3958 = arith.addf %add3A_3924, %mul3A_3957 : vector<16xf32>
        %slice3A_3959 = vector.extract_strided_slice %get3A_2284 {offsets = [1], sizes = [1], strides = [1]} : vector<16xf32> to vector<1xf32>
        %squeeze3A_3960 = vector.extract %slice3A_3959[0] : f32 from vector<1xf32>
        %get3A_3961 = arith.constant 49 : i32
        %get3A_3962 = arith.index_cast %get3A_3961 : i32 to index
        %get3A_3963 = arith.constant 0 : index
        %get3A_3964 = tpu.vector_load %arg9[%get3A_3962, %get3A_3963] {strides = array<i32>} : memref<64x64xf32, #tpu.memory_space<vmem>>, vector<1x16xf32>,
        %get3A_3965 = vector.shape_cast %get3A_3964 : vector<1x16xf32> to vector<16xf32>
        %mul3A_3966 = vector.broadcast %squeeze3A_3960 : f32 to vector<16xf32>
        %mul3A_3967 = arith.mulf %mul3A_3966, %get3A_3965 : vector<16xf32>
        %add3A_3968 = arith.addf %add3A_3934, %mul3A_3967 : vector<16xf32>
        %get3A_3969 = arith.constant 49 : i32
        %get3A_3970 = arith.index_cast %get3A_3969 : i32 to index
        %get3A_3971 = arith.constant 16 : index
        %get3A_3972 = tpu.vector_load %arg9[%get3A_3970, %get3A_3971] {strides = array<i32>} : memref<64x64xf32, #tpu.memory_space<vmem>>, vector<1x16xf32>,
        %get3A_3973 = vector.shape_cast %get3A_3972 : vector<1x16xf32> to vector<16xf32>
        %mul3A_3974 = vector.broadcast %squeeze3A_3960 : f32 to vector<16xf32>
        %mul3A_3975 = arith.mulf %mul3A_3974, %get3A_3973 : vector<16xf32>
        %add3A_3976 = arith.addf %add3A_3942, %mul3A_3975 : vector<16xf32>
        %get3A_3977 = arith.constant 49 : i32
        %get3A_3978 = arith.index_cast %get3A_3977 : i32 to index
        %get3A_3979 = arith.constant 32 : index
        %get3A_3980 = tpu.vector_load %arg9[%get3A_3978, %get3A_3979] {strides = array<i32>} : memref<64x64xf32, #tpu.memory_space<vmem>>, vector<1x16xf32>,
        %get3A_3981 = vector.shape_cast %get3A_3980 : vector<1x16xf32> to vector<16xf32>
        %mul3A_3982 = vector.broadcast %squeeze3A_3960 : f32 to vector<16xf32>
        %mul3A_3983 = arith.mulf %mul3A_3982, %get3A_3981 : vector<16xf32>
        %add3A_3984 = arith.addf %add3A_3950, %mul3A_3983 : vector<16xf32>
        %get3A_3985 = arith.constant 49 : i32
        %get3A_3986 = arith.index_cast %get3A_3985 : i32 to index
        %get3A_3987 = arith.constant 48 : index
        %get3A_3988 = tpu.vector_load %arg9[%get3A_3986, %get3A_3987] {strides = array<i32>} : memref<64x64xf32, #tpu.memory_space<vmem>>, vector<1x16xf32>,
        %get3A_3989 = vector.shape_cast %get3A_3988 : vector<1x16xf32> to vector<16xf32>
        %mul3A_3990 = vector.broadcast %squeeze3A_3960 : f32 to vector<16xf32>
        %mul3A_3991 = arith.mulf %mul3A_3990, %get3A_3989 : vector<16xf32>
        %add3A_3992 = arith.addf %add3A_3958, %mul3A_3991 : vector<16xf32>
        %slice3A_3993 = vector.extract_strided_slice %get3A_2284 {offsets = [2], sizes = [1], strides = [1]} : vector<16xf32> to vector<1xf32>
        %squeeze3A_3994 = vector.extract %slice3A_3993[0] : f32 from vector<1xf32>
        %get3A_3995 = arith.constant 50 : i32
        %get3A_3996 = arith.index_cast %get3A_3995 : i32 to index
        %get3A_3997 = arith.constant 0 : index
        %get3A_3998 = tpu.vector_load %arg9[%get3A_3996, %get3A_3997] {strides = array<i32>} : memref<64x64xf32, #tpu.memory_space<vmem>>, vector<1x16xf32>,
        %get3A_3999 = vector.shape_cast %get3A_3998 : vector<1x16xf32> to vector<16xf32>
        %mul3A_4000 = vector.broadcast %squeeze3A_3994 : f32 to vector<16xf32>
        %mul3A_4001 = arith.mulf %mul3A_4000, %get3A_3999 : vector<16xf32>
        %add3A_4002 = arith.addf %add3A_3968, %mul3A_4001 : vector<16xf32>
        %get3A_4003 = arith.constant 50 : i32
        %get3A_4004 = arith.index_cast %get3A_4003 : i32 to index
        %get3A_4005 = arith.constant 16 : index
        %get3A_4006 = tpu.vector_load %arg9[%get3A_4004, %get3A_4005] {strides = array<i32>} : memref<64x64xf32, #tpu.memory_space<vmem>>, vector<1x16xf32>,
        %get3A_4007 = vector.shape_cast %get3A_4006 : vector<1x16xf32> to vector<16xf32>
        %mul3A_4008 = vector.broadcast %squeeze3A_3994 : f32 to vector<16xf32>
        %mul3A_4009 = arith.mulf %mul3A_4008, %get3A_4007 : vector<16xf32>
        %add3A_4010 = arith.addf %add3A_3976, %mul3A_4009 : vector<16xf32>
        %get3A_4011 = arith.constant 50 : i32
        %get3A_4012 = arith.index_cast %get3A_4011 : i32 to index
        %get3A_4013 = arith.constant 32 : index
        %get3A_4014 = tpu.vector_load %arg9[%get3A_4012, %get3A_4013] {strides = array<i32>} : memref<64x64xf32, #tpu.memory_space<vmem>>, vector<1x16xf32>,
        %get3A_4015 = vector.shape_cast %get3A_4014 : vector<1x16xf32> to vector<16xf32>
        %mul3A_4016 = vector.broadcast %squeeze3A_3994 : f32 to vector<16xf32>
        %mul3A_4017 = arith.mulf %mul3A_4016, %get3A_4015 : vector<16xf32>
        %add3A_4018 = arith.addf %add3A_3984, %mul3A_4017 : vector<16xf32>
        %get3A_4019 = arith.constant 50 : i32
        %get3A_4020 = arith.index_cast %get3A_4019 : i32 to index
        %get3A_4021 = arith.constant 48 : index
        %get3A_4022 = tpu.vector_load %arg9[%get3A_4020, %get3A_4021] {strides = array<i32>} : memref<64x64xf32, #tpu.memory_space<vmem>>, vector<1x16xf32>,
        %get3A_4023 = vector.shape_cast %get3A_4022 : vector<1x16xf32> to vector<16xf32>
        %mul3A_4024 = vector.broadcast %squeeze3A_3994 : f32 to vector<16xf32>
        %mul3A_4025 = arith.mulf %mul3A_4024, %get3A_4023 : vector<16xf32>
        %add3A_4026 = arith.addf %add3A_3992, %mul3A_4025 : vector<16xf32>
        %slice3A_4027 = vector.extract_strided_slice %get3A_2284 {offsets = [3], sizes = [1], strides = [1]} : vector<16xf32> to vector<1xf32>
        %squeeze3A_4028 = vector.extract %slice3A_4027[0] : f32 from vector<1xf32>
        %get3A_4029 = arith.constant 51 : i32
        %get3A_4030 = arith.index_cast %get3A_4029 : i32 to index
        %get3A_4031 = arith.constant 0 : index
        %get3A_4032 = tpu.vector_load %arg9[%get3A_4030, %get3A_4031] {strides = array<i32>} : memref<64x64xf32, #tpu.memory_space<vmem>>, vector<1x16xf32>,
        %get3A_4033 = vector.shape_cast %get3A_4032 : vector<1x16xf32> to vector<16xf32>
        %mul3A_4034 = vector.broadcast %squeeze3A_4028 : f32 to vector<16xf32>
        %mul3A_4035 = arith.mulf %mul3A_4034, %get3A_4033 : vector<16xf32>
        %add3A_4036 = arith.addf %add3A_4002, %mul3A_4035 : vector<16xf32>
        %get3A_4037 = arith.constant 51 : i32
        %get3A_4038 = arith.index_cast %get3A_4037 : i32 to index
        %get3A_4039 = arith.constant 16 : index
        %get3A_4040 = tpu.vector_load %arg9[%get3A_4038, %get3A_4039] {strides = array<i32>} : memref<64x64xf32, #tpu.memory_space<vmem>>, vector<1x16xf32>,
        %get3A_4041 = vector.shape_cast %get3A_4040 : vector<1x16xf32> to vector<16xf32>
        %mul3A_4042 = vector.broadcast %squeeze3A_4028 : f32 to vector<16xf32>
        %mul3A_4043 = arith.mulf %mul3A_4042, %get3A_4041 : vector<16xf32>
        %add3A_4044 = arith.addf %add3A_4010, %mul3A_4043 : vector<16xf32>
        %get3A_4045 = arith.constant 51 : i32
        %get3A_4046 = arith.index_cast %get3A_4045 : i32 to index
        %get3A_4047 = arith.constant 32 : index
        %get3A_4048 = tpu.vector_load %arg9[%get3A_4046, %get3A_4047] {strides = array<i32>} : memref<64x64xf32, #tpu.memory_space<vmem>>, vector<1x16xf32>,
        %get3A_4049 = vector.shape_cast %get3A_4048 : vector<1x16xf32> to vector<16xf32>
        %mul3A_4050 = vector.broadcast %squeeze3A_4028 : f32 to vector<16xf32>
        %mul3A_4051 = arith.mulf %mul3A_4050, %get3A_4049 : vector<16xf32>
        %add3A_4052 = arith.addf %add3A_4018, %mul3A_4051 : vector<16xf32>
        %get3A_4053 = arith.constant 51 : i32
        %get3A_4054 = arith.index_cast %get3A_4053 : i32 to index
        %get3A_4055 = arith.constant 48 : index
        %get3A_4056 = tpu.vector_load %arg9[%get3A_4054, %get3A_4055] {strides = array<i32>} : memref<64x64xf32, #tpu.memory_space<vmem>>, vector<1x16xf32>,
        %get3A_4057 = vector.shape_cast %get3A_4056 : vector<1x16xf32> to vector<16xf32>
        %mul3A_4058 = vector.broadcast %squeeze3A_4028 : f32 to vector<16xf32>
        %mul3A_4059 = arith.mulf %mul3A_4058, %get3A_4057 : vector<16xf32>
        %add3A_4060 = arith.addf %add3A_4026, %mul3A_4059 : vector<16xf32>
        %slice3A_4061 = vector.extract_strided_slice %get3A_2284 {offsets = [4], sizes = [1], strides = [1]} : vector<16xf32> to vector<1xf32>
        %squeeze3A_4062 = vector.extract %slice3A_4061[0] : f32 from vector<1xf32>
        %get3A_4063 = arith.constant 52 : i32
        %get3A_4064 = arith.index_cast %get3A_4063 : i32 to index
        %get3A_4065 = arith.constant 0 : index
        %get3A_4066 = tpu.vector_load %arg9[%get3A_4064, %get3A_4065] {strides = array<i32>} : memref<64x64xf32, #tpu.memory_space<vmem>>, vector<1x16xf32>,
        %get3A_4067 = vector.shape_cast %get3A_4066 : vector<1x16xf32> to vector<16xf32>
        %mul3A_4068 = vector.broadcast %squeeze3A_4062 : f32 to vector<16xf32>
        %mul3A_4069 = arith.mulf %mul3A_4068, %get3A_4067 : vector<16xf32>
        %add3A_4070 = arith.addf %add3A_4036, %mul3A_4069 : vector<16xf32>
        %get3A_4071 = arith.constant 52 : i32
        %get3A_4072 = arith.index_cast %get3A_4071 : i32 to index
        %get3A_4073 = arith.constant 16 : index
        %get3A_4074 = tpu.vector_load %arg9[%get3A_4072, %get3A_4073] {strides = array<i32>} : memref<64x64xf32, #tpu.memory_space<vmem>>, vector<1x16xf32>,
        %get3A_4075 = vector.shape_cast %get3A_4074 : vector<1x16xf32> to vector<16xf32>
        %mul3A_4076 = vector.broadcast %squeeze3A_4062 : f32 to vector<16xf32>
        %mul3A_4077 = arith.mulf %mul3A_4076, %get3A_4075 : vector<16xf32>
        %add3A_4078 = arith.addf %add3A_4044, %mul3A_4077 : vector<16xf32>
        %get3A_4079 = arith.constant 52 : i32
        %get3A_4080 = arith.index_cast %get3A_4079 : i32 to index
        %get3A_4081 = arith.constant 32 : index
        %get3A_4082 = tpu.vector_load %arg9[%get3A_4080, %get3A_4081] {strides = array<i32>} : memref<64x64xf32, #tpu.memory_space<vmem>>, vector<1x16xf32>,
        %get3A_4083 = vector.shape_cast %get3A_4082 : vector<1x16xf32> to vector<16xf32>
        %mul3A_4084 = vector.broadcast %squeeze3A_4062 : f32 to vector<16xf32>
        %mul3A_4085 = arith.mulf %mul3A_4084, %get3A_4083 : vector<16xf32>
        %add3A_4086 = arith.addf %add3A_4052, %mul3A_4085 : vector<16xf32>
        %get3A_4087 = arith.constant 52 : i32
        %get3A_4088 = arith.index_cast %get3A_4087 : i32 to index
        %get3A_4089 = arith.constant 48 : index
        %get3A_4090 = tpu.vector_load %arg9[%get3A_4088, %get3A_4089] {strides = array<i32>} : memref<64x64xf32, #tpu.memory_space<vmem>>, vector<1x16xf32>,
        %get3A_4091 = vector.shape_cast %get3A_4090 : vector<1x16xf32> to vector<16xf32>
        %mul3A_4092 = vector.broadcast %squeeze3A_4062 : f32 to vector<16xf32>
        %mul3A_4093 = arith.mulf %mul3A_4092, %get3A_4091 : vector<16xf32>
        %add3A_4094 = arith.addf %add3A_4060, %mul3A_4093 : vector<16xf32>
        %slice3A_4095 = vector.extract_strided_slice %get3A_2284 {offsets = [5], sizes = [1], strides = [1]} : vector<16xf32> to vector<1xf32>
        %squeeze3A_4096 = vector.extract %slice3A_4095[0] : f32 from vector<1xf32>
        %get3A_4097 = arith.constant 53 : i32
        %get3A_4098 = arith.index_cast %get3A_4097 : i32 to index
        %get3A_4099 = arith.constant 0 : index
        %get3A_4100 = tpu.vector_load %arg9[%get3A_4098, %get3A_4099] {strides = array<i32>} : memref<64x64xf32, #tpu.memory_space<vmem>>, vector<1x16xf32>,
        %get3A_4101 = vector.shape_cast %get3A_4100 : vector<1x16xf32> to vector<16xf32>
        %mul3A_4102 = vector.broadcast %squeeze3A_4096 : f32 to vector<16xf32>
        %mul3A_4103 = arith.mulf %mul3A_4102, %get3A_4101 : vector<16xf32>
        %add3A_4104 = arith.addf %add3A_4070, %mul3A_4103 : vector<16xf32>
        %get3A_4105 = arith.constant 53 : i32
        %get3A_4106 = arith.index_cast %get3A_4105 : i32 to index
        %get3A_4107 = arith.constant 16 : index
        %get3A_4108 = tpu.vector_load %arg9[%get3A_4106, %get3A_4107] {strides = array<i32>} : memref<64x64xf32, #tpu.memory_space<vmem>>, vector<1x16xf32>,
        %get3A_4109 = vector.shape_cast %get3A_4108 : vector<1x16xf32> to vector<16xf32>
        %mul3A_4110 = vector.broadcast %squeeze3A_4096 : f32 to vector<16xf32>
        %mul3A_4111 = arith.mulf %mul3A_4110, %get3A_4109 : vector<16xf32>
        %add3A_4112 = arith.addf %add3A_4078, %mul3A_4111 : vector<16xf32>
        %get3A_4113 = arith.constant 53 : i32
        %get3A_4114 = arith.index_cast %get3A_4113 : i32 to index
        %get3A_4115 = arith.constant 32 : index
        %get3A_4116 = tpu.vector_load %arg9[%get3A_4114, %get3A_4115] {strides = array<i32>} : memref<64x64xf32, #tpu.memory_space<vmem>>, vector<1x16xf32>,
        %get3A_4117 = vector.shape_cast %get3A_4116 : vector<1x16xf32> to vector<16xf32>
        %mul3A_4118 = vector.broadcast %squeeze3A_4096 : f32 to vector<16xf32>
        %mul3A_4119 = arith.mulf %mul3A_4118, %get3A_4117 : vector<16xf32>
        %add3A_4120 = arith.addf %add3A_4086, %mul3A_4119 : vector<16xf32>
        %get3A_4121 = arith.constant 53 : i32
        %get3A_4122 = arith.index_cast %get3A_4121 : i32 to index
        %get3A_4123 = arith.constant 48 : index
        %get3A_4124 = tpu.vector_load %arg9[%get3A_4122, %get3A_4123] {strides = array<i32>} : memref<64x64xf32, #tpu.memory_space<vmem>>, vector<1x16xf32>,
        %get3A_4125 = vector.shape_cast %get3A_4124 : vector<1x16xf32> to vector<16xf32>
        %mul3A_4126 = vector.broadcast %squeeze3A_4096 : f32 to vector<16xf32>
        %mul3A_4127 = arith.mulf %mul3A_4126, %get3A_4125 : vector<16xf32>
        %add3A_4128 = arith.addf %add3A_4094, %mul3A_4127 : vector<16xf32>
        %slice3A_4129 = vector.extract_strided_slice %get3A_2284 {offsets = [6], sizes = [1], strides = [1]} : vector<16xf32> to vector<1xf32>
        %squeeze3A_4130 = vector.extract %slice3A_4129[0] : f32 from vector<1xf32>
        %get3A_4131 = arith.constant 54 : i32
        %get3A_4132 = arith.index_cast %get3A_4131 : i32 to index
        %get3A_4133 = arith.constant 0 : index
        %get3A_4134 = tpu.vector_load %arg9[%get3A_4132, %get3A_4133] {strides = array<i32>} : memref<64x64xf32, #tpu.memory_space<vmem>>, vector<1x16xf32>,
        %get3A_4135 = vector.shape_cast %get3A_4134 : vector<1x16xf32> to vector<16xf32>
        %mul3A_4136 = vector.broadcast %squeeze3A_4130 : f32 to vector<16xf32>
        %mul3A_4137 = arith.mulf %mul3A_4136, %get3A_4135 : vector<16xf32>
        %add3A_4138 = arith.addf %add3A_4104, %mul3A_4137 : vector<16xf32>
        %get3A_4139 = arith.constant 54 : i32
        %get3A_4140 = arith.index_cast %get3A_4139 : i32 to index
        %get3A_4141 = arith.constant 16 : index
        %get3A_4142 = tpu.vector_load %arg9[%get3A_4140, %get3A_4141] {strides = array<i32>} : memref<64x64xf32, #tpu.memory_space<vmem>>, vector<1x16xf32>,
        %get3A_4143 = vector.shape_cast %get3A_4142 : vector<1x16xf32> to vector<16xf32>
        %mul3A_4144 = vector.broadcast %squeeze3A_4130 : f32 to vector<16xf32>
        %mul3A_4145 = arith.mulf %mul3A_4144, %get3A_4143 : vector<16xf32>
        %add3A_4146 = arith.addf %add3A_4112, %mul3A_4145 : vector<16xf32>
        %get3A_4147 = arith.constant 54 : i32
        %get3A_4148 = arith.index_cast %get3A_4147 : i32 to index
        %get3A_4149 = arith.constant 32 : index
        %get3A_4150 = tpu.vector_load %arg9[%get3A_4148, %get3A_4149] {strides = array<i32>} : memref<64x64xf32, #tpu.memory_space<vmem>>, vector<1x16xf32>,
        %get3A_4151 = vector.shape_cast %get3A_4150 : vector<1x16xf32> to vector<16xf32>
        %mul3A_4152 = vector.broadcast %squeeze3A_4130 : f32 to vector<16xf32>
        %mul3A_4153 = arith.mulf %mul3A_4152, %get3A_4151 : vector<16xf32>
        %add3A_4154 = arith.addf %add3A_4120, %mul3A_4153 : vector<16xf32>
        %get3A_4155 = arith.constant 54 : i32
        %get3A_4156 = arith.index_cast %get3A_4155 : i32 to index
        %get3A_4157 = arith.constant 48 : index
        %get3A_4158 = tpu.vector_load %arg9[%get3A_4156, %get3A_4157] {strides = array<i32>} : memref<64x64xf32, #tpu.memory_space<vmem>>, vector<1x16xf32>,
        %get3A_4159 = vector.shape_cast %get3A_4158 : vector<1x16xf32> to vector<16xf32>
        %mul3A_4160 = vector.broadcast %squeeze3A_4130 : f32 to vector<16xf32>
        %mul3A_4161 = arith.mulf %mul3A_4160, %get3A_4159 : vector<16xf32>
        %add3A_4162 = arith.addf %add3A_4128, %mul3A_4161 : vector<16xf32>
        %slice3A_4163 = vector.extract_strided_slice %get3A_2284 {offsets = [7], sizes = [1], strides = [1]} : vector<16xf32> to vector<1xf32>
        %squeeze3A_4164 = vector.extract %slice3A_4163[0] : f32 from vector<1xf32>
        %get3A_4165 = arith.constant 55 : i32
        %get3A_4166 = arith.index_cast %get3A_4165 : i32 to index
        %get3A_4167 = arith.constant 0 : index
        %get3A_4168 = tpu.vector_load %arg9[%get3A_4166, %get3A_4167] {strides = array<i32>} : memref<64x64xf32, #tpu.memory_space<vmem>>, vector<1x16xf32>,
        %get3A_4169 = vector.shape_cast %get3A_4168 : vector<1x16xf32> to vector<16xf32>
        %mul3A_4170 = vector.broadcast %squeeze3A_4164 : f32 to vector<16xf32>
        %mul3A_4171 = arith.mulf %mul3A_4170, %get3A_4169 : vector<16xf32>
        %add3A_4172 = arith.addf %add3A_4138, %mul3A_4171 : vector<16xf32>
        %get3A_4173 = arith.constant 55 : i32
        %get3A_4174 = arith.index_cast %get3A_4173 : i32 to index
        %get3A_4175 = arith.constant 16 : index
        %get3A_4176 = tpu.vector_load %arg9[%get3A_4174, %get3A_4175] {strides = array<i32>} : memref<64x64xf32, #tpu.memory_space<vmem>>, vector<1x16xf32>,
        %get3A_4177 = vector.shape_cast %get3A_4176 : vector<1x16xf32> to vector<16xf32>
        %mul3A_4178 = vector.broadcast %squeeze3A_4164 : f32 to vector<16xf32>
        %mul3A_4179 = arith.mulf %mul3A_4178, %get3A_4177 : vector<16xf32>
        %add3A_4180 = arith.addf %add3A_4146, %mul3A_4179 : vector<16xf32>
        %get3A_4181 = arith.constant 55 : i32
        %get3A_4182 = arith.index_cast %get3A_4181 : i32 to index
        %get3A_4183 = arith.constant 32 : index
        %get3A_4184 = tpu.vector_load %arg9[%get3A_4182, %get3A_4183] {strides = array<i32>} : memref<64x64xf32, #tpu.memory_space<vmem>>, vector<1x16xf32>,
        %get3A_4185 = vector.shape_cast %get3A_4184 : vector<1x16xf32> to vector<16xf32>
        %mul3A_4186 = vector.broadcast %squeeze3A_4164 : f32 to vector<16xf32>
        %mul3A_4187 = arith.mulf %mul3A_4186, %get3A_4185 : vector<16xf32>
        %add3A_4188 = arith.addf %add3A_4154, %mul3A_4187 : vector<16xf32>
        %get3A_4189 = arith.constant 55 : i32
        %get3A_4190 = arith.index_cast %get3A_4189 : i32 to index
        %get3A_4191 = arith.constant 48 : index
        %get3A_4192 = tpu.vector_load %arg9[%get3A_4190, %get3A_4191] {strides = array<i32>} : memref<64x64xf32, #tpu.memory_space<vmem>>, vector<1x16xf32>,
        %get3A_4193 = vector.shape_cast %get3A_4192 : vector<1x16xf32> to vector<16xf32>
        %mul3A_4194 = vector.broadcast %squeeze3A_4164 : f32 to vector<16xf32>
        %mul3A_4195 = arith.mulf %mul3A_4194, %get3A_4193 : vector<16xf32>
        %add3A_4196 = arith.addf %add3A_4162, %mul3A_4195 : vector<16xf32>
        %slice3A_4197 = vector.extract_strided_slice %get3A_2284 {offsets = [8], sizes = [1], strides = [1]} : vector<16xf32> to vector<1xf32>
        %squeeze3A_4198 = vector.extract %slice3A_4197[0] : f32 from vector<1xf32>
        %get3A_4199 = arith.constant 56 : i32
        %get3A_4200 = arith.index_cast %get3A_4199 : i32 to index
        %get3A_4201 = arith.constant 0 : index
        %get3A_4202 = tpu.vector_load %arg9[%get3A_4200, %get3A_4201] {strides = array<i32>} : memref<64x64xf32, #tpu.memory_space<vmem>>, vector<1x16xf32>,
        %get3A_4203 = vector.shape_cast %get3A_4202 : vector<1x16xf32> to vector<16xf32>
        %mul3A_4204 = vector.broadcast %squeeze3A_4198 : f32 to vector<16xf32>
        %mul3A_4205 = arith.mulf %mul3A_4204, %get3A_4203 : vector<16xf32>
        %add3A_4206 = arith.addf %add3A_4172, %mul3A_4205 : vector<16xf32>
        %get3A_4207 = arith.constant 56 : i32
        %get3A_4208 = arith.index_cast %get3A_4207 : i32 to index
        %get3A_4209 = arith.constant 16 : index
        %get3A_4210 = tpu.vector_load %arg9[%get3A_4208, %get3A_4209] {strides = array<i32>} : memref<64x64xf32, #tpu.memory_space<vmem>>, vector<1x16xf32>,
        %get3A_4211 = vector.shape_cast %get3A_4210 : vector<1x16xf32> to vector<16xf32>
        %mul3A_4212 = vector.broadcast %squeeze3A_4198 : f32 to vector<16xf32>
        %mul3A_4213 = arith.mulf %mul3A_4212, %get3A_4211 : vector<16xf32>
        %add3A_4214 = arith.addf %add3A_4180, %mul3A_4213 : vector<16xf32>
        %get3A_4215 = arith.constant 56 : i32
        %get3A_4216 = arith.index_cast %get3A_4215 : i32 to index
        %get3A_4217 = arith.constant 32 : index
        %get3A_4218 = tpu.vector_load %arg9[%get3A_4216, %get3A_4217] {strides = array<i32>} : memref<64x64xf32, #tpu.memory_space<vmem>>, vector<1x16xf32>,
        %get3A_4219 = vector.shape_cast %get3A_4218 : vector<1x16xf32> to vector<16xf32>
        %mul3A_4220 = vector.broadcast %squeeze3A_4198 : f32 to vector<16xf32>
        %mul3A_4221 = arith.mulf %mul3A_4220, %get3A_4219 : vector<16xf32>
        %add3A_4222 = arith.addf %add3A_4188, %mul3A_4221 : vector<16xf32>
        %get3A_4223 = arith.constant 56 : i32
        %get3A_4224 = arith.index_cast %get3A_4223 : i32 to index
        %get3A_4225 = arith.constant 48 : index
        %get3A_4226 = tpu.vector_load %arg9[%get3A_4224, %get3A_4225] {strides = array<i32>} : memref<64x64xf32, #tpu.memory_space<vmem>>, vector<1x16xf32>,
        %get3A_4227 = vector.shape_cast %get3A_4226 : vector<1x16xf32> to vector<16xf32>
        %mul3A_4228 = vector.broadcast %squeeze3A_4198 : f32 to vector<16xf32>
        %mul3A_4229 = arith.mulf %mul3A_4228, %get3A_4227 : vector<16xf32>
        %add3A_4230 = arith.addf %add3A_4196, %mul3A_4229 : vector<16xf32>
        %slice3A_4231 = vector.extract_strided_slice %get3A_2284 {offsets = [9], sizes = [1], strides = [1]} : vector<16xf32> to vector<1xf32>
        %squeeze3A_4232 = vector.extract %slice3A_4231[0] : f32 from vector<1xf32>
        %get3A_4233 = arith.constant 57 : i32
        %get3A_4234 = arith.index_cast %get3A_4233 : i32 to index
        %get3A_4235 = arith.constant 0 : index
        %get3A_4236 = tpu.vector_load %arg9[%get3A_4234, %get3A_4235] {strides = array<i32>} : memref<64x64xf32, #tpu.memory_space<vmem>>, vector<1x16xf32>,
        %get3A_4237 = vector.shape_cast %get3A_4236 : vector<1x16xf32> to vector<16xf32>
        %mul3A_4238 = vector.broadcast %squeeze3A_4232 : f32 to vector<16xf32>
        %mul3A_4239 = arith.mulf %mul3A_4238, %get3A_4237 : vector<16xf32>
        %add3A_4240 = arith.addf %add3A_4206, %mul3A_4239 : vector<16xf32>
        %get3A_4241 = arith.constant 57 : i32
        %get3A_4242 = arith.index_cast %get3A_4241 : i32 to index
        %get3A_4243 = arith.constant 16 : index
        %get3A_4244 = tpu.vector_load %arg9[%get3A_4242, %get3A_4243] {strides = array<i32>} : memref<64x64xf32, #tpu.memory_space<vmem>>, vector<1x16xf32>,
        %get3A_4245 = vector.shape_cast %get3A_4244 : vector<1x16xf32> to vector<16xf32>
        %mul3A_4246 = vector.broadcast %squeeze3A_4232 : f32 to vector<16xf32>
        %mul3A_4247 = arith.mulf %mul3A_4246, %get3A_4245 : vector<16xf32>
        %add3A_4248 = arith.addf %add3A_4214, %mul3A_4247 : vector<16xf32>
        %get3A_4249 = arith.constant 57 : i32
        %get3A_4250 = arith.index_cast %get3A_4249 : i32 to index
        %get3A_4251 = arith.constant 32 : index
        %get3A_4252 = tpu.vector_load %arg9[%get3A_4250, %get3A_4251] {strides = array<i32>} : memref<64x64xf32, #tpu.memory_space<vmem>>, vector<1x16xf32>,
        %get3A_4253 = vector.shape_cast %get3A_4252 : vector<1x16xf32> to vector<16xf32>
        %mul3A_4254 = vector.broadcast %squeeze3A_4232 : f32 to vector<16xf32>
        %mul3A_4255 = arith.mulf %mul3A_4254, %get3A_4253 : vector<16xf32>
        %add3A_4256 = arith.addf %add3A_4222, %mul3A_4255 : vector<16xf32>
        %get3A_4257 = arith.constant 57 : i32
        %get3A_4258 = arith.index_cast %get3A_4257 : i32 to index
        %get3A_4259 = arith.constant 48 : index
        %get3A_4260 = tpu.vector_load %arg9[%get3A_4258, %get3A_4259] {strides = array<i32>} : memref<64x64xf32, #tpu.memory_space<vmem>>, vector<1x16xf32>,
        %get3A_4261 = vector.shape_cast %get3A_4260 : vector<1x16xf32> to vector<16xf32>
        %mul3A_4262 = vector.broadcast %squeeze3A_4232 : f32 to vector<16xf32>
        %mul3A_4263 = arith.mulf %mul3A_4262, %get3A_4261 : vector<16xf32>
        %add3A_4264 = arith.addf %add3A_4230, %mul3A_4263 : vector<16xf32>
        %slice3A_4265 = vector.extract_strided_slice %get3A_2284 {offsets = [10], sizes = [1], strides = [1]} : vector<16xf32> to vector<1xf32>
        %squeeze3A_4266 = vector.extract %slice3A_4265[0] : f32 from vector<1xf32>
        %get3A_4267 = arith.constant 58 : i32
        %get3A_4268 = arith.index_cast %get3A_4267 : i32 to index
        %get3A_4269 = arith.constant 0 : index
        %get3A_4270 = tpu.vector_load %arg9[%get3A_4268, %get3A_4269] {strides = array<i32>} : memref<64x64xf32, #tpu.memory_space<vmem>>, vector<1x16xf32>,
        %get3A_4271 = vector.shape_cast %get3A_4270 : vector<1x16xf32> to vector<16xf32>
        %mul3A_4272 = vector.broadcast %squeeze3A_4266 : f32 to vector<16xf32>
        %mul3A_4273 = arith.mulf %mul3A_4272, %get3A_4271 : vector<16xf32>
        %add3A_4274 = arith.addf %add3A_4240, %mul3A_4273 : vector<16xf32>
        %get3A_4275 = arith.constant 58 : i32
        %get3A_4276 = arith.index_cast %get3A_4275 : i32 to index
        %get3A_4277 = arith.constant 16 : index
        %get3A_4278 = tpu.vector_load %arg9[%get3A_4276, %get3A_4277] {strides = array<i32>} : memref<64x64xf32, #tpu.memory_space<vmem>>, vector<1x16xf32>,
        %get3A_4279 = vector.shape_cast %get3A_4278 : vector<1x16xf32> to vector<16xf32>
        %mul3A_4280 = vector.broadcast %squeeze3A_4266 : f32 to vector<16xf32>
        %mul3A_4281 = arith.mulf %mul3A_4280, %get3A_4279 : vector<16xf32>
        %add3A_4282 = arith.addf %add3A_4248, %mul3A_4281 : vector<16xf32>
        %get3A_4283 = arith.constant 58 : i32
        %get3A_4284 = arith.index_cast %get3A_4283 : i32 to index
        %get3A_4285 = arith.constant 32 : index
        %get3A_4286 = tpu.vector_load %arg9[%get3A_4284, %get3A_4285] {strides = array<i32>} : memref<64x64xf32, #tpu.memory_space<vmem>>, vector<1x16xf32>,
        %get3A_4287 = vector.shape_cast %get3A_4286 : vector<1x16xf32> to vector<16xf32>
        %mul3A_4288 = vector.broadcast %squeeze3A_4266 : f32 to vector<16xf32>
        %mul3A_4289 = arith.mulf %mul3A_4288, %get3A_4287 : vector<16xf32>
        %add3A_4290 = arith.addf %add3A_4256, %mul3A_4289 : vector<16xf32>
        %get3A_4291 = arith.constant 58 : i32
        %get3A_4292 = arith.index_cast %get3A_4291 : i32 to index
        %get3A_4293 = arith.constant 48 : index
        %get3A_4294 = tpu.vector_load %arg9[%get3A_4292, %get3A_4293] {strides = array<i32>} : memref<64x64xf32, #tpu.memory_space<vmem>>, vector<1x16xf32>,
        %get3A_4295 = vector.shape_cast %get3A_4294 : vector<1x16xf32> to vector<16xf32>
        %mul3A_4296 = vector.broadcast %squeeze3A_4266 : f32 to vector<16xf32>
        %mul3A_4297 = arith.mulf %mul3A_4296, %get3A_4295 : vector<16xf32>
        %add3A_4298 = arith.addf %add3A_4264, %mul3A_4297 : vector<16xf32>
        %slice3A_4299 = vector.extract_strided_slice %get3A_2284 {offsets = [11], sizes = [1], strides = [1]} : vector<16xf32> to vector<1xf32>
        %squeeze3A_4300 = vector.extract %slice3A_4299[0] : f32 from vector<1xf32>
        %get3A_4301 = arith.constant 59 : i32
        %get3A_4302 = arith.index_cast %get3A_4301 : i32 to index
        %get3A_4303 = arith.constant 0 : index
        %get3A_4304 = tpu.vector_load %arg9[%get3A_4302, %get3A_4303] {strides = array<i32>} : memref<64x64xf32, #tpu.memory_space<vmem>>, vector<1x16xf32>,
        %get3A_4305 = vector.shape_cast %get3A_4304 : vector<1x16xf32> to vector<16xf32>
        %mul3A_4306 = vector.broadcast %squeeze3A_4300 : f32 to vector<16xf32>
        %mul3A_4307 = arith.mulf %mul3A_4306, %get3A_4305 : vector<16xf32>
        %add3A_4308 = arith.addf %add3A_4274, %mul3A_4307 : vector<16xf32>
        %get3A_4309 = arith.constant 59 : i32
        %get3A_4310 = arith.index_cast %get3A_4309 : i32 to index
        %get3A_4311 = arith.constant 16 : index
        %get3A_4312 = tpu.vector_load %arg9[%get3A_4310, %get3A_4311] {strides = array<i32>} : memref<64x64xf32, #tpu.memory_space<vmem>>, vector<1x16xf32>,
        %get3A_4313 = vector.shape_cast %get3A_4312 : vector<1x16xf32> to vector<16xf32>
        %mul3A_4314 = vector.broadcast %squeeze3A_4300 : f32 to vector<16xf32>
        %mul3A_4315 = arith.mulf %mul3A_4314, %get3A_4313 : vector<16xf32>
        %add3A_4316 = arith.addf %add3A_4282, %mul3A_4315 : vector<16xf32>
        %get3A_4317 = arith.constant 59 : i32
        %get3A_4318 = arith.index_cast %get3A_4317 : i32 to index
        %get3A_4319 = arith.constant 32 : index
        %get3A_4320 = tpu.vector_load %arg9[%get3A_4318, %get3A_4319] {strides = array<i32>} : memref<64x64xf32, #tpu.memory_space<vmem>>, vector<1x16xf32>,
        %get3A_4321 = vector.shape_cast %get3A_4320 : vector<1x16xf32> to vector<16xf32>
        %mul3A_4322 = vector.broadcast %squeeze3A_4300 : f32 to vector<16xf32>
        %mul3A_4323 = arith.mulf %mul3A_4322, %get3A_4321 : vector<16xf32>
        %add3A_4324 = arith.addf %add3A_4290, %mul3A_4323 : vector<16xf32>
        %get3A_4325 = arith.constant 59 : i32
        %get3A_4326 = arith.index_cast %get3A_4325 : i32 to index
        %get3A_4327 = arith.constant 48 : index
        %get3A_4328 = tpu.vector_load %arg9[%get3A_4326, %get3A_4327] {strides = array<i32>} : memref<64x64xf32, #tpu.memory_space<vmem>>, vector<1x16xf32>,
        %get3A_4329 = vector.shape_cast %get3A_4328 : vector<1x16xf32> to vector<16xf32>
        %mul3A_4330 = vector.broadcast %squeeze3A_4300 : f32 to vector<16xf32>
        %mul3A_4331 = arith.mulf %mul3A_4330, %get3A_4329 : vector<16xf32>
        %add3A_4332 = arith.addf %add3A_4298, %mul3A_4331 : vector<16xf32>
        %slice3A_4333 = vector.extract_strided_slice %get3A_2284 {offsets = [12], sizes = [1], strides = [1]} : vector<16xf32> to vector<1xf32>
        %squeeze3A_4334 = vector.extract %slice3A_4333[0] : f32 from vector<1xf32>
        %get3A_4335 = arith.constant 60 : i32
        %get3A_4336 = arith.index_cast %get3A_4335 : i32 to index
        %get3A_4337 = arith.constant 0 : index
        %get3A_4338 = tpu.vector_load %arg9[%get3A_4336, %get3A_4337] {strides = array<i32>} : memref<64x64xf32, #tpu.memory_space<vmem>>, vector<1x16xf32>,
        %get3A_4339 = vector.shape_cast %get3A_4338 : vector<1x16xf32> to vector<16xf32>
        %mul3A_4340 = vector.broadcast %squeeze3A_4334 : f32 to vector<16xf32>
        %mul3A_4341 = arith.mulf %mul3A_4340, %get3A_4339 : vector<16xf32>
        %add3A_4342 = arith.addf %add3A_4308, %mul3A_4341 : vector<16xf32>
        %get3A_4343 = arith.constant 60 : i32
        %get3A_4344 = arith.index_cast %get3A_4343 : i32 to index
        %get3A_4345 = arith.constant 16 : index
        %get3A_4346 = tpu.vector_load %arg9[%get3A_4344, %get3A_4345] {strides = array<i32>} : memref<64x64xf32, #tpu.memory_space<vmem>>, vector<1x16xf32>,
        %get3A_4347 = vector.shape_cast %get3A_4346 : vector<1x16xf32> to vector<16xf32>
        %mul3A_4348 = vector.broadcast %squeeze3A_4334 : f32 to vector<16xf32>
        %mul3A_4349 = arith.mulf %mul3A_4348, %get3A_4347 : vector<16xf32>
        %add3A_4350 = arith.addf %add3A_4316, %mul3A_4349 : vector<16xf32>
        %get3A_4351 = arith.constant 60 : i32
        %get3A_4352 = arith.index_cast %get3A_4351 : i32 to index
        %get3A_4353 = arith.constant 32 : index
        %get3A_4354 = tpu.vector_load %arg9[%get3A_4352, %get3A_4353] {strides = array<i32>} : memref<64x64xf32, #tpu.memory_space<vmem>>, vector<1x16xf32>,
        %get3A_4355 = vector.shape_cast %get3A_4354 : vector<1x16xf32> to vector<16xf32>
        %mul3A_4356 = vector.broadcast %squeeze3A_4334 : f32 to vector<16xf32>
        %mul3A_4357 = arith.mulf %mul3A_4356, %get3A_4355 : vector<16xf32>
        %add3A_4358 = arith.addf %add3A_4324, %mul3A_4357 : vector<16xf32>
        %get3A_4359 = arith.constant 60 : i32
        %get3A_4360 = arith.index_cast %get3A_4359 : i32 to index
        %get3A_4361 = arith.constant 48 : index
        %get3A_4362 = tpu.vector_load %arg9[%get3A_4360, %get3A_4361] {strides = array<i32>} : memref<64x64xf32, #tpu.memory_space<vmem>>, vector<1x16xf32>,
        %get3A_4363 = vector.shape_cast %get3A_4362 : vector<1x16xf32> to vector<16xf32>
        %mul3A_4364 = vector.broadcast %squeeze3A_4334 : f32 to vector<16xf32>
        %mul3A_4365 = arith.mulf %mul3A_4364, %get3A_4363 : vector<16xf32>
        %add3A_4366 = arith.addf %add3A_4332, %mul3A_4365 : vector<16xf32>
        %slice3A_4367 = vector.extract_strided_slice %get3A_2284 {offsets = [13], sizes = [1], strides = [1]} : vector<16xf32> to vector<1xf32>
        %squeeze3A_4368 = vector.extract %slice3A_4367[0] : f32 from vector<1xf32>
        %get3A_4369 = arith.constant 61 : i32
        %get3A_4370 = arith.index_cast %get3A_4369 : i32 to index
        %get3A_4371 = arith.constant 0 : index
        %get3A_4372 = tpu.vector_load %arg9[%get3A_4370, %get3A_4371] {strides = array<i32>} : memref<64x64xf32, #tpu.memory_space<vmem>>, vector<1x16xf32>,
        %get3A_4373 = vector.shape_cast %get3A_4372 : vector<1x16xf32> to vector<16xf32>
        %mul3A_4374 = vector.broadcast %squeeze3A_4368 : f32 to vector<16xf32>
        %mul3A_4375 = arith.mulf %mul3A_4374, %get3A_4373 : vector<16xf32>
        %add3A_4376 = arith.addf %add3A_4342, %mul3A_4375 : vector<16xf32>
        %get3A_4377 = arith.constant 61 : i32
        %get3A_4378 = arith.index_cast %get3A_4377 : i32 to index
        %get3A_4379 = arith.constant 16 : index
        %get3A_4380 = tpu.vector_load %arg9[%get3A_4378, %get3A_4379] {strides = array<i32>} : memref<64x64xf32, #tpu.memory_space<vmem>>, vector<1x16xf32>,
        %get3A_4381 = vector.shape_cast %get3A_4380 : vector<1x16xf32> to vector<16xf32>
        %mul3A_4382 = vector.broadcast %squeeze3A_4368 : f32 to vector<16xf32>
        %mul3A_4383 = arith.mulf %mul3A_4382, %get3A_4381 : vector<16xf32>
        %add3A_4384 = arith.addf %add3A_4350, %mul3A_4383 : vector<16xf32>
        %get3A_4385 = arith.constant 61 : i32
        %get3A_4386 = arith.index_cast %get3A_4385 : i32 to index
        %get3A_4387 = arith.constant 32 : index
        %get3A_4388 = tpu.vector_load %arg9[%get3A_4386, %get3A_4387] {strides = array<i32>} : memref<64x64xf32, #tpu.memory_space<vmem>>, vector<1x16xf32>,
        %get3A_4389 = vector.shape_cast %get3A_4388 : vector<1x16xf32> to vector<16xf32>
        %mul3A_4390 = vector.broadcast %squeeze3A_4368 : f32 to vector<16xf32>
        %mul3A_4391 = arith.mulf %mul3A_4390, %get3A_4389 : vector<16xf32>
        %add3A_4392 = arith.addf %add3A_4358, %mul3A_4391 : vector<16xf32>
        %get3A_4393 = arith.constant 61 : i32
        %get3A_4394 = arith.index_cast %get3A_4393 : i32 to index
        %get3A_4395 = arith.constant 48 : index
        %get3A_4396 = tpu.vector_load %arg9[%get3A_4394, %get3A_4395] {strides = array<i32>} : memref<64x64xf32, #tpu.memory_space<vmem>>, vector<1x16xf32>,
        %get3A_4397 = vector.shape_cast %get3A_4396 : vector<1x16xf32> to vector<16xf32>
        %mul3A_4398 = vector.broadcast %squeeze3A_4368 : f32 to vector<16xf32>
        %mul3A_4399 = arith.mulf %mul3A_4398, %get3A_4397 : vector<16xf32>
        %add3A_4400 = arith.addf %add3A_4366, %mul3A_4399 : vector<16xf32>
        %slice3A_4401 = vector.extract_strided_slice %get3A_2284 {offsets = [14], sizes = [1], strides = [1]} : vector<16xf32> to vector<1xf32>
        %squeeze3A_4402 = vector.extract %slice3A_4401[0] : f32 from vector<1xf32>
        %get3A_4403 = arith.constant 62 : i32
        %get3A_4404 = arith.index_cast %get3A_4403 : i32 to index
        %get3A_4405 = arith.constant 0 : index
        %get3A_4406 = tpu.vector_load %arg9[%get3A_4404, %get3A_4405] {strides = array<i32>} : memref<64x64xf32, #tpu.memory_space<vmem>>, vector<1x16xf32>,
        %get3A_4407 = vector.shape_cast %get3A_4406 : vector<1x16xf32> to vector<16xf32>
        %mul3A_4408 = vector.broadcast %squeeze3A_4402 : f32 to vector<16xf32>
        %mul3A_4409 = arith.mulf %mul3A_4408, %get3A_4407 : vector<16xf32>
        %add3A_4410 = arith.addf %add3A_4376, %mul3A_4409 : vector<16xf32>
        %get3A_4411 = arith.constant 62 : i32
        %get3A_4412 = arith.index_cast %get3A_4411 : i32 to index
        %get3A_4413 = arith.constant 16 : index
        %get3A_4414 = tpu.vector_load %arg9[%get3A_4412, %get3A_4413] {strides = array<i32>} : memref<64x64xf32, #tpu.memory_space<vmem>>, vector<1x16xf32>,
        %get3A_4415 = vector.shape_cast %get3A_4414 : vector<1x16xf32> to vector<16xf32>
        %mul3A_4416 = vector.broadcast %squeeze3A_4402 : f32 to vector<16xf32>
        %mul3A_4417 = arith.mulf %mul3A_4416, %get3A_4415 : vector<16xf32>
        %add3A_4418 = arith.addf %add3A_4384, %mul3A_4417 : vector<16xf32>
        %get3A_4419 = arith.constant 62 : i32
        %get3A_4420 = arith.index_cast %get3A_4419 : i32 to index
        %get3A_4421 = arith.constant 32 : index
        %get3A_4422 = tpu.vector_load %arg9[%get3A_4420, %get3A_4421] {strides = array<i32>} : memref<64x64xf32, #tpu.memory_space<vmem>>, vector<1x16xf32>,
        %get3A_4423 = vector.shape_cast %get3A_4422 : vector<1x16xf32> to vector<16xf32>
        %mul3A_4424 = vector.broadcast %squeeze3A_4402 : f32 to vector<16xf32>
        %mul3A_4425 = arith.mulf %mul3A_4424, %get3A_4423 : vector<16xf32>
        %add3A_4426 = arith.addf %add3A_4392, %mul3A_4425 : vector<16xf32>
        %get3A_4427 = arith.constant 62 : i32
        %get3A_4428 = arith.index_cast %get3A_4427 : i32 to index
        %get3A_4429 = arith.constant 48 : index
        %get3A_4430 = tpu.vector_load %arg9[%get3A_4428, %get3A_4429] {strides = array<i32>} : memref<64x64xf32, #tpu.memory_space<vmem>>, vector<1x16xf32>,
        %get3A_4431 = vector.shape_cast %get3A_4430 : vector<1x16xf32> to vector<16xf32>
        %mul3A_4432 = vector.broadcast %squeeze3A_4402 : f32 to vector<16xf32>
        %mul3A_4433 = arith.mulf %mul3A_4432, %get3A_4431 : vector<16xf32>
        %add3A_4434 = arith.addf %add3A_4400, %mul3A_4433 : vector<16xf32>
        %slice3A_4435 = vector.extract_strided_slice %get3A_2284 {offsets = [15], sizes = [1], strides = [1]} : vector<16xf32> to vector<1xf32>
        %squeeze3A_4436 = vector.extract %slice3A_4435[0] : f32 from vector<1xf32>
        %get3A_4437 = arith.constant 63 : i32
        %get3A_4438 = arith.index_cast %get3A_4437 : i32 to index
        %get3A_4439 = arith.constant 0 : index
        %get3A_4440 = tpu.vector_load %arg9[%get3A_4438, %get3A_4439] {strides = array<i32>} : memref<64x64xf32, #tpu.memory_space<vmem>>, vector<1x16xf32>,
        %get3A_4441 = vector.shape_cast %get3A_4440 : vector<1x16xf32> to vector<16xf32>
        %mul3A_4442 = vector.broadcast %squeeze3A_4436 : f32 to vector<16xf32>
        %mul3A_4443 = arith.mulf %mul3A_4442, %get3A_4441 : vector<16xf32>
        %add3A_4444 = arith.addf %add3A_4410, %mul3A_4443 : vector<16xf32>
        %get3A_4445 = arith.constant 63 : i32
        %get3A_4446 = arith.index_cast %get3A_4445 : i32 to index
        %get3A_4447 = arith.constant 16 : index
        %get3A_4448 = tpu.vector_load %arg9[%get3A_4446, %get3A_4447] {strides = array<i32>} : memref<64x64xf32, #tpu.memory_space<vmem>>, vector<1x16xf32>,
        %get3A_4449 = vector.shape_cast %get3A_4448 : vector<1x16xf32> to vector<16xf32>
        %mul3A_4450 = vector.broadcast %squeeze3A_4436 : f32 to vector<16xf32>
        %mul3A_4451 = arith.mulf %mul3A_4450, %get3A_4449 : vector<16xf32>
        %add3A_4452 = arith.addf %add3A_4418, %mul3A_4451 : vector<16xf32>
        %get3A_4453 = arith.constant 63 : i32
        %get3A_4454 = arith.index_cast %get3A_4453 : i32 to index
        %get3A_4455 = arith.constant 32 : index
        %get3A_4456 = tpu.vector_load %arg9[%get3A_4454, %get3A_4455] {strides = array<i32>} : memref<64x64xf32, #tpu.memory_space<vmem>>, vector<1x16xf32>,
        %get3A_4457 = vector.shape_cast %get3A_4456 : vector<1x16xf32> to vector<16xf32>
        %mul3A_4458 = vector.broadcast %squeeze3A_4436 : f32 to vector<16xf32>
        %mul3A_4459 = arith.mulf %mul3A_4458, %get3A_4457 : vector<16xf32>
        %add3A_4460 = arith.addf %add3A_4426, %mul3A_4459 : vector<16xf32>
        %get3A_4461 = arith.constant 63 : i32
        %get3A_4462 = arith.index_cast %get3A_4461 : i32 to index
        %get3A_4463 = arith.constant 48 : index
        %get3A_4464 = tpu.vector_load %arg9[%get3A_4462, %get3A_4463] {strides = array<i32>} : memref<64x64xf32, #tpu.memory_space<vmem>>, vector<1x16xf32>,
        %get3A_4465 = vector.shape_cast %get3A_4464 : vector<1x16xf32> to vector<16xf32>
        %mul3A_4466 = vector.broadcast %squeeze3A_4436 : f32 to vector<16xf32>
        %mul3A_4467 = arith.mulf %mul3A_4466, %get3A_4465 : vector<16xf32>
        %add3A_4468 = arith.addf %add3A_4434, %mul3A_4467 : vector<16xf32>
        %swap3A_4469 = arith.index_cast %add3A_2268 : i32 to index
        %swap3A_4470 = arith.constant 0 : index
        %swap3A_4471 = tpu.vector_load %arg10[%swap3A_4469, %swap3A_4470] {strides = array<i32>} : memref<64x64xf32, #tpu.memory_space<vmem>>, vector<1x16xf32>,
        %swap3A_4472 = vector.shape_cast %swap3A_4471 : vector<1x16xf32> to vector<16xf32>
        %swap3A_4473 = vector.shape_cast %add3A_4444 : vector<16xf32> to vector<1x16xf32>
        tpu.vector_store %arg10[%swap3A_4469, %swap3A_4470], %swap3A_4473 {strides = array<i32>} : memref<64x64xf32, #tpu.memory_space<vmem>>, vector<1x16xf32>,
        %swap3A_4474 = arith.index_cast %add3A_2268 : i32 to index
        %swap3A_4475 = arith.constant 16 : index
        %swap3A_4476 = tpu.vector_load %arg10[%swap3A_4474, %swap3A_4475] {strides = array<i32>} : memref<64x64xf32, #tpu.memory_space<vmem>>, vector<1x16xf32>,
        %swap3A_4477 = vector.shape_cast %swap3A_4476 : vector<1x16xf32> to vector<16xf32>
        %swap3A_4478 = vector.shape_cast %add3A_4452 : vector<16xf32> to vector<1x16xf32>
        tpu.vector_store %arg10[%swap3A_4474, %swap3A_4475], %swap3A_4478 {strides = array<i32>} : memref<64x64xf32, #tpu.memory_space<vmem>>, vector<1x16xf32>,
        %swap3A_4479 = arith.index_cast %add3A_2268 : i32 to index
        %swap3A_4480 = arith.constant 32 : index
        %swap3A_4481 = tpu.vector_load %arg10[%swap3A_4479, %swap3A_4480] {strides = array<i32>} : memref<64x64xf32, #tpu.memory_space<vmem>>, vector<1x16xf32>,
        %swap3A_4482 = vector.shape_cast %swap3A_4481 : vector<1x16xf32> to vector<16xf32>
        %swap3A_4483 = vector.shape_cast %add3A_4460 : vector<16xf32> to vector<1x16xf32>
        tpu.vector_store %arg10[%swap3A_4479, %swap3A_4480], %swap3A_4483 {strides = array<i32>} : memref<64x64xf32, #tpu.memory_space<vmem>>, vector<1x16xf32>,
        %swap3A_4484 = arith.index_cast %add3A_2268 : i32 to index
        %swap3A_4485 = arith.constant 48 : index
        %swap3A_4486 = tpu.vector_load %arg10[%swap3A_4484, %swap3A_4485] {strides = array<i32>} : memref<64x64xf32, #tpu.memory_space<vmem>>, vector<1x16xf32>,
        %swap3A_4487 = vector.shape_cast %swap3A_4486 : vector<1x16xf32> to vector<16xf32>
        %swap3A_4488 = vector.shape_cast %add3A_4468 : vector<16xf32> to vector<1x16xf32>
        tpu.vector_store %arg10[%swap3A_4484, %swap3A_4485], %swap3A_4488 {strides = array<i32>} : memref<64x64xf32, #tpu.memory_space<vmem>>, vector<1x16xf32>,
      }
      %scan3A_23 = arith.constant 32 : i32
      "tpu.region"() ({
        %run_scoped3A = tpu.sem_alloc : memref<!tpu.dma_semaphore, #tpu.memory_space<semaphore_mem>>
        %dma_start3A_24 = arith.constant 0 : i32
        %dma_start3A_25 = tpu.memref_slice %arg5[%add3A_11, %dma_start3A_24] : memref<24576x64xf32, #tpu.memory_space<hbm>> -> memref<64x64xf32, #tpu.memory_space<hbm>>
        %dma_start3A_26 = arith.constant 0 : i32
        %dma_start3A_27 = tpu.memref_slice %arg5[%add3A_11, %dma_start3A_26] : memref<24576x64xf32, #tpu.memory_space<hbm>> -> memref<64x64xf32, #tpu.memory_space<hbm>>
        tpu.enqueue_dma source(%arg10 : memref<64x64xf32, #tpu.memory_space<vmem>>) target(%dma_start3A_27 : memref<64x64xf32, #tpu.memory_space<hbm>>) target_semaphore(%run_scoped3A : memref<!tpu.dma_semaphore, #tpu.memory_space<semaphore_mem>>)
        %dma_wait3A = arith.constant 0 : i32
        %dma_wait3A_28 = tpu.memref_slice %arg5[%add3A_11, %dma_wait3A] : memref<24576x64xf32, #tpu.memory_space<hbm>> -> memref<64x64xf32, #tpu.memory_space<hbm>>
        %dma_wait3A_29 = arith.constant 0 : i32
        %dma_wait3A_30 = tpu.memref_slice %arg5[%add3A_11, %dma_wait3A_29] : memref<24576x64xf32, #tpu.memory_space<hbm>> -> memref<64x64xf32, #tpu.memory_space<hbm>>
        tpu.wait_dma2 semaphore(%run_scoped3A : memref<!tpu.dma_semaphore, #tpu.memory_space<semaphore_mem>>) src(%arg10 : memref<64x64xf32, #tpu.memory_space<vmem>>) dst(%dma_wait3A_30 : memref<64x64xf32, #tpu.memory_space<hbm>>)
        tpu.yield
      }) : () -> ()
    }
    %scan3A_7 = arith.constant 12 : i32
    return
  }
}

module attributes {stable_mosaic.version = 14 : i64} {
  func.func @_fwd_dft_body(%arg0: i32, %arg1: memref<2048x1032xbf16, #tpu.memory_space<vmem>>, %arg2: memref<2048x1032xbf16, #tpu.memory_space<vmem>>, %arg3: memref<2048x1032xbf16, #tpu.memory_space<vmem>>, %arg4: memref<2048x1032xbf16, #tpu.memory_space<vmem>>, %arg5: memref<2048x384xf32, #tpu.memory_space<vmem>>, %arg6: memref<2048x384xf32, #tpu.memory_space<vmem>>, %arg7: memref<1032x384xf32, #tpu.memory_space<vmem>>, %arg8: memref<1032x384xf32, #tpu.memory_space<vmem>>, %arg9: memref<1032x384xf32, #tpu.memory_space<vmem>>, %arg10: memref<1032x384xf32, #tpu.memory_space<vmem>>) attributes {dimension_semantics = [#tpu.dimension_semantics<arbitrary>], iteration_bounds = array<i64: 2>, scalar_prefetch = 0 : i64, scratch_operands = 0 : i64, tpu.core_type = #tpu.core_type<tc>, window_params = [{pipeline_mode = #tpu.pipeline_mode<synchronous>, transform_indices = @transform_0, window_bounds = array<i64: 2048, 1032>}, {pipeline_mode = #tpu.pipeline_mode<synchronous>, transform_indices = @transform_1, window_bounds = array<i64: 2048, 1032>}, {pipeline_mode = #tpu.pipeline_mode<synchronous>, transform_indices = @transform_2, window_bounds = array<i64: 2048, 1032>}, {pipeline_mode = #tpu.pipeline_mode<synchronous>, transform_indices = @transform_3, window_bounds = array<i64: 2048, 1032>}, {transform_indices = @transform_4, window_bounds = array<i64: 2048, 384>}, {transform_indices = @transform_5, window_bounds = array<i64: 2048, 384>}, {transform_indices = @transform_6, window_bounds = array<i64: 1032, 384>}, {transform_indices = @transform_7, window_bounds = array<i64: 1032, 384>}, {transform_indices = @transform_8, window_bounds = array<i64: 1032, 384>}, {transform_indices = @transform_9, window_bounds = array<i64: 1032, 384>}]} {
    %get3A = arith.constant 0 : index
    %get3A_0 = arith.constant 0 : index
    %get3A_1 = vector.load %arg5[%get3A, %get3A_0] : memref<2048x384xf32, #tpu.memory_space<vmem>>, vector<2048x384xf32>
    %get3A_2 = arith.constant 0 : index
    %get3A_3 = arith.constant 0 : index
    %get3A_4 = vector.load %arg6[%get3A_2, %get3A_3] : memref<2048x384xf32, #tpu.memory_space<vmem>>, vector<2048x384xf32>
    %get3A_5 = arith.constant 0 : index
    %get3A_6 = arith.constant 0 : index
    %get3A_7 = vector.load %arg1[%get3A_5, %get3A_6] : memref<2048x1032xbf16, #tpu.memory_space<vmem>>, vector<2048x1032xbf16>
    %get3A_8 = arith.constant 0 : index
    %get3A_9 = arith.constant 0 : index
    %get3A_10 = vector.load %arg2[%get3A_8, %get3A_9] : memref<2048x1032xbf16, #tpu.memory_space<vmem>>, vector<2048x1032xbf16>
    %get3A_11 = arith.constant 0 : index
    %get3A_12 = arith.constant 0 : index
    %get3A_13 = vector.load %arg3[%get3A_11, %get3A_12] : memref<2048x1032xbf16, #tpu.memory_space<vmem>>, vector<2048x1032xbf16>
    %get3A_14 = arith.constant 0 : index
    %get3A_15 = arith.constant 0 : index
    %get3A_16 = vector.load %arg4[%get3A_14, %get3A_15] : memref<2048x1032xbf16, #tpu.memory_space<vmem>>, vector<2048x1032xbf16>
    %convert_element_type3A = arith.truncf %get3A_1 : vector<2048x384xf32> to vector<2048x384xbf16>
    %convert_element_type3A_17 = arith.extf %convert_element_type3A : vector<2048x384xbf16> to vector<2048x384xf32>
    %sub3A = arith.subf %get3A_1, %convert_element_type3A_17 : vector<2048x384xf32>
    %mul3A = arith.constant 2.560000e+02 : f32
    %mul3A_18 = vector.broadcast %mul3A : f32 to vector<2048x384xf32>
    %mul3A_19 = arith.mulf %sub3A, %mul3A_18 : vector<2048x384xf32>
    %convert_element_type3A_20 = arith.truncf %mul3A_19 : vector<2048x384xf32> to vector<2048x384xbf16>
    %dot_general3A = arith.constant dense<0.000000e+00> : vector<1032x384xf32>
    %dot_general3A_21 = tpu.matmul %get3A_7, %convert_element_type3A, %dot_general3A {dimension_numbers = #tpu.dot_dimension_numbers<[0], [0], [1], [1], [0, 1, 1, 1], [], []>, transpose_lhs_hint = false} : vector<2048x1032xbf16>, vector<2048x384xbf16>, vector<1032x384xf32> -> vector<1032x384xf32>
    %dot_general3A_22 = arith.constant dense<0.000000e+00> : vector<1032x384xf32>
    %dot_general3A_23 = tpu.matmul %get3A_7, %convert_element_type3A_20, %dot_general3A_22 {dimension_numbers = #tpu.dot_dimension_numbers<[0], [0], [1], [1], [0, 1, 1, 1], [], []>, transpose_lhs_hint = false} : vector<2048x1032xbf16>, vector<2048x384xbf16>, vector<1032x384xf32> -> vector<1032x384xf32>
    %dot_general3A_24 = arith.constant dense<0.000000e+00> : vector<1032x384xf32>
    %dot_general3A_25 = tpu.matmul %get3A_10, %convert_element_type3A, %dot_general3A_24 {dimension_numbers = #tpu.dot_dimension_numbers<[0], [0], [1], [1], [0, 1, 1, 1], [], []>, transpose_lhs_hint = false} : vector<2048x1032xbf16>, vector<2048x384xbf16>, vector<1032x384xf32> -> vector<1032x384xf32>
    %add3A = arith.addf %dot_general3A_23, %dot_general3A_25 : vector<1032x384xf32>
    %mul3A_26 = arith.constant 3.906250e-03 : f32
    %mul3A_27 = vector.broadcast %mul3A_26 : f32 to vector<1032x384xf32>
    %mul3A_28 = arith.mulf %add3A, %mul3A_27 : vector<1032x384xf32>
    %add3A_29 = arith.addf %dot_general3A_21, %mul3A_28 : vector<1032x384xf32>
    %swap3A = arith.constant 0 : index
    %swap3A_30 = arith.constant 0 : index
    %swap3A_31 = vector.load %arg7[%swap3A, %swap3A_30] : memref<1032x384xf32, #tpu.memory_space<vmem>>, vector<1032x384xf32>
    tpu.vector_store %arg7[%swap3A, %swap3A_30], %add3A_29 {strides = array<i32>} : memref<1032x384xf32, #tpu.memory_space<vmem>>, vector<1032x384xf32>,
    %convert_element_type3A_32 = arith.truncf %get3A_1 : vector<2048x384xf32> to vector<2048x384xbf16>
    %convert_element_type3A_33 = arith.extf %convert_element_type3A_32 : vector<2048x384xbf16> to vector<2048x384xf32>
    %sub3A_34 = arith.subf %get3A_1, %convert_element_type3A_33 : vector<2048x384xf32>
    %mul3A_35 = arith.constant 2.560000e+02 : f32
    %mul3A_36 = vector.broadcast %mul3A_35 : f32 to vector<2048x384xf32>
    %mul3A_37 = arith.mulf %sub3A_34, %mul3A_36 : vector<2048x384xf32>
    %convert_element_type3A_38 = arith.truncf %mul3A_37 : vector<2048x384xf32> to vector<2048x384xbf16>
    %dot_general3A_39 = arith.constant dense<0.000000e+00> : vector<1032x384xf32>
    %dot_general3A_40 = tpu.matmul %get3A_13, %convert_element_type3A_32, %dot_general3A_39 {dimension_numbers = #tpu.dot_dimension_numbers<[0], [0], [1], [1], [0, 1, 1, 1], [], []>, transpose_lhs_hint = false} : vector<2048x1032xbf16>, vector<2048x384xbf16>, vector<1032x384xf32> -> vector<1032x384xf32>
    %dot_general3A_41 = arith.constant dense<0.000000e+00> : vector<1032x384xf32>
    %dot_general3A_42 = tpu.matmul %get3A_13, %convert_element_type3A_38, %dot_general3A_41 {dimension_numbers = #tpu.dot_dimension_numbers<[0], [0], [1], [1], [0, 1, 1, 1], [], []>, transpose_lhs_hint = false} : vector<2048x1032xbf16>, vector<2048x384xbf16>, vector<1032x384xf32> -> vector<1032x384xf32>
    %dot_general3A_43 = arith.constant dense<0.000000e+00> : vector<1032x384xf32>
    %dot_general3A_44 = tpu.matmul %get3A_16, %convert_element_type3A_32, %dot_general3A_43 {dimension_numbers = #tpu.dot_dimension_numbers<[0], [0], [1], [1], [0, 1, 1, 1], [], []>, transpose_lhs_hint = false} : vector<2048x1032xbf16>, vector<2048x384xbf16>, vector<1032x384xf32> -> vector<1032x384xf32>
    %add3A_45 = arith.addf %dot_general3A_42, %dot_general3A_44 : vector<1032x384xf32>
    %mul3A_46 = arith.constant 3.906250e-03 : f32
    %mul3A_47 = vector.broadcast %mul3A_46 : f32 to vector<1032x384xf32>
    %mul3A_48 = arith.mulf %add3A_45, %mul3A_47 : vector<1032x384xf32>
    %add3A_49 = arith.addf %dot_general3A_40, %mul3A_48 : vector<1032x384xf32>
    %neg3A = arith.constant 0.000000e+00 : f32
    %neg3A_50 = vector.broadcast %neg3A : f32 to vector<1032x384xf32>
    %neg3A_51 = arith.subf %neg3A_50, %add3A_49 : vector<1032x384xf32>
    %swap3A_52 = arith.constant 0 : index
    %swap3A_53 = arith.constant 0 : index
    %swap3A_54 = vector.load %arg8[%swap3A_52, %swap3A_53] : memref<1032x384xf32, #tpu.memory_space<vmem>>, vector<1032x384xf32>
    tpu.vector_store %arg8[%swap3A_52, %swap3A_53], %neg3A_51 {strides = array<i32>} : memref<1032x384xf32, #tpu.memory_space<vmem>>, vector<1032x384xf32>,
    %convert_element_type3A_55 = arith.truncf %get3A_4 : vector<2048x384xf32> to vector<2048x384xbf16>
    %convert_element_type3A_56 = arith.extf %convert_element_type3A_55 : vector<2048x384xbf16> to vector<2048x384xf32>
    %sub3A_57 = arith.subf %get3A_4, %convert_element_type3A_56 : vector<2048x384xf32>
    %mul3A_58 = arith.constant 2.560000e+02 : f32
    %mul3A_59 = vector.broadcast %mul3A_58 : f32 to vector<2048x384xf32>
    %mul3A_60 = arith.mulf %sub3A_57, %mul3A_59 : vector<2048x384xf32>
    %convert_element_type3A_61 = arith.truncf %mul3A_60 : vector<2048x384xf32> to vector<2048x384xbf16>
    %dot_general3A_62 = arith.constant dense<0.000000e+00> : vector<1032x384xf32>
    %dot_general3A_63 = tpu.matmul %get3A_7, %convert_element_type3A_55, %dot_general3A_62 {dimension_numbers = #tpu.dot_dimension_numbers<[0], [0], [1], [1], [0, 1, 1, 1], [], []>, transpose_lhs_hint = false} : vector<2048x1032xbf16>, vector<2048x384xbf16>, vector<1032x384xf32> -> vector<1032x384xf32>
    %dot_general3A_64 = arith.constant dense<0.000000e+00> : vector<1032x384xf32>
    %dot_general3A_65 = tpu.matmul %get3A_7, %convert_element_type3A_61, %dot_general3A_64 {dimension_numbers = #tpu.dot_dimension_numbers<[0], [0], [1], [1], [0, 1, 1, 1], [], []>, transpose_lhs_hint = false} : vector<2048x1032xbf16>, vector<2048x384xbf16>, vector<1032x384xf32> -> vector<1032x384xf32>
    %dot_general3A_66 = arith.constant dense<0.000000e+00> : vector<1032x384xf32>
    %dot_general3A_67 = tpu.matmul %get3A_10, %convert_element_type3A_55, %dot_general3A_66 {dimension_numbers = #tpu.dot_dimension_numbers<[0], [0], [1], [1], [0, 1, 1, 1], [], []>, transpose_lhs_hint = false} : vector<2048x1032xbf16>, vector<2048x384xbf16>, vector<1032x384xf32> -> vector<1032x384xf32>
    %add3A_68 = arith.addf %dot_general3A_65, %dot_general3A_67 : vector<1032x384xf32>
    %mul3A_69 = arith.constant 3.906250e-03 : f32
    %mul3A_70 = vector.broadcast %mul3A_69 : f32 to vector<1032x384xf32>
    %mul3A_71 = arith.mulf %add3A_68, %mul3A_70 : vector<1032x384xf32>
    %add3A_72 = arith.addf %dot_general3A_63, %mul3A_71 : vector<1032x384xf32>
    %swap3A_73 = arith.constant 0 : index
    %swap3A_74 = arith.constant 0 : index
    %swap3A_75 = vector.load %arg9[%swap3A_73, %swap3A_74] : memref<1032x384xf32, #tpu.memory_space<vmem>>, vector<1032x384xf32>
    tpu.vector_store %arg9[%swap3A_73, %swap3A_74], %add3A_72 {strides = array<i32>} : memref<1032x384xf32, #tpu.memory_space<vmem>>, vector<1032x384xf32>,
    %convert_element_type3A_76 = arith.truncf %get3A_4 : vector<2048x384xf32> to vector<2048x384xbf16>
    %convert_element_type3A_77 = arith.extf %convert_element_type3A_76 : vector<2048x384xbf16> to vector<2048x384xf32>
    %sub3A_78 = arith.subf %get3A_4, %convert_element_type3A_77 : vector<2048x384xf32>
    %mul3A_79 = arith.constant 2.560000e+02 : f32
    %mul3A_80 = vector.broadcast %mul3A_79 : f32 to vector<2048x384xf32>
    %mul3A_81 = arith.mulf %sub3A_78, %mul3A_80 : vector<2048x384xf32>
    %convert_element_type3A_82 = arith.truncf %mul3A_81 : vector<2048x384xf32> to vector<2048x384xbf16>
    %dot_general3A_83 = arith.constant dense<0.000000e+00> : vector<1032x384xf32>
    %dot_general3A_84 = tpu.matmul %get3A_13, %convert_element_type3A_76, %dot_general3A_83 {dimension_numbers = #tpu.dot_dimension_numbers<[0], [0], [1], [1], [0, 1, 1, 1], [], []>, transpose_lhs_hint = false} : vector<2048x1032xbf16>, vector<2048x384xbf16>, vector<1032x384xf32> -> vector<1032x384xf32>
    %dot_general3A_85 = arith.constant dense<0.000000e+00> : vector<1032x384xf32>
    %dot_general3A_86 = tpu.matmul %get3A_13, %convert_element_type3A_82, %dot_general3A_85 {dimension_numbers = #tpu.dot_dimension_numbers<[0], [0], [1], [1], [0, 1, 1, 1], [], []>, transpose_lhs_hint = false} : vector<2048x1032xbf16>, vector<2048x384xbf16>, vector<1032x384xf32> -> vector<1032x384xf32>
    %dot_general3A_87 = arith.constant dense<0.000000e+00> : vector<1032x384xf32>
    %dot_general3A_88 = tpu.matmul %get3A_16, %convert_element_type3A_76, %dot_general3A_87 {dimension_numbers = #tpu.dot_dimension_numbers<[0], [0], [1], [1], [0, 1, 1, 1], [], []>, transpose_lhs_hint = false} : vector<2048x1032xbf16>, vector<2048x384xbf16>, vector<1032x384xf32> -> vector<1032x384xf32>
    %add3A_89 = arith.addf %dot_general3A_86, %dot_general3A_88 : vector<1032x384xf32>
    %mul3A_90 = arith.constant 3.906250e-03 : f32
    %mul3A_91 = vector.broadcast %mul3A_90 : f32 to vector<1032x384xf32>
    %mul3A_92 = arith.mulf %add3A_89, %mul3A_91 : vector<1032x384xf32>
    %add3A_93 = arith.addf %dot_general3A_84, %mul3A_92 : vector<1032x384xf32>
    %neg3A_94 = arith.constant 0.000000e+00 : f32
    %neg3A_95 = vector.broadcast %neg3A_94 : f32 to vector<1032x384xf32>
    %neg3A_96 = arith.subf %neg3A_95, %add3A_93 : vector<1032x384xf32>
    %swap3A_97 = arith.constant 0 : index
    %swap3A_98 = arith.constant 0 : index
    %swap3A_99 = vector.load %arg10[%swap3A_97, %swap3A_98] : memref<1032x384xf32, #tpu.memory_space<vmem>>, vector<1032x384xf32>
    tpu.vector_store %arg10[%swap3A_97, %swap3A_98], %neg3A_96 {strides = array<i32>} : memref<1032x384xf32, #tpu.memory_space<vmem>>, vector<1032x384xf32>,
    return
  }
  func.func @transform_0(%arg0: i32) -> (i32, i32) {
    %c0_i32 = arith.constant 0 : i32
    %c0_i32_0 = arith.constant 0 : i32
    %c0_i32_1 = arith.constant 0 : i32
    return %c0_i32, %c0_i32_0 : i32, i32
  }
  func.func @transform_1(%arg0: i32) -> (i32, i32) {
    %c0_i32 = arith.constant 0 : i32
    %c0_i32_0 = arith.constant 0 : i32
    %c0_i32_1 = arith.constant 0 : i32
    return %c0_i32, %c0_i32_0 : i32, i32
  }
  func.func @transform_2(%arg0: i32) -> (i32, i32) {
    %c0_i32 = arith.constant 0 : i32
    %c0_i32_0 = arith.constant 0 : i32
    %c0_i32_1 = arith.constant 0 : i32
    return %c0_i32, %c0_i32_0 : i32, i32
  }
  func.func @transform_3(%arg0: i32) -> (i32, i32) {
    %c0_i32 = arith.constant 0 : i32
    %c0_i32_0 = arith.constant 0 : i32
    %c0_i32_1 = arith.constant 0 : i32
    return %c0_i32, %c0_i32_0 : i32, i32
  }
  func.func @transform_4(%arg0: i32) -> (i32, i32) {
    %c0_i32 = arith.constant 0 : i32
    %c0_i32_0 = arith.constant 0 : i32
    return %c0_i32, %arg0 : i32, i32
  }
  func.func @transform_5(%arg0: i32) -> (i32, i32) {
    %c0_i32 = arith.constant 0 : i32
    %c0_i32_0 = arith.constant 0 : i32
    return %c0_i32, %arg0 : i32, i32
  }
  func.func @transform_6(%arg0: i32) -> (i32, i32) {
    %c0_i32 = arith.constant 0 : i32
    %c0_i32_0 = arith.constant 0 : i32
    return %c0_i32, %arg0 : i32, i32
  }
  func.func @transform_7(%arg0: i32) -> (i32, i32) {
    %c0_i32 = arith.constant 0 : i32
    %c0_i32_0 = arith.constant 0 : i32
    return %c0_i32, %arg0 : i32, i32
  }
  func.func @transform_8(%arg0: i32) -> (i32, i32) {
    %c0_i32 = arith.constant 0 : i32
    %c0_i32_0 = arith.constant 0 : i32
    return %c0_i32, %arg0 : i32, i32
  }
  func.func @transform_9(%arg0: i32) -> (i32, i32) {
    %c0_i32 = arith.constant 0 : i32
    %c0_i32_0 = arith.constant 0 : i32
    return %c0_i32, %arg0 : i32, i32
  }
}

module attributes {stable_mosaic.version = 14 : i64} {
  func.func @_inv_dft_body(%arg0: i32, %arg1: memref<2048x1032xbf16, #tpu.memory_space<vmem>>, %arg2: memref<2048x1032xbf16, #tpu.memory_space<vmem>>, %arg3: memref<2048x1032xbf16, #tpu.memory_space<vmem>>, %arg4: memref<2048x1032xbf16, #tpu.memory_space<vmem>>, %arg5: memref<1032x1xf32, #tpu.memory_space<vmem>>, %arg6: memref<1032x384xf32, #tpu.memory_space<vmem>>, %arg7: memref<1032x384xf32, #tpu.memory_space<vmem>>, %arg8: memref<1032x384xf32, #tpu.memory_space<vmem>>, %arg9: memref<1032x384xf32, #tpu.memory_space<vmem>>, %arg10: memref<2048x384xf32, #tpu.memory_space<vmem>>) attributes {dimension_semantics = [#tpu.dimension_semantics<arbitrary>], iteration_bounds = array<i64: 2>, scalar_prefetch = 0 : i64, scratch_operands = 0 : i64, tpu.core_type = #tpu.core_type<tc>, window_params = [{pipeline_mode = #tpu.pipeline_mode<synchronous>, transform_indices = @transform_0, window_bounds = array<i64: 2048, 1032>}, {pipeline_mode = #tpu.pipeline_mode<synchronous>, transform_indices = @transform_1, window_bounds = array<i64: 2048, 1032>}, {pipeline_mode = #tpu.pipeline_mode<synchronous>, transform_indices = @transform_2, window_bounds = array<i64: 2048, 1032>}, {pipeline_mode = #tpu.pipeline_mode<synchronous>, transform_indices = @transform_3, window_bounds = array<i64: 2048, 1032>}, {pipeline_mode = #tpu.pipeline_mode<synchronous>, transform_indices = @transform_4, window_bounds = array<i64: 1032, 1>}, {transform_indices = @transform_5, window_bounds = array<i64: 1032, 384>}, {transform_indices = @transform_6, window_bounds = array<i64: 1032, 384>}, {transform_indices = @transform_7, window_bounds = array<i64: 1032, 384>}, {transform_indices = @transform_8, window_bounds = array<i64: 1032, 384>}, {transform_indices = @transform_9, window_bounds = array<i64: 2048, 384>}]} {
    %get3A = arith.constant 0 : index
    %get3A_0 = arith.constant 0 : index
    %get3A_1 = vector.load %arg6[%get3A, %get3A_0] : memref<1032x384xf32, #tpu.memory_space<vmem>>, vector<1032x384xf32>
    %get3A_2 = arith.constant 0 : index
    %get3A_3 = arith.constant 0 : index
    %get3A_4 = vector.load %arg7[%get3A_2, %get3A_3] : memref<1032x384xf32, #tpu.memory_space<vmem>>, vector<1032x384xf32>
    %get3A_5 = arith.constant 0 : index
    %get3A_6 = arith.constant 0 : index
    %get3A_7 = vector.load %arg8[%get3A_5, %get3A_6] : memref<1032x384xf32, #tpu.memory_space<vmem>>, vector<1032x384xf32>
    %get3A_8 = arith.constant 0 : index
    %get3A_9 = arith.constant 0 : index
    %get3A_10 = vector.load %arg9[%get3A_8, %get3A_9] : memref<1032x384xf32, #tpu.memory_space<vmem>>, vector<1032x384xf32>
    %get3A_11 = arith.constant 0 : index
    %get3A_12 = arith.constant 0 : index
    %get3A_13 = vector.load %arg5[%get3A_11, %get3A_12] : memref<1032x1xf32, #tpu.memory_space<vmem>>, vector<1032x1xf32>
    %mul3A = arith.mulf %get3A_1, %get3A_7 : vector<1032x384xf32>
    %mul3A_14 = arith.mulf %get3A_4, %get3A_10 : vector<1032x384xf32>
    %add3A = arith.addf %mul3A, %mul3A_14 : vector<1032x384xf32>
    %mul3A_15 = vector.broadcast %get3A_13 : vector<1032x1xf32> to vector<1032x384xf32>
    %mul3A_16 = arith.mulf %add3A, %mul3A_15 : vector<1032x384xf32>
    %mul3A_17 = arith.mulf %get3A_4, %get3A_7 : vector<1032x384xf32>
    %mul3A_18 = arith.mulf %get3A_1, %get3A_10 : vector<1032x384xf32>
    %sub3A = arith.subf %mul3A_17, %mul3A_18 : vector<1032x384xf32>
    %mul3A_19 = vector.broadcast %get3A_13 : vector<1032x1xf32> to vector<1032x384xf32>
    %mul3A_20 = arith.mulf %sub3A, %mul3A_19 : vector<1032x384xf32>
    %get3A_21 = arith.constant 0 : index
    %get3A_22 = arith.constant 0 : index
    %get3A_23 = vector.load %arg1[%get3A_21, %get3A_22] : memref<2048x1032xbf16, #tpu.memory_space<vmem>>, vector<2048x1032xbf16>
    %get3A_24 = arith.constant 0 : index
    %get3A_25 = arith.constant 0 : index
    %get3A_26 = vector.load %arg2[%get3A_24, %get3A_25] : memref<2048x1032xbf16, #tpu.memory_space<vmem>>, vector<2048x1032xbf16>
    %convert_element_type3A = arith.truncf %mul3A_16 : vector<1032x384xf32> to vector<1032x384xbf16>
    %convert_element_type3A_27 = arith.extf %convert_element_type3A : vector<1032x384xbf16> to vector<1032x384xf32>
    %sub3A_28 = arith.subf %mul3A_16, %convert_element_type3A_27 : vector<1032x384xf32>
    %mul3A_29 = arith.constant 2.560000e+02 : f32
    %mul3A_30 = vector.broadcast %mul3A_29 : f32 to vector<1032x384xf32>
    %mul3A_31 = arith.mulf %sub3A_28, %mul3A_30 : vector<1032x384xf32>
    %convert_element_type3A_32 = arith.truncf %mul3A_31 : vector<1032x384xf32> to vector<1032x384xbf16>
    %dot_general3A = arith.constant dense<0.000000e+00> : vector<2048x384xf32>
    %dot_general3A_33 = tpu.matmul %get3A_23, %convert_element_type3A, %dot_general3A {dimension_numbers = #tpu.dot_dimension_numbers<[1], [0], [0], [1], [0, 0, 1, 1], [], []>, transpose_lhs_hint = false} : vector<2048x1032xbf16>, vector<1032x384xbf16>, vector<2048x384xf32> -> vector<2048x384xf32>
    %dot_general3A_34 = arith.constant dense<0.000000e+00> : vector<2048x384xf32>
    %dot_general3A_35 = tpu.matmul %get3A_23, %convert_element_type3A_32, %dot_general3A_34 {dimension_numbers = #tpu.dot_dimension_numbers<[1], [0], [0], [1], [0, 0, 1, 1], [], []>, transpose_lhs_hint = false} : vector<2048x1032xbf16>, vector<1032x384xbf16>, vector<2048x384xf32> -> vector<2048x384xf32>
    %dot_general3A_36 = arith.constant dense<0.000000e+00> : vector<2048x384xf32>
    %dot_general3A_37 = tpu.matmul %get3A_26, %convert_element_type3A, %dot_general3A_36 {dimension_numbers = #tpu.dot_dimension_numbers<[1], [0], [0], [1], [0, 0, 1, 1], [], []>, transpose_lhs_hint = false} : vector<2048x1032xbf16>, vector<1032x384xbf16>, vector<2048x384xf32> -> vector<2048x384xf32>
    %add3A_38 = arith.addf %dot_general3A_35, %dot_general3A_37 : vector<2048x384xf32>
    %mul3A_39 = arith.constant 3.906250e-03 : f32
    %mul3A_40 = vector.broadcast %mul3A_39 : f32 to vector<2048x384xf32>
    %mul3A_41 = arith.mulf %add3A_38, %mul3A_40 : vector<2048x384xf32>
    %add3A_42 = arith.addf %dot_general3A_33, %mul3A_41 : vector<2048x384xf32>
    %get3A_43 = arith.constant 0 : index
    %get3A_44 = arith.constant 0 : index
    %get3A_45 = vector.load %arg3[%get3A_43, %get3A_44] : memref<2048x1032xbf16, #tpu.memory_space<vmem>>, vector<2048x1032xbf16>
    %get3A_46 = arith.constant 0 : index
    %get3A_47 = arith.constant 0 : index
    %get3A_48 = vector.load %arg4[%get3A_46, %get3A_47] : memref<2048x1032xbf16, #tpu.memory_space<vmem>>, vector<2048x1032xbf16>
    %convert_element_type3A_49 = arith.truncf %mul3A_20 : vector<1032x384xf32> to vector<1032x384xbf16>
    %convert_element_type3A_50 = arith.extf %convert_element_type3A_49 : vector<1032x384xbf16> to vector<1032x384xf32>
    %sub3A_51 = arith.subf %mul3A_20, %convert_element_type3A_50 : vector<1032x384xf32>
    %mul3A_52 = arith.constant 2.560000e+02 : f32
    %mul3A_53 = vector.broadcast %mul3A_52 : f32 to vector<1032x384xf32>
    %mul3A_54 = arith.mulf %sub3A_51, %mul3A_53 : vector<1032x384xf32>
    %convert_element_type3A_55 = arith.truncf %mul3A_54 : vector<1032x384xf32> to vector<1032x384xbf16>
    %dot_general3A_56 = arith.constant dense<0.000000e+00> : vector<2048x384xf32>
    %dot_general3A_57 = tpu.matmul %get3A_45, %convert_element_type3A_49, %dot_general3A_56 {dimension_numbers = #tpu.dot_dimension_numbers<[1], [0], [0], [1], [0, 0, 1, 1], [], []>, transpose_lhs_hint = false} : vector<2048x1032xbf16>, vector<1032x384xbf16>, vector<2048x384xf32> -> vector<2048x384xf32>
    %dot_general3A_58 = arith.constant dense<0.000000e+00> : vector<2048x384xf32>
    %dot_general3A_59 = tpu.matmul %get3A_45, %convert_element_type3A_55, %dot_general3A_58 {dimension_numbers = #tpu.dot_dimension_numbers<[1], [0], [0], [1], [0, 0, 1, 1], [], []>, transpose_lhs_hint = false} : vector<2048x1032xbf16>, vector<1032x384xbf16>, vector<2048x384xf32> -> vector<2048x384xf32>
    %dot_general3A_60 = arith.constant dense<0.000000e+00> : vector<2048x384xf32>
    %dot_general3A_61 = tpu.matmul %get3A_48, %convert_element_type3A_49, %dot_general3A_60 {dimension_numbers = #tpu.dot_dimension_numbers<[1], [0], [0], [1], [0, 0, 1, 1], [], []>, transpose_lhs_hint = false} : vector<2048x1032xbf16>, vector<1032x384xbf16>, vector<2048x384xf32> -> vector<2048x384xf32>
    %add3A_62 = arith.addf %dot_general3A_59, %dot_general3A_61 : vector<2048x384xf32>
    %mul3A_63 = arith.constant 3.906250e-03 : f32
    %mul3A_64 = vector.broadcast %mul3A_63 : f32 to vector<2048x384xf32>
    %mul3A_65 = arith.mulf %add3A_62, %mul3A_64 : vector<2048x384xf32>
    %add3A_66 = arith.addf %dot_general3A_57, %mul3A_65 : vector<2048x384xf32>
    %sub3A_67 = arith.subf %add3A_42, %add3A_66 : vector<2048x384xf32>
    %swap3A = arith.constant 0 : index
    %swap3A_68 = arith.constant 0 : index
    %swap3A_69 = vector.load %arg10[%swap3A, %swap3A_68] : memref<2048x384xf32, #tpu.memory_space<vmem>>, vector<2048x384xf32>
    tpu.vector_store %arg10[%swap3A, %swap3A_68], %sub3A_67 {strides = array<i32>} : memref<2048x384xf32, #tpu.memory_space<vmem>>, vector<2048x384xf32>,
    return
  }
  func.func @transform_0(%arg0: i32) -> (i32, i32) {
    %c0_i32 = arith.constant 0 : i32
    %c0_i32_0 = arith.constant 0 : i32
    %c0_i32_1 = arith.constant 0 : i32
    return %c0_i32, %c0_i32_0 : i32, i32
  }
  func.func @transform_1(%arg0: i32) -> (i32, i32) {
    %c0_i32 = arith.constant 0 : i32
    %c0_i32_0 = arith.constant 0 : i32
    %c0_i32_1 = arith.constant 0 : i32
    return %c0_i32, %c0_i32_0 : i32, i32
  }
  func.func @transform_2(%arg0: i32) -> (i32, i32) {
    %c0_i32 = arith.constant 0 : i32
    %c0_i32_0 = arith.constant 0 : i32
    %c0_i32_1 = arith.constant 0 : i32
    return %c0_i32, %c0_i32_0 : i32, i32
  }
  func.func @transform_3(%arg0: i32) -> (i32, i32) {
    %c0_i32 = arith.constant 0 : i32
    %c0_i32_0 = arith.constant 0 : i32
    %c0_i32_1 = arith.constant 0 : i32
    return %c0_i32, %c0_i32_0 : i32, i32
  }
  func.func @transform_4(%arg0: i32) -> (i32, i32) {
    %c0_i32 = arith.constant 0 : i32
    %c0_i32_0 = arith.constant 0 : i32
    %c0_i32_1 = arith.constant 0 : i32
    return %c0_i32, %c0_i32_0 : i32, i32
  }
  func.func @transform_5(%arg0: i32) -> (i32, i32) {
    %c0_i32 = arith.constant 0 : i32
    %c0_i32_0 = arith.constant 0 : i32
    return %c0_i32, %arg0 : i32, i32
  }
  func.func @transform_6(%arg0: i32) -> (i32, i32) {
    %c0_i32 = arith.constant 0 : i32
    %c0_i32_0 = arith.constant 0 : i32
    return %c0_i32, %arg0 : i32, i32
  }
  func.func @transform_7(%arg0: i32) -> (i32, i32) {
    %c0_i32 = arith.constant 0 : i32
    %c0_i32_0 = arith.constant 0 : i32
    return %c0_i32, %arg0 : i32, i32
  }
  func.func @transform_8(%arg0: i32) -> (i32, i32) {
    %c0_i32 = arith.constant 0 : i32
    %c0_i32_0 = arith.constant 0 : i32
    return %c0_i32, %arg0 : i32, i32
  }
  func.func @transform_9(%arg0: i32) -> (i32, i32) {
    %c0_i32 = arith.constant 0 : i32
    %c0_i32_0 = arith.constant 0 : i32
    return %c0_i32, %arg0 : i32, i32
  }
}

module attributes {stable_mosaic.version = 14 : i64} {
  func.func @_sort_softmax_body(%arg0: i32, %arg1: memref<2048x384xf32, #tpu.memory_space<vmem>>, %arg2: memref<2048x384xf32, #tpu.memory_space<vmem>>, %arg3: memref<2048x384xi32, #tpu.memory_space<vmem>>, %arg4: memref<2048x384xf32, #tpu.memory_space<vmem>>, %arg5: memref<2048x384xi32, #tpu.memory_space<vmem>>) attributes {dimension_semantics = [#tpu.dimension_semantics<arbitrary>], iteration_bounds = array<i64: 2>, scalar_prefetch = 0 : i64, scratch_operands = 2 : i64, tpu.core_type = #tpu.core_type<tc>, window_params = [{transform_indices = @transform_0, window_bounds = array<i64: 2048, 384>}, {transform_indices = @transform_1, window_bounds = array<i64: 2048, 384>}, {transform_indices = @transform_2, window_bounds = array<i64: 2048, 384>}]} {
    %get3A = arith.constant 0 : index
    %get3A_0 = arith.constant 0 : index
    %get3A_1 = vector.load %arg1[%get3A, %get3A_0] : memref<2048x384xf32, #tpu.memory_space<vmem>>, vector<2048x384xf32>
    %swap3A = arith.constant 0 : index
    %swap3A_2 = arith.constant 0 : index
    %swap3A_3 = vector.load %arg4[%swap3A, %swap3A_2] : memref<2048x384xf32, #tpu.memory_space<vmem>>, vector<2048x384xf32>
    tpu.vector_store %arg4[%swap3A, %swap3A_2], %get3A_1 {strides = array<i32>} : memref<2048x384xf32, #tpu.memory_space<vmem>>, vector<2048x384xf32>,
    %iota3A = tpu.iota {dimensions = array<i32: 0>} : vector<2048x384xi32>
    %swap3A_4 = arith.constant 0 : index
    %swap3A_5 = arith.constant 0 : index
    %swap3A_6 = vector.load %arg5[%swap3A_4, %swap3A_5] : memref<2048x384xi32, #tpu.memory_space<vmem>>, vector<2048x384xi32>
    tpu.vector_store %arg5[%swap3A_4, %swap3A_5], %iota3A {strides = array<i32>} : memref<2048x384xi32, #tpu.memory_space<vmem>>, vector<2048x384xi32>,
    %scan3A = arith.constant 1 : i32
    %scan3A_7 = arith.constant 11 : i32
    %scan3A_8 = arith.addi %scan3A, %scan3A_7 : i32
    %scan3A_9 = arith.constant 1 : i32
    scf.for %scan3A_58 = %scan3A to %scan3A_8 step %scan3A_9  : i32 {
      %shift_left3A = arith.constant 1 : i32
      %shift_left3A_59 = arith.shli %shift_left3A, %scan3A_58 : i32
      %while3A = arith.constant 0 : i32
      %while3A_60 = arith.constant 0 : i32
      %while3A_61 = arith.subi %scan3A_58, %while3A_60 : i32
      %while3A_62 = arith.addi %while3A_60, %while3A_61 : i32
      %while3A_63 = arith.constant 1 : i32
      %while3A_64 = arith.divsi %while3A_61, %while3A_63 : i32
      %while3A_65 = arith.muli %while3A_64, %while3A_63 : i32
      %while3A_66 = arith.addi %while3A_60, %while3A_65 : i32
      %while3A_67 = arith.constant 1 : i32
      scf.for %while3A_69 = %while3A_60 to %while3A_66 step %while3A_67  : i32 {
        %sub3A_70 = arith.constant 1 : i32
        %sub3A_71 = arith.subi %scan3A_58, %sub3A_70 : i32
        %sub3A_72 = arith.subi %sub3A_71, %while3A_69 : i32
        %shift_left3A_73 = arith.constant 1 : i32
        %shift_left3A_74 = arith.shli %shift_left3A_73, %sub3A_72 : i32
        %get3A_75 = arith.constant 0 : index
        %get3A_76 = arith.constant 0 : index
        %get3A_77 = vector.load %arg4[%get3A_75, %get3A_76] : memref<2048x384xf32, #tpu.memory_space<vmem>>, vector<2048x384xf32>
        %get3A_78 = arith.constant 0 : index
        %get3A_79 = arith.constant 0 : index
        %get3A_80 = vector.load %arg5[%get3A_78, %get3A_79] : memref<2048x384xi32, #tpu.memory_space<vmem>>, vector<2048x384xi32>
        %and3A_81 = vector.broadcast %shift_left3A_74 : i32 to vector<2048x384xi32>
        %and3A_82 = arith.andi %iota3A, %and3A_81 : vector<2048x384xi32>
        %ne3A_83 = arith.constant 0 : i32
        %ne3A_84 = vector.broadcast %ne3A_83 : i32 to vector<2048x384xi32>
        %ne3A_85 = arith.cmpi ne, %and3A_82, %ne3A_84 : vector<2048x384xi32>
        %and3A_86 = vector.broadcast %shift_left3A_59 : i32 to vector<2048x384xi32>
        %and3A_87 = arith.andi %iota3A, %and3A_86 : vector<2048x384xi32>
        %eq3A = arith.constant 0 : i32
        %eq3A_88 = vector.broadcast %eq3A : i32 to vector<2048x384xi32>
        %eq3A_89 = arith.cmpi eq, %and3A_87, %eq3A_88 : vector<2048x384xi32>
        %sub3A_90 = arith.constant 2048 : i32
        %sub3A_91 = arith.subi %sub3A_90, %shift_left3A_74 : i32
        %roll3A = tpu.dynamic_rotate %get3A_77 by %sub3A_91 dim 0 : vector<2048x384xf32>, i32 -> vector<2048x384xf32>
        %roll3A_92 = tpu.dynamic_rotate %get3A_77 by %shift_left3A_74 dim 0 : vector<2048x384xf32>, i32 -> vector<2048x384xf32>
        %sub3A_93 = arith.constant 2048 : i32
        %sub3A_94 = arith.subi %sub3A_93, %shift_left3A_74 : i32
        %roll3A_95 = tpu.dynamic_rotate %get3A_80 by %sub3A_94 dim 0 : vector<2048x384xi32>, i32 -> vector<2048x384xi32>
        %roll3A_96 = tpu.dynamic_rotate %get3A_80 by %shift_left3A_74 dim 0 : vector<2048x384xi32>, i32 -> vector<2048x384xi32>
        %select_n3A_97 = arith.select %ne3A_85, %roll3A_92, %roll3A : vector<2048x384xi1>, vector<2048x384xf32>
        %select_n3A_98 = arith.select %ne3A_85, %roll3A_96, %roll3A_95 : vector<2048x384xi1>, vector<2048x384xi32>
        %lt3A = arith.cmpf olt, %get3A_77, %select_n3A_97 : vector<2048x384xf32>
        %xor3A = arith.xori %ne3A_85, %eq3A_89 : vector<2048x384xi1>
        %eq3A_99 = arith.xori %lt3A, %xor3A : vector<2048x384xi1>
        %eq3A_100 = arith.constant dense<true> : vector<2048x384xi1>
        %eq3A_101 = arith.xori %eq3A_99, %eq3A_100 : vector<2048x384xi1>
        %select_n3A_102 = arith.select %eq3A_101, %select_n3A_97, %get3A_77 : vector<2048x384xi1>, vector<2048x384xf32>
        %swap3A_103 = arith.constant 0 : index
        %swap3A_104 = arith.constant 0 : index
        %swap3A_105 = vector.load %arg4[%swap3A_103, %swap3A_104] : memref<2048x384xf32, #tpu.memory_space<vmem>>, vector<2048x384xf32>
        tpu.vector_store %arg4[%swap3A_103, %swap3A_104], %select_n3A_102 {strides = array<i32>} : memref<2048x384xf32, #tpu.memory_space<vmem>>, vector<2048x384xf32>,
        %select_n3A_106 = arith.select %eq3A_101, %select_n3A_98, %get3A_80 : vector<2048x384xi1>, vector<2048x384xi32>
        %swap3A_107 = arith.constant 0 : index
        %swap3A_108 = arith.constant 0 : index
        %swap3A_109 = vector.load %arg5[%swap3A_107, %swap3A_108] : memref<2048x384xi32, #tpu.memory_space<vmem>>, vector<2048x384xi32>
        tpu.vector_store %arg5[%swap3A_107, %swap3A_108], %select_n3A_106 {strides = array<i32>} : memref<2048x384xi32, #tpu.memory_space<vmem>>, vector<2048x384xi32>,
      }
      %while3A_68 = arith.constant 1 : i32
      scf.for %while3A_69 = %while3A_66 to %while3A_62 step %while3A_68  : i32 {
        %sub3A_70 = arith.constant 1 : i32
        %sub3A_71 = arith.subi %scan3A_58, %sub3A_70 : i32
        %sub3A_72 = arith.subi %sub3A_71, %while3A_69 : i32
        %shift_left3A_73 = arith.constant 1 : i32
        %shift_left3A_74 = arith.shli %shift_left3A_73, %sub3A_72 : i32
        %get3A_75 = arith.constant 0 : index
        %get3A_76 = arith.constant 0 : index
        %get3A_77 = vector.load %arg4[%get3A_75, %get3A_76] : memref<2048x384xf32, #tpu.memory_space<vmem>>, vector<2048x384xf32>
        %get3A_78 = arith.constant 0 : index
        %get3A_79 = arith.constant 0 : index
        %get3A_80 = vector.load %arg5[%get3A_78, %get3A_79] : memref<2048x384xi32, #tpu.memory_space<vmem>>, vector<2048x384xi32>
        %and3A_81 = vector.broadcast %shift_left3A_74 : i32 to vector<2048x384xi32>
        %and3A_82 = arith.andi %iota3A, %and3A_81 : vector<2048x384xi32>
        %ne3A_83 = arith.constant 0 : i32
        %ne3A_84 = vector.broadcast %ne3A_83 : i32 to vector<2048x384xi32>
        %ne3A_85 = arith.cmpi ne, %and3A_82, %ne3A_84 : vector<2048x384xi32>
        %and3A_86 = vector.broadcast %shift_left3A_59 : i32 to vector<2048x384xi32>
        %and3A_87 = arith.andi %iota3A, %and3A_86 : vector<2048x384xi32>
        %eq3A = arith.constant 0 : i32
        %eq3A_88 = vector.broadcast %eq3A : i32 to vector<2048x384xi32>
        %eq3A_89 = arith.cmpi eq, %and3A_87, %eq3A_88 : vector<2048x384xi32>
        %sub3A_90 = arith.constant 2048 : i32
        %sub3A_91 = arith.subi %sub3A_90, %shift_left3A_74 : i32
        %roll3A = tpu.dynamic_rotate %get3A_77 by %sub3A_91 dim 0 : vector<2048x384xf32>, i32 -> vector<2048x384xf32>
        %roll3A_92 = tpu.dynamic_rotate %get3A_77 by %shift_left3A_74 dim 0 : vector<2048x384xf32>, i32 -> vector<2048x384xf32>
        %sub3A_93 = arith.constant 2048 : i32
        %sub3A_94 = arith.subi %sub3A_93, %shift_left3A_74 : i32
        %roll3A_95 = tpu.dynamic_rotate %get3A_80 by %sub3A_94 dim 0 : vector<2048x384xi32>, i32 -> vector<2048x384xi32>
        %roll3A_96 = tpu.dynamic_rotate %get3A_80 by %shift_left3A_74 dim 0 : vector<2048x384xi32>, i32 -> vector<2048x384xi32>
        %select_n3A_97 = arith.select %ne3A_85, %roll3A_92, %roll3A : vector<2048x384xi1>, vector<2048x384xf32>
        %select_n3A_98 = arith.select %ne3A_85, %roll3A_96, %roll3A_95 : vector<2048x384xi1>, vector<2048x384xi32>
        %lt3A = arith.cmpf olt, %get3A_77, %select_n3A_97 : vector<2048x384xf32>
        %xor3A = arith.xori %ne3A_85, %eq3A_89 : vector<2048x384xi1>
        %eq3A_99 = arith.xori %lt3A, %xor3A : vector<2048x384xi1>
        %eq3A_100 = arith.constant dense<true> : vector<2048x384xi1>
        %eq3A_101 = arith.xori %eq3A_99, %eq3A_100 : vector<2048x384xi1>
        %select_n3A_102 = arith.select %eq3A_101, %select_n3A_97, %get3A_77 : vector<2048x384xi1>, vector<2048x384xf32>
        %swap3A_103 = arith.constant 0 : index
        %swap3A_104 = arith.constant 0 : index
        %swap3A_105 = vector.load %arg4[%swap3A_103, %swap3A_104] : memref<2048x384xf32, #tpu.memory_space<vmem>>, vector<2048x384xf32>
        tpu.vector_store %arg4[%swap3A_103, %swap3A_104], %select_n3A_102 {strides = array<i32>} : memref<2048x384xf32, #tpu.memory_space<vmem>>, vector<2048x384xf32>,
        %select_n3A_106 = arith.select %eq3A_101, %select_n3A_98, %get3A_80 : vector<2048x384xi1>, vector<2048x384xi32>
        %swap3A_107 = arith.constant 0 : index
        %swap3A_108 = arith.constant 0 : index
        %swap3A_109 = vector.load %arg5[%swap3A_107, %swap3A_108] : memref<2048x384xi32, #tpu.memory_space<vmem>>, vector<2048x384xi32>
        tpu.vector_store %arg5[%swap3A_107, %swap3A_108], %select_n3A_106 {strides = array<i32>} : memref<2048x384xi32, #tpu.memory_space<vmem>>, vector<2048x384xi32>,
      }
    }
    %scan3A_10 = arith.constant 11 : i32
    %get3A_11 = arith.constant 0 : index
    %get3A_12 = arith.constant 0 : index
    %get3A_13 = vector.load %arg4[%get3A_11, %get3A_12] : memref<2048x384xf32, #tpu.memory_space<vmem>>, vector<2048x384xf32>
    %slice3A = vector.extract_strided_slice %get3A_13 {offsets = [0, 0], sizes = [1, 384], strides = [1, 1]} : vector<2048x384xf32> to vector<1x384xf32>
    %sub3A = vector.broadcast %slice3A : vector<1x384xf32> to vector<2048x384xf32>
    %sub3A_14 = arith.subf %get3A_13, %sub3A : vector<2048x384xf32>
    %exp3A = math.exp %sub3A_14 : vector<2048x384xf32>
    %reduce_sum3A = arith.constant dense<0.000000e+00> : vector<384xf32>
    %reduce_sum3A_15 = vector.multi_reduction <add>, %exp3A, %reduce_sum3A [0] : vector<2048x384xf32> to vector<384xf32>
    %broadcast_in_dim3A = vector.shape_cast %reduce_sum3A_15 : vector<384xf32> to vector<1x384xf32>
    %div3A = vector.broadcast %broadcast_in_dim3A : vector<1x384xf32> to vector<2048x384xf32>
    %div3A_16 = arith.divf %exp3A, %div3A : vector<2048x384xf32>
    %swap3A_17 = arith.constant 0 : index
    %swap3A_18 = arith.constant 0 : index
    %swap3A_19 = vector.load %arg2[%swap3A_17, %swap3A_18] : memref<2048x384xf32, #tpu.memory_space<vmem>>, vector<2048x384xf32>
    tpu.vector_store %arg2[%swap3A_17, %swap3A_18], %div3A_16 {strides = array<i32>} : memref<2048x384xf32, #tpu.memory_space<vmem>>, vector<2048x384xf32>,
    %mul3A = arith.constant 384 : i32
    %mul3A_20 = arith.muli %arg0, %mul3A : i32
    %iota3A_21 = tpu.iota {dimensions = array<i32: 1>} : vector<2048x384xi32>
    %add3A = vector.broadcast %mul3A_20 : i32 to vector<2048x384xi32>
    %add3A_22 = arith.addi %add3A, %iota3A_21 : vector<2048x384xi32>
    %get3A_23 = arith.constant 0 : index
    %get3A_24 = arith.constant 0 : index
    %get3A_25 = vector.load %arg5[%get3A_23, %get3A_24] : memref<2048x384xi32, #tpu.memory_space<vmem>>, vector<2048x384xi32>
    %jit3A = arith.constant 64 : i32
    %div3A_26 = vector.broadcast %jit3A : i32 to vector<2048x384xi32>
    %div3A_27 = arith.divsi %add3A_22, %div3A_26 : vector<2048x384xi32>
    %sign3A = arith.constant 0 : i32
    %sign3A_28 = vector.broadcast %sign3A : i32 to vector<2048x384xi32>
    %sign3A_29 = arith.cmpi sgt, %add3A_22, %sign3A_28 : vector<2048x384xi32>
    %sign3A_30 = arith.extui %sign3A_29 : vector<2048x384xi1> to vector<2048x384xi32>
    %sign3A_31 = arith.constant 0 : i32
    %sign3A_32 = vector.broadcast %sign3A_31 : i32 to vector<2048x384xi32>
    %sign3A_33 = arith.cmpi slt, %add3A_22, %sign3A_32 : vector<2048x384xi32>
    %sign3A_34 = arith.extui %sign3A_33 : vector<2048x384xi1> to vector<2048x384xi32>
    %sign3A_35 = arith.subi %sign3A_30, %sign3A_34 : vector<2048x384xi32>
    %sign3A_36 = arith.constant 0 : i32
    %sign3A_37 = arith.cmpi sgt, %jit3A, %sign3A_36 : i32
    %sign3A_38 = arith.extui %sign3A_37 : i1 to i32
    %sign3A_39 = arith.constant 0 : i32
    %sign3A_40 = arith.cmpi slt, %jit3A, %sign3A_39 : i32
    %sign3A_41 = arith.extui %sign3A_40 : i1 to i32
    %sign3A_42 = arith.subi %sign3A_38, %sign3A_41 : i32
    %ne3A = vector.broadcast %sign3A_42 : i32 to vector<2048x384xi32>
    %ne3A_43 = arith.cmpi ne, %sign3A_35, %ne3A : vector<2048x384xi32>
    %rem3A = vector.broadcast %jit3A : i32 to vector<2048x384xi32>
    %rem3A_44 = arith.remsi %add3A_22, %rem3A : vector<2048x384xi32>
    %ne3A_45 = arith.constant 0 : i32
    %ne3A_46 = vector.broadcast %ne3A_45 : i32 to vector<2048x384xi32>
    %ne3A_47 = arith.cmpi ne, %rem3A_44, %ne3A_46 : vector<2048x384xi32>
    %and3A = arith.andi %ne3A_43, %ne3A_47 : vector<2048x384xi1>
    %sub3A_48 = arith.constant 1 : i32
    %sub3A_49 = vector.broadcast %sub3A_48 : i32 to vector<2048x384xi32>
    %sub3A_50 = arith.subi %div3A_27, %sub3A_49 : vector<2048x384xi32>
    %select_n3A = arith.select %and3A, %sub3A_50, %div3A_27 : vector<2048x384xi1>, vector<2048x384xi32>
    %mul3A_51 = arith.constant 2048 : i32
    %mul3A_52 = vector.broadcast %mul3A_51 : i32 to vector<2048x384xi32>
    %mul3A_53 = arith.muli %select_n3A, %mul3A_52 : vector<2048x384xi32>
    %add3A_54 = arith.addi %get3A_25, %mul3A_53 : vector<2048x384xi32>
    %swap3A_55 = arith.constant 0 : index
    %swap3A_56 = arith.constant 0 : index
    %swap3A_57 = vector.load %arg3[%swap3A_55, %swap3A_56] : memref<2048x384xi32, #tpu.memory_space<vmem>>, vector<2048x384xi32>
    tpu.vector_store %arg3[%swap3A_55, %swap3A_56], %add3A_54 {strides = array<i32>} : memref<2048x384xi32, #tpu.memory_space<vmem>>, vector<2048x384xi32>,
    return
  }
  func.func @transform_0(%arg0: i32) -> (i32, i32) {
    %c0_i32 = arith.constant 0 : i32
    %c0_i32_0 = arith.constant 0 : i32
    return %c0_i32, %arg0 : i32, i32
  }
  func.func @transform_1(%arg0: i32) -> (i32, i32) {
    %c0_i32 = arith.constant 0 : i32
    %c0_i32_0 = arith.constant 0 : i32
    return %c0_i32, %arg0 : i32, i32
  }
  func.func @transform_2(%arg0: i32) -> (i32, i32) {
    %c0_i32 = arith.constant 0 : i32
    %c0_i32_0 = arith.constant 0 : i32
    return %c0_i32, %arg0 : i32, i32
  }
}

</mosaic_0001>

<sc_bundles>
// kernel: kernel.6.cloned.1.call-start
scs
__scs_entry_jumppad:
0x0: {  	(pc) =	sbr.rel $0x88, $3  }
0x1: {  	(tag) =	ssettag $0x0;
	lr =	simm.s32 $0x1  }
0x2: {  	[smem:$0x3F9E] =	sst lr;
	_ =	strace $0xD0000000  }
0x3: {  	_ = 	snop  }
0x4: {  	_ = 	snop  }
0x5: {  	_ = 	snop  }
0x6: {  	_ = 	snop  }
0x7: {  	_ = 	snop  }
__scs_overlays_trampoline_lowered:
0x8: {  	[smem:$0x3FAD] =	sst s0  }
0x9: {  	[smem:$0x3FAE] =	sst s1  }
0xa: {  	[smem:$0x3FAF] =	sst s2  }
0xb: {  	[smem:$0x3FB0] =	sst s3  }
0xc: {  	[smem:$0x3FB1] =	sst s4  }
0xd: {  	[smem:$0x3FB2] =	sst s5  }
0xe: {  	[smem:$0x3FB3] =	sst s6  }
0xf: {  	[smem:$0x3FB4] =	sst s7  }
0x10: {  	[smem:$0x3FB5] =	sst s8  }
0x11: {  	[smem:$0x3FB6] =	sst s9;
	s0 =	simm.s32 @!p0 $0x0  }
0x12: {  	s1 =	sld [smem:$0x3F9C];
	s0 =	simm.s32 @p0 $0x1  }
0x13: {  	[smem:$0x3FB7] =	sst s0;
	s0 =	simm.s32 @!p1 $0x0  }
0x14: {  	s2 =	sld [smem:$0x3F9B];
	s0 =	simm.s32 @p1 $0x1  }
0x15: {  	[smem:$0x3FB8] =	sst s0;
	s0 =	simm.s32 @!p2 $0x0  }
0x16: {  	s3 =	sld [smem:$0x3FDB];
	s0 =	simm.s32 @p2 $0x1  }
0x17: {  	s4 =	simm.s32 $0x1BF5;
	[smem:$0x3FBA] =	sst s0  }
0x18: {  	s0 =	sld [smem:$0x3F9D];
	_ =	swait.ge [sflag:s4], $0x0  }
0x19: {  	s7 =	sld [smem:$0x3F9E]  }
0x1a: {  	s8 =	sadd.s32 $0xFFFFE003, lr  }
0x1b: {  	s9 =	sadd.s32 $0xFFFFFEF7, lr;
	s5 =	simm.s32 $0xFFFFFFFF;
	p2 =	slt.u32 s8, $0xFFFFF086  }
0x1c: {  	p1 =	slt.u32 s9, $0xF7A;
	s5 =	simm.s32 @!p2 $0x0  }
0x1d: {  	s5 =	simm.s32 @p1 $0x1;
	p0 =	seq.s32 s7, s2  }
0x1e: {  	s7 =	smul.u32 @!p0 $0xF7A, s2;
	p2 =	seq.s32 @!p0 s5, $0x0  }
0x1f: {  	s9 =	smul.u32 $0xF7A, s1;
	s8 =	simm.s32 @!p0 $0x1BF5;
	p2 =	por !p2, p0  }
0x20: {  	[sflag:s8] =	ssyncset.s32 @!p0 $0xFFFFF086;
	s6 =	sadd.s32 @!p0 s3, s7;
	s7 =	simm.s32 @!p0 $0x108  }
0x21: {  	s3 =	sadd.s32 s3, s9;
	s6 =	sadd.s32 @!p0 $0x88, s6;
	s7 =	simm.s32 @p2 $0x1082  }
0x22: {  	[simem:s7], [sflag:s8] =	dma.local @!p0 [hbm:s6], $0xF7A  }
0x23: {  	s9 =	sor.u32 $0xD0000000, s2;
	s6 =	simm.s32 $0x108;
	_ =	swait.ge @!p0 [sflag:s8], $0x0  }
0x24: {  	s3 =	sadd.s32 $0x88, s3;
	s6 =	simm.s32 @!p1 $0x1082;
	[sflag:s4] =	ssyncset.s32 $0xFFFFF086  }
0x25: {  	[simem:s6], [sflag:s4] =	dma.local [hbm:s3], $0xF7A  }
0x26: {  	[smem:$0x3F9E] =	sst s1;
	(tag) =	ssettag s2;
	_ =	strace s9  }
0x27: {  	s1 =	sld [smem:$0x3FAE]  }
0x28: {  	s2 =	sld [smem:$0x3FAF]  }
0x29: {  	s4 =	sld [smem:$0x3FB1]  }
0x2a: {  	p0 =	seq.s32 s5, $0x0;
	s5 =	sld [smem:$0x3FB2]  }
0x2b: {  	s6 =	sld [smem:$0x3FB3]  }
0x2c: {  	s7 =	sld [smem:$0x3FB4]  }
0x2d: {  	s3 =	simm.s32 $0x108;
	s8 =	sld [smem:$0x3FB5]  }
0x2e: {  	s3 =	simm.s32 @!p0 $0x1082;
	s9 =	sld [smem:$0x3FB6]  }
0x2f: {  	lr =	sadd.s32 s0, s3;
	s0 =	sld [smem:$0x3FAD]  }
0x30: {  	s3 =	sld [smem:$0x3FB0]  }
0x31: {  	[smem:$0x3FB9] =	sst s10  }
0x32: {  	s10 =	sld [smem:$0x3FB7];
	_ =	sdelay $0x3  }
0x33: {  	p0 =	seq.s32 s10, $0x1;
	s10 =	sld [smem:$0x3FB9];
	_ =	sdelay $0x3  }
0x34: {  	[smem:$0x3FB9] =	sst s10  }
0x35: {  	s10 =	sld [smem:$0x3FB8];
	_ =	sdelay $0x3  }
0x36: {  	p1 =	seq.s32 s10, $0x1;
	s10 =	sld [smem:$0x3FB9];
	_ =	sdelay $0x3  }
0x37: {  	[smem:$0x3FB9] =	sst s10  }
0x38: {  	s10 =	sld [smem:$0x3FBA]  }
0x39: {  	_ = 	snop;
	(pc) =	sbr.ind lr, $3  }
0x3a: {  	_ = 	snop  }
0x3b: {  	_ = 	snop  }
0x3c: {  	p2 =	seq.s32 s10, $0x1;
	s10 =	sld [smem:$0x3FB9]  }
0x3d: {  	_ =	shalt  }
0x3e: {  	_ =	shalt  }
0x3f: {  	_ =	shalt  }
0x40: {  	_ =	shalt  }
0x41: {  	_ =	shalt  }
0x42: {  	_ =	shalt  }
0x43: {  	_ =	shalt  }
0x44: {  	_ =	shalt  }
0x45: {  	_ =	shalt  }
0x46: {  	_ =	shalt  }
0x47: {  	_ =	shalt  }
0x48: {  	_ =	shalt  }
0x49: {  	_ =	shalt  }
0x4a: {  	_ =	shalt  }
0x4b: {  	_ =	shalt  }
0x4c: {  	_ =	shalt  }
0x4d: {  	_ =	shalt  }
0x4e: {  	_ =	shalt  }
0x4f: {  	_ =	shalt  }
0x50: {  	_ =	shalt  }
0x51: {  	_ =	shalt  }
0x52: {  	_ =	shalt  }
0x53: {  	_ =	shalt  }
0x54: {  	_ =	shalt  }
0x55: {  	_ =	shalt  }
0x56: {  	_ =	shalt  }
0x57: {  	_ =	shalt  }
0x58: {  	_ =	shalt  }
0x59: {  	_ =	shalt  }
0x5a: {  	_ =	shalt  }
0x5b: {  	_ =	shalt  }
0x5c: {  	_ =	shalt  }
0x5d: {  	_ =	shalt  }
0x5e: {  	_ =	shalt  }
0x5f: {  	_ =	shalt  }
0x60: {  	_ =	shalt  }
0x61: {  	_ =	shalt  }
0x62: {  	_ =	shalt  }
0x63: {  	_ =	shalt  }
0x64: {  	_ =	shalt  }
0x65: {  	_ =	shalt  }
0x66: {  	_ =	shalt  }
0x67: {  	_ =	shalt  }
0x68: {  	_ =	shalt  }
0x69: {  	_ =	shalt  }
0x6a: {  	_ =	shalt  }
0x6b: {  	_ =	shalt  }
0x6c: {  	_ =	shalt  }
0x6d: {  	_ =	shalt  }
0x6e: {  	_ =	shalt  }
0x6f: {  	_ =	shalt  }
0x70: {  	_ =	shalt  }
0x71: {  	_ =	shalt  }
0x72: {  	_ =	shalt  }
0x73: {  	_ =	shalt  }
0x74: {  	_ =	shalt  }
0x75: {  	_ =	shalt  }
0x76: {  	_ =	shalt  }
0x77: {  	_ =	shalt  }
0x78: {  	_ =	shalt  }
0x79: {  	_ =	shalt  }
0x7a: {  	_ =	shalt  }
0x7b: {  	_ =	shalt  }
0x7c: {  	_ =	shalt  }
0x7d: {  	_ =	shalt  }
0x7e: {  	_ =	shalt  }
0x7f: {  	_ =	shalt  }
0x80: {  	_ =	shalt  }
0x81: {  	_ =	shalt  }
0x82: {  	_ =	shalt  }
0x83: {  	_ =	shalt  }
0x84: {  	_ =	shalt  }
0x85: {  	_ =	shalt  }
0x86: {  	_ =	shalt  }
0x87: {  	_ =	shalt  }
.Lfunc_end0:
.L_simem_size_0:
called_computation_lowered:
.L_overlay_start_0:
0x88: {  	s2 =	sld [smem:$0x3FD9]  }
0x89: {  	s3 =	sld [smem:$0x3FFE];
	_ =	sdelay $0x1  }
0x8a: {  	s1 =	srdreg.scid  }
0x8b: {  	s0 =	sand.u32 $0x1, s1  }
0x8c: {  	s17 =	sshll.u32 s0, $0xA;
	s2 =	sadd.s32 s3, s2  }
0x8d: {  	s2 =	sadd.s32 s2, s17  }
0x8e: {  	[smem:$0x3FC5] =	sst s2  }
0x8f: {  	_ = 	snop  }
0x90: {  	s2 =	sld [smem:$0x3FD0];
	(tm) =	ssettm $0x1  }
0x91: {  	s18 =	sld [smem:$0x3FFB];
	_ =	sdelay $0x3  }
0x92: {  	_ =	strace s18  }
0x93: {  	s3 =	sld [smem:$0x3FFC];
	_ =	sdelay $0x3  }
0x94: {  	_ =	strace s3  }
0x95: {  	s3 =	sld [smem:$0x3FFD];
	_ =	sdelay $0x3  }
0x96: {  	_ =	strace s3  }
0x97: {  	_ =	strace $0x8FFFFFFF  }
0x98: {  	s19 =	sld [smem:$0x3FDB];
	_ =	sdelay $0x1  }
0x99: {  	s4 =	simm.s32 $_scs_section_size  }
0x9a: {  	s5 =	simm.s32 $_size__tile_overlayer_lowered;
	s6 =	simm.s32 $_tile_overlayer_lowered  }
0x9b: {  	s22 =	simm.s32 $0x1BFF;
	s21 =	sshll.u32 s6, $0x1;
	s3 =	sadd.s32 s4, s19  }
0x9c: {  	s7 =	simm.s32 $0x0;
	s20 =	sshll.u32 s5, $0x1;
	s5 =	sadd.s32 s21, s3  }
0x9d: {  	[timem:s7], [sflag:s22] =	dma.local [hbm:s5], s20  }
0x9e: {  	_ =	swait.ge [sflag:s22], s20  }
0x9f: {  	s4 =	ssub.s32 $0x0, s20;
	[sflag:s22] =	ssyncset.done $0x0  }
0xa0: {  	[sflag:s22] =	ssyncadd.s32 s4;
	_ =	sdelay $0x1  }
0xa1: {  	s23 =	simm.s32 $0x1B8B  }
0xa2: {  	_ =	swait.ge [sflag:s23], $0x1  }
0xa3: {  	[sflag:s23] =	ssyncset.done $0x0  }
0xa4: {  	s25 =	simm.s32 $0x1B8E;
	s24 =	sld [smem:$0x3FFE];
	[sflag:s23] =	ssyncadd.s32 $0xFFFFFFFF  }
0xa5: {  	s26 =	simm.s32 $execute0_lowered;
	[smem:$0x3FD2] =	sst s25  }
0xa6: {  	s5 =	sshll.u32 s26, $0x1;
	_ =	strace $0x80000046;
	[dreg:$0x1] =	wrdreg $0xFFFFFFFF  }
0xa7: {  	s28 =	simm.s32 $_size_execute0_lowered;
	s3 =	sadd.s32 s3, s5;
	[dreg:$0x0] =	wrdreg $0x0  }
0xa8: {  	s5 =	sshll.u32 s28, $0x1;
	[dreg:$0x2] =	wrdreg s3  }
0xa9: {  	[dreg:$0x3] =	wrdreg s5  }
0xaa: {  	[dreg:$0x4] =	wrdreg $0xC0  }
0xab: {  	_ =	task [dreg:s7], $0x5FFFF  }
0xac: {  	[dreg:$0x1] =	wrdreg $0xFFFFFFFF  }
0xad: {  	[dreg:$0x0] =	wrdreg $0x60  }
0xae: {  	[dreg:$0x2] =	wrdreg s2  }
0xaf: {  	[dreg:$0x3] =	wrdreg s24  }
0xb0: {  	[dreg:$0x4] =	wrdreg $0x9  }
0xb1: {  	_ =	task.clear_ibuf [dreg:s7], $0x5FFFF;
	_ =	strace $0x90000046  }
0xb2: {  	s29 =	simm.s32 $0x9;
	_ =	strace $0x80000048  }
0xb3: {  	_ =	swait.ge [sflag:s29], $0x1  }
0xb4: {  	[sflag:s29] =	ssyncadd.s32 $0xFFFFFFFF  }
0xb5: {  	_ =	strace $0x90000048  }
0xb6: {  	_ =	sfence  }
0xb7: {  	s30 =	sld [smem:$0x0];
	_ =	sdelay $0x2  }
0xb8: {  	s31 =	sshll.u32 s1, $0xD;
	s1 =	sshrl.u32 s1, $0x2  }
0xb9: {  	s3 =	sand.u32 $0x4000, s31;
	s1 =	sadd.s32 s1, s30  }
0xba: {  	s0 =	sor.u32 s3, s0;
	s1 =	sshll.u32 s1, $0x11  }
0xbb: {  	s0 =	sor.u32 s1, s0  }
0xbc: {  	s0 =	sadd.s32 $0x8F2B, s0  }
0xbd: {  	[sflag:s0] =	ssyncadd.remote.s32 $0x1  }
0xbe: {  	_ =	sfence.sel $0xFFFF  }
0xbf: {  	[dreg:$0x0] =	wrdreg $0xFFFFFFFF;
	(pc) =	sbr.abs _section_cstart, $3  }
0xc0: {  	[dreg:$0x1] =	wrdreg $0xFFFFFFFF  }
0xc1: {  	_ =	task.clear_ibuf [dreg:s7], $0x2FFFF;
	_ =	strace $0x9FFFFFFF  }
0xc2: {  	(tm) =	ssettm $0x7FFFFFFF  }
0xc3: {  	_ =	shalt  }
tec
execute0_lowered:
.L_overlay_start_1:
0x0: {  	(tag) =	ssettag $0x1  }
0x1: {  	s1 =	rddreg [dreg:$0x0]  }
0x2: {  	s6 =	rddreg [dreg:$0x1]  }
0x3: {  	s0 =	rddreg [dreg:$0x2];
	s2 =	simm.s32 $0x0  }
0x4: {  	s3 =	srdreg.scid;
	s11 =	simm.s32 $0x40;
	s12 =	simm.s32 $0x2000  }
0x5: {  	s13 =	simm.s32 $0x3000;
	s14 =	simm.s32 $0x1;
	s15 =	simm.s32 $0x2  }
0x6: {  	s16 =	simm.s32 $0x4000;
	s17 =	simm.s32 $0x0;
	[smem:$0x7FF] =	sst s2  }
0x7: {  	s7 =	sand.u32 $0x1, s3;
	s3 =	stileid.u32;
	s4 =	sadd.s32 $0x3A00, s6  }
0x8: {  	s5 =	sadd.s32 $0x33A00, s6;
	s6 =	sadd.s32 $0x63A00, s6;
	s8 =	ssub.s32 $0x2, s7  }
0x9: {  	_ =	strace $0x80000047;
	s10 =	sshll.u32 s3, $0x1;
	s9 =	sshrl.u32 s8, $0x1  }
0xa: {  	s7 =	sor.u32 s7, s10;
	s10 =	simm.s32 $0x1000;
	s8 =	ssub.s32 s8, s9  }
0xb: {  	s7 =	smul.u32 $0xC000, s7;
	s9 =	simm.s32 $0x3;
	s8 =	smax.u32 s8, $0x1  }
.LBB2_1:
0xc: {  	s18 =	simm.s32 $0x0  }
.LBB2_2:
0xd: {  	s19 =	sshll.u32 s18, $0xC  }
0xe: {  	s19 =	sadd.s32 s7, s19  }
0xf: {  	s19 =	sshrl.u32 s19, $0x3  }
0x10: {  	s20 =	simm.s32 $0x0;
	s21 =	sadd.s32 s5, s19  }
0x11: {  	[tilespmem:s20], [sflag:$0x3] =	stream.linear.gather [hbm4b:s21+s20], $0x1000, $0x38;
	[tilespmem:$0x5000] =	vst v63  }
0x12: {  	_ =	swait.ge [sflag:s9], $0x1000  }
0x13: {  	[sflag:s9] =	ssyncset.done $0x0  }
0x14: {  	s31 =	sadd.s32 s4, s19;
	[sflag:s9] =	ssyncadd.s32 $0xFFFFF000  }
0x15: {  	[tilespmem:s10], [sflag:$0x3] =	stream.linear.gather [hbm4b:s31+s20], $0x1000, $0x38;
	[tilespmem:$0x5000] =	vst v63  }
0x16: {  	_ =	swait.ge [sflag:s9], $0x1000  }
0x17: {  	[sflag:s9] =	ssyncset.done $0x0  }
0x18: {  	[sflag:s9] =	ssyncadd.s32 $0xFFFFF000  }
0x19: {  	[tilespmem:s12], [sflag:$0x1] =	stream.indirect.gather [hbm4b:s1+s11], $0x40, s20, s11, $0xb8;
	[tilespmem:$0x5000] =	vst v63  }
.LBB2_3:
0x1a: {  	s21 =	sshra.s32 s20, $0x2  }
0x1b: {  	s22 =	sadd.s32 $0x40, s21  }
0x1c: {  	[tilespmem:s13], [sflag:$0x2] =	stream.indirect.gather [hbm4b:s1+s11], $0x40, s22, s11, $0xb8;
	[tilespmem:$0x5000] =	vst v63  }
0x1d: {  	_ =	swait.ge [sflag:s14], $0x1000  }
0x1e: {  	[sflag:s14] =	ssyncset.done $0x0  }
0x1f: {  	[sflag:s14] =	ssyncadd.s32 $0xFFFFF000  }
0x20: {  	v3 =	vld [tilespmem:s21+$0x1000]  }
0x21: {  	v6 =	vld [tilespmem:s21+$0x1010]  }
0x22: {  	v8 =	vld [tilespmem:s21+$0x1020]  }
0x23: {  	v10 =	vld [tilespmem:s21+$0x1030]  }
0x24: {  	v1 =	vld [tilespmem:$0x2000]  }
0x25: {  	v7 =	vld [tilespmem:$0x2010]  }
0x26: {  	v9 =	vld [tilespmem:$0x2020]  }
0x27: {  	v5 =	vld [tilespmem:$0x2030]  }
0x28: {  	v4 =	vld [tilespmem:$0x23A0]  }
0x29: {  	v11 =	vld [tilespmem:$0x2040]  }
0x2a: {  	v12 =	vld [tilespmem:$0x2050]  }
0x2b: {  	v13 =	vld [tilespmem:$0x2060]  }
0x2c: {  	v14 =	vld [tilespmem:$0x2070]  }
0x2d: {  	[tilespmem:$0x1FE10] =	vst v4;
	v4 =	vld [tilespmem:$0x23B0]  }
0x2e: {  	v15 =	vld [tilespmem:$0x2080]  }
0x2f: {  	v19 =	vld [tilespmem:$0x2090]  }
0x30: {  	v22 =	vld [tilespmem:$0x20A0]  }
0x31: {  	v24 =	vld [tilespmem:$0x20B0]  }
0x32: {  	[tilespmem:$0x1FE20] =	vst v4;
	v4 =	vld [tilespmem:$0x23C0]  }
0x33: {  	v25 =	vld [tilespmem:$0x20C0]  }
0x34: {  	v26 =	vld [tilespmem:$0x20D0]  }
0x35: {  	v27 =	vld [tilespmem:$0x20E0]  }
0x36: {  	v28 =	vld [tilespmem:$0x20F0]  }
0x37: {  	[tilespmem:$0x1FE30] =	vst v4;
	v4 =	vld [tilespmem:$0x23D0]  }
0x38: {  	v29 =	vld [tilespmem:$0x2100]  }
0x39: {  	v31 =	vld [tilespmem:$0x2110]  }
0x3a: {  	v33 =	vld [tilespmem:$0x2120]  }
0x3b: {  	v34 =	vld [tilespmem:$0x2130]  }
0x3c: {  	[tilespmem:$0x1FE40] =	vst v4;
	v4 =	vld [tilespmem:$0x23E0]  }
0x3d: {  	v35 =	vld [tilespmem:$0x2140]  }
0x3e: {  	v38 =	vld [tilespmem:$0x2150]  }
0x3f: {  	v17 =	vld [tilespmem:$0x2160]  }
0x40: {  	v16 =	vld [tilespmem:$0x2170]  }
0x41: {  	[tilespmem:$0x1FE50] =	vst v4;
	v4 =	vld [tilespmem:$0x23F0]  }
0x42: {  	v20 =	vld [tilespmem:$0x2180]  }
0x43: {  	v18 =	vld [tilespmem:$0x2190]  }
0x44: {  	v21 =	vld [tilespmem:$0x21A0]  }
0x45: {  	v23 =	vld [tilespmem:$0x21B0]  }
0x46: {  	[tilespmem:$0x1FE60] =	vst v4;
	v4 =	vld [tilespmem:$0x2400]  }
0x47: {  	v30 =	vld [tilespmem:$0x21C0]  }
0x48: {  	v32 =	vld [tilespmem:$0x21D0]  }
0x49: {  	v36 =	vld [tilespmem:$0x21E0]  }
0x4a: {  	v37 =	vld [tilespmem:$0x21F0]  }
0x4b: {  	[tilespmem:$0x1FE70] =	vst v4;
	v4 =	vld [tilespmem:$0x2410]  }
0x4c: {  	v39 =	vld [tilespmem:$0x2200]  }
0x4d: {  	v40 =	vld [tilespmem:$0x2210]  }
0x4e: {  	v41 =	vld [tilespmem:$0x2220]  }
0x4f: {  	v43 =	vld [tilespmem:$0x2230]  }
0x50: {  	[tilespmem:$0x1FE80] =	vst v4;
	v4 =	vld [tilespmem:$0x2430]  }
0x51: {  	v46 =	vld [tilespmem:$0x2240]  }
0x52: {  	v48 =	vld [tilespmem:$0x2250]  }
0x53: {  	v51 =	vld [tilespmem:$0x2260]  }
0x54: {  	v63 =	vld [tilespmem:$0x2270]  }
0x55: {  	[tilespmem:$0x1FEA0] =	vst v4;
	v4 =	vld [tilespmem:$0x2440]  }
0x56: {  	v0 =	vld [tilespmem:$0x2380]  }
0x57: {  	v49 =	vld [tilespmem:$0x2280]  }
0x58: {  	v2 =	vld [tilespmem:$0x2420]  }
0x59: {  	v62 =	vld [tilespmem:$0x2290]  }
0x5a: {  	[tilespmem:$0x1FEB0] =	vst v4;
	v4 =	vld [tilespmem:$0x2450]  }
0x5b: {  	v50 =	vld [tilespmem:$0x22A0];
	[tilespmem:$0x1FE00] =	vst v0;
	v0 =	vbroadcast v3, $0x0  }
0x5c: {  	v52 =	vld [tilespmem:$0x22B0]  }
0x5d: {  	v53 =	vld [tilespmem:$0x22C0];
	[tilespmem:$0x1FE90] =	vst v2;
	v2 =	vmul.f32 v1, v0  }
0x5e: {  	v55 =	vld [tilespmem:$0x22D0]  }
0x5f: {  	[tilespmem:$0x1FEC0] =	vst v4;
	v4 =	vadd.f32 $0.0e+00, v2;
	v2 =	vld [tilespmem:$0x2460]  }
0x60: {  	v57 =	vld [tilespmem:$0x22E0]  }
0x61: {  	v61 =	vld [tilespmem:$0x22F0]  }
0x62: {  	v58 =	vld [tilespmem:$0x2300];
	v7 =	vmul.f32 v7, v0  }
0x63: {  	v60 =	vld [tilespmem:$0x2310]  }
0x64: {  	[tilespmem:$0x1FED0] =	vst v2;
	v2 =	vadd.f32 $0.0e+00, v7;
	v7 =	vld [tilespmem:$0x2470]  }
0x65: {  	v59 =	vld [tilespmem:$0x2320]  }
0x66: {  	v56 =	vld [tilespmem:$0x2330]  }
0x67: {  	v54 =	vld [tilespmem:$0x2340]  }
0x68: {  	v47 =	vld [tilespmem:$0x2350]  }
0x69: {  	v1 =	vbroadcast v3, $0x1;
	[tilespmem:$0x1FEE0] =	vst v7;
	v7 =	vld [tilespmem:$0x2480]  }
0x6a: {  	v44 =	vld [tilespmem:$0x2360]  }
0x6b: {  	v45 =	vld [tilespmem:$0x2370];
	v9 =	vmul.f32 v9, v0;
	v12 =	vmul.f32 v12, v1  }
0x6c: {  	v42 =	vld [tilespmem:$0x2390];
	v5 =	vmul.f32 v5, v0;
	v0 =	vbroadcast v3, $0x2  }
0x6d: {  	v11 =	vmul.f32 v11, v1;
	v2 =	vadd.f32 v12, v2;
	v12 =	vmul.f32 v13, v1;
	v13 =	vld [tilespmem:$0x24A0]  }
0x6e: {  	v9 =	vadd.f32 $0.0e+00, v9;
	v5 =	vadd.f32 $0.0e+00, v5;
	v1 =	vmul.f32 v14, v1;
	[tilespmem:$0x1FEF0] =	vst v7;
	v7 =	vld [tilespmem:$0x2490]  }
0x6f: {  	v4 =	vadd.f32 v11, v4;
	v14 =	vmul.f32 v15, v0;
	v15 =	vmul.f32 v19, v0;
	v11 =	vld [tilespmem:$0x24B0]  }
0x70: {  	v19 =	vmul.f32 v22, v0;
	v22 =	vbroadcast v3, $0x3;
	v9 =	vadd.f32 v12, v9;
	v12 =	vld [tilespmem:$0x24C0]  }
0x71: {  	v0 =	vmul.f32 v24, v0;
	v1 =	vadd.f32 v1, v5;
	v4 =	vadd.f32 v14, v4;
	v14 =	vld [tilespmem:$0x24D0]  }
0x72: {  	v2 =	vadd.f32 v15, v2;
	v5 =	vadd.f32 v19, v9;
	v9 =	vmul.f32 v25, v22;
	v15 =	vld [tilespmem:$0x24E0]  }
0x73: {  	v0 =	vadd.f32 v0, v1;
	v1 =	vmul.f32 v26, v22;
	v25 =	vbroadcast v3, $0x4;
	v19 =	vld [tilespmem:$0x24F0]  }
0x74: {  	v26 =	vmul.f32 v28, v22;
	v4 =	vadd.f32 v9, v4;
	v9 =	vmul.f32 v27, v22;
	v22 =	vld [tilespmem:$0x2500]  }
0x75: {  	v1 =	vadd.f32 v1, v2;
	v2 =	vmul.f32 v29, v25;
	v28 =	vmul.f32 v31, v25;
	v24 =	vld [tilespmem:$0x2510]  }
0x76: {  	v33 =	vmul.f32 v33, v25;
	v29 =	vbroadcast v3, $0x5;
	v27 =	vld [tilespmem:$0x2520]  }
0x77: {  	v0 =	vadd.f32 v26, v0;
	v34 =	vmul.f32 v34, v25;
	v5 =	vadd.f32 v9, v5;
	v25 =	vld [tilespmem:$0x2530]  }
0x78: {  	v2 =	vadd.f32 v2, v4;
	v1 =	vadd.f32 v28, v1;
	v9 =	vmul.f32 v35, v29;
	v26 =	vld [tilespmem:$0x2540]  }
0x79: {  	v0 =	vadd.f32 v34, v0;
	v38 =	vmul.f32 v38, v29;
	v34 =	vbroadcast v3, $0x6;
	v28 =	vld [tilespmem:$0x2550]  }
0x7a: {  	v35 =	vmul.f32 v17, v29;
	v16 =	vmul.f32 v16, v29;
	v29 =	vld [tilespmem:$0x2560]  }
0x7b: {  	v31 =	vld [tilespmem:$0x2570];
	v5 =	vadd.f32 v33, v5;
	v2 =	vadd.f32 v9, v2;
	v4 =	vmul.f32 v20, v34  }
0x7c: {  	v1 =	vadd.f32 v38, v1;
	v17 =	vmul.f32 v18, v34;
	v38 =	vmul.f32 v21, v34;
	v33 =	vld [tilespmem:$0x2580]  }
0x7d: {  	v18 =	vbroadcast v3, $0x7;
	v0 =	vadd.f32 v16, v0;
	v16 =	vmul.f32 v23, v34;
	v34 =	vld [tilespmem:$0x2590]  }
0x7e: {  	v5 =	vadd.f32 v35, v5;
	v2 =	vadd.f32 v4, v2;
	v35 =	vld [tilespmem:$0x25B0]  }
0x7f: {  	v0 =	vadd.f32 v16, v0;
	v16 =	vbroadcast v3, $0x8;
	v23 =	vmul.f32 v36, v18;
	v36 =	vld [tilespmem:$0x25C0]  }
0x80: {  	v20 =	vmul.f32 v30, v18;
	v21 =	vmul.f32 v32, v18;
	v5 =	vadd.f32 v38, v5;
	v38 =	vld [tilespmem:$0x25A0]  }
0x81: {  	v1 =	vadd.f32 v17, v1;
	v17 =	vmul.f32 v37, v18;
	v4 =	vmul.f32 v39, v16;
	v39 =	vld [tilespmem:$0x25D0]  }
0x82: {  	v37 =	vbroadcast v3, $0x9;
	v30 =	vmul.f32 v40, v16;
	v40 =	vld [tilespmem:$0x25E0]  }
0x83: {  	v0 =	vadd.f32 v17, v0;
	v17 =	vmul.f32 v43, v16;
	v43 =	vld [tilespmem:$0x25F0]  }
0x84: {  	v1 =	vadd.f32 v21, v1;
	v21 =	vmul.f32 v46, v37;
	v46 =	vld [tilespmem:$0x2600]  }
0x85: {  	v2 =	vadd.f32 v20, v2;
	v32 =	vmul.f32 v41, v16;
	v20 =	vld [tilespmem:$0x2740]  }
0x86: {  	v16 =	vbroadcast v3, $0xA;
	v5 =	vadd.f32 v23, v5;
	v23 =	vmul.f32 v48, v37;
	v48 =	vld [tilespmem:$0x2610]  }
0x87: {  	v2 =	vadd.f32 v4, v2;
	v1 =	vadd.f32 v30, v1;
	v30 =	vmul.f32 v51, v37;
	v51 =	vld [tilespmem:$0x2620]  }
0x88: {  	v0 =	vadd.f32 v17, v0;
	v41 =	vmul.f32 v62, v16;
	v62 =	vmul.f32 v50, v16;
	v50 =	vld [tilespmem:$0x2640]  }
0x89: {  	v17 =	vmul.f32 v52, v16;
	v52 =	vld [tilespmem:$0x2650];
	v5 =	vadd.f32 v32, v5;
	v32 =	vmul.f32 v63, v37  }
0x8a: {  	v37 =	vmul.f32 v49, v16;
	v49 =	vld [tilespmem:$0x2630];
	v63 =	vbroadcast v3, $0xB  }
0x8b: {  	v2 =	vadd.f32 v21, v2;
	v16 =	vld [tilespmem:$0x2760]  }
0x8c: {  	v1 =	vadd.f32 v23, v1;
	v5 =	vadd.f32 v30, v5;
	v21 =	vmul.f32 v53, v63;
	v53 =	vld [tilespmem:$0x2660]  }
0x8d: {  	v0 =	vadd.f32 v32, v0;
	v23 =	vmul.f32 v55, v63;
	v30 =	vbroadcast v3, $0xC;
	v55 =	vld [tilespmem:$0x2670]  }
0x8e: {  	v2 =	vadd.f32 v37, v2;
	v32 =	vmul.f32 v57, v63;
	v37 =	vmul.f32 v61, v63;
	v57 =	vld [tilespmem:$0x2680]  }
0x8f: {  	v1 =	vadd.f32 v41, v1;
	v63 =	vbroadcast v3, $0xD;
	v41 =	vmul.f32 v58, v30;
	v58 =	vld [tilespmem:$0x2690]  }
0x90: {  	v5 =	vadd.f32 v62, v5;
	v0 =	vadd.f32 v17, v0;
	v62 =	vmul.f32 v59, v30;
	v59 =	vld [tilespmem:$0x26A0]  }
0x91: {  	v2 =	vadd.f32 v21, v2;
	v17 =	vmul.f32 v56, v30;
	v56 =	vld [tilespmem:$0x26B0]  }
0x92: {  	v21 =	vmul.f32 v54, v63;
	v54 =	vld [tilespmem:$0x26C0];
	v5 =	vadd.f32 v32, v5;
	v0 =	vadd.f32 v37, v0  }
0x93: {  	v1 =	vadd.f32 v23, v1;
	v61 =	vmul.f32 v60, v30;
	v30 =	vbroadcast v3, $0xE;
	v60 =	vld [tilespmem:$0x1FE00]  }
0x94: {  	v37 =	vmul.f32 v45, v63;
	v5 =	vadd.f32 v62, v5;
	v0 =	vadd.f32 v17, v0;
	v62 =	vld [tilespmem:$0x1FE10]  }
0x95: {  	v1 =	vadd.f32 v61, v1;
	v32 =	vmul.f32 v44, v63;
	v61 =	vmul.f32 v42, v30;
	v42 =	vld [tilespmem:$0x1FE40]  }
0x96: {  	v23 =	vmul.f32 v47, v63;
	v0 =	vadd.f32 v37, v0;
	v37 =	vld [tilespmem:$0x1FE30]  }
0x97: {  	v2 =	vadd.f32 v41, v2;
	v5 =	vadd.f32 v32, v5;
	v32 =	vld [tilespmem:$0x1FE20]  }
0x98: {  	v63 =	vbroadcast v3, $0xF;
	v45 =	vld [tilespmem:$0x1FE50];
	v1 =	vadd.f32 v23, v1  }
0x99: {  	v2 =	vadd.f32 v21, v2;
	v4 =	vmul.f32 v60, v30;
	v60 =	vld [tilespmem:$0x1FE60];
	v9 =	vmul.f32 v62, v30  }
0x9a: {  	v1 =	vadd.f32 v61, v1;
	v62 =	vld [tilespmem:$0x1FE80]  }
0x9b: {  	v61 =	vld [tilespmem:$0x1FE70];
	v2 =	vadd.f32 v4, v2;
	v5 =	vadd.f32 v9, v5;
	v9 =	vmul.f32 v37, v63  }
0x9c: {  	v47 =	vld [tilespmem:$0x26D0];
	v4 =	vmul.f32 v32, v30  }
0x9d: {  	v18 =	vbroadcast v6, $0x0;
	v2 =	vadd.f32 v9, v2;
	v9 =	vmul.f32 v45, v63;
	v45 =	vld [tilespmem:$0x1FE90]  }
0x9e: {  	v44 =	vld [tilespmem:$0x26E0];
	v0 =	vadd.f32 v4, v0;
	v4 =	vmul.f32 v42, v63  }
0x9f: {  	v21 =	vmul.f32 v60, v63;
	v63 =	vmul.f32 v62, v18;
	v62 =	vld [tilespmem:$0x1FEB0]  }
0xa0: {  	v1 =	vadd.f32 v4, v1;
	v4 =	vmul.f32 v61, v18;
	v61 =	vld [tilespmem:$0x1FEA0]  }
0xa1: {  	v41 =	vld [tilespmem:$0x26F0]  }
0xa2: {  	v3 =	vld [tilespmem:$0x2700];
	v5 =	vadd.f32 v9, v5;
	v60 =	vmul.f32 v45, v18  }
0xa3: {  	v23 =	vld [tilespmem:$0x2730];
	v0 =	vadd.f32 v21, v0;
	v45 =	vbroadcast v6, $0x1  }
0xa4: {  	v2 =	vadd.f32 v4, v2;
	v5 =	vadd.f32 v60, v5;
	v60 =	vld [tilespmem:$0x1FEC0]  }
0xa5: {  	v21 =	vadd.f32 v63, v1;
	v4 =	vmul.f32 v61, v18;
	v63 =	vmul.f32 v62, v45;
	v61 =	vld [tilespmem:$0x1FED0]  }
0xa6: {  	v62 =	vld [tilespmem:$0x1FEE0]  }
0xa7: {  	v42 =	vbroadcast v6, $0x2;
	v2 =	vadd.f32 v63, v2;
	v63 =	vld [tilespmem:$0x1FEF0]  }
0xa8: {  	v17 =	vld [tilespmem:$0x2750]  }
0xa9: {  	v32 =	vld [tilespmem:$0x2710];
	v13 =	vmul.f32 v13, v42  }
0xaa: {  	v30 =	vld [tilespmem:$0x2720];
	v11 =	vmul.f32 v11, v42;
	v37 =	vadd.f32 v4, v0;
	v0 =	vmul.f32 v60, v45  }
0xab: {  	v9 =	vld [tilespmem:$0x2770];
	v60 =	vmul.f32 v61, v45;
	v45 =	vmul.f32 v62, v45  }
0xac: {  	v1 =	vld [tilespmem:$0x2780];
	v62 =	vmul.f32 v7, v42;
	v61 =	vmul.f32 v63, v42  }
0xad: {  	v18 =	vld [tilespmem:$0x27A0];
	v21 =	vadd.f32 v0, v21;
	v5 =	vadd.f32 v60, v5;
	v60 =	vbroadcast v6, $0x3  }
0xae: {  	v4 =	vld [tilespmem:$0x2790];
	v37 =	vadd.f32 v45, v37;
	v63 =	vbroadcast v6, $0x5;
	v61 =	vadd.f32 v61, v2  }
0xaf: {  	v7 =	vld [tilespmem:$0x27C0];
	v42 =	vadd.f32 v13, v5;
	v12 =	vmul.f32 v12, v60;
	v13 =	vmul.f32 v14, v60  }
0xb0: {  	v0 =	vld [tilespmem:$0x27B0];
	v21 =	vadd.f32 v62, v21;
	v14 =	vbroadcast v6, $0x4;
	v15 =	vmul.f32 v15, v60  }
0xb1: {  	v2 =	vld [tilespmem:$0x27D0];
	v37 =	vadd.f32 v11, v37;
	v60 =	vmul.f32 v19, v60;
	v26 =	vmul.f32 v26, v63  }
0xb2: {  	v5 =	vld [tilespmem:$0x27E0];
	v29 =	vmul.f32 v29, v63;
	v31 =	vmul.f32 v31, v63;
	v45 =	vadd.f32 v12, v61  }
0xb3: {  	v11 =	vld [tilespmem:$0x27F0];
	v21 =	vadd.f32 v13, v21;
	v22 =	vmul.f32 v22, v14;
	v24 =	vmul.f32 v24, v14  }
0xb4: {  	v19 =	vld [tilespmem:$0x2820];
	v15 =	vadd.f32 v15, v42;
	v27 =	vmul.f32 v27, v14;
	v37 =	vadd.f32 v60, v37  }
0xb5: {  	v12 =	vld [tilespmem:$0x2800];
	v25 =	vmul.f32 v25, v14;
	v60 =	vbroadcast v6, $0x6;
	v22 =	vadd.f32 v22, v45  }
0xb6: {  	v13 =	vld [tilespmem:$0x2810];
	v24 =	vadd.f32 v24, v21;
	v27 =	vadd.f32 v27, v15;
	v45 =	vmul.f32 v28, v63  }
0xb7: {  	v14 =	vld [tilespmem:$0x2830];
	v37 =	vadd.f32 v25, v37;
	v33 =	vmul.f32 v33, v60;
	v34 =	vmul.f32 v34, v60  }
0xb8: {  	v15 =	vld [tilespmem:$0x2840];
	v62 =	vmul.f32 v38, v60;
	v63 =	vbroadcast v6, $0x7;
	v26 =	vadd.f32 v26, v22  }
0xb9: {  	v21 =	vld [tilespmem:$0x2850];
	v28 =	vmul.f32 v35, v60;
	v61 =	vadd.f32 v45, v24;
	v27 =	vadd.f32 v29, v27  }
0xba: {  	v25 =	vld [tilespmem:$0x2880];
	v31 =	vadd.f32 v31, v37;
	v36 =	vmul.f32 v36, v63;
	v60 =	vmul.f32 v39, v63  }
0xbb: {  	v22 =	vld [tilespmem:$0x2860];
	v39 =	vbroadcast v6, $0x8;
	v38 =	vmul.f32 v43, v63;
	v33 =	vadd.f32 v33, v26  }
0xbc: {  	v24 =	vld [tilespmem:$0x2870];
	v43 =	vbroadcast v6, $0xA;
	v34 =	vadd.f32 v34, v61;
	v45 =	vadd.f32 v62, v27  }
0xbd: {  	v29 =	vld [tilespmem:$0x28A0];
	v37 =	vadd.f32 v28, v31;
	v61 =	vmul.f32 v40, v63;
	v63 =	vmul.f32 v46, v39  }
0xbe: {  	v26 =	vld [tilespmem:$0x2890];
	v48 =	vmul.f32 v48, v39;
	v51 =	vmul.f32 v51, v39;
	v36 =	vadd.f32 v36, v33  }
0xbf: {  	v27 =	vld [tilespmem:$0x28B0];
	v62 =	vadd.f32 v60, v34;
	v35 =	vadd.f32 v61, v45;
	v60 =	vbroadcast v6, $0x9  }
0xc0: {  	v28 =	vld [tilespmem:$0x28C0];
	v37 =	vadd.f32 v38, v37;
	v61 =	vmul.f32 v49, v39;
	v36 =	vadd.f32 v63, v36  }
0xc1: {  	v31 =	vld [tilespmem:$0x28D0];
	v63 =	vadd.f32 v51, v35;
	v51 =	vmul.f32 v50, v60;
	v52 =	vmul.f32 v52, v60  }
0xc2: {  	v46 =	vld [tilespmem:$0x2910];
	v62 =	vadd.f32 v48, v62;
	v53 =	vmul.f32 v53, v60;
	v45 =	vmul.f32 v55, v60  }
0xc3: {  	v33 =	vld [tilespmem:$0x28E0];
	v37 =	vadd.f32 v61, v37;
	v60 =	vmul.f32 v57, v43;
	v61 =	vmul.f32 v58, v43  }
0xc4: {  	v34 =	vld [tilespmem:$0x28F0];
	v58 =	vbroadcast v6, $0xD;
	v38 =	vadd.f32 v52, v62;
	v62 =	vmul.f32 v59, v43  }
0xc5: {  	v49 =	vld [tilespmem:$0x2970];
	v40 =	vadd.f32 v53, v63;
	v63 =	vbroadcast v6, $0xB;
	v53 =	vmul.f32 v56, v43  }
0xc6: {  	v39 =	vld [tilespmem:$0x2990];
	v56 =	vbroadcast v6, $0xC;
	v20 =	vmul.f32 v20, v58  }
0xc7: {  	v35 =	vld [tilespmem:$0x2900];
	v17 =	vmul.f32 v17, v58;
	v59 =	vbroadcast v6, $0xE  }
0xc8: {  	v48 =	vld [tilespmem:$0x2920];
	v16 =	vmul.f32 v16, v58;
	v9 =	vmul.f32 v9, v58  }
0xc9: {  	v50 =	vld [tilespmem:$0x2930];
	v6 =	vbroadcast v6, $0xF;
	v54 =	vmul.f32 v54, v63  }
0xca: {  	v52 =	vld [tilespmem:$0x2940];
	v55 =	vmul.f32 v47, v63;
	v57 =	vmul.f32 v44, v63  }
0xcb: {  	v36 =	vadd.f32 v51, v36;
	v43 =	vld [tilespmem:$0x2950];
	v41 =	vmul.f32 v41, v63;
	v3 =	vmul.f32 v3, v56  }
0xcc: {  	v37 =	vadd.f32 v45, v37;
	v45 =	vld [tilespmem:$0x2960];
	v32 =	vmul.f32 v32, v56;
	v30 =	vmul.f32 v30, v56  }
0xcd: {  	v51 =	vld [tilespmem:$0x29A0];
	v23 =	vmul.f32 v23, v56;
	v7 =	vmul.f32 v7, v6  }
0xce: {  	v36 =	vadd.f32 v60, v36;
	v44 =	vld [tilespmem:$0x2980];
	v2 =	vmul.f32 v2, v6;
	v60 =	vbroadcast v8, $0x0  }
0xcf: {  	v5 =	vmul.f32 v5, v6;
	v6 =	vmul.f32 v11, v6;
	v11 =	vld [tilespmem:$0x2A80]  }
0xd0: {  	v38 =	vadd.f32 v61, v38;
	v1 =	vmul.f32 v1, v59;
	v61 =	vmul.f32 v12, v60;
	v12 =	vld [tilespmem:$0x2A50]  }
0xd1: {  	v40 =	vadd.f32 v62, v40;
	v47 =	vbroadcast v8, $0x2;
	v63 =	vmul.f32 v19, v60;
	v19 =	vld [tilespmem:$0x2A60]  }
0xd2: {  	v37 =	vadd.f32 v53, v37;
	v4 =	vmul.f32 v4, v59;
	v62 =	vmul.f32 v13, v60;
	v13 =	vld [tilespmem:$0x2AD0]  }
0xd3: {  	v18 =	vmul.f32 v18, v59;
	v38 =	vadd.f32 v55, v38;
	v55 =	vmul.f32 v25, v47;
	v25 =	vld [tilespmem:$0x2AF0]  }
0xd4: {  	v0 =	vmul.f32 v0, v59;
	v36 =	vadd.f32 v54, v36;
	v56 =	vmul.f32 v26, v47;
	v26 =	vld [tilespmem:$0x2B00]  }
0xd5: {  	v40 =	vadd.f32 v57, v40;
	v37 =	vadd.f32 v41, v37;
	v59 =	vmul.f32 v27, v47;
	v27 =	vld [tilespmem:$0x2B90]  }
0xd6: {  	v58 =	vbroadcast v8, $0x3;
	v3 =	vadd.f32 v3, v36;
	v36 =	vld [tilespmem:$0x29B0];
	v32 =	vadd.f32 v32, v38  }
0xd7: {  	v57 =	vmul.f32 v29, v47;
	v30 =	vadd.f32 v30, v40;
	v38 =	vld [tilespmem:$0x29C0];
	v23 =	vadd.f32 v23, v37  }
0xd8: {  	v40 =	vld [tilespmem:$0x29D0];
	v37 =	vmul.f32 v14, v60;
	v3 =	vadd.f32 v20, v3;
	v17 =	vadd.f32 v17, v32  }
0xd9: {  	v14 =	vld [tilespmem:$0x2A90];
	v16 =	vadd.f32 v16, v30;
	v9 =	vadd.f32 v9, v23;
	v23 =	vbroadcast v8, $0x1  }
0xda: {  	v47 =	vbroadcast v8, $0x6;
	v60 =	vmul.f32 v28, v58;
	v28 =	vld [tilespmem:$0x2B10];
	v1 =	vadd.f32 v1, v3  }
0xdb: {  	v20 =	vld [tilespmem:$0x29E0];
	v4 =	vadd.f32 v4, v17;
	v16 =	vadd.f32 v18, v16;
	v41 =	vmul.f32 v15, v23  }
0xdc: {  	v32 =	vld [tilespmem:$0x29F0];
	v0 =	vadd.f32 v0, v9;
	v42 =	vmul.f32 v21, v23;
	v53 =	vmul.f32 v22, v23  }
0xdd: {  	v30 =	vld [tilespmem:$0x2A00];
	v54 =	vmul.f32 v24, v23;
	v1 =	vadd.f32 v7, v1;
	v2 =	vadd.f32 v2, v4  }
0xde: {  	v3 =	vld [tilespmem:$0x2A10];
	v23 =	vmul.f32 v34, v58;
	v5 =	vadd.f32 v5, v16;
	v0 =	vadd.f32 v6, v0  }
0xdf: {  	v17 =	vld [tilespmem:$0x2A20];
	v1 =	vadd.f32 v61, v1;
	v2 =	vadd.f32 v62, v2;
	v61 =	vmul.f32 v31, v58  }
0xe0: {  	v18 =	vld [tilespmem:$0x2A30];
	v5 =	vadd.f32 v63, v5;
	v62 =	vbroadcast v8, $0x4;
	v63 =	vmul.f32 v33, v58  }
0xe1: {  	v22 =	vld [tilespmem:$0x2AB0];
	v0 =	vadd.f32 v37, v0;
	v37 =	vbroadcast v8, $0x5;
	v58 =	vbroadcast v8, $0x8  }
0xe2: {  	v24 =	vld [tilespmem:$0x2AC0];
	v33 =	vmul.f32 v35, v62;
	v34 =	vmul.f32 v46, v62  }
0xe3: {  	v15 =	vld [tilespmem:$0x2AE0];
	v1 =	vadd.f32 v41, v1;
	v35 =	vmul.f32 v48, v62;
	v41 =	vmul.f32 v50, v62  }
0xe4: {  	v21 =	vld [tilespmem:$0x2B30];
	v2 =	vadd.f32 v42, v2;
	v42 =	vmul.f32 v52, v37;
	v46 =	vmul.f32 v43, v37  }
0xe5: {  	v9 =	vld [tilespmem:$0x2C60];
	v48 =	vmul.f32 v45, v37;
	v29 =	vmul.f32 v49, v37  }
0xe6: {  	v7 =	vld [tilespmem:$0x2A40];
	v5 =	vadd.f32 v53, v5;
	v50 =	vmul.f32 v44, v47;
	v52 =	vmul.f32 v39, v47  }
0xe7: {  	v6 =	vld [tilespmem:$0x2A70];
	v0 =	vadd.f32 v54, v0;
	v53 =	vmul.f32 v51, v47;
	v54 =	vbroadcast v8, $0x7  }
0xe8: {  	v16 =	vld [tilespmem:$0x2AA0];
	v3 =	vmul.f32 v3, v58;
	v62 =	vmul.f32 v17, v58  }
0xe9: {  	v31 =	vld [tilespmem:$0x2B20];
	v39 =	vmul.f32 v18, v58;
	v44 =	vbroadcast v8, $0xA  }
0xea: {  	v37 =	vld [tilespmem:$0x2B70];
	v49 =	vbroadcast v8, $0xB;
	v1 =	vadd.f32 v55, v1;
	v2 =	vadd.f32 v56, v2  }
0xeb: {  	v18 =	vld [tilespmem:$0x2BF0];
	v5 =	vadd.f32 v57, v5;
	v55 =	vmul.f32 v36, v47;
	v56 =	vmul.f32 v38, v54  }
0xec: {  	v17 =	vld [tilespmem:$0x2C20];
	v0 =	vadd.f32 v59, v0;
	v57 =	vmul.f32 v40, v54;
	v59 =	vmul.f32 v20, v54  }
0xed: {  	v36 =	vld [tilespmem:$0x2BB0];
	v47 =	vmul.f32 v14, v44;
	v51 =	vmul.f32 v24, v49;
	v1 =	vadd.f32 v60, v1  }
0xee: {  	v38 =	vld [tilespmem:$0x2BE0];
	v2 =	vadd.f32 v61, v2;
	v5 =	vadd.f32 v63, v5;
	v60 =	vmul.f32 v32, v54  }
0xef: {  	v14 =	vld [tilespmem:$0x2C30];
	v0 =	vadd.f32 v23, v0;
	v61 =	vmul.f32 v30, v58;
	v63 =	vbroadcast v8, $0x9  }
0xf0: {  	v24 =	vld [tilespmem:$0x2CE0];
	v54 =	vmul.f32 v15, v49;
	v1 =	vadd.f32 v33, v1;
	v2 =	vadd.f32 v34, v2  }
0xf1: {  	v20 =	vld [tilespmem:$0x2D10];
	v5 =	vadd.f32 v35, v5;
	v0 =	vadd.f32 v41, v0;
	v43 =	vmul.f32 v12, v63  }
0xf2: {  	v23 =	vld [tilespmem:$0x2B40];
	v45 =	vmul.f32 v19, v63;
	v6 =	vmul.f32 v6, v63;
	v1 =	vadd.f32 v42, v1  }
0xf3: {  	v41 =	vld [tilespmem:$0x2B80];
	v2 =	vadd.f32 v46, v2;
	v5 =	vadd.f32 v48, v5;
	v42 =	vmul.f32 v7, v63  }
0xf4: {  	v32 =	vld [tilespmem:$0x2BC0];
	v0 =	vadd.f32 v29, v0;
	v46 =	vmul.f32 v11, v44;
	v48 =	vmul.f32 v16, v44  }
0xf5: {  	v30 =	vld [tilespmem:$0x2BD0];
	v63 =	vbroadcast v8, $0xE;
	v1 =	vadd.f32 v50, v1;
	v2 =	vadd.f32 v52, v2  }
0xf6: {  	v15 =	vld [tilespmem:$0x2CC0];
	v5 =	vadd.f32 v53, v5;
	v50 =	vmul.f32 v22, v44;
	v52 =	vmul.f32 v13, v49  }
0xf7: {  	v33 =	vld [tilespmem:$0x2B50];
	v0 =	vadd.f32 v55, v0;
	v53 =	vbroadcast v8, $0xC;
	v55 =	vmul.f32 v25, v49  }
0xf8: {  	v34 =	vld [tilespmem:$0x2B60];
	v44 =	vbroadcast v10, $0x0;
	v35 =	vmul.f32 v41, v63  }
0xf9: {  	v12 =	vld [tilespmem:$0x2C10];
	v1 =	vadd.f32 v56, v1;
	v2 =	vadd.f32 v57, v2;
	v56 =	vmul.f32 v26, v53  }
0xfa: {  	v19 =	vld [tilespmem:$0x2C40];
	v5 =	vadd.f32 v59, v5;
	v57 =	vmul.f32 v28, v53;
	v58 =	vmul.f32 v31, v53  }
0xfb: {  	v29 =	vld [tilespmem:$0x2BA0];
	v0 =	vadd.f32 v60, v0;
	v59 =	vbroadcast v8, $0xD;
	v60 =	vmul.f32 v21, v53  }
0xfc: {  	v7 =	vld [tilespmem:$0x2C00];
	v8 =	vbroadcast v8, $0xF;
	v49 =	vmul.f32 v17, v44  }
0xfd: {  	v16 =	vld [tilespmem:$0x2C80];
	v1 =	vadd.f32 v61, v1;
	v2 =	vadd.f32 v3, v2;
	v61 =	vmul.f32 v23, v59  }
0xfe: {  	v11 =	vld [tilespmem:$0x2CB0];
	v40 =	vadd.f32 v62, v5;
	v62 =	vmul.f32 v33, v59;
	v33 =	vmul.f32 v34, v59  }
0xff: {  	v13 =	vld [tilespmem:$0x2C70];
	v0 =	vadd.f32 v39, v0;
	v34 =	vmul.f32 v37, v59;
	v37 =	vmul.f32 v27, v63  }
0x100: {  	v22 =	vld [tilespmem:$0x2C90];
	v39 =	vmul.f32 v29, v63;
	v1 =	vadd.f32 v42, v1;
	v2 =	vadd.f32 v43, v2  }
0x101: {  	v25 =	vld [tilespmem:$0x2CA0];
	v41 =	vmul.f32 v32, v8;
	v3 =	vadd.f32 v45, v40;
	v0 =	vadd.f32 v6, v0  }
0x102: {  	v21 =	vld [tilespmem:$0x2CD0];
	v40 =	vmul.f32 v36, v63;
	v43 =	vmul.f32 v30, v8;
	v1 =	vadd.f32 v46, v1  }
0x103: {  	v6 =	vld [tilespmem:$0x2C50];
	v2 =	vadd.f32 v47, v2;
	v3 =	vadd.f32 v48, v3;
	v46 =	vmul.f32 v38, v8  }
0x104: {  	v28 =	vld [tilespmem:$0x2D00];
	v0 =	vadd.f32 v50, v0;
	v8 =	vmul.f32 v18, v8;
	v47 =	vmul.f32 v7, v44  }
0x105: {  	v31 =	vld [tilespmem:$0x2DD0];
	v48 =	vmul.f32 v12, v44;
	v50 =	vbroadcast v10, $0x1;
	v1 =	vadd.f32 v51, v1  }
0x106: {  	v27 =	vld [tilespmem:$0x2CF0];
	v2 =	vadd.f32 v52, v2;
	v3 =	vadd.f32 v54, v3;
	v51 =	vmul.f32 v14, v44  }
0x107: {  	v42 =	vld [tilespmem:$0x2D20];
	v0 =	vadd.f32 v55, v0;
	v52 =	vmul.f32 v19, v50;
	v54 =	vbroadcast v10, $0x2  }
0x108: {  	v7 =	vld [tilespmem:$0x2D80];
	v55 =	vmul.f32 v9, v50;
	v53 =	vmul.f32 v6, v50;
	v1 =	vadd.f32 v56, v1  }
0x109: {  	v45 =	vld [tilespmem:$0x2D30];
	v2 =	vadd.f32 v57, v2;
	v3 =	vadd.f32 v58, v3;
	v56 =	vmul.f32 v13, v50  }
0x10a: {  	v30 =	vld [tilespmem:$0x2D60];
	v0 =	vadd.f32 v60, v0;
	v58 =	vmul.f32 v16, v54;
	v59 =	vmul.f32 v22, v54  }
0x10b: {  	v57 =	vld [tilespmem:$0x2DA0];
	v26 =	vmul.f32 v11, v54;
	v50 =	vbroadcast v10, $0x6;
	v1 =	vadd.f32 v61, v1  }
0x10c: {  	v60 =	vld [tilespmem:$0x2DB0];
	v2 =	vadd.f32 v62, v2;
	v3 =	vadd.f32 v33, v3;
	v62 =	vbroadcast v10, $0x3  }
0x10d: {  	v63 =	vld [tilespmem:$0x2DC0];
	v0 =	vadd.f32 v34, v0;
	v61 =	vmul.f32 v25, v54;
	v54 =	vmul.f32 v7, v50  }
0x10e: {  	v36 =	vld [tilespmem:$0x2DF0];
	v1 =	vadd.f32 v35, v1;
	v2 =	vadd.f32 v37, v2;
	v32 =	vmul.f32 v15, v62  }
0x10f: {  	v18 =	vld [tilespmem:$0x2D40];
	v3 =	vadd.f32 v39, v3;
	v34 =	vmul.f32 v21, v62;
	v35 =	vbroadcast v10, $0x4  }
0x110: {  	v12 =	vld [tilespmem:$0x2D50];
	v0 =	vadd.f32 v40, v0;
	v37 =	vmul.f32 v24, v62;
	v38 =	vmul.f32 v27, v62  }
0x111: {  	v14 =	vld [tilespmem:$0x2D90];
	v57 =	vmul.f32 v57, v50;
	v60 =	vmul.f32 v60, v50;
	v1 =	vadd.f32 v41, v1  }
0x112: {  	v44 =	vld [tilespmem:$0x2E20];
	v2 =	vadd.f32 v43, v2;
	v3 =	vadd.f32 v46, v3;
	v40 =	vmul.f32 v28, v35  }
0x113: {  	v33 =	vld [tilespmem:$0x2DE0];
	v0 =	vadd.f32 v8, v0;
	v20 =	vmul.f32 v20, v35;
	v42 =	vmul.f32 v42, v35  }
0x114: {  	v8 =	vld [tilespmem:$0x2D70];
	v43 =	vbroadcast v10, $0x5;
	v45 =	vmul.f32 v45, v35;
	v1 =	vadd.f32 v47, v1  }
0x115: {  	v39 =	vld [tilespmem:$0x2E00];
	v35 =	vbroadcast v10, $0x9;
	v2 =	vadd.f32 v48, v2;
	v3 =	vadd.f32 v49, v3  }
0x116: {  	v41 =	vld [tilespmem:$0x2E10];
	v0 =	vadd.f32 v51, v0;
	v47 =	vmul.f32 v18, v43;
	v1 =	vadd.f32 v52, v1  }
0x117: {  	v46 =	vld [tilespmem:$0x2E30];
	v49 =	vmul.f32 v12, v43;
	v2 =	vadd.f32 v53, v2;
	v3 =	vadd.f32 v55, v3  }
0x118: {  	v48 =	vld [tilespmem:$0x2E40];
	v0 =	vadd.f32 v56, v0;
	v52 =	vmul.f32 v30, v43;
	v55 =	vmul.f32 v14, v50  }
0x119: {  	v51 =	vld [tilespmem:$0x2E50];
	v8 =	vmul.f32 v8, v43;
	v1 =	vadd.f32 v58, v1;
	v58 =	vbroadcast v10, $0x7  }
0x11a: {  	v53 =	vld [tilespmem:$0x2E60];
	v2 =	vadd.f32 v59, v2;
	v0 =	vadd.f32 v26, v0;
	v26 =	vbroadcast v10, $0x8  }
0x11b: {  	v56 =	vld [tilespmem:$0x2E70];
	v3 =	vadd.f32 v61, v3;
	v62 =	vmul.f32 v63, v58;
	v25 =	vmul.f32 v31, v58  }
0x11c: {  	v27 =	vld [tilespmem:$0x2EB0];
	v1 =	vadd.f32 v32, v1;
	v28 =	vmul.f32 v33, v58;
	v29 =	vmul.f32 v36, v58  }
0x11d: {  	v30 =	vld [tilespmem:$0x2EC0];
	v2 =	vadd.f32 v34, v2;
	v31 =	vmul.f32 v39, v26;
	v32 =	vmul.f32 v41, v26  }
0x11e: {  	v59 =	vld [tilespmem:$0x2E80];
	v3 =	vadd.f32 v37, v3;
	v34 =	vmul.f32 v44, v26;
	v37 =	vmul.f32 v46, v26  }
0x11f: {  	v61 =	vld [tilespmem:$0x2E90];
	v0 =	vadd.f32 v38, v0;
	v39 =	vmul.f32 v48, v35;
	v41 =	vmul.f32 v51, v35  }
0x120: {  	v43 =	vld [tilespmem:$0x2F10];
	v44 =	vmul.f32 v53, v35;
	v14 =	vmul.f32 v56, v35;
	v1 =	vadd.f32 v40, v1  }
0x121: {  	v50 =	vld [tilespmem:$0x2F40];
	v2 =	vadd.f32 v20, v2;
	v3 =	vadd.f32 v42, v3;
	v42 =	vbroadcast v10, $0xA  }
0x122: {  	v63 =	vld [tilespmem:$0x2EA0];
	v56 =	vbroadcast v10, $0xC;
	v0 =	vadd.f32 v45, v0;
	v20 =	vbroadcast v10, $0xD  }
0x123: {  	v33 =	vld [tilespmem:$0x2ED0];
	v1 =	vadd.f32 v47, v1;
	v2 =	vadd.f32 v49, v2;
	v46 =	vmul.f32 v59, v42  }
0x124: {  	v36 =	vld [tilespmem:$0x2EE0];
	v0 =	vadd.f32 v8, v0;
	v8 =	vmul.f32 v61, v42;
	v49 =	vbroadcast v10, $0xB  }
0x125: {  	v38 =	vld [tilespmem:$0x2EF0];
	v3 =	vadd.f32 v52, v3;
	v51 =	vmul.f32 v27, v42;
	v61 =	vmul.f32 v43, v56  }
0x126: {  	v24 =	vmul.f32 v50, v20;
	v27 =	vbroadcast v10, $0xE;
	v1 =	vadd.f32 v54, v1  }
0x127: {  	v21 =	vld [tilespmem:$0x2FA0];
	v48 =	vmul.f32 v63, v42;
	v2 =	vadd.f32 v55, v2;
	v3 =	vadd.f32 v57, v3  }
0x128: {  	v23 =	vld [tilespmem:$0x2FB0];
	v0 =	vadd.f32 v60, v0;
	v53 =	vmul.f32 v30, v49;
	v1 =	vadd.f32 v62, v1  }
0x129: {  	v40 =	vld [tilespmem:$0x2F00];
	v55 =	vmul.f32 v33, v49;
	v58 =	vmul.f32 v36, v49;
	v2 =	vadd.f32 v25, v2  }
0x12a: {  	v45 =	vld [tilespmem:$0x2F20];
	v6 =	vmul.f32 v38, v49;
	v3 =	vadd.f32 v28, v3;
	v1 =	vadd.f32 v31, v1  }
0x12b: {  	v47 =	vld [tilespmem:$0x2F30];
	v33 =	vbroadcast v10, $0xF;
	v0 =	vadd.f32 v29, v0;
	v2 =	vadd.f32 v32, v2  }
0x12c: {  	v52 =	vld [tilespmem:$0x2F50];
	v36 =	vmul.f32 v21, v27;
	v3 =	vadd.f32 v34, v3;
	v1 =	vadd.f32 v39, v1  }
0x12d: {  	v59 =	vld [tilespmem:$0x2F80];
	v38 =	vmul.f32 v23, v27;
	v0 =	vadd.f32 v37, v0;
	v2 =	vadd.f32 v41, v2  }
0x12e: {  	v54 =	vld [tilespmem:$0x2F60];
	v60 =	vmul.f32 v40, v56;
	v3 =	vadd.f32 v44, v3;
	v1 =	vadd.f32 v46, v1  }
0x12f: {  	v57 =	vld [tilespmem:$0x2F70];
	v63 =	vmul.f32 v45, v56;
	v0 =	vadd.f32 v14, v0;
	v2 =	vadd.f32 v8, v2  }
0x130: {  	v62 =	vld [tilespmem:$0x2F90];
	v22 =	vmul.f32 v47, v56;
	v3 =	vadd.f32 v48, v3;
	v1 =	vadd.f32 v53, v1  }
0x131: {  	v25 =	vld [tilespmem:$0x2FC0];
	v26 =	vmul.f32 v52, v20;
	v0 =	vadd.f32 v51, v0;
	v2 =	vadd.f32 v55, v2  }
0x132: {  	v28 =	vld [tilespmem:$0x2FD0];
	v32 =	vmul.f32 v59, v27;
	v3 =	vadd.f32 v58, v3;
	v1 =	vadd.f32 v60, v1  }
0x133: {  	v31 =	vld [tilespmem:$0x2FE0];
	v29 =	vmul.f32 v54, v20;
	v0 =	vadd.f32 v6, v0;
	v2 =	vadd.f32 v61, v2  }
0x134: {  	v34 =	vld [tilespmem:$0x2FF0];
	v30 =	vmul.f32 v57, v20;
	v3 =	vadd.f32 v63, v3;
	v1 =	vadd.f32 v24, v1  }
0x135: {  	v35 =	vmul.f32 v62, v27;
	v0 =	vadd.f32 v22, v0;
	v2 =	vadd.f32 v26, v2  }
0x136: {  	v37 =	vmul.f32 v25, v33;
	v3 =	vadd.f32 v29, v3;
	v1 =	vadd.f32 v32, v1  }
0x137: {  	v39 =	vmul.f32 v28, v33;
	v0 =	vadd.f32 v30, v0;
	v2 =	vadd.f32 v35, v2  }
0x138: {  	v40 =	vmul.f32 v31, v33;
	v3 =	vadd.f32 v36, v3;
	v1 =	vadd.f32 v37, v1  }
0x139: {  	v41 =	vmul.f32 v34, v33;
	v0 =	vadd.f32 v38, v0;
	v2 =	vadd.f32 v39, v2  }
0x13a: {  	v3 =	vadd.f32 v40, v3;
	[tilespmem:s21+$0x4000] =	vst v1  }
0x13b: {  	p0 =	seq.s32 s20, $0x3E00;
	v0 =	vadd.f32 v41, v0;
	[tilespmem:s21+$0x4010] =	vst v2  }
0x13c: {  	s22 =	sshra.s32 @!p0 s20, $0x2;
	[tilespmem:s21+$0x4020] =	vst v3  }
0x13d: {  	s23 =	simm.s32 @!p0 $0x40;
	s24 =	simm.s32 @!p0 $0x2000;
	s22 =	sadd.s32 @!p0 $0x80, s22;
	[tilespmem:s21+$0x4030] =	vst v0  }
0x13e: {  	[tilespmem:s24], [sflag:$0x1] =	stream.indirect.gather @!p0 [hbm4b:s1+s23], $0x40, s22, s23, $0xb8;
	[tilespmem:$0x5000] =	vst v63  }
0x13f: {  	_ =	swait.ge [sflag:s15], $0x1000  }
0x140: {  	[sflag:s15] =	ssyncset.done $0x0  }
0x141: {  	[sflag:s15] =	ssyncadd.s32 $0xFFFFF000  }
0x142: {  	v3 =	vld [tilespmem:s21+$0x1040]  }
0x143: {  	v6 =	vld [tilespmem:s21+$0x1050]  }
0x144: {  	v8 =	vld [tilespmem:s21+$0x1060]  }
0x145: {  	v10 =	vld [tilespmem:s21+$0x1070]  }
0x146: {  	v1 =	vld [tilespmem:$0x3000]  }
0x147: {  	v7 =	vld [tilespmem:$0x3010]  }
0x148: {  	v9 =	vld [tilespmem:$0x3020]  }
0x149: {  	v5 =	vld [tilespmem:$0x3030]  }
0x14a: {  	v11 =	vld [tilespmem:$0x3040]  }
0x14b: {  	v4 =	vld [tilespmem:$0x33A0]  }
0x14c: {  	v12 =	vld [tilespmem:$0x3050]  }
0x14d: {  	v13 =	vld [tilespmem:$0x3060]  }
0x14e: {  	v14 =	vld [tilespmem:$0x3070]  }
0x14f: {  	v15 =	vld [tilespmem:$0x3080]  }
0x150: {  	[tilespmem:$0x1FF10] =	vst v4;
	v4 =	vld [tilespmem:$0x33B0]  }
0x151: {  	v19 =	vld [tilespmem:$0x3090]  }
0x152: {  	v22 =	vld [tilespmem:$0x30A0]  }
0x153: {  	v24 =	vld [tilespmem:$0x30B0]  }
0x154: {  	v25 =	vld [tilespmem:$0x30C0]  }
0x155: {  	[tilespmem:$0x1FF20] =	vst v4;
	v4 =	vld [tilespmem:$0x33C0]  }
0x156: {  	v26 =	vld [tilespmem:$0x30D0]  }
0x157: {  	v27 =	vld [tilespmem:$0x30E0]  }
0x158: {  	v28 =	vld [tilespmem:$0x30F0]  }
0x159: {  	v29 =	vld [tilespmem:$0x3100]  }
0x15a: {  	[tilespmem:$0x1FF30] =	vst v4;
	v4 =	vld [tilespmem:$0x33D0]  }
0x15b: {  	v31 =	vld [tilespmem:$0x3110]  }
0x15c: {  	v33 =	vld [tilespmem:$0x3120]  }
0x15d: {  	v34 =	vld [tilespmem:$0x3130]  }
0x15e: {  	v35 =	vld [tilespmem:$0x3140]  }
0x15f: {  	[tilespmem:$0x1FF40] =	vst v4;
	v4 =	vld [tilespmem:$0x33E0]  }
0x160: {  	v38 =	vld [tilespmem:$0x3150]  }
0x161: {  	v17 =	vld [tilespmem:$0x3160]  }
0x162: {  	v16 =	vld [tilespmem:$0x3170]  }
0x163: {  	v20 =	vld [tilespmem:$0x3180]  }
0x164: {  	[tilespmem:$0x1FF50] =	vst v4;
	v4 =	vld [tilespmem:$0x33F0]  }
0x165: {  	v18 =	vld [tilespmem:$0x3190]  }
0x166: {  	v21 =	vld [tilespmem:$0x31A0]  }
0x167: {  	v23 =	vld [tilespmem:$0x31B0]  }
0x168: {  	v30 =	vld [tilespmem:$0x31C0]  }
0x169: {  	[tilespmem:$0x1FF60] =	vst v4;
	v4 =	vld [tilespmem:$0x3400]  }
0x16a: {  	v32 =	vld [tilespmem:$0x31D0]  }
0x16b: {  	v36 =	vld [tilespmem:$0x31E0]  }
0x16c: {  	v37 =	vld [tilespmem:$0x31F0]  }
0x16d: {  	v39 =	vld [tilespmem:$0x3200]  }
0x16e: {  	[tilespmem:$0x1FF70] =	vst v4;
	v4 =	vld [tilespmem:$0x3410]  }
0x16f: {  	v40 =	vld [tilespmem:$0x3210]  }
0x170: {  	v41 =	vld [tilespmem:$0x3220]  }
0x171: {  	v43 =	vld [tilespmem:$0x3230]  }
0x172: {  	v46 =	vld [tilespmem:$0x3240]  }
0x173: {  	[tilespmem:$0x1FF80] =	vst v4;
	v4 =	vld [tilespmem:$0x3420]  }
0x174: {  	v48 =	vld [tilespmem:$0x3250]  }
0x175: {  	v51 =	vld [tilespmem:$0x3260]  }
0x176: {  	v63 =	vld [tilespmem:$0x3270]  }
0x177: {  	v49 =	vld [tilespmem:$0x3280]  }
0x178: {  	[tilespmem:$0x1FF90] =	vst v4;
	v4 =	vld [tilespmem:$0x3430]  }
0x179: {  	v62 =	vld [tilespmem:$0x3290]  }
0x17a: {  	v50 =	vld [tilespmem:$0x32A0]  }
0x17b: {  	v52 =	vld [tilespmem:$0x32B0]  }
0x17c: {  	v53 =	vld [tilespmem:$0x32C0]  }
0x17d: {  	[tilespmem:$0x1FFA0] =	vst v4;
	v4 =	vld [tilespmem:$0x3440]  }
0x17e: {  	v55 =	vld [tilespmem:$0x32D0]  }
0x17f: {  	v57 =	vld [tilespmem:$0x32E0]  }
0x180: {  	v61 =	vld [tilespmem:$0x32F0]  }
0x181: {  	v58 =	vld [tilespmem:$0x3300]  }
0x182: {  	[tilespmem:$0x1FFB0] =	vst v4;
	v4 =	vld [tilespmem:$0x3450]  }
0x183: {  	v60 =	vld [tilespmem:$0x3310];
	v0 =	vbroadcast v3, $0x0  }
0x184: {  	v59 =	vld [tilespmem:$0x3320]  }
0x185: {  	v56 =	vld [tilespmem:$0x3330];
	v2 =	vmul.f32 v1, v0  }
0x186: {  	v42 =	vld [tilespmem:$0x3380]  }
0x187: {  	[tilespmem:$0x1FFC0] =	vst v4;
	v4 =	vadd.f32 $0.0e+00, v2;
	v2 =	vld [tilespmem:$0x3460]  }
0x188: {  	v54 =	vld [tilespmem:$0x3340]  }
0x189: {  	v47 =	vld [tilespmem:$0x3350];
	v1 =	vbroadcast v3, $0x1  }
0x18a: {  	v44 =	vld [tilespmem:$0x3360];
	v7 =	vmul.f32 v7, v0  }
0x18b: {  	v45 =	vld [tilespmem:$0x3370];
	[tilespmem:$0x1FF00] =	vst v42;
	v11 =	vmul.f32 v11, v1  }
0x18c: {  	v42 =	vld [tilespmem:$0x3390];
	v9 =	vmul.f32 v9, v0;
	v12 =	vmul.f32 v12, v1;
	[tilespmem:$0x1FFD0] =	vst v2;
	v2 =	vadd.f32 $0.0e+00, v7  }
0x18d: {  	v5 =	vmul.f32 v5, v0;
	v0 =	vbroadcast v3, $0x2;
	v4 =	vadd.f32 v11, v4;
	v11 =	vld [tilespmem:$0x34B0]  }
0x18e: {  	v7 =	vld [tilespmem:$0x3470];
	v2 =	vadd.f32 v12, v2;
	v12 =	vmul.f32 v13, v1;
	v1 =	vmul.f32 v14, v1  }
0x18f: {  	v9 =	vadd.f32 $0.0e+00, v9;
	v13 =	vld [tilespmem:$0x34A0];
	v14 =	vmul.f32 v15, v0;
	v15 =	vmul.f32 v19, v0  }
0x190: {  	v5 =	vadd.f32 $0.0e+00, v5;
	v19 =	vmul.f32 v22, v0;
	v0 =	vmul.f32 v24, v0;
	v24 =	vld [tilespmem:$0x3510]  }
0x191: {  	v22 =	vbroadcast v3, $0x3;
	v9 =	vadd.f32 v12, v9;
	v12 =	vld [tilespmem:$0x34C0]  }
0x192: {  	v1 =	vadd.f32 v1, v5;
	v4 =	vadd.f32 v14, v4;
	v14 =	vld [tilespmem:$0x34D0]  }
0x193: {  	v2 =	vadd.f32 v15, v2;
	v15 =	vld [tilespmem:$0x34E0];
	v5 =	vadd.f32 v19, v9;
	v9 =	vmul.f32 v25, v22  }
0x194: {  	[tilespmem:$0x1FFE0] =	vst v7;
	v7 =	vld [tilespmem:$0x3480];
	v0 =	vadd.f32 v0, v1;
	v1 =	vmul.f32 v26, v22;
	v25 =	vbroadcast v3, $0x4  }
0x195: {  	v19 =	vld [tilespmem:$0x34F0];
	v26 =	vmul.f32 v28, v22;
	v4 =	vadd.f32 v9, v4  }
0x196: {  	v9 =	vmul.f32 v27, v22;
	v22 =	vld [tilespmem:$0x3500];
	v1 =	vadd.f32 v1, v2;
	v2 =	vmul.f32 v29, v25  }
0x197: {  	v28 =	vmul.f32 v31, v25;
	v33 =	vmul.f32 v33, v25;
	v27 =	vld [tilespmem:$0x3520]  }
0x198: {  	v29 =	vbroadcast v3, $0x5;
	v34 =	vmul.f32 v34, v25;
	v25 =	vld [tilespmem:$0x3530]  }
0x199: {  	v0 =	vadd.f32 v26, v0;
	v26 =	vld [tilespmem:$0x3540]  }
0x19a: {  	v31 =	vld [tilespmem:$0x3570];
	v5 =	vadd.f32 v9, v5;
	v2 =	vadd.f32 v2, v4;
	v9 =	vmul.f32 v35, v29  }
0x19b: {  	[tilespmem:$0x1FFF0] =	vst v7;
	v7 =	vld [tilespmem:$0x3490];
	v0 =	vadd.f32 v34, v0;
	v38 =	vmul.f32 v38, v29;
	v34 =	vbroadcast v3, $0x6  }
0x19c: {  	v1 =	vadd.f32 v28, v1;
	v28 =	vld [tilespmem:$0x3550];
	v35 =	vmul.f32 v17, v29;
	v16 =	vmul.f32 v16, v29  }
0x19d: {  	v29 =	vld [tilespmem:$0x3560];
	v5 =	vadd.f32 v33, v5;
	v2 =	vadd.f32 v9, v2;
	v4 =	vmul.f32 v20, v34  }
0x19e: {  	v1 =	vadd.f32 v38, v1;
	v17 =	vmul.f32 v18, v34;
	v38 =	vmul.f32 v21, v34;
	v33 =	vld [tilespmem:$0x3580]  }
0x19f: {  	v18 =	vbroadcast v3, $0x7;
	v0 =	vadd.f32 v16, v0;
	v16 =	vmul.f32 v23, v34;
	v34 =	vld [tilespmem:$0x3590]  }
0x1a0: {  	v5 =	vadd.f32 v35, v5;
	v2 =	vadd.f32 v4, v2;
	v35 =	vld [tilespmem:$0x35B0]  }
0x1a1: {  	v0 =	vadd.f32 v16, v0;
	v16 =	vbroadcast v3, $0x8;
	v23 =	vmul.f32 v36, v18;
	v36 =	vld [tilespmem:$0x35C0]  }
0x1a2: {  	v20 =	vmul.f32 v30, v18;
	v21 =	vmul.f32 v32, v18;
	v5 =	vadd.f32 v38, v5;
	v38 =	vld [tilespmem:$0x35A0]  }
0x1a3: {  	v1 =	vadd.f32 v17, v1;
	v17 =	vmul.f32 v37, v18;
	v4 =	vmul.f32 v39, v16;
	v39 =	vld [tilespmem:$0x35D0]  }
0x1a4: {  	v37 =	vbroadcast v3, $0x9;
	v30 =	vmul.f32 v40, v16;
	v40 =	vld [tilespmem:$0x35E0]  }
0x1a5: {  	v0 =	vadd.f32 v17, v0;
	v17 =	vmul.f32 v43, v16;
	v43 =	vld [tilespmem:$0x35F0]  }
0x1a6: {  	v1 =	vadd.f32 v21, v1;
	v21 =	vmul.f32 v46, v37;
	v46 =	vld [tilespmem:$0x3600]  }
0x1a7: {  	v2 =	vadd.f32 v20, v2;
	v32 =	vmul.f32 v41, v16;
	v20 =	vld [tilespmem:$0x3740]  }
0x1a8: {  	v16 =	vbroadcast v3, $0xA;
	v5 =	vadd.f32 v23, v5;
	v23 =	vmul.f32 v48, v37;
	v48 =	vld [tilespmem:$0x3610]  }
0x1a9: {  	v1 =	vadd.f32 v30, v1;
	v30 =	vmul.f32 v51, v37;
	v51 =	vld [tilespmem:$0x3620]  }
0x1aa: {  	v0 =	vadd.f32 v17, v0;
	v41 =	vmul.f32 v62, v16;
	v62 =	vmul.f32 v50, v16;
	v50 =	vld [tilespmem:$0x3640]  }
0x1ab: {  	v17 =	vmul.f32 v52, v16;
	v52 =	vld [tilespmem:$0x3650];
	v5 =	vadd.f32 v32, v5;
	v32 =	vmul.f32 v63, v37  }
0x1ac: {  	v2 =	vadd.f32 v4, v2;
	v37 =	vmul.f32 v49, v16;
	v49 =	vld [tilespmem:$0x3630];
	v63 =	vbroadcast v3, $0xB  }
0x1ad: {  	v16 =	vld [tilespmem:$0x3760]  }
0x1ae: {  	v2 =	vadd.f32 v21, v2;
	v1 =	vadd.f32 v23, v1;
	v21 =	vmul.f32 v53, v63;
	v53 =	vld [tilespmem:$0x3660]  }
0x1af: {  	v5 =	vadd.f32 v30, v5;
	v23 =	vmul.f32 v55, v63;
	v30 =	vbroadcast v3, $0xC;
	v55 =	vld [tilespmem:$0x3670]  }
0x1b0: {  	v0 =	vadd.f32 v32, v0;
	v2 =	vadd.f32 v37, v2;
	v32 =	vmul.f32 v57, v63;
	v57 =	vld [tilespmem:$0x3680]  }
0x1b1: {  	v1 =	vadd.f32 v41, v1;
	v37 =	vmul.f32 v61, v63;
	v41 =	vmul.f32 v58, v30;
	v58 =	vld [tilespmem:$0x3690]  }
0x1b2: {  	v63 =	vbroadcast v3, $0xD;
	v5 =	vadd.f32 v62, v5;
	v62 =	vmul.f32 v59, v30;
	v59 =	vld [tilespmem:$0x36A0]  }
0x1b3: {  	v0 =	vadd.f32 v17, v0;
	v17 =	vmul.f32 v56, v30;
	v56 =	vld [tilespmem:$0x36B0]  }
0x1b4: {  	v2 =	vadd.f32 v21, v2;
	v21 =	vmul.f32 v54, v63;
	v54 =	vld [tilespmem:$0x36C0]  }
0x1b5: {  	v1 =	vadd.f32 v23, v1;
	v23 =	vmul.f32 v47, v63;
	v47 =	vld [tilespmem:$0x36D0]  }
0x1b6: {  	v61 =	vmul.f32 v60, v30;
	v60 =	vld [tilespmem:$0x1FF00];
	v5 =	vadd.f32 v32, v5;
	v0 =	vadd.f32 v37, v0  }
0x1b7: {  	v30 =	vbroadcast v3, $0xE;
	v32 =	vmul.f32 v44, v63;
	v44 =	vld [tilespmem:$0x36E0]  }
0x1b8: {  	v37 =	vmul.f32 v45, v63;
	v5 =	vadd.f32 v62, v5;
	v0 =	vadd.f32 v17, v0;
	v62 =	vld [tilespmem:$0x1FF10]  }
0x1b9: {  	v1 =	vadd.f32 v61, v1;
	v61 =	vmul.f32 v42, v30;
	v42 =	vld [tilespmem:$0x1FF40]  }
0x1ba: {  	v0 =	vadd.f32 v37, v0;
	v37 =	vld [tilespmem:$0x1FF30]  }
0x1bb: {  	v2 =	vadd.f32 v41, v2;
	v5 =	vadd.f32 v32, v5;
	v32 =	vld [tilespmem:$0x1FF20]  }
0x1bc: {  	v63 =	vbroadcast v3, $0xF;
	v45 =	vld [tilespmem:$0x1FF50];
	v1 =	vadd.f32 v23, v1  }
0x1bd: {  	v2 =	vadd.f32 v21, v2;
	v4 =	vmul.f32 v60, v30;
	v60 =	vld [tilespmem:$0x1FF60];
	v9 =	vmul.f32 v62, v30  }
0x1be: {  	v1 =	vadd.f32 v61, v1;
	v62 =	vld [tilespmem:$0x1FF80]  }
0x1bf: {  	v61 =	vld [tilespmem:$0x1FF70];
	v2 =	vadd.f32 v4, v2;
	v5 =	vadd.f32 v9, v5;
	v9 =	vmul.f32 v37, v63  }
0x1c0: {  	v41 =	vld [tilespmem:$0x36F0];
	v4 =	vmul.f32 v32, v30  }
0x1c1: {  	v18 =	vbroadcast v6, $0x0;
	v2 =	vadd.f32 v9, v2;
	v9 =	vmul.f32 v45, v63;
	v45 =	vld [tilespmem:$0x1FF90]  }
0x1c2: {  	v3 =	vld [tilespmem:$0x3700];
	v0 =	vadd.f32 v4, v0;
	v4 =	vmul.f32 v42, v63  }
0x1c3: {  	v21 =	vmul.f32 v60, v63;
	v63 =	vmul.f32 v62, v18;
	v62 =	vld [tilespmem:$0x1FFB0]  }
0x1c4: {  	v1 =	vadd.f32 v4, v1;
	v4 =	vmul.f32 v61, v18;
	v61 =	vld [tilespmem:$0x1FFA0]  }
0x1c5: {  	v23 =	vld [tilespmem:$0x3730]  }
0x1c6: {  	v17 =	vld [tilespmem:$0x3750];
	v5 =	vadd.f32 v9, v5;
	v60 =	vmul.f32 v45, v18  }
0x1c7: {  	v32 =	vld [tilespmem:$0x3710];
	v0 =	vadd.f32 v21, v0;
	v45 =	vbroadcast v6, $0x1  }
0x1c8: {  	v2 =	vadd.f32 v4, v2;
	v5 =	vadd.f32 v60, v5;
	v60 =	vld [tilespmem:$0x1FFC0]  }
0x1c9: {  	v21 =	vadd.f32 v63, v1;
	v4 =	vmul.f32 v61, v18;
	v63 =	vmul.f32 v62, v45;
	v61 =	vld [tilespmem:$0x1FFD0]  }
0x1ca: {  	v62 =	vld [tilespmem:$0x1FFE0]  }
0x1cb: {  	v42 =	vbroadcast v6, $0x2;
	v2 =	vadd.f32 v63, v2;
	v63 =	vld [tilespmem:$0x1FFF0]  }
0x1cc: {  	v30 =	vld [tilespmem:$0x3720]  }
0x1cd: {  	v9 =	vld [tilespmem:$0x3770];
	v13 =	vmul.f32 v13, v42  }
0x1ce: {  	v11 =	vmul.f32 v11, v42;
	v1 =	vld [tilespmem:$0x3780];
	v37 =	vadd.f32 v4, v0;
	v0 =	vmul.f32 v60, v45  }
0x1cf: {  	v18 =	vld [tilespmem:$0x37A0];
	v60 =	vmul.f32 v61, v45;
	v45 =	vmul.f32 v62, v45  }
0x1d0: {  	v4 =	vld [tilespmem:$0x3790];
	v62 =	vmul.f32 v7, v42;
	v61 =	vmul.f32 v63, v42  }
0x1d1: {  	v7 =	vld [tilespmem:$0x37C0];
	v21 =	vadd.f32 v0, v21;
	v5 =	vadd.f32 v60, v5;
	v60 =	vbroadcast v6, $0x3  }
0x1d2: {  	v0 =	vld [tilespmem:$0x37B0];
	v37 =	vadd.f32 v45, v37;
	v63 =	vbroadcast v6, $0x5;
	v61 =	vadd.f32 v61, v2  }
0x1d3: {  	v2 =	vld [tilespmem:$0x37D0];
	v42 =	vadd.f32 v13, v5;
	v12 =	vmul.f32 v12, v60;
	v13 =	vmul.f32 v14, v60  }
0x1d4: {  	v21 =	vadd.f32 v62, v21;
	v5 =	vld [tilespmem:$0x37E0];
	v14 =	vbroadcast v6, $0x4;
	v15 =	vmul.f32 v15, v60  }
0x1d5: {  	v37 =	vadd.f32 v11, v37;
	v11 =	vld [tilespmem:$0x37F0];
	v60 =	vmul.f32 v19, v60;
	v26 =	vmul.f32 v26, v63  }
0x1d6: {  	v19 =	vld [tilespmem:$0x3820];
	v29 =	vmul.f32 v29, v63;
	v31 =	vmul.f32 v31, v63  }
0x1d7: {  	v45 =	vadd.f32 v12, v61;
	v12 =	vld [tilespmem:$0x3800];
	v21 =	vadd.f32 v13, v21;
	v22 =	vmul.f32 v22, v14  }
0x1d8: {  	v24 =	vmul.f32 v24, v14;
	v13 =	vld [tilespmem:$0x3810];
	v15 =	vadd.f32 v15, v42;
	v27 =	vmul.f32 v27, v14  }
0x1d9: {  	v37 =	vadd.f32 v60, v37;
	v25 =	vmul.f32 v25, v14;
	v14 =	vld [tilespmem:$0x3830];
	v60 =	vbroadcast v6, $0x6  }
0x1da: {  	v22 =	vadd.f32 v22, v45;
	v27 =	vadd.f32 v27, v15;
	v15 =	vld [tilespmem:$0x3840];
	v45 =	vmul.f32 v28, v63  }
0x1db: {  	v24 =	vadd.f32 v24, v21;
	v21 =	vld [tilespmem:$0x3850];
	v33 =	vmul.f32 v33, v60;
	v34 =	vmul.f32 v34, v60  }
0x1dc: {  	v37 =	vadd.f32 v25, v37;
	v62 =	vmul.f32 v38, v60;
	v63 =	vbroadcast v6, $0x7;
	v25 =	vld [tilespmem:$0x3880]  }
0x1dd: {  	v28 =	vmul.f32 v35, v60;
	v26 =	vadd.f32 v26, v22;
	v22 =	vld [tilespmem:$0x3860];
	v61 =	vadd.f32 v45, v24  }
0x1de: {  	v24 =	vld [tilespmem:$0x3870];
	v27 =	vadd.f32 v29, v27;
	v36 =	vmul.f32 v36, v63;
	v60 =	vmul.f32 v39, v63  }
0x1df: {  	v31 =	vadd.f32 v31, v37;
	v29 =	vld [tilespmem:$0x38A0];
	v39 =	vbroadcast v6, $0x8;
	v38 =	vmul.f32 v43, v63  }
0x1e0: {  	v43 =	vbroadcast v6, $0xA;
	v33 =	vadd.f32 v33, v26;
	v26 =	vld [tilespmem:$0x3890];
	v34 =	vadd.f32 v34, v61  }
0x1e1: {  	v45 =	vadd.f32 v62, v27;
	v37 =	vadd.f32 v28, v31;
	v27 =	vld [tilespmem:$0x38B0];
	v61 =	vmul.f32 v40, v63  }
0x1e2: {  	v28 =	vld [tilespmem:$0x38C0];
	v63 =	vmul.f32 v46, v39;
	v51 =	vmul.f32 v51, v39;
	v36 =	vadd.f32 v36, v33  }
0x1e3: {  	v31 =	vld [tilespmem:$0x38D0];
	v62 =	vadd.f32 v60, v34;
	v35 =	vadd.f32 v61, v45;
	v60 =	vbroadcast v6, $0x9  }
0x1e4: {  	v48 =	vmul.f32 v48, v39;
	v46 =	vld [tilespmem:$0x3910];
	v61 =	vmul.f32 v49, v39  }
0x1e5: {  	v33 =	vld [tilespmem:$0x38E0];
	v36 =	vadd.f32 v63, v36;
	v63 =	vadd.f32 v51, v35;
	v51 =	vmul.f32 v50, v60  }
0x1e6: {  	v37 =	vadd.f32 v38, v37;
	v34 =	vld [tilespmem:$0x38F0];
	v52 =	vmul.f32 v52, v60;
	v53 =	vmul.f32 v53, v60  }
0x1e7: {  	v49 =	vld [tilespmem:$0x3970];
	v62 =	vadd.f32 v48, v62;
	v45 =	vmul.f32 v55, v60;
	v60 =	vmul.f32 v57, v43  }
0x1e8: {  	v39 =	vld [tilespmem:$0x3990];
	v37 =	vadd.f32 v61, v37;
	v61 =	vmul.f32 v58, v43;
	v57 =	vmul.f32 v56, v43  }
0x1e9: {  	v35 =	vld [tilespmem:$0x3900];
	v36 =	vadd.f32 v51, v36;
	v40 =	vadd.f32 v53, v63;
	v63 =	vbroadcast v6, $0xB  }
0x1ea: {  	v48 =	vld [tilespmem:$0x3920];
	v38 =	vadd.f32 v52, v62;
	v62 =	vmul.f32 v59, v43;
	v53 =	vbroadcast v8, $0x1  }
0x1eb: {  	v50 =	vld [tilespmem:$0x3930];
	v36 =	vadd.f32 v60, v36;
	v58 =	vmul.f32 v54, v63;
	v59 =	vmul.f32 v47, v63  }
0x1ec: {  	v52 =	vld [tilespmem:$0x3940];
	v38 =	vadd.f32 v61, v38;
	v60 =	vbroadcast v6, $0xC;
	v61 =	vmul.f32 v44, v63  }
0x1ed: {  	v43 =	vld [tilespmem:$0x3950];
	v40 =	vadd.f32 v62, v40;
	v41 =	vmul.f32 v41, v63;
	v62 =	vbroadcast v6, $0xD  }
0x1ee: {  	v37 =	vadd.f32 v45, v37;
	v45 =	vld [tilespmem:$0x3960];
	v63 =	vbroadcast v6, $0xE;
	v6 =	vbroadcast v6, $0xF  }
0x1ef: {  	v51 =	vld [tilespmem:$0x39A0];
	v55 =	vmul.f32 v15, v53;
	v56 =	vmul.f32 v21, v53  }
0x1f0: {  	v37 =	vadd.f32 v57, v37;
	v44 =	vld [tilespmem:$0x3980];
	v57 =	vbroadcast v8, $0x2;
	v3 =	vmul.f32 v3, v60  }
0x1f1: {  	v15 =	vld [tilespmem:$0x3AE0];
	v32 =	vmul.f32 v32, v60;
	v30 =	vmul.f32 v30, v60  }
0x1f2: {  	v21 =	vld [tilespmem:$0x3B30];
	v7 =	vmul.f32 v7, v6;
	v2 =	vmul.f32 v2, v6  }
0x1f3: {  	v5 =	vmul.f32 v5, v6;
	v6 =	vmul.f32 v11, v6;
	v11 =	vld [tilespmem:$0x3A80]  }
0x1f4: {  	v36 =	vadd.f32 v58, v36;
	v23 =	vmul.f32 v23, v60;
	v58 =	vmul.f32 v22, v53;
	v22 =	vld [tilespmem:$0x3AB0]  }
0x1f5: {  	v38 =	vadd.f32 v59, v38;
	v20 =	vmul.f32 v20, v62;
	v59 =	vmul.f32 v24, v53;
	v24 =	vld [tilespmem:$0x3AC0]  }
0x1f6: {  	v40 =	vadd.f32 v61, v40;
	v17 =	vmul.f32 v17, v62;
	v60 =	vmul.f32 v25, v57;
	v25 =	vld [tilespmem:$0x3AF0]  }
0x1f7: {  	v37 =	vadd.f32 v41, v37;
	v1 =	vmul.f32 v1, v63;
	v61 =	vmul.f32 v26, v57;
	v26 =	vld [tilespmem:$0x3B00]  }
0x1f8: {  	v4 =	vmul.f32 v4, v63;
	v18 =	vmul.f32 v18, v63;
	v3 =	vadd.f32 v3, v36;
	v36 =	vld [tilespmem:$0x39B0]  }
0x1f9: {  	v0 =	vmul.f32 v0, v63;
	v63 =	vbroadcast v8, $0x3;
	v32 =	vadd.f32 v32, v38;
	v38 =	vld [tilespmem:$0x39C0]  }
0x1fa: {  	v16 =	vmul.f32 v16, v62;
	v9 =	vmul.f32 v9, v62;
	v30 =	vadd.f32 v30, v40;
	v40 =	vld [tilespmem:$0x39D0]  }
0x1fb: {  	v62 =	vmul.f32 v29, v57;
	v29 =	vmul.f32 v28, v63;
	v28 =	vld [tilespmem:$0x3B10]  }
0x1fc: {  	v23 =	vadd.f32 v23, v37;
	v37 =	vbroadcast v8, $0x0;
	v3 =	vadd.f32 v20, v3;
	v20 =	vld [tilespmem:$0x39E0]  }
0x1fd: {  	v27 =	vmul.f32 v27, v57;
	v17 =	vadd.f32 v17, v32;
	v32 =	vld [tilespmem:$0x39F0]  }
0x1fe: {  	v31 =	vmul.f32 v31, v63;
	v16 =	vadd.f32 v16, v30;
	v30 =	vld [tilespmem:$0x3A00];
	v41 =	vmul.f32 v12, v37  }
0x1ff: {  	v9 =	vadd.f32 v9, v23;
	v42 =	vmul.f32 v13, v37;
	v12 =	vld [tilespmem:$0x3A50];
	v47 =	vmul.f32 v19, v37  }
0x200: {  	v19 =	vld [tilespmem:$0x3A60];
	v54 =	vmul.f32 v14, v37;
	v1 =	vadd.f32 v1, v3;
	v4 =	vadd.f32 v4, v17  }
0x201: {  	v14 =	vld [tilespmem:$0x3A90];
	v37 =	vbroadcast v8, $0x4;
	v16 =	vadd.f32 v18, v16;
	v0 =	vadd.f32 v0, v9  }
0x202: {  	v13 =	vld [tilespmem:$0x3AD0];
	v23 =	vmul.f32 v34, v63;
	v1 =	vadd.f32 v7, v1;
	v2 =	vadd.f32 v2, v4  }
0x203: {  	v34 =	vld [tilespmem:$0x3B60];
	v53 =	vmul.f32 v48, v37;
	v5 =	vadd.f32 v5, v16;
	v0 =	vadd.f32 v6, v0  }
0x204: {  	v3 =	vld [tilespmem:$0x3A10];
	v1 =	vadd.f32 v41, v1;
	v2 =	vadd.f32 v42, v2;
	v41 =	vmul.f32 v33, v63  }
0x205: {  	v17 =	vld [tilespmem:$0x3A20];
	v5 =	vadd.f32 v47, v5;
	v42 =	vmul.f32 v35, v37;
	v47 =	vmul.f32 v46, v37  }
0x206: {  	v18 =	vld [tilespmem:$0x3A30];
	v0 =	vadd.f32 v54, v0;
	v54 =	vbroadcast v8, $0x5;
	v63 =	vbroadcast v8, $0x7  }
0x207: {  	v9 =	vld [tilespmem:$0x3C60];
	v1 =	vadd.f32 v55, v1;
	v2 =	vadd.f32 v56, v2;
	v55 =	vmul.f32 v50, v37  }
0x208: {  	v7 =	vld [tilespmem:$0x3A40];
	v5 =	vadd.f32 v58, v5;
	v56 =	vmul.f32 v52, v54;
	v57 =	vmul.f32 v43, v54  }
0x209: {  	v6 =	vld [tilespmem:$0x3A70];
	v0 =	vadd.f32 v59, v0;
	v58 =	vbroadcast v8, $0x6;
	v59 =	vmul.f32 v45, v54  }
0x20a: {  	v16 =	vld [tilespmem:$0x3AA0];
	v43 =	vmul.f32 v40, v63;
	v45 =	vmul.f32 v20, v63  }
0x20b: {  	v33 =	vld [tilespmem:$0x3B50];
	v46 =	vmul.f32 v32, v63;
	v1 =	vadd.f32 v60, v1;
	v2 =	vadd.f32 v61, v2  }
0x20c: {  	v37 =	vld [tilespmem:$0x3B70];
	v5 =	vadd.f32 v62, v5;
	v60 =	vmul.f32 v44, v58;
	v61 =	vmul.f32 v39, v58  }
0x20d: {  	v32 =	vld [tilespmem:$0x3BC0];
	v0 =	vadd.f32 v27, v0;
	v62 =	vmul.f32 v51, v58;
	v44 =	vbroadcast v8, $0x8  }
0x20e: {  	v20 =	vld [tilespmem:$0x3D10];
	v36 =	vmul.f32 v36, v58;
	v1 =	vadd.f32 v29, v1;
	v2 =	vadd.f32 v31, v2  }
0x20f: {  	v27 =	vld [tilespmem:$0x3B90];
	v5 =	vadd.f32 v41, v5;
	v29 =	vmul.f32 v49, v54;
	v3 =	vmul.f32 v3, v44  }
0x210: {  	v31 =	vld [tilespmem:$0x3B20];
	v0 =	vadd.f32 v23, v0;
	v48 =	vmul.f32 v17, v44;
	v49 =	vbroadcast v8, $0x9  }
0x211: {  	v23 =	vld [tilespmem:$0x3B40];
	v50 =	vmul.f32 v18, v44;
	v54 =	vbroadcast v8, $0xA;
	v1 =	vadd.f32 v42, v1  }
0x212: {  	v41 =	vld [tilespmem:$0x3B80];
	v2 =	vadd.f32 v47, v2;
	v42 =	vmul.f32 v38, v63;
	v47 =	vmul.f32 v30, v44  }
0x213: {  	v18 =	vld [tilespmem:$0x3BF0];
	v5 =	vadd.f32 v53, v5;
	v52 =	vmul.f32 v7, v49;
	v53 =	vmul.f32 v12, v49  }
0x214: {  	v17 =	vld [tilespmem:$0x3C20];
	v0 =	vadd.f32 v55, v0;
	v55 =	vmul.f32 v19, v49;
	v6 =	vmul.f32 v6, v49  }
0x215: {  	v30 =	vld [tilespmem:$0x3BD0];
	v58 =	vmul.f32 v16, v54;
	v63 =	vbroadcast v8, $0xC  }
0x216: {  	v38 =	vld [tilespmem:$0x3BE0];
	v44 =	vbroadcast v8, $0xD;
	v49 =	vbroadcast v8, $0xE;
	v1 =	vadd.f32 v56, v1  }
0x217: {  	v7 =	vld [tilespmem:$0x3C00];
	v2 =	vadd.f32 v57, v2;
	v5 =	vadd.f32 v59, v5;
	v56 =	vmul.f32 v11, v54  }
0x218: {  	v12 =	vld [tilespmem:$0x3C10];
	v0 =	vadd.f32 v29, v0;
	v57 =	vmul.f32 v14, v54;
	v59 =	vbroadcast v8, $0xB  }
0x219: {  	v19 =	vld [tilespmem:$0x3C40];
	v40 =	vmul.f32 v26, v63;
	v8 =	vbroadcast v8, $0xF;
	v1 =	vadd.f32 v60, v1  }
0x21a: {  	v16 =	vld [tilespmem:$0x3C80];
	v2 =	vadd.f32 v61, v2;
	v5 =	vadd.f32 v62, v5;
	v60 =	vmul.f32 v22, v54  }
0x21b: {  	v29 =	vld [tilespmem:$0x3BA0];
	v0 =	vadd.f32 v36, v0;
	v61 =	vmul.f32 v24, v59;
	v62 =	vmul.f32 v13, v59  }
0x21c: {  	v14 =	vld [tilespmem:$0x3C30];
	v35 =	vmul.f32 v15, v59;
	v39 =	vmul.f32 v25, v59;
	v1 =	vadd.f32 v42, v1  }
0x21d: {  	v11 =	vld [tilespmem:$0x3CB0];
	v59 =	vmul.f32 v38, v8;
	v2 =	vadd.f32 v43, v2;
	v5 =	vadd.f32 v45, v5  }
0x21e: {  	v36 =	vld [tilespmem:$0x3BB0];
	v0 =	vadd.f32 v46, v0;
	v42 =	vmul.f32 v28, v63;
	v43 =	vmul.f32 v31, v63  }
0x21f: {  	v13 =	vld [tilespmem:$0x3C70];
	v46 =	vmul.f32 v21, v63;
	v63 =	vbroadcast v10, $0x1;
	v1 =	vadd.f32 v47, v1  }
0x220: {  	v22 =	vld [tilespmem:$0x3C90];
	v54 =	vmul.f32 v29, v49;
	v2 =	vadd.f32 v3, v2;
	v51 =	vadd.f32 v48, v5  }
0x221: {  	v15 =	vld [tilespmem:$0x3CC0];
	v0 =	vadd.f32 v50, v0;
	v47 =	vmul.f32 v23, v44;
	v48 =	vmul.f32 v33, v44  }
0x222: {  	v24 =	vld [tilespmem:$0x3CE0];
	v50 =	vmul.f32 v34, v44;
	v34 =	vmul.f32 v19, v63;
	v1 =	vadd.f32 v52, v1  }
0x223: {  	v45 =	vld [tilespmem:$0x3CA0];
	v2 =	vadd.f32 v53, v2;
	v3 =	vadd.f32 v55, v51;
	v51 =	vmul.f32 v37, v44  }
0x224: {  	v25 =	vld [tilespmem:$0x3E30];
	v0 =	vadd.f32 v6, v0;
	v52 =	vmul.f32 v41, v49;
	v53 =	vmul.f32 v27, v49  }
0x225: {  	v38 =	vld [tilespmem:$0x3D90];
	v55 =	vmul.f32 v36, v49;
	v37 =	vbroadcast v10, $0x2;
	v1 =	vadd.f32 v56, v1  }
0x226: {  	v21 =	vld [tilespmem:$0x3CD0];
	v2 =	vadd.f32 v57, v2;
	v3 =	vadd.f32 v58, v3;
	v56 =	vmul.f32 v32, v8  }
0x227: {  	v6 =	vld [tilespmem:$0x3C50];
	v0 =	vadd.f32 v60, v0;
	v57 =	vmul.f32 v30, v8;
	v58 =	vbroadcast v10, $0x0  }
0x228: {  	v28 =	vld [tilespmem:$0x3D00];
	v8 =	vmul.f32 v18, v8;
	v45 =	vmul.f32 v45, v37;
	v1 =	vadd.f32 v61, v1  }
0x229: {  	v31 =	vld [tilespmem:$0x3E50];
	v2 =	vadd.f32 v62, v2;
	v3 =	vadd.f32 v35, v3;
	v60 =	vmul.f32 v7, v58  }
0x22a: {  	v29 =	vld [tilespmem:$0x3D30];
	v0 =	vadd.f32 v39, v0;
	v61 =	vmul.f32 v12, v58;
	v62 =	vmul.f32 v17, v58  }
0x22b: {  	v23 =	vld [tilespmem:$0x3D20];
	v32 =	vmul.f32 v14, v58;
	v39 =	vmul.f32 v9, v63;
	v1 =	vadd.f32 v40, v1  }
0x22c: {  	v33 =	vld [tilespmem:$0x3D70];
	v36 =	vmul.f32 v6, v63;
	v2 =	vadd.f32 v42, v2;
	v3 =	vadd.f32 v43, v3  }
0x22d: {  	v27 =	vld [tilespmem:$0x3CF0];
	v0 =	vadd.f32 v46, v0;
	v40 =	vmul.f32 v13, v63;
	v42 =	vmul.f32 v16, v37  }
0x22e: {  	v41 =	vld [tilespmem:$0x3DA0];
	v46 =	vbroadcast v10, $0x3;
	v1 =	vadd.f32 v47, v1;
	v2 =	vadd.f32 v48, v2  }
0x22f: {  	v44 =	vld [tilespmem:$0x3DB0];
	v43 =	vmul.f32 v22, v37;
	v3 =	vadd.f32 v50, v3;
	v0 =	vadd.f32 v51, v0  }
0x230: {  	v49 =	vld [tilespmem:$0x3DD0];
	v48 =	vmul.f32 v11, v37;
	v50 =	vmul.f32 v15, v46;
	v1 =	vadd.f32 v52, v1  }
0x231: {  	v18 =	vld [tilespmem:$0x3D40];
	v2 =	vadd.f32 v53, v2;
	v3 =	vadd.f32 v54, v3;
	v52 =	vmul.f32 v21, v46  }
0x232: {  	v30 =	vld [tilespmem:$0x3D60];
	v0 =	vadd.f32 v55, v0;
	v53 =	vbroadcast v10, $0x4;
	v55 =	vmul.f32 v24, v46  }
0x233: {  	v12 =	vld [tilespmem:$0x3D50];
	v1 =	vadd.f32 v56, v1;
	v2 =	vadd.f32 v57, v2;
	v56 =	vmul.f32 v27, v46  }
0x234: {  	v35 =	vld [tilespmem:$0x3D80];
	v3 =	vadd.f32 v59, v3;
	v58 =	vmul.f32 v28, v53;
	v20 =	vmul.f32 v20, v53  }
0x235: {  	v47 =	vld [tilespmem:$0x3DC0];
	v0 =	vadd.f32 v8, v0;
	v63 =	vmul.f32 v29, v53;
	v29 =	vbroadcast v10, $0x6  }
0x236: {  	v51 =	vld [tilespmem:$0x3DE0];
	v1 =	vadd.f32 v60, v1;
	v2 =	vadd.f32 v61, v2;
	v61 =	vbroadcast v10, $0x5  }
0x237: {  	v54 =	vld [tilespmem:$0x3DF0];
	v3 =	vadd.f32 v62, v3;
	v0 =	vadd.f32 v32, v0;
	v60 =	vmul.f32 v23, v53  }
0x238: {  	v57 =	vld [tilespmem:$0x3E00];
	v37 =	vmul.f32 v41, v29;
	v1 =	vadd.f32 v34, v1;
	v26 =	vmul.f32 v18, v61  }
0x239: {  	v59 =	vld [tilespmem:$0x3E10];
	v2 =	vadd.f32 v36, v2;
	v28 =	vmul.f32 v12, v61;
	v32 =	vmul.f32 v30, v61  }
0x23a: {  	v27 =	vld [tilespmem:$0x3E40];
	v3 =	vadd.f32 v39, v3;
	v8 =	vmul.f32 v33, v61;
	v34 =	vmul.f32 v35, v29  }
0x23b: {  	v46 =	vld [tilespmem:$0x3EB0];
	v0 =	vadd.f32 v40, v0;
	v35 =	vmul.f32 v38, v29;
	v38 =	vbroadcast v10, $0x7  }
0x23c: {  	v62 =	vld [tilespmem:$0x3E20];
	v40 =	vmul.f32 v44, v29;
	v61 =	vbroadcast v10, $0xA;
	v1 =	vadd.f32 v42, v1  }
0x23d: {  	v36 =	vld [tilespmem:$0x3E70];
	v2 =	vadd.f32 v43, v2;
	v42 =	vmul.f32 v47, v38;
	v44 =	vmul.f32 v49, v38  }
0x23e: {  	v39 =	vld [tilespmem:$0x3E80];
	v3 =	vadd.f32 v45, v3;
	v45 =	vbroadcast v10, $0x8;
	v47 =	vmul.f32 v51, v38  }
0x23f: {  	v41 =	vld [tilespmem:$0x3E90];
	v0 =	vadd.f32 v48, v0;
	v48 =	vmul.f32 v54, v38;
	v54 =	vbroadcast v10, $0x9  }
0x240: {  	v33 =	vld [tilespmem:$0x3E60];
	v29 =	vmul.f32 v46, v61;
	v1 =	vadd.f32 v50, v1;
	v2 =	vadd.f32 v52, v2  }
0x241: {  	v43 =	vld [tilespmem:$0x3EA0];
	v3 =	vadd.f32 v55, v3;
	v50 =	vmul.f32 v57, v45;
	v51 =	vmul.f32 v59, v45  }
0x242: {  	v49 =	vld [tilespmem:$0x3EC0];
	v0 =	vadd.f32 v56, v0;
	v53 =	vmul.f32 v62, v45;
	v56 =	vmul.f32 v25, v45  }
0x243: {  	v52 =	vld [tilespmem:$0x3ED0];
	v14 =	vmul.f32 v36, v54;
	v24 =	vmul.f32 v39, v61;
	v1 =	vadd.f32 v58, v1  }
0x244: {  	v55 =	vld [tilespmem:$0x3EE0];
	v2 =	vadd.f32 v20, v2;
	v3 =	vadd.f32 v60, v3;
	v58 =	vmul.f32 v27, v54  }
0x245: {  	v57 =	vld [tilespmem:$0x3EF0];
	v0 =	vadd.f32 v63, v0;
	v60 =	vmul.f32 v31, v54;
	v63 =	vmul.f32 v33, v54  }
0x246: {  	v27 =	vbroadcast v10, $0xB;
	v1 =	vadd.f32 v26, v1;
	v2 =	vadd.f32 v28, v2  }
0x247: {  	v22 =	vld [tilespmem:$0x3F20];
	v0 =	vadd.f32 v8, v0;
	v8 =	vmul.f32 v41, v61;
	v26 =	vmul.f32 v43, v61  }
0x248: {  	v59 =	vld [tilespmem:$0x3F00];
	v3 =	vadd.f32 v32, v3;
	v31 =	vmul.f32 v49, v27;
	v49 =	vbroadcast v10, $0xE  }
0x249: {  	v62 =	vld [tilespmem:$0x3F10];
	v33 =	vmul.f32 v52, v27;
	v36 =	vmul.f32 v55, v27;
	v1 =	vadd.f32 v34, v1  }
0x24a: {  	v6 =	vmul.f32 v57, v27;
	v2 =	vadd.f32 v35, v2;
	v3 =	vadd.f32 v37, v3  }
0x24b: {  	v25 =	vld [tilespmem:$0x3F30];
	v0 =	vadd.f32 v40, v0;
	v34 =	vbroadcast v10, $0xC;
	v1 =	vadd.f32 v42, v1  }
0x24c: {  	v28 =	vld [tilespmem:$0x3F40];
	v55 =	vbroadcast v10, $0xF;
	v2 =	vadd.f32 v44, v2;
	v3 =	vadd.f32 v47, v3  }
0x24d: {  	v30 =	vld [tilespmem:$0x3F50];
	v0 =	vadd.f32 v48, v0;
	v38 =	vmul.f32 v59, v34;
	v1 =	vadd.f32 v50, v1  }
0x24e: {  	v32 =	vld [tilespmem:$0x3F60];
	v39 =	vmul.f32 v62, v34;
	v41 =	vmul.f32 v22, v34;
	v2 =	vadd.f32 v51, v2  }
0x24f: {  	v35 =	vld [tilespmem:$0x3F70];
	v42 =	vbroadcast v10, $0xD;
	v3 =	vadd.f32 v53, v3;
	v1 =	vadd.f32 v58, v1  }
0x250: {  	v37 =	vld [tilespmem:$0x3F80];
	v44 =	vmul.f32 v25, v34;
	v0 =	vadd.f32 v56, v0;
	v2 =	vadd.f32 v60, v2  }
0x251: {  	v40 =	vld [tilespmem:$0x3F90];
	v46 =	vmul.f32 v28, v42;
	v3 =	vadd.f32 v63, v3;
	v1 =	vadd.f32 v24, v1  }
0x252: {  	v43 =	vld [tilespmem:$0x3FA0];
	v48 =	vmul.f32 v30, v42;
	v0 =	vadd.f32 v14, v0;
	v2 =	vadd.f32 v8, v2  }
0x253: {  	v45 =	vld [tilespmem:$0x3FB0];
	v51 =	vmul.f32 v32, v42;
	v3 =	vadd.f32 v26, v3;
	v1 =	vadd.f32 v31, v1  }
0x254: {  	v47 =	vld [tilespmem:$0x3FC0];
	v52 =	vmul.f32 v35, v42;
	v0 =	vadd.f32 v29, v0;
	v2 =	vadd.f32 v33, v2  }
0x255: {  	v50 =	vld [tilespmem:$0x3FD0];
	v54 =	vmul.f32 v37, v49;
	v3 =	vadd.f32 v36, v3;
	v1 =	vadd.f32 v38, v1  }
0x256: {  	v53 =	vld [tilespmem:$0x3FE0];
	v57 =	vmul.f32 v40, v49;
	v0 =	vadd.f32 v6, v0;
	v2 =	vadd.f32 v39, v2  }
0x257: {  	v56 =	vld [tilespmem:$0x3FF0];
	v58 =	vmul.f32 v43, v49;
	v3 =	vadd.f32 v41, v3;
	v1 =	vadd.f32 v46, v1  }
0x258: {  	v60 =	vmul.f32 v45, v49;
	v0 =	vadd.f32 v44, v0;
	v2 =	vadd.f32 v48, v2  }
0x259: {  	v59 =	vmul.f32 v47, v55;
	v3 =	vadd.f32 v51, v3;
	v1 =	vadd.f32 v54, v1  }
0x25a: {  	s20 =	sadd.s32 $0x200, s20;
	v61 =	vmul.f32 v50, v55;
	v0 =	vadd.f32 v52, v0;
	v2 =	vadd.f32 v57, v2  }
0x25b: {  	p0 =	sne.s32 s20, $0x4000;
	v62 =	vmul.f32 v53, v55;
	v3 =	vadd.f32 v58, v3;
	v1 =	vadd.f32 v59, v1  }
.Ltmp0:
0x25c: {  	v63 =	vmul.f32 v56, v55;
	v0 =	vadd.f32 v60, v0;
	v2 =	vadd.f32 v61, v2;
	(pc) =	sbr.rel @p0 .LBB2_3-.Ltmp0, $4  }
0x25d: {  	v3 =	vadd.f32 v62, v3;
	[tilespmem:s21+$0x4040] =	vst v1  }
0x25e: {  	v0 =	vadd.f32 v63, v0;
	[tilespmem:s21+$0x4050] =	vst v2  }
0x25f: {  	[tilespmem:s21+$0x4060] =	vst v3  }
0x260: {  	[tilespmem:s21+$0x4070] =	vst v0  }
0x261: {  	s18 =	sadd.s32 $0x1, s18  }
0x262: {  	p0 =	sne.s32 s18, $0xC  }
.Ltmp1:
0x263: {  	s19 =	sadd.s32 s6, s19;
	(pc) =	sbr.rel @p0 .LBB2_2-.Ltmp1, $4  }
0x264: {  	[hbm4b:s19+s2] =	stream.linear.scatter [tilespmem:s16], [sflag:$0x3], $0x1000, $0x38;
	[tilespmem:$0x5000] =	vst v63  }
0x265: {  	_ =	swait.ge [sflag:s9], $0x1000  }
0x266: {  	[sflag:s9] =	ssyncset.done $0x0  }
0x267: {  	[sflag:s9] =	ssyncadd.s32 $0xFFFFF000  }
0x268: {  	s17 =	sadd.s32 $0x1, s17  }
0x269: {  	p0 =	sne.s32 s17, s8  }
.Ltmp2:
0x26a: {  	_ = 	snop;
	(pc) =	sbr.rel @p0 .LBB2_1-.Ltmp2, $1  }
0x26b: {  	_ =	sdelay $0x3  }
0x26c: {  	_ =	sfence.sel $0x180000  }
0x26d: {  	[bflag:$0x0] =	sbarrier.arrive $0xFFFF  }
0x26e: {  	p0 =	sne.s32 s3, $0x0;
	_ =	strace $0x90000047  }
0x26f: {  	s0 =	sadd.s32 @!p0 $0x100000, s0;
	[bflag:$0x2] =	sbarrier.arrive $0xFFFF  }
0x270: {  	[sflag:s0] =	ssyncadd.tile.s32 @!p0 $0x1;
	_ =	shalt  }
.Lfunc_end2:
_tile_overlayer_lowered:
.L_overlay_start_2:
0x271: {  	(tag) =	ssettag $0x2  }
0x272: {  	s0 =	rddreg [dreg:$0x0];
	s2 =	stileid.u32  }
0x273: {  	s1 =	rddreg [dreg:$0x1];
	p0 =	sne.s32 s2, $0x0  }
0x274: {  	s3 =	rddreg [dreg:$0x2];
	[bflag:$0x3] =	sbarrier.arrive $0xFFFF;
	s2 =	simm.s32 @!p0 $0x1C03  }
0x275: {  	[timem:s3], [sflag:s2] =	dma.local @!p0 [hbm:s0], s1  }
0x276: {  	s0 =	simm.s32 @!p0 $0x3  }
0x277: {  	_ =	swait.ge @!p0 [sflag:s0], s1  }
0x278: {  	s1 =	ssub.s32 @!p0 $0x0, s1;
	[sflag:s0] =	ssyncset.done @!p0 $0x0  }
0x279: {  	[sflag:s0] =	ssyncadd.s32 @!p0 s1  }
0x27a: {  	[bflag:$0x3] =	sbarrier.arrive $0xFFFF  }
0x27b: {  	_ =	shalt  }

</sc_bundles>
